<compile_context>
chip_gen: v7x
topology: tpu7x:2x2x1
jax: 0.10.2.dev20260603
libtpu: 0.0.44.dev20260713+nightly
codegen_flags: <defaults>
</compile_context>

<pallas_src>
import functools

import jax
import jax.numpy as jnp
from jax import lax
from jax.experimental import pallas as pl
from jax.experimental.pallas import tpu as pltpu
from jax.experimental.pallas import tpu_sc as plsc

N = 10000
E = 320000
H = 128
DW = 128
NC = 2
NS = 16
NW = NC * NS
EPW = E // NW
CH = 125
STEPS = EPW // CH
K = 16
G = STEPS // K
NZT = 10
RPT = N // NZT

_mesh = plsc.VectorSubcoreMesh(core_axis_name="c", subcore_axis_name="s")



def _deg_body(dst_hbm, z_hbm, ones_hbm, out_hbm, dst_t, ones_v, acc_sh,
              ssem):
    c = lax.axis_index("c")
    s = lax.axis_index("s")
    wid = s * NC + c

    @pl.when(s < NZT)
    def _():
        pltpu.sync_copy(z_hbm, acc_sh.at[pl.ds(s * RPT, RPT)])

    pltpu.sync_copy(dst_hbm.at[wid], dst_t)
    pltpu.sync_copy(ones_hbm, ones_v)
    plsc.subcore_barrier()

    def body(i, carry):
        @pl.when(i >= 8)
        def _():
            pltpu.make_async_copy(ones_v, acc_sh.at[dst_t.at[0]],
                                  ssem).wait()
        pltpu.async_copy(ones_v, acc_sh.at[dst_t.at[i]], ssem, add=True)
        return carry

    lax.fori_loop(0, STEPS, body, 0)
    for _ in range(8):
        pltpu.make_async_copy(ones_v, acc_sh.at[dst_t.at[0]], ssem).wait()
    plsc.subcore_barrier()

    @pl.when(s < NZT)
    def _():
        pltpu.sync_copy(acc_sh.at[pl.ds(s * RPT, RPT)],
                        out_hbm.at[c, pl.ds(s * RPT, RPT)])


_deg_call = pl.kernel(
    _deg_body,
    out_type=jax.ShapeDtypeStruct((NC, N, DW), jnp.float32),
    mesh=_mesh,
    scratch_types=[
        pltpu.VMEM((STEPS, CH), jnp.int32),
        pltpu.VMEM((CH, DW), jnp.float32),
        pltpu.VMEM_SHARED((N, DW), jnp.float32),
        pltpu.SemaphoreType.DMA,
    ],
)


def _seg_body(src_hbm, dst_hbm, m_hbm, z_hbm, out_hbm,
              src_g, dst_g, rows0, rows1, acc_sh,
              sem0, sem1, ssem0, ssem1):
    c = lax.axis_index("c")
    s = lax.axis_index("s")
    wid = s * NC + c

    @pl.when(s < NZT)
    def _():
        pltpu.sync_copy(z_hbm, acc_sh.at[pl.ds(s * RPT, RPT)])

    plsc.subcore_barrier()

    rows = (rows0, rows1)
    rsem = (sem0, sem1)
    ssem = (ssem0, ssem1)

    def swait(b):
        pltpu.make_async_copy(rows[b], acc_sh.at[dst_g.at[0]],
                              ssem[b]).wait()

    def grp(g, carry):
        @pl.when(g > 0)
        def _():
            swait(0)
            swait(1)
        pltpu.sync_copy(src_hbm.at[wid, pl.ds(g * K, K)], src_g)
        pltpu.sync_copy(dst_hbm.at[wid, pl.ds(g * K, K)], dst_g)
        pltpu.async_copy(m_hbm.at[src_g.at[0]], rows0, sem0)
        for j in range(K):
            b = j % 2
            if j + 1 < K:
                if j > 0:
                    swait(1 - b)
                pltpu.async_copy(m_hbm.at[src_g.at[j + 1]], rows[1 - b],
                                 rsem[1 - b])
            pltpu.make_async_copy(m_hbm.at[src_g.at[j]], rows[b],
                                  rsem[b]).wait()
            pltpu.async_copy(rows[b], acc_sh.at[dst_g.at[j]], ssem[b],
                             add=True)
        return carry

    lax.fori_loop(0, G, grp, 0)
    swait(0)
    swait(1)
    plsc.subcore_barrier()

    @pl.when(s < NZT)
    def _():
        pltpu.sync_copy(acc_sh.at[pl.ds(s * RPT, RPT)],
                        out_hbm.at[c, pl.ds(s * RPT, RPT)])


_seg_call = pl.kernel(
    _seg_body,
    out_type=jax.ShapeDtypeStruct((NC, N, H), jnp.float32),
    mesh=_mesh,
    scratch_types=[
        pltpu.VMEM((K, CH), jnp.int32),
        pltpu.VMEM((K, CH), jnp.int32),
        pltpu.VMEM((CH, H), jnp.float32),
        pltpu.VMEM((CH, H), jnp.float32),
        pltpu.VMEM_SHARED((N, H), jnp.float32),
        pltpu.SemaphoreType.DMA,
        pltpu.SemaphoreType.DMA,
        pltpu.SemaphoreType.DMA,
        pltpu.SemaphoreType.DMA,
    ],
)



_GB = 10
_BR = N // _GB


def _dinv_blk(dega_ref, degb_ref):
    deg = dega_ref[:, 0:1] + degb_ref[:, 0:1] + 1.0
    return lax.rsqrt(deg)


def _proj_body(x_ref, win_ref, bin_ref, wg_ref, dega_ref, degb_ref, m_ref):
    dinv = _dinv_blk(dega_ref, degb_ref)
    h = jnp.dot(x_ref[...], win_ref[...],
                preferred_element_type=jnp.float32) + bin_ref[...]
    m_ref[...] = jnp.dot(h, wg_ref[...],
                         preferred_element_type=jnp.float32) * dinv


_proj_call = pl.pallas_call(
    _proj_body,
    grid=(_GB,),
    in_specs=[
        pl.BlockSpec((_BR, H), lambda i: (i, 0)),
        pl.BlockSpec((H, H), lambda i: (0, 0)),
        pl.BlockSpec((1, H), lambda i: (0, 0)),
        pl.BlockSpec((H, H), lambda i: (0, 0)),
        pl.BlockSpec((_BR, DW), lambda i: (i, 0)),
        pl.BlockSpec((_BR, DW), lambda i: (i, 0)),
    ],
    out_specs=pl.BlockSpec((_BR, H), lambda i: (i, 0)),
    out_shape=jax.ShapeDtypeStruct((N, H), jnp.float32),
)


def _mid_body(sa_ref, sb_ref, mp_ref, dega_ref, degb_ref, b_ref, wg_ref,
              m_ref):
    dinv = _dinv_blk(dega_ref, degb_ref)
    agg = (sa_ref[...] + sb_ref[...] + mp_ref[...]) * dinv
    h = jnp.maximum(agg + b_ref[...], 0.0)
    m_ref[...] = jnp.dot(h, wg_ref[...],
                         preferred_element_type=jnp.float32) * dinv


_mid_call = pl.pallas_call(
    _mid_body,
    grid=(_GB,),
    in_specs=[
        pl.BlockSpec((_BR, H), lambda i: (i, 0)),
        pl.BlockSpec((_BR, H), lambda i: (i, 0)),
        pl.BlockSpec((_BR, H), lambda i: (i, 0)),
        pl.BlockSpec((_BR, DW), lambda i: (i, 0)),
        pl.BlockSpec((_BR, DW), lambda i: (i, 0)),
        pl.BlockSpec((1, H), lambda i: (0, 0)),
        pl.BlockSpec((H, H), lambda i: (0, 0)),
    ],
    out_specs=pl.BlockSpec((_BR, H), lambda i: (i, 0)),
    out_shape=jax.ShapeDtypeStruct((N, H), jnp.float32),
)


def _fin_body(sa_ref, sb_ref, mp_ref, dega_ref, degb_ref, b_ref, wo_ref,
              bo_ref, out_ref, acc_ref):
    i = pl.program_id(0)

    @pl.when(i == 0)
    def _():
        acc_ref[...] = jnp.zeros_like(acc_ref)

    dinv = _dinv_blk(dega_ref, degb_ref)
    agg = (sa_ref[...] + sb_ref[...] + mp_ref[...]) * dinv
    h = jnp.maximum(agg + b_ref[...], 0.0)
    acc_ref[...] += jnp.sum(h, axis=0, keepdims=True)

    @pl.when(i == _GB - 1)
    def _():
        pooled = acc_ref[...] * (1.0 / N)
        out_ref[...] = (jnp.sum(pooled * wo_ref[...], axis=1, keepdims=True)
                        + bo_ref[...])


_fin_call = pl.pallas_call(
    _fin_body,
    grid=(_GB,),
    in_specs=[
        pl.BlockSpec((_BR, H), lambda i: (i, 0)),
        pl.BlockSpec((_BR, H), lambda i: (i, 0)),
        pl.BlockSpec((_BR, H), lambda i: (i, 0)),
        pl.BlockSpec((_BR, DW), lambda i: (i, 0)),
        pl.BlockSpec((_BR, DW), lambda i: (i, 0)),
        pl.BlockSpec((1, H), lambda i: (0, 0)),
        pl.BlockSpec((1, H), lambda i: (0, 0)),
        pl.BlockSpec((1, 1), lambda i: (0, 0)),
    ],
    out_specs=pl.BlockSpec((1, 1), lambda i: (0, 0)),
    out_shape=jax.ShapeDtypeStruct((1, 1), jnp.float32),
    scratch_shapes=[pltpu.VMEM((1, H), jnp.float32)],
)



def kernel(x, edge_index, W_in, b_in, Wg1, bg1, Wg2, bg2, Wg3, bg3, W_out,
           b_out):
    src3 = edge_index[0].reshape(NW, STEPS, CH)
    dst3 = edge_index[1].reshape(NW, STEPS, CH)
    z128 = jnp.zeros((RPT, H), jnp.float32)
    ones = jnp.ones((CH, DW), jnp.float32)

    deg2 = _deg_call(dst3, z128, ones)
    dega, degb = deg2[0], deg2[1]

    b_in2 = b_in.reshape(1, H)
    m = _proj_call(x, W_in, b_in2, Wg1, dega, degb)

    s = _seg_call(src3, dst3, m, z128)
    m = _mid_call(s[0], s[1], m, dega, degb, bg1.reshape(1, H), Wg2)
    s = _seg_call(src3, dst3, m, z128)
    m = _mid_call(s[0], s[1], m, dega, degb, bg2.reshape(1, H), Wg3)
    s = _seg_call(src3, dst3, m, z128)

    out = _fin_call(s[0], s[1], m, dega, degb, bg3.reshape(1, H),
                    W_out.reshape(1, H), b_out.reshape(1, 1))
    return out

# --- scband reference (transcript-rebuilt; emitter-appended) ---
"""Pipeline reference for scband-temporal-gcn-87703232184705 (READ-ONLY COPY).

The authoritative reference and input builder live on the scoring server;
editing this copy changes nothing except your own understanding.
"""

import jax, jax.numpy as jnp
import numpy as np

N = 10000
E = 320000
D = 128
H = 128
OUT = 1


def setup_inputs(seed: int = 0) -> dict:
    key = jax.random.key(seed)
    ks = jax.random.split(key, 12)
    x = jax.random.normal(ks[0], (N, D), dtype=jnp.float32)
    edge_index = jax.random.randint(ks[1], (2, E), 0, N, dtype=jnp.int32)
    s_in = 1.0 / np.sqrt(D)
    s_h = 1.0 / np.sqrt(H)
    inp = {
        'x': x,
        'edge_index': edge_index,
        'W_in': jax.random.normal(ks[2], (D, H), dtype=jnp.float32) * s_in,
        'b_in': jnp.zeros((H,), dtype=jnp.float32),
        'Wg1': jax.random.normal(ks[3], (H, H), dtype=jnp.float32) * s_h,
        'bg1': jnp.zeros((H,), dtype=jnp.float32),
        'Wg2': jax.random.normal(ks[4], (H, H), dtype=jnp.float32) * s_h,
        'bg2': jnp.zeros((H,), dtype=jnp.float32),
        'Wg3': jax.random.normal(ks[5], (H, H), dtype=jnp.float32) * s_h,
        'bg3': jnp.zeros((H,), dtype=jnp.float32),
        'W_out': jax.random.normal(ks[6], (H, OUT), dtype=jnp.float32) * s_h,
        'b_out': jnp.zeros((OUT,), dtype=jnp.float32),
    }
    return inp


def _gcn_layer(h, W, b, src, dst, norm_e, norm_self):
    # GCNConv with self-loops and symmetric normalization: project then aggregate
    m = h @ W
    msg = jnp.take(m, src, axis=0) * norm_e[:, None]
    agg = jnp.zeros_like(m).at[dst].add(msg) + m * norm_self[:, None]
    return jax.nn.relu(agg + b)


def reference(x, edge_index, W_in, b_in, Wg1, bg1, Wg2, bg2, Wg3, bg3, W_out, b_out):
    src = edge_index[0]
    dst = edge_index[1]
    n = x.shape[0]
    # degree with self-loops
    deg = jnp.zeros((n,), dtype=x.dtype).at[dst].add(1.0) + 1.0
    dinv = 1.0 / jnp.sqrt(deg)
    norm_e = dinv[src] * dinv[dst]
    norm_self = dinv * dinv
    # input projection
    h = x @ W_in + b_in
    # 3-layer GraphProcessor (GCN stack, dropout inactive in eval)
    h = _gcn_layer(h, Wg1, bg1, src, dst, norm_e, norm_self)
    h = _gcn_layer(h, Wg2, bg2, src, dst, norm_e, norm_self)
    h = _gcn_layer(h, Wg3, bg3, src, dst, norm_e, norm_self)
    # mean pooling (batch=None -> whole graph)
    pooled = jnp.mean(h, axis=0, keepdims=True)
    # single snapshot -> RNN skipped; regression output head
    out = pooled @ W_out + b_out
    return out

if __name__ == "__main__":
    import jax
    _d = setup_inputs()
    print(jax.jit(kernel)(*tuple(_d.values())))

</pallas_src>

<mosaic_0001>
#map = affine_map<(d0, d1) -> (0, 0, 0)>
#map1 = affine_map<(d0, d1) -> (0, 0)>
module attributes {stable_mosaic.version = 14 : i64} {
  func.func @_seg_body(%arg0: i32, %arg1: i32, %arg2: memref<32x80x125xi32, #tpu.memory_space<hbm>>, %arg3: memref<32x80x125xi32, #tpu.memory_space<hbm>>, %arg4: memref<10000x128xf32, #tpu.memory_space<hbm>>, %arg5: memref<1000x128xf32, #tpu.memory_space<hbm>>, %arg6: memref<2x10000x128xf32, #tpu.memory_space<hbm>>, %arg7: memref<16x125xi32, #tpu.memory_space<vmem>>, %arg8: memref<16x125xi32, #tpu.memory_space<vmem>>, %arg9: memref<125x128xf32, #tpu.memory_space<vmem>>, %arg10: memref<125x128xf32, #tpu.memory_space<vmem>>, %arg11: memref<10000x128xf32, #tpu.memory_space<vmem_shared>>, %arg12: memref<!tpu.dma_semaphore, #tpu.memory_space<semaphore_mem>>, %arg13: memref<!tpu.dma_semaphore, #tpu.memory_space<semaphore_mem>>, %arg14: memref<!tpu.dma_semaphore, #tpu.memory_space<semaphore_mem>>, %arg15: memref<!tpu.dma_semaphore, #tpu.memory_space<semaphore_mem>>) attributes {dimension_semantics = [#tpu.dimension_semantics<core_parallel>, #tpu.dimension_semantics<subcore_parallel>], iteration_bounds = array<i64: 2, 16>, scalar_prefetch = 0 : i64, scratch_operands = 9 : i64, tpu.core_type = #tpu.core_type<sc_vector_subcore>, window_params = [{transform_indices = #map}, {transform_indices = #map}, {transform_indices = #map1}, {transform_indices = #map1}, {transform_indices = #map}]} {
    %mul3A = arith.constant 2 : i32
    %mul3A_0 = arith.muli %arg1, %mul3A : i32
    %add3A = arith.addi %mul3A_0, %arg0 : i32
    %lt3A = arith.constant 10 : i32
    %lt3A_1 = arith.cmpi slt, %arg1, %lt3A : i32
    %convert_element_type3A = arith.extui %lt3A_1 : i1 to i32
    %cond3A = arith.constant 0 : i32
    %cond3A_2 = arith.cmpi ne, %convert_element_type3A, %cond3A : i32
    scf.if %cond3A_2 {
      %mul3A_27 = arith.constant 1000 : i32
      %mul3A_28 = arith.muli %arg1, %mul3A_27 : i32
      "tpu.region"() ({
        %run_scoped3A = tpu.sem_alloc : memref<!tpu.dma_semaphore, #tpu.memory_space<semaphore_mem>>
        %dma_start3A = arith.constant 0 : i32
        %dma_start3A_29 = tpu.memref_slice %arg11[%mul3A_28, %dma_start3A] : memref<10000x128xf32, #tpu.memory_space<vmem_shared>> -> memref<1000x128xf32, #tpu.memory_space<vmem_shared>>
        tpu.enqueue_dma source(%arg5 : memref<1000x128xf32, #tpu.memory_space<hbm>>) target(%dma_start3A_29 : memref<1000x128xf32, #tpu.memory_space<vmem_shared>>) target_semaphore(%run_scoped3A : memref<!tpu.dma_semaphore, #tpu.memory_space<semaphore_mem>>)
        %dma_wait3A_30 = arith.constant 0 : i32
        %dma_wait3A_31 = tpu.memref_slice %arg11[%mul3A_28, %dma_wait3A_30] : memref<10000x128xf32, #tpu.memory_space<vmem_shared>> -> memref<1000x128xf32, #tpu.memory_space<vmem_shared>>
        tpu.wait_dma2 semaphore(%run_scoped3A : memref<!tpu.dma_semaphore, #tpu.memory_space<semaphore_mem>>) src(%arg5 : memref<1000x128xf32, #tpu.memory_space<hbm>>) dst(%dma_wait3A_31 : memref<1000x128xf32, #tpu.memory_space<vmem_shared>>)
        tpu.yield
      }) : () -> ()
    } else {
    }
    %barrier3A = arith.constant 0 : index
    tpu.barrier barrier_id(%barrier3A)
    %scan3A = arith.constant 0 : i32
    %scan3A_3 = arith.constant 0 : i32
    %scan3A_4 = arith.constant 5 : i32
    %scan3A_5 = arith.addi %scan3A_3, %scan3A_4 : i32
    %scan3A_6 = arith.constant 1 : i32
    scf.for %scan3A_27 = %scan3A_3 to %scan3A_5 step %scan3A_6  : i32 {
      %gt3A = arith.constant 0 : i32
      %gt3A_28 = arith.cmpi sgt, %scan3A_27, %gt3A : i32
      %convert_element_type3A_29 = arith.extui %gt3A_28 : i1 to i32
      %cond3A_30 = arith.constant 0 : i32
      %cond3A_31 = arith.cmpi ne, %convert_element_type3A_29, %cond3A_30 : i32
      scf.if %cond3A_31 {
        %dma_wait3A_469 = arith.constant 0 : i32
        %dma_wait3A_470 = arith.constant 0 : i32
        %dma_wait3A_471 = tpu.memref_slice %arg8[%dma_wait3A_469, %dma_wait3A_470] : memref<16x125xi32, #tpu.memory_space<vmem>> -> memref<1x125xi32, #tpu.memory_space<vmem>>
        %dma_wait3A_472 = tpu.memref_squeeze %dma_wait3A_471 : memref<1x125xi32, #tpu.memory_space<vmem>> -> memref<125xi32, #tpu.memory_space<vmem>>
        %dma_wait3A_473 = arith.constant 0 : i32
        %dma_wait3A_474 = arith.constant 0 : i32
        %dma_wait3A_475 = tpu.memref_slice %arg11[%dma_wait3A_473, %dma_wait3A_474] : memref<10000x128xf32, #tpu.memory_space<vmem_shared>> -> memref<10000x128xf32, #tpu.memory_space<vmem_shared>>
        tpu.wait_indirect_dma semaphore(%arg14 : memref<!tpu.dma_semaphore, #tpu.memory_space<semaphore_mem>>) src(%arg9 : memref<125x128xf32, #tpu.memory_space<vmem>>) dst(%dma_wait3A_475 : memref<10000x128xf32, #tpu.memory_space<vmem_shared>>)
        %dma_wait3A_476 = arith.constant 0 : i32
        %dma_wait3A_477 = arith.constant 0 : i32
        %dma_wait3A_478 = tpu.memref_slice %arg8[%dma_wait3A_476, %dma_wait3A_477] : memref<16x125xi32, #tpu.memory_space<vmem>> -> memref<1x125xi32, #tpu.memory_space<vmem>>
        %dma_wait3A_479 = tpu.memref_squeeze %dma_wait3A_478 : memref<1x125xi32, #tpu.memory_space<vmem>> -> memref<125xi32, #tpu.memory_space<vmem>>
        %dma_wait3A_480 = arith.constant 0 : i32
        %dma_wait3A_481 = arith.constant 0 : i32
        %dma_wait3A_482 = tpu.memref_slice %arg11[%dma_wait3A_480, %dma_wait3A_481] : memref<10000x128xf32, #tpu.memory_space<vmem_shared>> -> memref<10000x128xf32, #tpu.memory_space<vmem_shared>>
        tpu.wait_indirect_dma semaphore(%arg15 : memref<!tpu.dma_semaphore, #tpu.memory_space<semaphore_mem>>) src(%arg10 : memref<125x128xf32, #tpu.memory_space<vmem>>) dst(%dma_wait3A_482 : memref<10000x128xf32, #tpu.memory_space<vmem_shared>>)
      } else {
      }
      %mul3A_32 = arith.constant 16 : i32
      %mul3A_33 = arith.muli %scan3A_27, %mul3A_32 : i32
      "tpu.region"() ({
        %run_scoped3A = tpu.sem_alloc : memref<!tpu.dma_semaphore, #tpu.memory_space<semaphore_mem>>
        %dma_start3A_469 = arith.constant 0 : i32
        %dma_start3A_470 = tpu.memref_slice %arg2[%add3A, %mul3A_33, %dma_start3A_469] : memref<32x80x125xi32, #tpu.memory_space<hbm>> -> memref<1x16x125xi32, #tpu.memory_space<hbm>>
        %dma_start3A_471 = tpu.memref_squeeze %dma_start3A_470 : memref<1x16x125xi32, #tpu.memory_space<hbm>> -> memref<16x125xi32, #tpu.memory_space<hbm>>
        %dma_start3A_472 = arith.constant 0 : i32
        %dma_start3A_473 = tpu.memref_slice %arg2[%add3A, %mul3A_33, %dma_start3A_472] : memref<32x80x125xi32, #tpu.memory_space<hbm>> -> memref<1x16x125xi32, #tpu.memory_space<hbm>>
        %dma_start3A_474 = tpu.memref_squeeze %dma_start3A_473 : memref<1x16x125xi32, #tpu.memory_space<hbm>> -> memref<16x125xi32, #tpu.memory_space<hbm>>
        tpu.enqueue_dma source(%dma_start3A_474 : memref<16x125xi32, #tpu.memory_space<hbm>>) target(%arg7 : memref<16x125xi32, #tpu.memory_space<vmem>>) target_semaphore(%run_scoped3A : memref<!tpu.dma_semaphore, #tpu.memory_space<semaphore_mem>>)
        %dma_wait3A_475 = arith.constant 0 : i32
        %dma_wait3A_476 = tpu.memref_slice %arg2[%add3A, %mul3A_33, %dma_wait3A_475] : memref<32x80x125xi32, #tpu.memory_space<hbm>> -> memref<1x16x125xi32, #tpu.memory_space<hbm>>
        %dma_wait3A_477 = tpu.memref_squeeze %dma_wait3A_476 : memref<1x16x125xi32, #tpu.memory_space<hbm>> -> memref<16x125xi32, #tpu.memory_space<hbm>>
        %dma_wait3A_478 = arith.constant 0 : i32
        %dma_wait3A_479 = tpu.memref_slice %arg2[%add3A, %mul3A_33, %dma_wait3A_478] : memref<32x80x125xi32, #tpu.memory_space<hbm>> -> memref<1x16x125xi32, #tpu.memory_space<hbm>>
        %dma_wait3A_480 = tpu.memref_squeeze %dma_wait3A_479 : memref<1x16x125xi32, #tpu.memory_space<hbm>> -> memref<16x125xi32, #tpu.memory_space<hbm>>
        tpu.wait_dma2 semaphore(%run_scoped3A : memref<!tpu.dma_semaphore, #tpu.memory_space<semaphore_mem>>) src(%dma_wait3A_480 : memref<16x125xi32, #tpu.memory_space<hbm>>) dst(%arg7 : memref<16x125xi32, #tpu.memory_space<vmem>>)
        tpu.yield
      }) : () -> ()
      %mul3A_34 = arith.constant 16 : i32
      %mul3A_35 = arith.muli %scan3A_27, %mul3A_34 : i32
      "tpu.region"() ({
        %run_scoped3A = tpu.sem_alloc : memref<!tpu.dma_semaphore, #tpu.memory_space<semaphore_mem>>
        %dma_start3A_469 = arith.constant 0 : i32
        %dma_start3A_470 = tpu.memref_slice %arg3[%add3A, %mul3A_35, %dma_start3A_469] : memref<32x80x125xi32, #tpu.memory_space<hbm>> -> memref<1x16x125xi32, #tpu.memory_space<hbm>>
        %dma_start3A_471 = tpu.memref_squeeze %dma_start3A_470 : memref<1x16x125xi32, #tpu.memory_space<hbm>> -> memref<16x125xi32, #tpu.memory_space<hbm>>
        %dma_start3A_472 = arith.constant 0 : i32
        %dma_start3A_473 = tpu.memref_slice %arg3[%add3A, %mul3A_35, %dma_start3A_472] : memref<32x80x125xi32, #tpu.memory_space<hbm>> -> memref<1x16x125xi32, #tpu.memory_space<hbm>>
        %dma_start3A_474 = tpu.memref_squeeze %dma_start3A_473 : memref<1x16x125xi32, #tpu.memory_space<hbm>> -> memref<16x125xi32, #tpu.memory_space<hbm>>
        tpu.enqueue_dma source(%dma_start3A_474 : memref<16x125xi32, #tpu.memory_space<hbm>>) target(%arg8 : memref<16x125xi32, #tpu.memory_space<vmem>>) target_semaphore(%run_scoped3A : memref<!tpu.dma_semaphore, #tpu.memory_space<semaphore_mem>>)
        %dma_wait3A_475 = arith.constant 0 : i32
        %dma_wait3A_476 = tpu.memref_slice %arg3[%add3A, %mul3A_35, %dma_wait3A_475] : memref<32x80x125xi32, #tpu.memory_space<hbm>> -> memref<1x16x125xi32, #tpu.memory_space<hbm>>
        %dma_wait3A_477 = tpu.memref_squeeze %dma_wait3A_476 : memref<1x16x125xi32, #tpu.memory_space<hbm>> -> memref<16x125xi32, #tpu.memory_space<hbm>>
        %dma_wait3A_478 = arith.constant 0 : i32
        %dma_wait3A_479 = tpu.memref_slice %arg3[%add3A, %mul3A_35, %dma_wait3A_478] : memref<32x80x125xi32, #tpu.memory_space<hbm>> -> memref<1x16x125xi32, #tpu.memory_space<hbm>>
        %dma_wait3A_480 = tpu.memref_squeeze %dma_wait3A_479 : memref<1x16x125xi32, #tpu.memory_space<hbm>> -> memref<16x125xi32, #tpu.memory_space<hbm>>
        tpu.wait_dma2 semaphore(%run_scoped3A : memref<!tpu.dma_semaphore, #tpu.memory_space<semaphore_mem>>) src(%dma_wait3A_480 : memref<16x125xi32, #tpu.memory_space<hbm>>) dst(%arg8 : memref<16x125xi32, #tpu.memory_space<vmem>>)
        tpu.yield
      }) : () -> ()
      %dma_start3A = arith.constant 0 : i32
      %dma_start3A_36 = arith.constant 0 : i32
      %dma_start3A_37 = tpu.memref_slice %arg7[%dma_start3A, %dma_start3A_36] : memref<16x125xi32, #tpu.memory_space<vmem>> -> memref<1x125xi32, #tpu.memory_space<vmem>>
      %dma_start3A_38 = tpu.memref_squeeze %dma_start3A_37 : memref<1x125xi32, #tpu.memory_space<vmem>> -> memref<125xi32, #tpu.memory_space<vmem>>
      %dma_start3A_39 = arith.constant 0 : i32
      %dma_start3A_40 = arith.constant 0 : i32
      %dma_start3A_41 = tpu.memref_slice %arg4[%dma_start3A_39, %dma_start3A_40] : memref<10000x128xf32, #tpu.memory_space<hbm>> -> memref<10000x128xf32, #tpu.memory_space<hbm>>
      tpu.enqueue_indirect_dma source(%dma_start3A_41 : memref<10000x128xf32, #tpu.memory_space<hbm>>) target(%arg9 : memref<125x128xf32, #tpu.memory_space<vmem>>) offsets(%dma_start3A_38 : memref<125xi32, #tpu.memory_space<vmem>>) semaphore(%arg12 : memref<!tpu.dma_semaphore, #tpu.memory_space<semaphore_mem>>)
      %dma_start3A_42 = arith.constant 1 : i32
      %dma_start3A_43 = arith.constant 0 : i32
      %dma_start3A_44 = tpu.memref_slice %arg7[%dma_start3A_42, %dma_start3A_43] : memref<16x125xi32, #tpu.memory_space<vmem>> -> memref<1x125xi32, #tpu.memory_space<vmem>>
      %dma_start3A_45 = tpu.memref_squeeze %dma_start3A_44 : memref<1x125xi32, #tpu.memory_space<vmem>> -> memref<125xi32, #tpu.memory_space<vmem>>
      %dma_start3A_46 = arith.constant 0 : i32
      %dma_start3A_47 = arith.constant 0 : i32
      %dma_start3A_48 = tpu.memref_slice %arg4[%dma_start3A_46, %dma_start3A_47] : memref<10000x128xf32, #tpu.memory_space<hbm>> -> memref<10000x128xf32, #tpu.memory_space<hbm>>
      tpu.enqueue_indirect_dma source(%dma_start3A_48 : memref<10000x128xf32, #tpu.memory_space<hbm>>) target(%arg10 : memref<125x128xf32, #tpu.memory_space<vmem>>) offsets(%dma_start3A_45 : memref<125xi32, #tpu.memory_space<vmem>>) semaphore(%arg13 : memref<!tpu.dma_semaphore, #tpu.memory_space<semaphore_mem>>)
      %dma_wait3A_49 = arith.constant 0 : i32
      %dma_wait3A_50 = arith.constant 0 : i32
      %dma_wait3A_51 = tpu.memref_slice %arg7[%dma_wait3A_49, %dma_wait3A_50] : memref<16x125xi32, #tpu.memory_space<vmem>> -> memref<1x125xi32, #tpu.memory_space<vmem>>
      %dma_wait3A_52 = tpu.memref_squeeze %dma_wait3A_51 : memref<1x125xi32, #tpu.memory_space<vmem>> -> memref<125xi32, #tpu.memory_space<vmem>>
      %dma_wait3A_53 = arith.constant 0 : i32
      %dma_wait3A_54 = arith.constant 0 : i32
      %dma_wait3A_55 = tpu.memref_slice %arg4[%dma_wait3A_53, %dma_wait3A_54] : memref<10000x128xf32, #tpu.memory_space<hbm>> -> memref<10000x128xf32, #tpu.memory_space<hbm>>
      tpu.wait_indirect_dma semaphore(%arg12 : memref<!tpu.dma_semaphore, #tpu.memory_space<semaphore_mem>>) src(%dma_wait3A_55 : memref<10000x128xf32, #tpu.memory_space<hbm>>) dst(%arg9 : memref<125x128xf32, #tpu.memory_space<vmem>>)
      %dma_start3A_56 = arith.constant 0 : i32
      %dma_start3A_57 = arith.constant 0 : i32
      %dma_start3A_58 = tpu.memref_slice %arg8[%dma_start3A_56, %dma_start3A_57] : memref<16x125xi32, #tpu.memory_space<vmem>> -> memref<1x125xi32, #tpu.memory_space<vmem>>
      %dma_start3A_59 = tpu.memref_squeeze %dma_start3A_58 : memref<1x125xi32, #tpu.memory_space<vmem>> -> memref<125xi32, #tpu.memory_space<vmem>>
      %dma_start3A_60 = arith.constant 0 : i32
      %dma_start3A_61 = arith.constant 0 : i32
      %dma_start3A_62 = tpu.memref_slice %arg11[%dma_start3A_60, %dma_start3A_61] : memref<10000x128xf32, #tpu.memory_space<vmem_shared>> -> memref<10000x128xf32, #tpu.memory_space<vmem_shared>>
      tpu.enqueue_indirect_dma source(%arg9 : memref<125x128xf32, #tpu.memory_space<vmem>>) target(%dma_start3A_62 : memref<10000x128xf32, #tpu.memory_space<vmem_shared>>) offsets(%dma_start3A_59 : memref<125xi32, #tpu.memory_space<vmem>>) semaphore(%arg14 : memref<!tpu.dma_semaphore, #tpu.memory_space<semaphore_mem>>) {add = true}
      %dma_wait3A_63 = arith.constant 0 : i32
      %dma_wait3A_64 = arith.constant 0 : i32
      %dma_wait3A_65 = tpu.memref_slice %arg8[%dma_wait3A_63, %dma_wait3A_64] : memref<16x125xi32, #tpu.memory_space<vmem>> -> memref<1x125xi32, #tpu.memory_space<vmem>>
      %dma_wait3A_66 = tpu.memref_squeeze %dma_wait3A_65 : memref<1x125xi32, #tpu.memory_space<vmem>> -> memref<125xi32, #tpu.memory_space<vmem>>
      %dma_wait3A_67 = arith.constant 0 : i32
      %dma_wait3A_68 = arith.constant 0 : i32
      %dma_wait3A_69 = tpu.memref_slice %arg11[%dma_wait3A_67, %dma_wait3A_68] : memref<10000x128xf32, #tpu.memory_space<vmem_shared>> -> memref<10000x128xf32, #tpu.memory_space<vmem_shared>>
      tpu.wait_indirect_dma semaphore(%arg14 : memref<!tpu.dma_semaphore, #tpu.memory_space<semaphore_mem>>) src(%arg9 : memref<125x128xf32, #tpu.memory_space<vmem>>) dst(%dma_wait3A_69 : memref<10000x128xf32, #tpu.memory_space<vmem_shared>>)
      %dma_start3A_70 = arith.constant 2 : i32
      %dma_start3A_71 = arith.constant 0 : i32
      %dma_start3A_72 = tpu.memref_slice %arg7[%dma_start3A_70, %dma_start3A_71] : memref<16x125xi32, #tpu.memory_space<vmem>> -> memref<1x125xi32, #tpu.memory_space<vmem>>
      %dma_start3A_73 = tpu.memref_squeeze %dma_start3A_72 : memref<1x125xi32, #tpu.memory_space<vmem>> -> memref<125xi32, #tpu.memory_space<vmem>>
      %dma_start3A_74 = arith.constant 0 : i32
      %dma_start3A_75 = arith.constant 0 : i32
      %dma_start3A_76 = tpu.memref_slice %arg4[%dma_start3A_74, %dma_start3A_75] : memref<10000x128xf32, #tpu.memory_space<hbm>> -> memref<10000x128xf32, #tpu.memory_space<hbm>>
      tpu.enqueue_indirect_dma source(%dma_start3A_76 : memref<10000x128xf32, #tpu.memory_space<hbm>>) target(%arg9 : memref<125x128xf32, #tpu.memory_space<vmem>>) offsets(%dma_start3A_73 : memref<125xi32, #tpu.memory_space<vmem>>) semaphore(%arg12 : memref<!tpu.dma_semaphore, #tpu.memory_space<semaphore_mem>>)
      %dma_wait3A_77 = arith.constant 1 : i32
      %dma_wait3A_78 = arith.constant 0 : i32
      %dma_wait3A_79 = tpu.memref_slice %arg7[%dma_wait3A_77, %dma_wait3A_78] : memref<16x125xi32, #tpu.memory_space<vmem>> -> memref<1x125xi32, #tpu.memory_space<vmem>>
      %dma_wait3A_80 = tpu.memref_squeeze %dma_wait3A_79 : memref<1x125xi32, #tpu.memory_space<vmem>> -> memref<125xi32, #tpu.memory_space<vmem>>
      %dma_wait3A_81 = arith.constant 0 : i32
      %dma_wait3A_82 = arith.constant 0 : i32
      %dma_wait3A_83 = tpu.memref_slice %arg4[%dma_wait3A_81, %dma_wait3A_82] : memref<10000x128xf32, #tpu.memory_space<hbm>> -> memref<10000x128xf32, #tpu.memory_space<hbm>>
      tpu.wait_indirect_dma semaphore(%arg13 : memref<!tpu.dma_semaphore, #tpu.memory_space<semaphore_mem>>) src(%dma_wait3A_83 : memref<10000x128xf32, #tpu.memory_space<hbm>>) dst(%arg10 : memref<125x128xf32, #tpu.memory_space<vmem>>)
      %dma_start3A_84 = arith.constant 1 : i32
      %dma_start3A_85 = arith.constant 0 : i32
      %dma_start3A_86 = tpu.memref_slice %arg8[%dma_start3A_84, %dma_start3A_85] : memref<16x125xi32, #tpu.memory_space<vmem>> -> memref<1x125xi32, #tpu.memory_space<vmem>>
      %dma_start3A_87 = tpu.memref_squeeze %dma_start3A_86 : memref<1x125xi32, #tpu.memory_space<vmem>> -> memref<125xi32, #tpu.memory_space<vmem>>
      %dma_start3A_88 = arith.constant 0 : i32
      %dma_start3A_89 = arith.constant 0 : i32
      %dma_start3A_90 = tpu.memref_slice %arg11[%dma_start3A_88, %dma_start3A_89] : memref<10000x128xf32, #tpu.memory_space<vmem_shared>> -> memref<10000x128xf32, #tpu.memory_space<vmem_shared>>
      tpu.enqueue_indirect_dma source(%arg10 : memref<125x128xf32, #tpu.memory_space<vmem>>) target(%dma_start3A_90 : memref<10000x128xf32, #tpu.memory_space<vmem_shared>>) offsets(%dma_start3A_87 : memref<125xi32, #tpu.memory_space<vmem>>) semaphore(%arg15 : memref<!tpu.dma_semaphore, #tpu.memory_space<semaphore_mem>>) {add = true}
      %dma_wait3A_91 = arith.constant 0 : i32
      %dma_wait3A_92 = arith.constant 0 : i32
      %dma_wait3A_93 = tpu.memref_slice %arg8[%dma_wait3A_91, %dma_wait3A_92] : memref<16x125xi32, #tpu.memory_space<vmem>> -> memref<1x125xi32, #tpu.memory_space<vmem>>
      %dma_wait3A_94 = tpu.memref_squeeze %dma_wait3A_93 : memref<1x125xi32, #tpu.memory_space<vmem>> -> memref<125xi32, #tpu.memory_space<vmem>>
      %dma_wait3A_95 = arith.constant 0 : i32
      %dma_wait3A_96 = arith.constant 0 : i32
      %dma_wait3A_97 = tpu.memref_slice %arg11[%dma_wait3A_95, %dma_wait3A_96] : memref<10000x128xf32, #tpu.memory_space<vmem_shared>> -> memref<10000x128xf32, #tpu.memory_space<vmem_shared>>
      tpu.wait_indirect_dma semaphore(%arg15 : memref<!tpu.dma_semaphore, #tpu.memory_space<semaphore_mem>>) src(%arg10 : memref<125x128xf32, #tpu.memory_space<vmem>>) dst(%dma_wait3A_97 : memref<10000x128xf32, #tpu.memory_space<vmem_shared>>)
      %dma_start3A_98 = arith.constant 3 : i32
      %dma_start3A_99 = arith.constant 0 : i32
      %dma_start3A_100 = tpu.memref_slice %arg7[%dma_start3A_98, %dma_start3A_99] : memref<16x125xi32, #tpu.memory_space<vmem>> -> memref<1x125xi32, #tpu.memory_space<vmem>>
      %dma_start3A_101 = tpu.memref_squeeze %dma_start3A_100 : memref<1x125xi32, #tpu.memory_space<vmem>> -> memref<125xi32, #tpu.memory_space<vmem>>
      %dma_start3A_102 = arith.constant 0 : i32
      %dma_start3A_103 = arith.constant 0 : i32
      %dma_start3A_104 = tpu.memref_slice %arg4[%dma_start3A_102, %dma_start3A_103] : memref<10000x128xf32, #tpu.memory_space<hbm>> -> memref<10000x128xf32, #tpu.memory_space<hbm>>
      tpu.enqueue_indirect_dma source(%dma_start3A_104 : memref<10000x128xf32, #tpu.memory_space<hbm>>) target(%arg10 : memref<125x128xf32, #tpu.memory_space<vmem>>) offsets(%dma_start3A_101 : memref<125xi32, #tpu.memory_space<vmem>>) semaphore(%arg13 : memref<!tpu.dma_semaphore, #tpu.memory_space<semaphore_mem>>)
      %dma_wait3A_105 = arith.constant 2 : i32
      %dma_wait3A_106 = arith.constant 0 : i32
      %dma_wait3A_107 = tpu.memref_slice %arg7[%dma_wait3A_105, %dma_wait3A_106] : memref<16x125xi32, #tpu.memory_space<vmem>> -> memref<1x125xi32, #tpu.memory_space<vmem>>
      %dma_wait3A_108 = tpu.memref_squeeze %dma_wait3A_107 : memref<1x125xi32, #tpu.memory_space<vmem>> -> memref<125xi32, #tpu.memory_space<vmem>>
      %dma_wait3A_109 = arith.constant 0 : i32
      %dma_wait3A_110 = arith.constant 0 : i32
      %dma_wait3A_111 = tpu.memref_slice %arg4[%dma_wait3A_109, %dma_wait3A_110] : memref<10000x128xf32, #tpu.memory_space<hbm>> -> memref<10000x128xf32, #tpu.memory_space<hbm>>
      tpu.wait_indirect_dma semaphore(%arg12 : memref<!tpu.dma_semaphore, #tpu.memory_space<semaphore_mem>>) src(%dma_wait3A_111 : memref<10000x128xf32, #tpu.memory_space<hbm>>) dst(%arg9 : memref<125x128xf32, #tpu.memory_space<vmem>>)
      %dma_start3A_112 = arith.constant 2 : i32
      %dma_start3A_113 = arith.constant 0 : i32
      %dma_start3A_114 = tpu.memref_slice %arg8[%dma_start3A_112, %dma_start3A_113] : memref<16x125xi32, #tpu.memory_space<vmem>> -> memref<1x125xi32, #tpu.memory_space<vmem>>
      %dma_start3A_115 = tpu.memref_squeeze %dma_start3A_114 : memref<1x125xi32, #tpu.memory_space<vmem>> -> memref<125xi32, #tpu.memory_space<vmem>>
      %dma_start3A_116 = arith.constant 0 : i32
      %dma_start3A_117 = arith.constant 0 : i32
      %dma_start3A_118 = tpu.memref_slice %arg11[%dma_start3A_116, %dma_start3A_117] : memref<10000x128xf32, #tpu.memory_space<vmem_shared>> -> memref<10000x128xf32, #tpu.memory_space<vmem_shared>>
      tpu.enqueue_indirect_dma source(%arg9 : memref<125x128xf32, #tpu.memory_space<vmem>>) target(%dma_start3A_118 : memref<10000x128xf32, #tpu.memory_space<vmem_shared>>) offsets(%dma_start3A_115 : memref<125xi32, #tpu.memory_space<vmem>>) semaphore(%arg14 : memref<!tpu.dma_semaphore, #tpu.memory_space<semaphore_mem>>) {add = true}
      %dma_wait3A_119 = arith.constant 0 : i32
      %dma_wait3A_120 = arith.constant 0 : i32
      %dma_wait3A_121 = tpu.memref_slice %arg8[%dma_wait3A_119, %dma_wait3A_120] : memref<16x125xi32, #tpu.memory_space<vmem>> -> memref<1x125xi32, #tpu.memory_space<vmem>>
      %dma_wait3A_122 = tpu.memref_squeeze %dma_wait3A_121 : memref<1x125xi32, #tpu.memory_space<vmem>> -> memref<125xi32, #tpu.memory_space<vmem>>
      %dma_wait3A_123 = arith.constant 0 : i32
      %dma_wait3A_124 = arith.constant 0 : i32
      %dma_wait3A_125 = tpu.memref_slice %arg11[%dma_wait3A_123, %dma_wait3A_124] : memref<10000x128xf32, #tpu.memory_space<vmem_shared>> -> memref<10000x128xf32, #tpu.memory_space<vmem_shared>>
      tpu.wait_indirect_dma semaphore(%arg14 : memref<!tpu.dma_semaphore, #tpu.memory_space<semaphore_mem>>) src(%arg9 : memref<125x128xf32, #tpu.memory_space<vmem>>) dst(%dma_wait3A_125 : memref<10000x128xf32, #tpu.memory_space<vmem_shared>>)
      %dma_start3A_126 = arith.constant 4 : i32
      %dma_start3A_127 = arith.constant 0 : i32
      %dma_start3A_128 = tpu.memref_slice %arg7[%dma_start3A_126, %dma_start3A_127] : memref<16x125xi32, #tpu.memory_space<vmem>> -> memref<1x125xi32, #tpu.memory_space<vmem>>
      %dma_start3A_129 = tpu.memref_squeeze %dma_start3A_128 : memref<1x125xi32, #tpu.memory_space<vmem>> -> memref<125xi32, #tpu.memory_space<vmem>>
      %dma_start3A_130 = arith.constant 0 : i32
      %dma_start3A_131 = arith.constant 0 : i32
      %dma_start3A_132 = tpu.memref_slice %arg4[%dma_start3A_130, %dma_start3A_131] : memref<10000x128xf32, #tpu.memory_space<hbm>> -> memref<10000x128xf32, #tpu.memory_space<hbm>>
      tpu.enqueue_indirect_dma source(%dma_start3A_132 : memref<10000x128xf32, #tpu.memory_space<hbm>>) target(%arg9 : memref<125x128xf32, #tpu.memory_space<vmem>>) offsets(%dma_start3A_129 : memref<125xi32, #tpu.memory_space<vmem>>) semaphore(%arg12 : memref<!tpu.dma_semaphore, #tpu.memory_space<semaphore_mem>>)
      %dma_wait3A_133 = arith.constant 3 : i32
      %dma_wait3A_134 = arith.constant 0 : i32
      %dma_wait3A_135 = tpu.memref_slice %arg7[%dma_wait3A_133, %dma_wait3A_134] : memref<16x125xi32, #tpu.memory_space<vmem>> -> memref<1x125xi32, #tpu.memory_space<vmem>>
      %dma_wait3A_136 = tpu.memref_squeeze %dma_wait3A_135 : memref<1x125xi32, #tpu.memory_space<vmem>> -> memref<125xi32, #tpu.memory_space<vmem>>
      %dma_wait3A_137 = arith.constant 0 : i32
      %dma_wait3A_138 = arith.constant 0 : i32
      %dma_wait3A_139 = tpu.memref_slice %arg4[%dma_wait3A_137, %dma_wait3A_138] : memref<10000x128xf32, #tpu.memory_space<hbm>> -> memref<10000x128xf32, #tpu.memory_space<hbm>>
      tpu.wait_indirect_dma semaphore(%arg13 : memref<!tpu.dma_semaphore, #tpu.memory_space<semaphore_mem>>) src(%dma_wait3A_139 : memref<10000x128xf32, #tpu.memory_space<hbm>>) dst(%arg10 : memref<125x128xf32, #tpu.memory_space<vmem>>)
      %dma_start3A_140 = arith.constant 3 : i32
      %dma_start3A_141 = arith.constant 0 : i32
      %dma_start3A_142 = tpu.memref_slice %arg8[%dma_start3A_140, %dma_start3A_141] : memref<16x125xi32, #tpu.memory_space<vmem>> -> memref<1x125xi32, #tpu.memory_space<vmem>>
      %dma_start3A_143 = tpu.memref_squeeze %dma_start3A_142 : memref<1x125xi32, #tpu.memory_space<vmem>> -> memref<125xi32, #tpu.memory_space<vmem>>
      %dma_start3A_144 = arith.constant 0 : i32
      %dma_start3A_145 = arith.constant 0 : i32
      %dma_start3A_146 = tpu.memref_slice %arg11[%dma_start3A_144, %dma_start3A_145] : memref<10000x128xf32, #tpu.memory_space<vmem_shared>> -> memref<10000x128xf32, #tpu.memory_space<vmem_shared>>
      tpu.enqueue_indirect_dma source(%arg10 : memref<125x128xf32, #tpu.memory_space<vmem>>) target(%dma_start3A_146 : memref<10000x128xf32, #tpu.memory_space<vmem_shared>>) offsets(%dma_start3A_143 : memref<125xi32, #tpu.memory_space<vmem>>) semaphore(%arg15 : memref<!tpu.dma_semaphore, #tpu.memory_space<semaphore_mem>>) {add = true}
      %dma_wait3A_147 = arith.constant 0 : i32
      %dma_wait3A_148 = arith.constant 0 : i32
      %dma_wait3A_149 = tpu.memref_slice %arg8[%dma_wait3A_147, %dma_wait3A_148] : memref<16x125xi32, #tpu.memory_space<vmem>> -> memref<1x125xi32, #tpu.memory_space<vmem>>
      %dma_wait3A_150 = tpu.memref_squeeze %dma_wait3A_149 : memref<1x125xi32, #tpu.memory_space<vmem>> -> memref<125xi32, #tpu.memory_space<vmem>>
      %dma_wait3A_151 = arith.constant 0 : i32
      %dma_wait3A_152 = arith.constant 0 : i32
      %dma_wait3A_153 = tpu.memref_slice %arg11[%dma_wait3A_151, %dma_wait3A_152] : memref<10000x128xf32, #tpu.memory_space<vmem_shared>> -> memref<10000x128xf32, #tpu.memory_space<vmem_shared>>
      tpu.wait_indirect_dma semaphore(%arg15 : memref<!tpu.dma_semaphore, #tpu.memory_space<semaphore_mem>>) src(%arg10 : memref<125x128xf32, #tpu.memory_space<vmem>>) dst(%dma_wait3A_153 : memref<10000x128xf32, #tpu.memory_space<vmem_shared>>)
      %dma_start3A_154 = arith.constant 5 : i32
      %dma_start3A_155 = arith.constant 0 : i32
      %dma_start3A_156 = tpu.memref_slice %arg7[%dma_start3A_154, %dma_start3A_155] : memref<16x125xi32, #tpu.memory_space<vmem>> -> memref<1x125xi32, #tpu.memory_space<vmem>>
      %dma_start3A_157 = tpu.memref_squeeze %dma_start3A_156 : memref<1x125xi32, #tpu.memory_space<vmem>> -> memref<125xi32, #tpu.memory_space<vmem>>
      %dma_start3A_158 = arith.constant 0 : i32
      %dma_start3A_159 = arith.constant 0 : i32
      %dma_start3A_160 = tpu.memref_slice %arg4[%dma_start3A_158, %dma_start3A_159] : memref<10000x128xf32, #tpu.memory_space<hbm>> -> memref<10000x128xf32, #tpu.memory_space<hbm>>
      tpu.enqueue_indirect_dma source(%dma_start3A_160 : memref<10000x128xf32, #tpu.memory_space<hbm>>) target(%arg10 : memref<125x128xf32, #tpu.memory_space<vmem>>) offsets(%dma_start3A_157 : memref<125xi32, #tpu.memory_space<vmem>>) semaphore(%arg13 : memref<!tpu.dma_semaphore, #tpu.memory_space<semaphore_mem>>)
      %dma_wait3A_161 = arith.constant 4 : i32
      %dma_wait3A_162 = arith.constant 0 : i32
      %dma_wait3A_163 = tpu.memref_slice %arg7[%dma_wait3A_161, %dma_wait3A_162] : memref<16x125xi32, #tpu.memory_space<vmem>> -> memref<1x125xi32, #tpu.memory_space<vmem>>
      %dma_wait3A_164 = tpu.memref_squeeze %dma_wait3A_163 : memref<1x125xi32, #tpu.memory_space<vmem>> -> memref<125xi32, #tpu.memory_space<vmem>>
      %dma_wait3A_165 = arith.constant 0 : i32
      %dma_wait3A_166 = arith.constant 0 : i32
      %dma_wait3A_167 = tpu.memref_slice %arg4[%dma_wait3A_165, %dma_wait3A_166] : memref<10000x128xf32, #tpu.memory_space<hbm>> -> memref<10000x128xf32, #tpu.memory_space<hbm>>
      tpu.wait_indirect_dma semaphore(%arg12 : memref<!tpu.dma_semaphore, #tpu.memory_space<semaphore_mem>>) src(%dma_wait3A_167 : memref<10000x128xf32, #tpu.memory_space<hbm>>) dst(%arg9 : memref<125x128xf32, #tpu.memory_space<vmem>>)
      %dma_start3A_168 = arith.constant 4 : i32
      %dma_start3A_169 = arith.constant 0 : i32
      %dma_start3A_170 = tpu.memref_slice %arg8[%dma_start3A_168, %dma_start3A_169] : memref<16x125xi32, #tpu.memory_space<vmem>> -> memref<1x125xi32, #tpu.memory_space<vmem>>
      %dma_start3A_171 = tpu.memref_squeeze %dma_start3A_170 : memref<1x125xi32, #tpu.memory_space<vmem>> -> memref<125xi32, #tpu.memory_space<vmem>>
      %dma_start3A_172 = arith.constant 0 : i32
      %dma_start3A_173 = arith.constant 0 : i32
      %dma_start3A_174 = tpu.memref_slice %arg11[%dma_start3A_172, %dma_start3A_173] : memref<10000x128xf32, #tpu.memory_space<vmem_shared>> -> memref<10000x128xf32, #tpu.memory_space<vmem_shared>>
      tpu.enqueue_indirect_dma source(%arg9 : memref<125x128xf32, #tpu.memory_space<vmem>>) target(%dma_start3A_174 : memref<10000x128xf32, #tpu.memory_space<vmem_shared>>) offsets(%dma_start3A_171 : memref<125xi32, #tpu.memory_space<vmem>>) semaphore(%arg14 : memref<!tpu.dma_semaphore, #tpu.memory_space<semaphore_mem>>) {add = true}
      %dma_wait3A_175 = arith.constant 0 : i32
      %dma_wait3A_176 = arith.constant 0 : i32
      %dma_wait3A_177 = tpu.memref_slice %arg8[%dma_wait3A_175, %dma_wait3A_176] : memref<16x125xi32, #tpu.memory_space<vmem>> -> memref<1x125xi32, #tpu.memory_space<vmem>>
      %dma_wait3A_178 = tpu.memref_squeeze %dma_wait3A_177 : memref<1x125xi32, #tpu.memory_space<vmem>> -> memref<125xi32, #tpu.memory_space<vmem>>
      %dma_wait3A_179 = arith.constant 0 : i32
      %dma_wait3A_180 = arith.constant 0 : i32
      %dma_wait3A_181 = tpu.memref_slice %arg11[%dma_wait3A_179, %dma_wait3A_180] : memref<10000x128xf32, #tpu.memory_space<vmem_shared>> -> memref<10000x128xf32, #tpu.memory_space<vmem_shared>>
      tpu.wait_indirect_dma semaphore(%arg14 : memref<!tpu.dma_semaphore, #tpu.memory_space<semaphore_mem>>) src(%arg9 : memref<125x128xf32, #tpu.memory_space<vmem>>) dst(%dma_wait3A_181 : memref<10000x128xf32, #tpu.memory_space<vmem_shared>>)
      %dma_start3A_182 = arith.constant 6 : i32
      %dma_start3A_183 = arith.constant 0 : i32
      %dma_start3A_184 = tpu.memref_slice %arg7[%dma_start3A_182, %dma_start3A_183] : memref<16x125xi32, #tpu.memory_space<vmem>> -> memref<1x125xi32, #tpu.memory_space<vmem>>
      %dma_start3A_185 = tpu.memref_squeeze %dma_start3A_184 : memref<1x125xi32, #tpu.memory_space<vmem>> -> memref<125xi32, #tpu.memory_space<vmem>>
      %dma_start3A_186 = arith.constant 0 : i32
      %dma_start3A_187 = arith.constant 0 : i32
      %dma_start3A_188 = tpu.memref_slice %arg4[%dma_start3A_186, %dma_start3A_187] : memref<10000x128xf32, #tpu.memory_space<hbm>> -> memref<10000x128xf32, #tpu.memory_space<hbm>>
      tpu.enqueue_indirect_dma source(%dma_start3A_188 : memref<10000x128xf32, #tpu.memory_space<hbm>>) target(%arg9 : memref<125x128xf32, #tpu.memory_space<vmem>>) offsets(%dma_start3A_185 : memref<125xi32, #tpu.memory_space<vmem>>) semaphore(%arg12 : memref<!tpu.dma_semaphore, #tpu.memory_space<semaphore_mem>>)
      %dma_wait3A_189 = arith.constant 5 : i32
      %dma_wait3A_190 = arith.constant 0 : i32
      %dma_wait3A_191 = tpu.memref_slice %arg7[%dma_wait3A_189, %dma_wait3A_190] : memref<16x125xi32, #tpu.memory_space<vmem>> -> memref<1x125xi32, #tpu.memory_space<vmem>>
      %dma_wait3A_192 = tpu.memref_squeeze %dma_wait3A_191 : memref<1x125xi32, #tpu.memory_space<vmem>> -> memref<125xi32, #tpu.memory_space<vmem>>
      %dma_wait3A_193 = arith.constant 0 : i32
      %dma_wait3A_194 = arith.constant 0 : i32
      %dma_wait3A_195 = tpu.memref_slice %arg4[%dma_wait3A_193, %dma_wait3A_194] : memref<10000x128xf32, #tpu.memory_space<hbm>> -> memref<10000x128xf32, #tpu.memory_space<hbm>>
      tpu.wait_indirect_dma semaphore(%arg13 : memref<!tpu.dma_semaphore, #tpu.memory_space<semaphore_mem>>) src(%dma_wait3A_195 : memref<10000x128xf32, #tpu.memory_space<hbm>>) dst(%arg10 : memref<125x128xf32, #tpu.memory_space<vmem>>)
      %dma_start3A_196 = arith.constant 5 : i32
      %dma_start3A_197 = arith.constant 0 : i32
      %dma_start3A_198 = tpu.memref_slice %arg8[%dma_start3A_196, %dma_start3A_197] : memref<16x125xi32, #tpu.memory_space<vmem>> -> memref<1x125xi32, #tpu.memory_space<vmem>>
      %dma_start3A_199 = tpu.memref_squeeze %dma_start3A_198 : memref<1x125xi32, #tpu.memory_space<vmem>> -> memref<125xi32, #tpu.memory_space<vmem>>
      %dma_start3A_200 = arith.constant 0 : i32
      %dma_start3A_201 = arith.constant 0 : i32
      %dma_start3A_202 = tpu.memref_slice %arg11[%dma_start3A_200, %dma_start3A_201] : memref<10000x128xf32, #tpu.memory_space<vmem_shared>> -> memref<10000x128xf32, #tpu.memory_space<vmem_shared>>
      tpu.enqueue_indirect_dma source(%arg10 : memref<125x128xf32, #tpu.memory_space<vmem>>) target(%dma_start3A_202 : memref<10000x128xf32, #tpu.memory_space<vmem_shared>>) offsets(%dma_start3A_199 : memref<125xi32, #tpu.memory_space<vmem>>) semaphore(%arg15 : memref<!tpu.dma_semaphore, #tpu.memory_space<semaphore_mem>>) {add = true}
      %dma_wait3A_203 = arith.constant 0 : i32
      %dma_wait3A_204 = arith.constant 0 : i32
      %dma_wait3A_205 = tpu.memref_slice %arg8[%dma_wait3A_203, %dma_wait3A_204] : memref<16x125xi32, #tpu.memory_space<vmem>> -> memref<1x125xi32, #tpu.memory_space<vmem>>
      %dma_wait3A_206 = tpu.memref_squeeze %dma_wait3A_205 : memref<1x125xi32, #tpu.memory_space<vmem>> -> memref<125xi32, #tpu.memory_space<vmem>>
      %dma_wait3A_207 = arith.constant 0 : i32
      %dma_wait3A_208 = arith.constant 0 : i32
      %dma_wait3A_209 = tpu.memref_slice %arg11[%dma_wait3A_207, %dma_wait3A_208] : memref<10000x128xf32, #tpu.memory_space<vmem_shared>> -> memref<10000x128xf32, #tpu.memory_space<vmem_shared>>
      tpu.wait_indirect_dma semaphore(%arg15 : memref<!tpu.dma_semaphore, #tpu.memory_space<semaphore_mem>>) src(%arg10 : memref<125x128xf32, #tpu.memory_space<vmem>>) dst(%dma_wait3A_209 : memref<10000x128xf32, #tpu.memory_space<vmem_shared>>)
      %dma_start3A_210 = arith.constant 7 : i32
      %dma_start3A_211 = arith.constant 0 : i32
      %dma_start3A_212 = tpu.memref_slice %arg7[%dma_start3A_210, %dma_start3A_211] : memref<16x125xi32, #tpu.memory_space<vmem>> -> memref<1x125xi32, #tpu.memory_space<vmem>>
      %dma_start3A_213 = tpu.memref_squeeze %dma_start3A_212 : memref<1x125xi32, #tpu.memory_space<vmem>> -> memref<125xi32, #tpu.memory_space<vmem>>
      %dma_start3A_214 = arith.constant 0 : i32
      %dma_start3A_215 = arith.constant 0 : i32
      %dma_start3A_216 = tpu.memref_slice %arg4[%dma_start3A_214, %dma_start3A_215] : memref<10000x128xf32, #tpu.memory_space<hbm>> -> memref<10000x128xf32, #tpu.memory_space<hbm>>
      tpu.enqueue_indirect_dma source(%dma_start3A_216 : memref<10000x128xf32, #tpu.memory_space<hbm>>) target(%arg10 : memref<125x128xf32, #tpu.memory_space<vmem>>) offsets(%dma_start3A_213 : memref<125xi32, #tpu.memory_space<vmem>>) semaphore(%arg13 : memref<!tpu.dma_semaphore, #tpu.memory_space<semaphore_mem>>)
      %dma_wait3A_217 = arith.constant 6 : i32
      %dma_wait3A_218 = arith.constant 0 : i32
      %dma_wait3A_219 = tpu.memref_slice %arg7[%dma_wait3A_217, %dma_wait3A_218] : memref<16x125xi32, #tpu.memory_space<vmem>> -> memref<1x125xi32, #tpu.memory_space<vmem>>
      %dma_wait3A_220 = tpu.memref_squeeze %dma_wait3A_219 : memref<1x125xi32, #tpu.memory_space<vmem>> -> memref<125xi32, #tpu.memory_space<vmem>>
      %dma_wait3A_221 = arith.constant 0 : i32
      %dma_wait3A_222 = arith.constant 0 : i32
      %dma_wait3A_223 = tpu.memref_slice %arg4[%dma_wait3A_221, %dma_wait3A_222] : memref<10000x128xf32, #tpu.memory_space<hbm>> -> memref<10000x128xf32, #tpu.memory_space<hbm>>
      tpu.wait_indirect_dma semaphore(%arg12 : memref<!tpu.dma_semaphore, #tpu.memory_space<semaphore_mem>>) src(%dma_wait3A_223 : memref<10000x128xf32, #tpu.memory_space<hbm>>) dst(%arg9 : memref<125x128xf32, #tpu.memory_space<vmem>>)
      %dma_start3A_224 = arith.constant 6 : i32
      %dma_start3A_225 = arith.constant 0 : i32
      %dma_start3A_226 = tpu.memref_slice %arg8[%dma_start3A_224, %dma_start3A_225] : memref<16x125xi32, #tpu.memory_space<vmem>> -> memref<1x125xi32, #tpu.memory_space<vmem>>
      %dma_start3A_227 = tpu.memref_squeeze %dma_start3A_226 : memref<1x125xi32, #tpu.memory_space<vmem>> -> memref<125xi32, #tpu.memory_space<vmem>>
      %dma_start3A_228 = arith.constant 0 : i32
      %dma_start3A_229 = arith.constant 0 : i32
      %dma_start3A_230 = tpu.memref_slice %arg11[%dma_start3A_228, %dma_start3A_229] : memref<10000x128xf32, #tpu.memory_space<vmem_shared>> -> memref<10000x128xf32, #tpu.memory_space<vmem_shared>>
      tpu.enqueue_indirect_dma source(%arg9 : memref<125x128xf32, #tpu.memory_space<vmem>>) target(%dma_start3A_230 : memref<10000x128xf32, #tpu.memory_space<vmem_shared>>) offsets(%dma_start3A_227 : memref<125xi32, #tpu.memory_space<vmem>>) semaphore(%arg14 : memref<!tpu.dma_semaphore, #tpu.memory_space<semaphore_mem>>) {add = true}
      %dma_wait3A_231 = arith.constant 0 : i32
      %dma_wait3A_232 = arith.constant 0 : i32
      %dma_wait3A_233 = tpu.memref_slice %arg8[%dma_wait3A_231, %dma_wait3A_232] : memref<16x125xi32, #tpu.memory_space<vmem>> -> memref<1x125xi32, #tpu.memory_space<vmem>>
      %dma_wait3A_234 = tpu.memref_squeeze %dma_wait3A_233 : memref<1x125xi32, #tpu.memory_space<vmem>> -> memref<125xi32, #tpu.memory_space<vmem>>
      %dma_wait3A_235 = arith.constant 0 : i32
      %dma_wait3A_236 = arith.constant 0 : i32
      %dma_wait3A_237 = tpu.memref_slice %arg11[%dma_wait3A_235, %dma_wait3A_236] : memref<10000x128xf32, #tpu.memory_space<vmem_shared>> -> memref<10000x128xf32, #tpu.memory_space<vmem_shared>>
      tpu.wait_indirect_dma semaphore(%arg14 : memref<!tpu.dma_semaphore, #tpu.memory_space<semaphore_mem>>) src(%arg9 : memref<125x128xf32, #tpu.memory_space<vmem>>) dst(%dma_wait3A_237 : memref<10000x128xf32, #tpu.memory_space<vmem_shared>>)
      %dma_start3A_238 = arith.constant 8 : i32
      %dma_start3A_239 = arith.constant 0 : i32
      %dma_start3A_240 = tpu.memref_slice %arg7[%dma_start3A_238, %dma_start3A_239] : memref<16x125xi32, #tpu.memory_space<vmem>> -> memref<1x125xi32, #tpu.memory_space<vmem>>
      %dma_start3A_241 = tpu.memref_squeeze %dma_start3A_240 : memref<1x125xi32, #tpu.memory_space<vmem>> -> memref<125xi32, #tpu.memory_space<vmem>>
      %dma_start3A_242 = arith.constant 0 : i32
      %dma_start3A_243 = arith.constant 0 : i32
      %dma_start3A_244 = tpu.memref_slice %arg4[%dma_start3A_242, %dma_start3A_243] : memref<10000x128xf32, #tpu.memory_space<hbm>> -> memref<10000x128xf32, #tpu.memory_space<hbm>>
      tpu.enqueue_indirect_dma source(%dma_start3A_244 : memref<10000x128xf32, #tpu.memory_space<hbm>>) target(%arg9 : memref<125x128xf32, #tpu.memory_space<vmem>>) offsets(%dma_start3A_241 : memref<125xi32, #tpu.memory_space<vmem>>) semaphore(%arg12 : memref<!tpu.dma_semaphore, #tpu.memory_space<semaphore_mem>>)
      %dma_wait3A_245 = arith.constant 7 : i32
      %dma_wait3A_246 = arith.constant 0 : i32
      %dma_wait3A_247 = tpu.memref_slice %arg7[%dma_wait3A_245, %dma_wait3A_246] : memref<16x125xi32, #tpu.memory_space<vmem>> -> memref<1x125xi32, #tpu.memory_space<vmem>>
      %dma_wait3A_248 = tpu.memref_squeeze %dma_wait3A_247 : memref<1x125xi32, #tpu.memory_space<vmem>> -> memref<125xi32, #tpu.memory_space<vmem>>
      %dma_wait3A_249 = arith.constant 0 : i32
      %dma_wait3A_250 = arith.constant 0 : i32
      %dma_wait3A_251 = tpu.memref_slice %arg4[%dma_wait3A_249, %dma_wait3A_250] : memref<10000x128xf32, #tpu.memory_space<hbm>> -> memref<10000x128xf32, #tpu.memory_space<hbm>>
      tpu.wait_indirect_dma semaphore(%arg13 : memref<!tpu.dma_semaphore, #tpu.memory_space<semaphore_mem>>) src(%dma_wait3A_251 : memref<10000x128xf32, #tpu.memory_space<hbm>>) dst(%arg10 : memref<125x128xf32, #tpu.memory_space<vmem>>)
      %dma_start3A_252 = arith.constant 7 : i32
      %dma_start3A_253 = arith.constant 0 : i32
      %dma_start3A_254 = tpu.memref_slice %arg8[%dma_start3A_252, %dma_start3A_253] : memref<16x125xi32, #tpu.memory_space<vmem>> -> memref<1x125xi32, #tpu.memory_space<vmem>>
      %dma_start3A_255 = tpu.memref_squeeze %dma_start3A_254 : memref<1x125xi32, #tpu.memory_space<vmem>> -> memref<125xi32, #tpu.memory_space<vmem>>
      %dma_start3A_256 = arith.constant 0 : i32
      %dma_start3A_257 = arith.constant 0 : i32
      %dma_start3A_258 = tpu.memref_slice %arg11[%dma_start3A_256, %dma_start3A_257] : memref<10000x128xf32, #tpu.memory_space<vmem_shared>> -> memref<10000x128xf32, #tpu.memory_space<vmem_shared>>
      tpu.enqueue_indirect_dma source(%arg10 : memref<125x128xf32, #tpu.memory_space<vmem>>) target(%dma_start3A_258 : memref<10000x128xf32, #tpu.memory_space<vmem_shared>>) offsets(%dma_start3A_255 : memref<125xi32, #tpu.memory_space<vmem>>) semaphore(%arg15 : memref<!tpu.dma_semaphore, #tpu.memory_space<semaphore_mem>>) {add = true}
      %dma_wait3A_259 = arith.constant 0 : i32
      %dma_wait3A_260 = arith.constant 0 : i32
      %dma_wait3A_261 = tpu.memref_slice %arg8[%dma_wait3A_259, %dma_wait3A_260] : memref<16x125xi32, #tpu.memory_space<vmem>> -> memref<1x125xi32, #tpu.memory_space<vmem>>
      %dma_wait3A_262 = tpu.memref_squeeze %dma_wait3A_261 : memref<1x125xi32, #tpu.memory_space<vmem>> -> memref<125xi32, #tpu.memory_space<vmem>>
      %dma_wait3A_263 = arith.constant 0 : i32
      %dma_wait3A_264 = arith.constant 0 : i32
      %dma_wait3A_265 = tpu.memref_slice %arg11[%dma_wait3A_263, %dma_wait3A_264] : memref<10000x128xf32, #tpu.memory_space<vmem_shared>> -> memref<10000x128xf32, #tpu.memory_space<vmem_shared>>
      tpu.wait_indirect_dma semaphore(%arg15 : memref<!tpu.dma_semaphore, #tpu.memory_space<semaphore_mem>>) src(%arg10 : memref<125x128xf32, #tpu.memory_space<vmem>>) dst(%dma_wait3A_265 : memref<10000x128xf32, #tpu.memory_space<vmem_shared>>)
      %dma_start3A_266 = arith.constant 9 : i32
      %dma_start3A_267 = arith.constant 0 : i32
      %dma_start3A_268 = tpu.memref_slice %arg7[%dma_start3A_266, %dma_start3A_267] : memref<16x125xi32, #tpu.memory_space<vmem>> -> memref<1x125xi32, #tpu.memory_space<vmem>>
      %dma_start3A_269 = tpu.memref_squeeze %dma_start3A_268 : memref<1x125xi32, #tpu.memory_space<vmem>> -> memref<125xi32, #tpu.memory_space<vmem>>
      %dma_start3A_270 = arith.constant 0 : i32
      %dma_start3A_271 = arith.constant 0 : i32
      %dma_start3A_272 = tpu.memref_slice %arg4[%dma_start3A_270, %dma_start3A_271] : memref<10000x128xf32, #tpu.memory_space<hbm>> -> memref<10000x128xf32, #tpu.memory_space<hbm>>
      tpu.enqueue_indirect_dma source(%dma_start3A_272 : memref<10000x128xf32, #tpu.memory_space<hbm>>) target(%arg10 : memref<125x128xf32, #tpu.memory_space<vmem>>) offsets(%dma_start3A_269 : memref<125xi32, #tpu.memory_space<vmem>>) semaphore(%arg13 : memref<!tpu.dma_semaphore, #tpu.memory_space<semaphore_mem>>)
      %dma_wait3A_273 = arith.constant 8 : i32
      %dma_wait3A_274 = arith.constant 0 : i32
      %dma_wait3A_275 = tpu.memref_slice %arg7[%dma_wait3A_273, %dma_wait3A_274] : memref<16x125xi32, #tpu.memory_space<vmem>> -> memref<1x125xi32, #tpu.memory_space<vmem>>
      %dma_wait3A_276 = tpu.memref_squeeze %dma_wait3A_275 : memref<1x125xi32, #tpu.memory_space<vmem>> -> memref<125xi32, #tpu.memory_space<vmem>>
      %dma_wait3A_277 = arith.constant 0 : i32
      %dma_wait3A_278 = arith.constant 0 : i32
      %dma_wait3A_279 = tpu.memref_slice %arg4[%dma_wait3A_277, %dma_wait3A_278] : memref<10000x128xf32, #tpu.memory_space<hbm>> -> memref<10000x128xf32, #tpu.memory_space<hbm>>
      tpu.wait_indirect_dma semaphore(%arg12 : memref<!tpu.dma_semaphore, #tpu.memory_space<semaphore_mem>>) src(%dma_wait3A_279 : memref<10000x128xf32, #tpu.memory_space<hbm>>) dst(%arg9 : memref<125x128xf32, #tpu.memory_space<vmem>>)
      %dma_start3A_280 = arith.constant 8 : i32
      %dma_start3A_281 = arith.constant 0 : i32
      %dma_start3A_282 = tpu.memref_slice %arg8[%dma_start3A_280, %dma_start3A_281] : memref<16x125xi32, #tpu.memory_space<vmem>> -> memref<1x125xi32, #tpu.memory_space<vmem>>
      %dma_start3A_283 = tpu.memref_squeeze %dma_start3A_282 : memref<1x125xi32, #tpu.memory_space<vmem>> -> memref<125xi32, #tpu.memory_space<vmem>>
      %dma_start3A_284 = arith.constant 0 : i32
      %dma_start3A_285 = arith.constant 0 : i32
      %dma_start3A_286 = tpu.memref_slice %arg11[%dma_start3A_284, %dma_start3A_285] : memref<10000x128xf32, #tpu.memory_space<vmem_shared>> -> memref<10000x128xf32, #tpu.memory_space<vmem_shared>>
      tpu.enqueue_indirect_dma source(%arg9 : memref<125x128xf32, #tpu.memory_space<vmem>>) target(%dma_start3A_286 : memref<10000x128xf32, #tpu.memory_space<vmem_shared>>) offsets(%dma_start3A_283 : memref<125xi32, #tpu.memory_space<vmem>>) semaphore(%arg14 : memref<!tpu.dma_semaphore, #tpu.memory_space<semaphore_mem>>) {add = true}
      %dma_wait3A_287 = arith.constant 0 : i32
      %dma_wait3A_288 = arith.constant 0 : i32
      %dma_wait3A_289 = tpu.memref_slice %arg8[%dma_wait3A_287, %dma_wait3A_288] : memref<16x125xi32, #tpu.memory_space<vmem>> -> memref<1x125xi32, #tpu.memory_space<vmem>>
      %dma_wait3A_290 = tpu.memref_squeeze %dma_wait3A_289 : memref<1x125xi32, #tpu.memory_space<vmem>> -> memref<125xi32, #tpu.memory_space<vmem>>
      %dma_wait3A_291 = arith.constant 0 : i32
      %dma_wait3A_292 = arith.constant 0 : i32
      %dma_wait3A_293 = tpu.memref_slice %arg11[%dma_wait3A_291, %dma_wait3A_292] : memref<10000x128xf32, #tpu.memory_space<vmem_shared>> -> memref<10000x128xf32, #tpu.memory_space<vmem_shared>>
      tpu.wait_indirect_dma semaphore(%arg14 : memref<!tpu.dma_semaphore, #tpu.memory_space<semaphore_mem>>) src(%arg9 : memref<125x128xf32, #tpu.memory_space<vmem>>) dst(%dma_wait3A_293 : memref<10000x128xf32, #tpu.memory_space<vmem_shared>>)
      %dma_start3A_294 = arith.constant 10 : i32
      %dma_start3A_295 = arith.constant 0 : i32
      %dma_start3A_296 = tpu.memref_slice %arg7[%dma_start3A_294, %dma_start3A_295] : memref<16x125xi32, #tpu.memory_space<vmem>> -> memref<1x125xi32, #tpu.memory_space<vmem>>
      %dma_start3A_297 = tpu.memref_squeeze %dma_start3A_296 : memref<1x125xi32, #tpu.memory_space<vmem>> -> memref<125xi32, #tpu.memory_space<vmem>>
      %dma_start3A_298 = arith.constant 0 : i32
      %dma_start3A_299 = arith.constant 0 : i32
      %dma_start3A_300 = tpu.memref_slice %arg4[%dma_start3A_298, %dma_start3A_299] : memref<10000x128xf32, #tpu.memory_space<hbm>> -> memref<10000x128xf32, #tpu.memory_space<hbm>>
      tpu.enqueue_indirect_dma source(%dma_start3A_300 : memref<10000x128xf32, #tpu.memory_space<hbm>>) target(%arg9 : memref<125x128xf32, #tpu.memory_space<vmem>>) offsets(%dma_start3A_297 : memref<125xi32, #tpu.memory_space<vmem>>) semaphore(%arg12 : memref<!tpu.dma_semaphore, #tpu.memory_space<semaphore_mem>>)
      %dma_wait3A_301 = arith.constant 9 : i32
      %dma_wait3A_302 = arith.constant 0 : i32
      %dma_wait3A_303 = tpu.memref_slice %arg7[%dma_wait3A_301, %dma_wait3A_302] : memref<16x125xi32, #tpu.memory_space<vmem>> -> memref<1x125xi32, #tpu.memory_space<vmem>>
      %dma_wait3A_304 = tpu.memref_squeeze %dma_wait3A_303 : memref<1x125xi32, #tpu.memory_space<vmem>> -> memref<125xi32, #tpu.memory_space<vmem>>
      %dma_wait3A_305 = arith.constant 0 : i32
      %dma_wait3A_306 = arith.constant 0 : i32
      %dma_wait3A_307 = tpu.memref_slice %arg4[%dma_wait3A_305, %dma_wait3A_306] : memref<10000x128xf32, #tpu.memory_space<hbm>> -> memref<10000x128xf32, #tpu.memory_space<hbm>>
      tpu.wait_indirect_dma semaphore(%arg13 : memref<!tpu.dma_semaphore, #tpu.memory_space<semaphore_mem>>) src(%dma_wait3A_307 : memref<10000x128xf32, #tpu.memory_space<hbm>>) dst(%arg10 : memref<125x128xf32, #tpu.memory_space<vmem>>)
      %dma_start3A_308 = arith.constant 9 : i32
      %dma_start3A_309 = arith.constant 0 : i32
      %dma_start3A_310 = tpu.memref_slice %arg8[%dma_start3A_308, %dma_start3A_309] : memref<16x125xi32, #tpu.memory_space<vmem>> -> memref<1x125xi32, #tpu.memory_space<vmem>>
      %dma_start3A_311 = tpu.memref_squeeze %dma_start3A_310 : memref<1x125xi32, #tpu.memory_space<vmem>> -> memref<125xi32, #tpu.memory_space<vmem>>
      %dma_start3A_312 = arith.constant 0 : i32
      %dma_start3A_313 = arith.constant 0 : i32
      %dma_start3A_314 = tpu.memref_slice %arg11[%dma_start3A_312, %dma_start3A_313] : memref<10000x128xf32, #tpu.memory_space<vmem_shared>> -> memref<10000x128xf32, #tpu.memory_space<vmem_shared>>
      tpu.enqueue_indirect_dma source(%arg10 : memref<125x128xf32, #tpu.memory_space<vmem>>) target(%dma_start3A_314 : memref<10000x128xf32, #tpu.memory_space<vmem_shared>>) offsets(%dma_start3A_311 : memref<125xi32, #tpu.memory_space<vmem>>) semaphore(%arg15 : memref<!tpu.dma_semaphore, #tpu.memory_space<semaphore_mem>>) {add = true}
      %dma_wait3A_315 = arith.constant 0 : i32
      %dma_wait3A_316 = arith.constant 0 : i32
      %dma_wait3A_317 = tpu.memref_slice %arg8[%dma_wait3A_315, %dma_wait3A_316] : memref<16x125xi32, #tpu.memory_space<vmem>> -> memref<1x125xi32, #tpu.memory_space<vmem>>
      %dma_wait3A_318 = tpu.memref_squeeze %dma_wait3A_317 : memref<1x125xi32, #tpu.memory_space<vmem>> -> memref<125xi32, #tpu.memory_space<vmem>>
      %dma_wait3A_319 = arith.constant 0 : i32
      %dma_wait3A_320 = arith.constant 0 : i32
      %dma_wait3A_321 = tpu.memref_slice %arg11[%dma_wait3A_319, %dma_wait3A_320] : memref<10000x128xf32, #tpu.memory_space<vmem_shared>> -> memref<10000x128xf32, #tpu.memory_space<vmem_shared>>
      tpu.wait_indirect_dma semaphore(%arg15 : memref<!tpu.dma_semaphore, #tpu.memory_space<semaphore_mem>>) src(%arg10 : memref<125x128xf32, #tpu.memory_space<vmem>>) dst(%dma_wait3A_321 : memref<10000x128xf32, #tpu.memory_space<vmem_shared>>)
      %dma_start3A_322 = arith.constant 11 : i32
      %dma_start3A_323 = arith.constant 0 : i32
      %dma_start3A_324 = tpu.memref_slice %arg7[%dma_start3A_322, %dma_start3A_323] : memref<16x125xi32, #tpu.memory_space<vmem>> -> memref<1x125xi32, #tpu.memory_space<vmem>>
      %dma_start3A_325 = tpu.memref_squeeze %dma_start3A_324 : memref<1x125xi32, #tpu.memory_space<vmem>> -> memref<125xi32, #tpu.memory_space<vmem>>
      %dma_start3A_326 = arith.constant 0 : i32
      %dma_start3A_327 = arith.constant 0 : i32
      %dma_start3A_328 = tpu.memref_slice %arg4[%dma_start3A_326, %dma_start3A_327] : memref<10000x128xf32, #tpu.memory_space<hbm>> -> memref<10000x128xf32, #tpu.memory_space<hbm>>
      tpu.enqueue_indirect_dma source(%dma_start3A_328 : memref<10000x128xf32, #tpu.memory_space<hbm>>) target(%arg10 : memref<125x128xf32, #tpu.memory_space<vmem>>) offsets(%dma_start3A_325 : memref<125xi32, #tpu.memory_space<vmem>>) semaphore(%arg13 : memref<!tpu.dma_semaphore, #tpu.memory_space<semaphore_mem>>)
      %dma_wait3A_329 = arith.constant 10 : i32
      %dma_wait3A_330 = arith.constant 0 : i32
      %dma_wait3A_331 = tpu.memref_slice %arg7[%dma_wait3A_329, %dma_wait3A_330] : memref<16x125xi32, #tpu.memory_space<vmem>> -> memref<1x125xi32, #tpu.memory_space<vmem>>
      %dma_wait3A_332 = tpu.memref_squeeze %dma_wait3A_331 : memref<1x125xi32, #tpu.memory_space<vmem>> -> memref<125xi32, #tpu.memory_space<vmem>>
      %dma_wait3A_333 = arith.constant 0 : i32
      %dma_wait3A_334 = arith.constant 0 : i32
      %dma_wait3A_335 = tpu.memref_slice %arg4[%dma_wait3A_333, %dma_wait3A_334] : memref<10000x128xf32, #tpu.memory_space<hbm>> -> memref<10000x128xf32, #tpu.memory_space<hbm>>
      tpu.wait_indirect_dma semaphore(%arg12 : memref<!tpu.dma_semaphore, #tpu.memory_space<semaphore_mem>>) src(%dma_wait3A_335 : memref<10000x128xf32, #tpu.memory_space<hbm>>) dst(%arg9 : memref<125x128xf32, #tpu.memory_space<vmem>>)
      %dma_start3A_336 = arith.constant 10 : i32
      %dma_start3A_337 = arith.constant 0 : i32
      %dma_start3A_338 = tpu.memref_slice %arg8[%dma_start3A_336, %dma_start3A_337] : memref<16x125xi32, #tpu.memory_space<vmem>> -> memref<1x125xi32, #tpu.memory_space<vmem>>
      %dma_start3A_339 = tpu.memref_squeeze %dma_start3A_338 : memref<1x125xi32, #tpu.memory_space<vmem>> -> memref<125xi32, #tpu.memory_space<vmem>>
      %dma_start3A_340 = arith.constant 0 : i32
      %dma_start3A_341 = arith.constant 0 : i32
      %dma_start3A_342 = tpu.memref_slice %arg11[%dma_start3A_340, %dma_start3A_341] : memref<10000x128xf32, #tpu.memory_space<vmem_shared>> -> memref<10000x128xf32, #tpu.memory_space<vmem_shared>>
      tpu.enqueue_indirect_dma source(%arg9 : memref<125x128xf32, #tpu.memory_space<vmem>>) target(%dma_start3A_342 : memref<10000x128xf32, #tpu.memory_space<vmem_shared>>) offsets(%dma_start3A_339 : memref<125xi32, #tpu.memory_space<vmem>>) semaphore(%arg14 : memref<!tpu.dma_semaphore, #tpu.memory_space<semaphore_mem>>) {add = true}
      %dma_wait3A_343 = arith.constant 0 : i32
      %dma_wait3A_344 = arith.constant 0 : i32
      %dma_wait3A_345 = tpu.memref_slice %arg8[%dma_wait3A_343, %dma_wait3A_344] : memref<16x125xi32, #tpu.memory_space<vmem>> -> memref<1x125xi32, #tpu.memory_space<vmem>>
      %dma_wait3A_346 = tpu.memref_squeeze %dma_wait3A_345 : memref<1x125xi32, #tpu.memory_space<vmem>> -> memref<125xi32, #tpu.memory_space<vmem>>
      %dma_wait3A_347 = arith.constant 0 : i32
      %dma_wait3A_348 = arith.constant 0 : i32
      %dma_wait3A_349 = tpu.memref_slice %arg11[%dma_wait3A_347, %dma_wait3A_348] : memref<10000x128xf32, #tpu.memory_space<vmem_shared>> -> memref<10000x128xf32, #tpu.memory_space<vmem_shared>>
      tpu.wait_indirect_dma semaphore(%arg14 : memref<!tpu.dma_semaphore, #tpu.memory_space<semaphore_mem>>) src(%arg9 : memref<125x128xf32, #tpu.memory_space<vmem>>) dst(%dma_wait3A_349 : memref<10000x128xf32, #tpu.memory_space<vmem_shared>>)
      %dma_start3A_350 = arith.constant 12 : i32
      %dma_start3A_351 = arith.constant 0 : i32
      %dma_start3A_352 = tpu.memref_slice %arg7[%dma_start3A_350, %dma_start3A_351] : memref<16x125xi32, #tpu.memory_space<vmem>> -> memref<1x125xi32, #tpu.memory_space<vmem>>
      %dma_start3A_353 = tpu.memref_squeeze %dma_start3A_352 : memref<1x125xi32, #tpu.memory_space<vmem>> -> memref<125xi32, #tpu.memory_space<vmem>>
      %dma_start3A_354 = arith.constant 0 : i32
      %dma_start3A_355 = arith.constant 0 : i32
      %dma_start3A_356 = tpu.memref_slice %arg4[%dma_start3A_354, %dma_start3A_355] : memref<10000x128xf32, #tpu.memory_space<hbm>> -> memref<10000x128xf32, #tpu.memory_space<hbm>>
      tpu.enqueue_indirect_dma source(%dma_start3A_356 : memref<10000x128xf32, #tpu.memory_space<hbm>>) target(%arg9 : memref<125x128xf32, #tpu.memory_space<vmem>>) offsets(%dma_start3A_353 : memref<125xi32, #tpu.memory_space<vmem>>) semaphore(%arg12 : memref<!tpu.dma_semaphore, #tpu.memory_space<semaphore_mem>>)
      %dma_wait3A_357 = arith.constant 11 : i32
      %dma_wait3A_358 = arith.constant 0 : i32
      %dma_wait3A_359 = tpu.memref_slice %arg7[%dma_wait3A_357, %dma_wait3A_358] : memref<16x125xi32, #tpu.memory_space<vmem>> -> memref<1x125xi32, #tpu.memory_space<vmem>>
      %dma_wait3A_360 = tpu.memref_squeeze %dma_wait3A_359 : memref<1x125xi32, #tpu.memory_space<vmem>> -> memref<125xi32, #tpu.memory_space<vmem>>
      %dma_wait3A_361 = arith.constant 0 : i32
      %dma_wait3A_362 = arith.constant 0 : i32
      %dma_wait3A_363 = tpu.memref_slice %arg4[%dma_wait3A_361, %dma_wait3A_362] : memref<10000x128xf32, #tpu.memory_space<hbm>> -> memref<10000x128xf32, #tpu.memory_space<hbm>>
      tpu.wait_indirect_dma semaphore(%arg13 : memref<!tpu.dma_semaphore, #tpu.memory_space<semaphore_mem>>) src(%dma_wait3A_363 : memref<10000x128xf32, #tpu.memory_space<hbm>>) dst(%arg10 : memref<125x128xf32, #tpu.memory_space<vmem>>)
      %dma_start3A_364 = arith.constant 11 : i32
      %dma_start3A_365 = arith.constant 0 : i32
      %dma_start3A_366 = tpu.memref_slice %arg8[%dma_start3A_364, %dma_start3A_365] : memref<16x125xi32, #tpu.memory_space<vmem>> -> memref<1x125xi32, #tpu.memory_space<vmem>>
      %dma_start3A_367 = tpu.memref_squeeze %dma_start3A_366 : memref<1x125xi32, #tpu.memory_space<vmem>> -> memref<125xi32, #tpu.memory_space<vmem>>
      %dma_start3A_368 = arith.constant 0 : i32
      %dma_start3A_369 = arith.constant 0 : i32
      %dma_start3A_370 = tpu.memref_slice %arg11[%dma_start3A_368, %dma_start3A_369] : memref<10000x128xf32, #tpu.memory_space<vmem_shared>> -> memref<10000x128xf32, #tpu.memory_space<vmem_shared>>
      tpu.enqueue_indirect_dma source(%arg10 : memref<125x128xf32, #tpu.memory_space<vmem>>) target(%dma_start3A_370 : memref<10000x128xf32, #tpu.memory_space<vmem_shared>>) offsets(%dma_start3A_367 : memref<125xi32, #tpu.memory_space<vmem>>) semaphore(%arg15 : memref<!tpu.dma_semaphore, #tpu.memory_space<semaphore_mem>>) {add = true}
      %dma_wait3A_371 = arith.constant 0 : i32
      %dma_wait3A_372 = arith.constant 0 : i32
      %dma_wait3A_373 = tpu.memref_slice %arg8[%dma_wait3A_371, %dma_wait3A_372] : memref<16x125xi32, #tpu.memory_space<vmem>> -> memref<1x125xi32, #tpu.memory_space<vmem>>
      %dma_wait3A_374 = tpu.memref_squeeze %dma_wait3A_373 : memref<1x125xi32, #tpu.memory_space<vmem>> -> memref<125xi32, #tpu.memory_space<vmem>>
      %dma_wait3A_375 = arith.constant 0 : i32
      %dma_wait3A_376 = arith.constant 0 : i32
      %dma_wait3A_377 = tpu.memref_slice %arg11[%dma_wait3A_375, %dma_wait3A_376] : memref<10000x128xf32, #tpu.memory_space<vmem_shared>> -> memref<10000x128xf32, #tpu.memory_space<vmem_shared>>
      tpu.wait_indirect_dma semaphore(%arg15 : memref<!tpu.dma_semaphore, #tpu.memory_space<semaphore_mem>>) src(%arg10 : memref<125x128xf32, #tpu.memory_space<vmem>>) dst(%dma_wait3A_377 : memref<10000x128xf32, #tpu.memory_space<vmem_shared>>)
      %dma_start3A_378 = arith.constant 13 : i32
      %dma_start3A_379 = arith.constant 0 : i32
      %dma_start3A_380 = tpu.memref_slice %arg7[%dma_start3A_378, %dma_start3A_379] : memref<16x125xi32, #tpu.memory_space<vmem>> -> memref<1x125xi32, #tpu.memory_space<vmem>>
      %dma_start3A_381 = tpu.memref_squeeze %dma_start3A_380 : memref<1x125xi32, #tpu.memory_space<vmem>> -> memref<125xi32, #tpu.memory_space<vmem>>
      %dma_start3A_382 = arith.constant 0 : i32
      %dma_start3A_383 = arith.constant 0 : i32
      %dma_start3A_384 = tpu.memref_slice %arg4[%dma_start3A_382, %dma_start3A_383] : memref<10000x128xf32, #tpu.memory_space<hbm>> -> memref<10000x128xf32, #tpu.memory_space<hbm>>
      tpu.enqueue_indirect_dma source(%dma_start3A_384 : memref<10000x128xf32, #tpu.memory_space<hbm>>) target(%arg10 : memref<125x128xf32, #tpu.memory_space<vmem>>) offsets(%dma_start3A_381 : memref<125xi32, #tpu.memory_space<vmem>>) semaphore(%arg13 : memref<!tpu.dma_semaphore, #tpu.memory_space<semaphore_mem>>)
      %dma_wait3A_385 = arith.constant 12 : i32
      %dma_wait3A_386 = arith.constant 0 : i32
      %dma_wait3A_387 = tpu.memref_slice %arg7[%dma_wait3A_385, %dma_wait3A_386] : memref<16x125xi32, #tpu.memory_space<vmem>> -> memref<1x125xi32, #tpu.memory_space<vmem>>
      %dma_wait3A_388 = tpu.memref_squeeze %dma_wait3A_387 : memref<1x125xi32, #tpu.memory_space<vmem>> -> memref<125xi32, #tpu.memory_space<vmem>>
      %dma_wait3A_389 = arith.constant 0 : i32
      %dma_wait3A_390 = arith.constant 0 : i32
      %dma_wait3A_391 = tpu.memref_slice %arg4[%dma_wait3A_389, %dma_wait3A_390] : memref<10000x128xf32, #tpu.memory_space<hbm>> -> memref<10000x128xf32, #tpu.memory_space<hbm>>
      tpu.wait_indirect_dma semaphore(%arg12 : memref<!tpu.dma_semaphore, #tpu.memory_space<semaphore_mem>>) src(%dma_wait3A_391 : memref<10000x128xf32, #tpu.memory_space<hbm>>) dst(%arg9 : memref<125x128xf32, #tpu.memory_space<vmem>>)
      %dma_start3A_392 = arith.constant 12 : i32
      %dma_start3A_393 = arith.constant 0 : i32
      %dma_start3A_394 = tpu.memref_slice %arg8[%dma_start3A_392, %dma_start3A_393] : memref<16x125xi32, #tpu.memory_space<vmem>> -> memref<1x125xi32, #tpu.memory_space<vmem>>
      %dma_start3A_395 = tpu.memref_squeeze %dma_start3A_394 : memref<1x125xi32, #tpu.memory_space<vmem>> -> memref<125xi32, #tpu.memory_space<vmem>>
      %dma_start3A_396 = arith.constant 0 : i32
      %dma_start3A_397 = arith.constant 0 : i32
      %dma_start3A_398 = tpu.memref_slice %arg11[%dma_start3A_396, %dma_start3A_397] : memref<10000x128xf32, #tpu.memory_space<vmem_shared>> -> memref<10000x128xf32, #tpu.memory_space<vmem_shared>>
      tpu.enqueue_indirect_dma source(%arg9 : memref<125x128xf32, #tpu.memory_space<vmem>>) target(%dma_start3A_398 : memref<10000x128xf32, #tpu.memory_space<vmem_shared>>) offsets(%dma_start3A_395 : memref<125xi32, #tpu.memory_space<vmem>>) semaphore(%arg14 : memref<!tpu.dma_semaphore, #tpu.memory_space<semaphore_mem>>) {add = true}
      %dma_wait3A_399 = arith.constant 0 : i32
      %dma_wait3A_400 = arith.constant 0 : i32
      %dma_wait3A_401 = tpu.memref_slice %arg8[%dma_wait3A_399, %dma_wait3A_400] : memref<16x125xi32, #tpu.memory_space<vmem>> -> memref<1x125xi32, #tpu.memory_space<vmem>>
      %dma_wait3A_402 = tpu.memref_squeeze %dma_wait3A_401 : memref<1x125xi32, #tpu.memory_space<vmem>> -> memref<125xi32, #tpu.memory_space<vmem>>
      %dma_wait3A_403 = arith.constant 0 : i32
      %dma_wait3A_404 = arith.constant 0 : i32
      %dma_wait3A_405 = tpu.memref_slice %arg11[%dma_wait3A_403, %dma_wait3A_404] : memref<10000x128xf32, #tpu.memory_space<vmem_shared>> -> memref<10000x128xf32, #tpu.memory_space<vmem_shared>>
      tpu.wait_indirect_dma semaphore(%arg14 : memref<!tpu.dma_semaphore, #tpu.memory_space<semaphore_mem>>) src(%arg9 : memref<125x128xf32, #tpu.memory_space<vmem>>) dst(%dma_wait3A_405 : memref<10000x128xf32, #tpu.memory_space<vmem_shared>>)
      %dma_start3A_406 = arith.constant 14 : i32
      %dma_start3A_407 = arith.constant 0 : i32
      %dma_start3A_408 = tpu.memref_slice %arg7[%dma_start3A_406, %dma_start3A_407] : memref<16x125xi32, #tpu.memory_space<vmem>> -> memref<1x125xi32, #tpu.memory_space<vmem>>
      %dma_start3A_409 = tpu.memref_squeeze %dma_start3A_408 : memref<1x125xi32, #tpu.memory_space<vmem>> -> memref<125xi32, #tpu.memory_space<vmem>>
      %dma_start3A_410 = arith.constant 0 : i32
      %dma_start3A_411 = arith.constant 0 : i32
      %dma_start3A_412 = tpu.memref_slice %arg4[%dma_start3A_410, %dma_start3A_411] : memref<10000x128xf32, #tpu.memory_space<hbm>> -> memref<10000x128xf32, #tpu.memory_space<hbm>>
      tpu.enqueue_indirect_dma source(%dma_start3A_412 : memref<10000x128xf32, #tpu.memory_space<hbm>>) target(%arg9 : memref<125x128xf32, #tpu.memory_space<vmem>>) offsets(%dma_start3A_409 : memref<125xi32, #tpu.memory_space<vmem>>) semaphore(%arg12 : memref<!tpu.dma_semaphore, #tpu.memory_space<semaphore_mem>>)
      %dma_wait3A_413 = arith.constant 13 : i32
      %dma_wait3A_414 = arith.constant 0 : i32
      %dma_wait3A_415 = tpu.memref_slice %arg7[%dma_wait3A_413, %dma_wait3A_414] : memref<16x125xi32, #tpu.memory_space<vmem>> -> memref<1x125xi32, #tpu.memory_space<vmem>>
      %dma_wait3A_416 = tpu.memref_squeeze %dma_wait3A_415 : memref<1x125xi32, #tpu.memory_space<vmem>> -> memref<125xi32, #tpu.memory_space<vmem>>
      %dma_wait3A_417 = arith.constant 0 : i32
      %dma_wait3A_418 = arith.constant 0 : i32
      %dma_wait3A_419 = tpu.memref_slice %arg4[%dma_wait3A_417, %dma_wait3A_418] : memref<10000x128xf32, #tpu.memory_space<hbm>> -> memref<10000x128xf32, #tpu.memory_space<hbm>>
      tpu.wait_indirect_dma semaphore(%arg13 : memref<!tpu.dma_semaphore, #tpu.memory_space<semaphore_mem>>) src(%dma_wait3A_419 : memref<10000x128xf32, #tpu.memory_space<hbm>>) dst(%arg10 : memref<125x128xf32, #tpu.memory_space<vmem>>)
      %dma_start3A_420 = arith.constant 13 : i32
      %dma_start3A_421 = arith.constant 0 : i32
      %dma_start3A_422 = tpu.memref_slice %arg8[%dma_start3A_420, %dma_start3A_421] : memref<16x125xi32, #tpu.memory_space<vmem>> -> memref<1x125xi32, #tpu.memory_space<vmem>>
      %dma_start3A_423 = tpu.memref_squeeze %dma_start3A_422 : memref<1x125xi32, #tpu.memory_space<vmem>> -> memref<125xi32, #tpu.memory_space<vmem>>
      %dma_start3A_424 = arith.constant 0 : i32
      %dma_start3A_425 = arith.constant 0 : i32
      %dma_start3A_426 = tpu.memref_slice %arg11[%dma_start3A_424, %dma_start3A_425] : memref<10000x128xf32, #tpu.memory_space<vmem_shared>> -> memref<10000x128xf32, #tpu.memory_space<vmem_shared>>
      tpu.enqueue_indirect_dma source(%arg10 : memref<125x128xf32, #tpu.memory_space<vmem>>) target(%dma_start3A_426 : memref<10000x128xf32, #tpu.memory_space<vmem_shared>>) offsets(%dma_start3A_423 : memref<125xi32, #tpu.memory_space<vmem>>) semaphore(%arg15 : memref<!tpu.dma_semaphore, #tpu.memory_space<semaphore_mem>>) {add = true}
      %dma_wait3A_427 = arith.constant 0 : i32
      %dma_wait3A_428 = arith.constant 0 : i32
      %dma_wait3A_429 = tpu.memref_slice %arg8[%dma_wait3A_427, %dma_wait3A_428] : memref<16x125xi32, #tpu.memory_space<vmem>> -> memref<1x125xi32, #tpu.memory_space<vmem>>
      %dma_wait3A_430 = tpu.memref_squeeze %dma_wait3A_429 : memref<1x125xi32, #tpu.memory_space<vmem>> -> memref<125xi32, #tpu.memory_space<vmem>>
      %dma_wait3A_431 = arith.constant 0 : i32
      %dma_wait3A_432 = arith.constant 0 : i32
      %dma_wait3A_433 = tpu.memref_slice %arg11[%dma_wait3A_431, %dma_wait3A_432] : memref<10000x128xf32, #tpu.memory_space<vmem_shared>> -> memref<10000x128xf32, #tpu.memory_space<vmem_shared>>
      tpu.wait_indirect_dma semaphore(%arg15 : memref<!tpu.dma_semaphore, #tpu.memory_space<semaphore_mem>>) src(%arg10 : memref<125x128xf32, #tpu.memory_space<vmem>>) dst(%dma_wait3A_433 : memref<10000x128xf32, #tpu.memory_space<vmem_shared>>)
      %dma_start3A_434 = arith.constant 15 : i32
      %dma_start3A_435 = arith.constant 0 : i32
      %dma_start3A_436 = tpu.memref_slice %arg7[%dma_start3A_434, %dma_start3A_435] : memref<16x125xi32, #tpu.memory_space<vmem>> -> memref<1x125xi32, #tpu.memory_space<vmem>>
      %dma_start3A_437 = tpu.memref_squeeze %dma_start3A_436 : memref<1x125xi32, #tpu.memory_space<vmem>> -> memref<125xi32, #tpu.memory_space<vmem>>
      %dma_start3A_438 = arith.constant 0 : i32
      %dma_start3A_439 = arith.constant 0 : i32
      %dma_start3A_440 = tpu.memref_slice %arg4[%dma_start3A_438, %dma_start3A_439] : memref<10000x128xf32, #tpu.memory_space<hbm>> -> memref<10000x128xf32, #tpu.memory_space<hbm>>
      tpu.enqueue_indirect_dma source(%dma_start3A_440 : memref<10000x128xf32, #tpu.memory_space<hbm>>) target(%arg10 : memref<125x128xf32, #tpu.memory_space<vmem>>) offsets(%dma_start3A_437 : memref<125xi32, #tpu.memory_space<vmem>>) semaphore(%arg13 : memref<!tpu.dma_semaphore, #tpu.memory_space<semaphore_mem>>)
      %dma_wait3A_441 = arith.constant 14 : i32
      %dma_wait3A_442 = arith.constant 0 : i32
      %dma_wait3A_443 = tpu.memref_slice %arg7[%dma_wait3A_441, %dma_wait3A_442] : memref<16x125xi32, #tpu.memory_space<vmem>> -> memref<1x125xi32, #tpu.memory_space<vmem>>
      %dma_wait3A_444 = tpu.memref_squeeze %dma_wait3A_443 : memref<1x125xi32, #tpu.memory_space<vmem>> -> memref<125xi32, #tpu.memory_space<vmem>>
      %dma_wait3A_445 = arith.constant 0 : i32
      %dma_wait3A_446 = arith.constant 0 : i32
      %dma_wait3A_447 = tpu.memref_slice %arg4[%dma_wait3A_445, %dma_wait3A_446] : memref<10000x128xf32, #tpu.memory_space<hbm>> -> memref<10000x128xf32, #tpu.memory_space<hbm>>
      tpu.wait_indirect_dma semaphore(%arg12 : memref<!tpu.dma_semaphore, #tpu.memory_space<semaphore_mem>>) src(%dma_wait3A_447 : memref<10000x128xf32, #tpu.memory_space<hbm>>) dst(%arg9 : memref<125x128xf32, #tpu.memory_space<vmem>>)
      %dma_start3A_448 = arith.constant 14 : i32
      %dma_start3A_449 = arith.constant 0 : i32
      %dma_start3A_450 = tpu.memref_slice %arg8[%dma_start3A_448, %dma_start3A_449] : memref<16x125xi32, #tpu.memory_space<vmem>> -> memref<1x125xi32, #tpu.memory_space<vmem>>
      %dma_start3A_451 = tpu.memref_squeeze %dma_start3A_450 : memref<1x125xi32, #tpu.memory_space<vmem>> -> memref<125xi32, #tpu.memory_space<vmem>>
      %dma_start3A_452 = arith.constant 0 : i32
      %dma_start3A_453 = arith.constant 0 : i32
      %dma_start3A_454 = tpu.memref_slice %arg11[%dma_start3A_452, %dma_start3A_453] : memref<10000x128xf32, #tpu.memory_space<vmem_shared>> -> memref<10000x128xf32, #tpu.memory_space<vmem_shared>>
      tpu.enqueue_indirect_dma source(%arg9 : memref<125x128xf32, #tpu.memory_space<vmem>>) target(%dma_start3A_454 : memref<10000x128xf32, #tpu.memory_space<vmem_shared>>) offsets(%dma_start3A_451 : memref<125xi32, #tpu.memory_space<vmem>>) semaphore(%arg14 : memref<!tpu.dma_semaphore, #tpu.memory_space<semaphore_mem>>) {add = true}
      %dma_wait3A_455 = arith.constant 15 : i32
      %dma_wait3A_456 = arith.constant 0 : i32
      %dma_wait3A_457 = tpu.memref_slice %arg7[%dma_wait3A_455, %dma_wait3A_456] : memref<16x125xi32, #tpu.memory_space<vmem>> -> memref<1x125xi32, #tpu.memory_space<vmem>>
      %dma_wait3A_458 = tpu.memref_squeeze %dma_wait3A_457 : memref<1x125xi32, #tpu.memory_space<vmem>> -> memref<125xi32, #tpu.memory_space<vmem>>
      %dma_wait3A_459 = arith.constant 0 : i32
      %dma_wait3A_460 = arith.constant 0 : i32
      %dma_wait3A_461 = tpu.memref_slice %arg4[%dma_wait3A_459, %dma_wait3A_460] : memref<10000x128xf32, #tpu.memory_space<hbm>> -> memref<10000x128xf32, #tpu.memory_space<hbm>>
      tpu.wait_indirect_dma semaphore(%arg13 : memref<!tpu.dma_semaphore, #tpu.memory_space<semaphore_mem>>) src(%dma_wait3A_461 : memref<10000x128xf32, #tpu.memory_space<hbm>>) dst(%arg10 : memref<125x128xf32, #tpu.memory_space<vmem>>)
      %dma_start3A_462 = arith.constant 15 : i32
      %dma_start3A_463 = arith.constant 0 : i32
      %dma_start3A_464 = tpu.memref_slice %arg8[%dma_start3A_462, %dma_start3A_463] : memref<16x125xi32, #tpu.memory_space<vmem>> -> memref<1x125xi32, #tpu.memory_space<vmem>>
      %dma_start3A_465 = tpu.memref_squeeze %dma_start3A_464 : memref<1x125xi32, #tpu.memory_space<vmem>> -> memref<125xi32, #tpu.memory_space<vmem>>
      %dma_start3A_466 = arith.constant 0 : i32
      %dma_start3A_467 = arith.constant 0 : i32
      %dma_start3A_468 = tpu.memref_slice %arg11[%dma_start3A_466, %dma_start3A_467] : memref<10000x128xf32, #tpu.memory_space<vmem_shared>> -> memref<10000x128xf32, #tpu.memory_space<vmem_shared>>
      tpu.enqueue_indirect_dma source(%arg10 : memref<125x128xf32, #tpu.memory_space<vmem>>) target(%dma_start3A_468 : memref<10000x128xf32, #tpu.memory_space<vmem_shared>>) offsets(%dma_start3A_465 : memref<125xi32, #tpu.memory_space<vmem>>) semaphore(%arg15 : memref<!tpu.dma_semaphore, #tpu.memory_space<semaphore_mem>>) {add = true}
    }
    %scan3A_7 = arith.constant 5 : i32
    %dma_wait3A = arith.constant 0 : i32
    %dma_wait3A_8 = arith.constant 0 : i32
    %dma_wait3A_9 = tpu.memref_slice %arg8[%dma_wait3A, %dma_wait3A_8] : memref<16x125xi32, #tpu.memory_space<vmem>> -> memref<1x125xi32, #tpu.memory_space<vmem>>
    %dma_wait3A_10 = tpu.memref_squeeze %dma_wait3A_9 : memref<1x125xi32, #tpu.memory_space<vmem>> -> memref<125xi32, #tpu.memory_space<vmem>>
    %dma_wait3A_11 = arith.constant 0 : i32
    %dma_wait3A_12 = arith.constant 0 : i32
    %dma_wait3A_13 = tpu.memref_slice %arg11[%dma_wait3A_11, %dma_wait3A_12] : memref<10000x128xf32, #tpu.memory_space<vmem_shared>> -> memref<10000x128xf32, #tpu.memory_space<vmem_shared>>
    tpu.wait_indirect_dma semaphore(%arg14 : memref<!tpu.dma_semaphore, #tpu.memory_space<semaphore_mem>>) src(%arg9 : memref<125x128xf32, #tpu.memory_space<vmem>>) dst(%dma_wait3A_13 : memref<10000x128xf32, #tpu.memory_space<vmem_shared>>)
    %dma_wait3A_14 = arith.constant 0 : i32
    %dma_wait3A_15 = arith.constant 0 : i32
    %dma_wait3A_16 = tpu.memref_slice %arg8[%dma_wait3A_14, %dma_wait3A_15] : memref<16x125xi32, #tpu.memory_space<vmem>> -> memref<1x125xi32, #tpu.memory_space<vmem>>
    %dma_wait3A_17 = tpu.memref_squeeze %dma_wait3A_16 : memref<1x125xi32, #tpu.memory_space<vmem>> -> memref<125xi32, #tpu.memory_space<vmem>>
    %dma_wait3A_18 = arith.constant 0 : i32
    %dma_wait3A_19 = arith.constant 0 : i32
    %dma_wait3A_20 = tpu.memref_slice %arg11[%dma_wait3A_18, %dma_wait3A_19] : memref<10000x128xf32, #tpu.memory_space<vmem_shared>> -> memref<10000x128xf32, #tpu.memory_space<vmem_shared>>
    tpu.wait_indirect_dma semaphore(%arg15 : memref<!tpu.dma_semaphore, #tpu.memory_space<semaphore_mem>>) src(%arg10 : memref<125x128xf32, #tpu.memory_space<vmem>>) dst(%dma_wait3A_20 : memref<10000x128xf32, #tpu.memory_space<vmem_shared>>)
    %barrier3A_21 = arith.constant 0 : index
    tpu.barrier barrier_id(%barrier3A_21)
    %lt3A_22 = arith.constant 10 : i32
    %lt3A_23 = arith.cmpi slt, %arg1, %lt3A_22 : i32
    %convert_element_type3A_24 = arith.extui %lt3A_23 : i1 to i32
    %cond3A_25 = arith.constant 0 : i32
    %cond3A_26 = arith.cmpi ne, %convert_element_type3A_24, %cond3A_25 : i32
    scf.if %cond3A_26 {
      %mul3A_27 = arith.constant 1000 : i32
      %mul3A_28 = arith.muli %arg1, %mul3A_27 : i32
      %mul3A_29 = arith.constant 1000 : i32
      %mul3A_30 = arith.muli %arg1, %mul3A_29 : i32
      "tpu.region"() ({
        %run_scoped3A = tpu.sem_alloc : memref<!tpu.dma_semaphore, #tpu.memory_space<semaphore_mem>>
        %dma_start3A = arith.constant 0 : i32
        %dma_start3A_31 = tpu.memref_slice %arg6[%arg0, %mul3A_30, %dma_start3A] : memref<2x10000x128xf32, #tpu.memory_space<hbm>> -> memref<1x1000x128xf32, #tpu.memory_space<hbm>>
        %dma_start3A_32 = tpu.memref_squeeze %dma_start3A_31 : memref<1x1000x128xf32, #tpu.memory_space<hbm>> -> memref<1000x128xf32, #tpu.memory_space<hbm>>
        %dma_start3A_33 = arith.constant 0 : i32
        %dma_start3A_34 = tpu.memref_slice %arg11[%mul3A_28, %dma_start3A_33] : memref<10000x128xf32, #tpu.memory_space<vmem_shared>> -> memref<1000x128xf32, #tpu.memory_space<vmem_shared>>
        tpu.enqueue_dma source(%dma_start3A_34 : memref<1000x128xf32, #tpu.memory_space<vmem_shared>>) target(%dma_start3A_32 : memref<1000x128xf32, #tpu.memory_space<hbm>>) target_semaphore(%run_scoped3A : memref<!tpu.dma_semaphore, #tpu.memory_space<semaphore_mem>>)
        %dma_wait3A_35 = arith.constant 0 : i32
        %dma_wait3A_36 = tpu.memref_slice %arg6[%arg0, %mul3A_30, %dma_wait3A_35] : memref<2x10000x128xf32, #tpu.memory_space<hbm>> -> memref<1x1000x128xf32, #tpu.memory_space<hbm>>
        %dma_wait3A_37 = tpu.memref_squeeze %dma_wait3A_36 : memref<1x1000x128xf32, #tpu.memory_space<hbm>> -> memref<1000x128xf32, #tpu.memory_space<hbm>>
        %dma_wait3A_38 = arith.constant 0 : i32
        %dma_wait3A_39 = tpu.memref_slice %arg11[%mul3A_28, %dma_wait3A_38] : memref<10000x128xf32, #tpu.memory_space<vmem_shared>> -> memref<1000x128xf32, #tpu.memory_space<vmem_shared>>
        tpu.wait_dma2 semaphore(%run_scoped3A : memref<!tpu.dma_semaphore, #tpu.memory_space<semaphore_mem>>) src(%dma_wait3A_39 : memref<1000x128xf32, #tpu.memory_space<vmem_shared>>) dst(%dma_wait3A_37 : memref<1000x128xf32, #tpu.memory_space<hbm>>)
        tpu.yield
      }) : () -> ()
    } else {
    }
    return
  }
}

#map = affine_map<(d0, d1) -> (0, 0, 0)>
#map1 = affine_map<(d0, d1) -> (0, 0)>
module attributes {stable_mosaic.version = 14 : i64} {
  func.func @_deg_body(%arg0: i32, %arg1: i32, %arg2: memref<32x80x125xi32, #tpu.memory_space<hbm>>, %arg3: memref<1000x128xf32, #tpu.memory_space<hbm>>, %arg4: memref<125x128xf32, #tpu.memory_space<hbm>>, %arg5: memref<2x10000x128xf32, #tpu.memory_space<hbm>>, %arg6: memref<80x125xi32, #tpu.memory_space<vmem>>, %arg7: memref<125x128xf32, #tpu.memory_space<vmem>>, %arg8: memref<10000x128xf32, #tpu.memory_space<vmem_shared>>, %arg9: memref<!tpu.dma_semaphore, #tpu.memory_space<semaphore_mem>>) attributes {dimension_semantics = [#tpu.dimension_semantics<core_parallel>, #tpu.dimension_semantics<subcore_parallel>], iteration_bounds = array<i64: 2, 16>, scalar_prefetch = 0 : i64, scratch_operands = 4 : i64, tpu.core_type = #tpu.core_type<sc_vector_subcore>, window_params = [{transform_indices = #map}, {transform_indices = #map1}, {transform_indices = #map1}, {transform_indices = #map}]} {
    %mul3A = arith.constant 2 : i32
    %mul3A_0 = arith.muli %arg1, %mul3A : i32
    %add3A = arith.addi %mul3A_0, %arg0 : i32
    %lt3A = arith.constant 10 : i32
    %lt3A_1 = arith.cmpi slt, %arg1, %lt3A : i32
    %convert_element_type3A = arith.extui %lt3A_1 : i1 to i32
    %cond3A = arith.constant 0 : i32
    %cond3A_2 = arith.cmpi ne, %convert_element_type3A, %cond3A : i32
    scf.if %cond3A_2 {
      %mul3A_69 = arith.constant 1000 : i32
      %mul3A_70 = arith.muli %arg1, %mul3A_69 : i32
      "tpu.region"() ({
        %run_scoped3A = tpu.sem_alloc : memref<!tpu.dma_semaphore, #tpu.memory_space<semaphore_mem>>
        %dma_start3A = arith.constant 0 : i32
        %dma_start3A_71 = tpu.memref_slice %arg8[%mul3A_70, %dma_start3A] : memref<10000x128xf32, #tpu.memory_space<vmem_shared>> -> memref<1000x128xf32, #tpu.memory_space<vmem_shared>>
        tpu.enqueue_dma source(%arg3 : memref<1000x128xf32, #tpu.memory_space<hbm>>) target(%dma_start3A_71 : memref<1000x128xf32, #tpu.memory_space<vmem_shared>>) target_semaphore(%run_scoped3A : memref<!tpu.dma_semaphore, #tpu.memory_space<semaphore_mem>>)
        %dma_wait3A_72 = arith.constant 0 : i32
        %dma_wait3A_73 = tpu.memref_slice %arg8[%mul3A_70, %dma_wait3A_72] : memref<10000x128xf32, #tpu.memory_space<vmem_shared>> -> memref<1000x128xf32, #tpu.memory_space<vmem_shared>>
        tpu.wait_dma2 semaphore(%run_scoped3A : memref<!tpu.dma_semaphore, #tpu.memory_space<semaphore_mem>>) src(%arg3 : memref<1000x128xf32, #tpu.memory_space<hbm>>) dst(%dma_wait3A_73 : memref<1000x128xf32, #tpu.memory_space<vmem_shared>>)
        tpu.yield
      }) : () -> ()
    } else {
    }
    "tpu.region"() ({
      %run_scoped3A = tpu.sem_alloc : memref<!tpu.dma_semaphore, #tpu.memory_space<semaphore_mem>>
      %dma_start3A = arith.constant 0 : i32
      %dma_start3A_69 = arith.constant 0 : i32
      %dma_start3A_70 = tpu.memref_slice %arg2[%add3A, %dma_start3A, %dma_start3A_69] : memref<32x80x125xi32, #tpu.memory_space<hbm>> -> memref<1x80x125xi32, #tpu.memory_space<hbm>>
      %dma_start3A_71 = tpu.memref_squeeze %dma_start3A_70 : memref<1x80x125xi32, #tpu.memory_space<hbm>> -> memref<80x125xi32, #tpu.memory_space<hbm>>
      %dma_start3A_72 = arith.constant 0 : i32
      %dma_start3A_73 = arith.constant 0 : i32
      %dma_start3A_74 = tpu.memref_slice %arg2[%add3A, %dma_start3A_72, %dma_start3A_73] : memref<32x80x125xi32, #tpu.memory_space<hbm>> -> memref<1x80x125xi32, #tpu.memory_space<hbm>>
      %dma_start3A_75 = tpu.memref_squeeze %dma_start3A_74 : memref<1x80x125xi32, #tpu.memory_space<hbm>> -> memref<80x125xi32, #tpu.memory_space<hbm>>
      tpu.enqueue_dma source(%dma_start3A_75 : memref<80x125xi32, #tpu.memory_space<hbm>>) target(%arg6 : memref<80x125xi32, #tpu.memory_space<vmem>>) target_semaphore(%run_scoped3A : memref<!tpu.dma_semaphore, #tpu.memory_space<semaphore_mem>>)
      %dma_wait3A_76 = arith.constant 0 : i32
      %dma_wait3A_77 = arith.constant 0 : i32
      %dma_wait3A_78 = tpu.memref_slice %arg2[%add3A, %dma_wait3A_76, %dma_wait3A_77] : memref<32x80x125xi32, #tpu.memory_space<hbm>> -> memref<1x80x125xi32, #tpu.memory_space<hbm>>
      %dma_wait3A_79 = tpu.memref_squeeze %dma_wait3A_78 : memref<1x80x125xi32, #tpu.memory_space<hbm>> -> memref<80x125xi32, #tpu.memory_space<hbm>>
      %dma_wait3A_80 = arith.constant 0 : i32
      %dma_wait3A_81 = arith.constant 0 : i32
      %dma_wait3A_82 = tpu.memref_slice %arg2[%add3A, %dma_wait3A_80, %dma_wait3A_81] : memref<32x80x125xi32, #tpu.memory_space<hbm>> -> memref<1x80x125xi32, #tpu.memory_space<hbm>>
      %dma_wait3A_83 = tpu.memref_squeeze %dma_wait3A_82 : memref<1x80x125xi32, #tpu.memory_space<hbm>> -> memref<80x125xi32, #tpu.memory_space<hbm>>
      tpu.wait_dma2 semaphore(%run_scoped3A : memref<!tpu.dma_semaphore, #tpu.memory_space<semaphore_mem>>) src(%dma_wait3A_83 : memref<80x125xi32, #tpu.memory_space<hbm>>) dst(%arg6 : memref<80x125xi32, #tpu.memory_space<vmem>>)
      tpu.yield
    }) : () -> ()
    "tpu.region"() ({
      %run_scoped3A = tpu.sem_alloc : memref<!tpu.dma_semaphore, #tpu.memory_space<semaphore_mem>>
      tpu.enqueue_dma source(%arg4 : memref<125x128xf32, #tpu.memory_space<hbm>>) target(%arg7 : memref<125x128xf32, #tpu.memory_space<vmem>>) target_semaphore(%run_scoped3A : memref<!tpu.dma_semaphore, #tpu.memory_space<semaphore_mem>>)
      tpu.wait_dma2 semaphore(%run_scoped3A : memref<!tpu.dma_semaphore, #tpu.memory_space<semaphore_mem>>) src(%arg4 : memref<125x128xf32, #tpu.memory_space<hbm>>) dst(%arg7 : memref<125x128xf32, #tpu.memory_space<vmem>>)
      tpu.yield
    }) : () -> ()
    %barrier3A = arith.constant 0 : index
    tpu.barrier barrier_id(%barrier3A)
    %scan3A = arith.constant 0 : i32
    %scan3A_3 = arith.constant 0 : i32
    %scan3A_4 = arith.constant 80 : i32
    %scan3A_5 = arith.addi %scan3A_3, %scan3A_4 : i32
    %scan3A_6 = arith.constant 1 : i32
    scf.for %scan3A_69 = %scan3A_3 to %scan3A_5 step %scan3A_6  : i32 {
      %ge3A = arith.constant 8 : i32
      %ge3A_70 = arith.cmpi sge, %scan3A_69, %ge3A : i32
      %convert_element_type3A_71 = arith.extui %ge3A_70 : i1 to i32
      %cond3A_72 = arith.constant 0 : i32
      %cond3A_73 = arith.cmpi ne, %convert_element_type3A_71, %cond3A_72 : i32
      scf.if %cond3A_73 {
        %dma_wait3A_79 = arith.constant 0 : i32
        %dma_wait3A_80 = arith.constant 0 : i32
        %dma_wait3A_81 = tpu.memref_slice %arg6[%dma_wait3A_79, %dma_wait3A_80] : memref<80x125xi32, #tpu.memory_space<vmem>> -> memref<1x125xi32, #tpu.memory_space<vmem>>
        %dma_wait3A_82 = tpu.memref_squeeze %dma_wait3A_81 : memref<1x125xi32, #tpu.memory_space<vmem>> -> memref<125xi32, #tpu.memory_space<vmem>>
        %dma_wait3A_83 = arith.constant 0 : i32
        %dma_wait3A_84 = arith.constant 0 : i32
        %dma_wait3A_85 = tpu.memref_slice %arg8[%dma_wait3A_83, %dma_wait3A_84] : memref<10000x128xf32, #tpu.memory_space<vmem_shared>> -> memref<10000x128xf32, #tpu.memory_space<vmem_shared>>
        tpu.wait_indirect_dma semaphore(%arg9 : memref<!tpu.dma_semaphore, #tpu.memory_space<semaphore_mem>>) src(%arg7 : memref<125x128xf32, #tpu.memory_space<vmem>>) dst(%dma_wait3A_85 : memref<10000x128xf32, #tpu.memory_space<vmem_shared>>)
      } else {
      }
      %dma_start3A = arith.constant 0 : i32
      %dma_start3A_74 = tpu.memref_slice %arg6[%scan3A_69, %dma_start3A] : memref<80x125xi32, #tpu.memory_space<vmem>> -> memref<1x125xi32, #tpu.memory_space<vmem>>
      %dma_start3A_75 = tpu.memref_squeeze %dma_start3A_74 : memref<1x125xi32, #tpu.memory_space<vmem>> -> memref<125xi32, #tpu.memory_space<vmem>>
      %dma_start3A_76 = arith.constant 0 : i32
      %dma_start3A_77 = arith.constant 0 : i32
      %dma_start3A_78 = tpu.memref_slice %arg8[%dma_start3A_76, %dma_start3A_77] : memref<10000x128xf32, #tpu.memory_space<vmem_shared>> -> memref<10000x128xf32, #tpu.memory_space<vmem_shared>>
      tpu.enqueue_indirect_dma source(%arg7 : memref<125x128xf32, #tpu.memory_space<vmem>>) target(%dma_start3A_78 : memref<10000x128xf32, #tpu.memory_space<vmem_shared>>) offsets(%dma_start3A_75 : memref<125xi32, #tpu.memory_space<vmem>>) semaphore(%arg9 : memref<!tpu.dma_semaphore, #tpu.memory_space<semaphore_mem>>) {add = true}
    }
    %scan3A_7 = arith.constant 80 : i32
    %dma_wait3A = arith.constant 0 : i32
    %dma_wait3A_8 = arith.constant 0 : i32
    %dma_wait3A_9 = tpu.memref_slice %arg6[%dma_wait3A, %dma_wait3A_8] : memref<80x125xi32, #tpu.memory_space<vmem>> -> memref<1x125xi32, #tpu.memory_space<vmem>>
    %dma_wait3A_10 = tpu.memref_squeeze %dma_wait3A_9 : memref<1x125xi32, #tpu.memory_space<vmem>> -> memref<125xi32, #tpu.memory_space<vmem>>
    %dma_wait3A_11 = arith.constant 0 : i32
    %dma_wait3A_12 = arith.constant 0 : i32
    %dma_wait3A_13 = tpu.memref_slice %arg8[%dma_wait3A_11, %dma_wait3A_12] : memref<10000x128xf32, #tpu.memory_space<vmem_shared>> -> memref<10000x128xf32, #tpu.memory_space<vmem_shared>>
    tpu.wait_indirect_dma semaphore(%arg9 : memref<!tpu.dma_semaphore, #tpu.memory_space<semaphore_mem>>) src(%arg7 : memref<125x128xf32, #tpu.memory_space<vmem>>) dst(%dma_wait3A_13 : memref<10000x128xf32, #tpu.memory_space<vmem_shared>>)
    %dma_wait3A_14 = arith.constant 0 : i32
    %dma_wait3A_15 = arith.constant 0 : i32
    %dma_wait3A_16 = tpu.memref_slice %arg6[%dma_wait3A_14, %dma_wait3A_15] : memref<80x125xi32, #tpu.memory_space<vmem>> -> memref<1x125xi32, #tpu.memory_space<vmem>>
    %dma_wait3A_17 = tpu.memref_squeeze %dma_wait3A_16 : memref<1x125xi32, #tpu.memory_space<vmem>> -> memref<125xi32, #tpu.memory_space<vmem>>
    %dma_wait3A_18 = arith.constant 0 : i32
    %dma_wait3A_19 = arith.constant 0 : i32
    %dma_wait3A_20 = tpu.memref_slice %arg8[%dma_wait3A_18, %dma_wait3A_19] : memref<10000x128xf32, #tpu.memory_space<vmem_shared>> -> memref<10000x128xf32, #tpu.memory_space<vmem_shared>>
    tpu.wait_indirect_dma semaphore(%arg9 : memref<!tpu.dma_semaphore, #tpu.memory_space<semaphore_mem>>) src(%arg7 : memref<125x128xf32, #tpu.memory_space<vmem>>) dst(%dma_wait3A_20 : memref<10000x128xf32, #tpu.memory_space<vmem_shared>>)
    %dma_wait3A_21 = arith.constant 0 : i32
    %dma_wait3A_22 = arith.constant 0 : i32
    %dma_wait3A_23 = tpu.memref_slice %arg6[%dma_wait3A_21, %dma_wait3A_22] : memref<80x125xi32, #tpu.memory_space<vmem>> -> memref<1x125xi32, #tpu.memory_space<vmem>>
    %dma_wait3A_24 = tpu.memref_squeeze %dma_wait3A_23 : memref<1x125xi32, #tpu.memory_space<vmem>> -> memref<125xi32, #tpu.memory_space<vmem>>
    %dma_wait3A_25 = arith.constant 0 : i32
    %dma_wait3A_26 = arith.constant 0 : i32
    %dma_wait3A_27 = tpu.memref_slice %arg8[%dma_wait3A_25, %dma_wait3A_26] : memref<10000x128xf32, #tpu.memory_space<vmem_shared>> -> memref<10000x128xf32, #tpu.memory_space<vmem_shared>>
    tpu.wait_indirect_dma semaphore(%arg9 : memref<!tpu.dma_semaphore, #tpu.memory_space<semaphore_mem>>) src(%arg7 : memref<125x128xf32, #tpu.memory_space<vmem>>) dst(%dma_wait3A_27 : memref<10000x128xf32, #tpu.memory_space<vmem_shared>>)
    %dma_wait3A_28 = arith.constant 0 : i32
    %dma_wait3A_29 = arith.constant 0 : i32
    %dma_wait3A_30 = tpu.memref_slice %arg6[%dma_wait3A_28, %dma_wait3A_29] : memref<80x125xi32, #tpu.memory_space<vmem>> -> memref<1x125xi32, #tpu.memory_space<vmem>>
    %dma_wait3A_31 = tpu.memref_squeeze %dma_wait3A_30 : memref<1x125xi32, #tpu.memory_space<vmem>> -> memref<125xi32, #tpu.memory_space<vmem>>
    %dma_wait3A_32 = arith.constant 0 : i32
    %dma_wait3A_33 = arith.constant 0 : i32
    %dma_wait3A_34 = tpu.memref_slice %arg8[%dma_wait3A_32, %dma_wait3A_33] : memref<10000x128xf32, #tpu.memory_space<vmem_shared>> -> memref<10000x128xf32, #tpu.memory_space<vmem_shared>>
    tpu.wait_indirect_dma semaphore(%arg9 : memref<!tpu.dma_semaphore, #tpu.memory_space<semaphore_mem>>) src(%arg7 : memref<125x128xf32, #tpu.memory_space<vmem>>) dst(%dma_wait3A_34 : memref<10000x128xf32, #tpu.memory_space<vmem_shared>>)
    %dma_wait3A_35 = arith.constant 0 : i32
    %dma_wait3A_36 = arith.constant 0 : i32
    %dma_wait3A_37 = tpu.memref_slice %arg6[%dma_wait3A_35, %dma_wait3A_36] : memref<80x125xi32, #tpu.memory_space<vmem>> -> memref<1x125xi32, #tpu.memory_space<vmem>>
    %dma_wait3A_38 = tpu.memref_squeeze %dma_wait3A_37 : memref<1x125xi32, #tpu.memory_space<vmem>> -> memref<125xi32, #tpu.memory_space<vmem>>
    %dma_wait3A_39 = arith.constant 0 : i32
    %dma_wait3A_40 = arith.constant 0 : i32
    %dma_wait3A_41 = tpu.memref_slice %arg8[%dma_wait3A_39, %dma_wait3A_40] : memref<10000x128xf32, #tpu.memory_space<vmem_shared>> -> memref<10000x128xf32, #tpu.memory_space<vmem_shared>>
    tpu.wait_indirect_dma semaphore(%arg9 : memref<!tpu.dma_semaphore, #tpu.memory_space<semaphore_mem>>) src(%arg7 : memref<125x128xf32, #tpu.memory_space<vmem>>) dst(%dma_wait3A_41 : memref<10000x128xf32, #tpu.memory_space<vmem_shared>>)
    %dma_wait3A_42 = arith.constant 0 : i32
    %dma_wait3A_43 = arith.constant 0 : i32
    %dma_wait3A_44 = tpu.memref_slice %arg6[%dma_wait3A_42, %dma_wait3A_43] : memref<80x125xi32, #tpu.memory_space<vmem>> -> memref<1x125xi32, #tpu.memory_space<vmem>>
    %dma_wait3A_45 = tpu.memref_squeeze %dma_wait3A_44 : memref<1x125xi32, #tpu.memory_space<vmem>> -> memref<125xi32, #tpu.memory_space<vmem>>
    %dma_wait3A_46 = arith.constant 0 : i32
    %dma_wait3A_47 = arith.constant 0 : i32
    %dma_wait3A_48 = tpu.memref_slice %arg8[%dma_wait3A_46, %dma_wait3A_47] : memref<10000x128xf32, #tpu.memory_space<vmem_shared>> -> memref<10000x128xf32, #tpu.memory_space<vmem_shared>>
    tpu.wait_indirect_dma semaphore(%arg9 : memref<!tpu.dma_semaphore, #tpu.memory_space<semaphore_mem>>) src(%arg7 : memref<125x128xf32, #tpu.memory_space<vmem>>) dst(%dma_wait3A_48 : memref<10000x128xf32, #tpu.memory_space<vmem_shared>>)
    %dma_wait3A_49 = arith.constant 0 : i32
    %dma_wait3A_50 = arith.constant 0 : i32
    %dma_wait3A_51 = tpu.memref_slice %arg6[%dma_wait3A_49, %dma_wait3A_50] : memref<80x125xi32, #tpu.memory_space<vmem>> -> memref<1x125xi32, #tpu.memory_space<vmem>>
    %dma_wait3A_52 = tpu.memref_squeeze %dma_wait3A_51 : memref<1x125xi32, #tpu.memory_space<vmem>> -> memref<125xi32, #tpu.memory_space<vmem>>
    %dma_wait3A_53 = arith.constant 0 : i32
    %dma_wait3A_54 = arith.constant 0 : i32
    %dma_wait3A_55 = tpu.memref_slice %arg8[%dma_wait3A_53, %dma_wait3A_54] : memref<10000x128xf32, #tpu.memory_space<vmem_shared>> -> memref<10000x128xf32, #tpu.memory_space<vmem_shared>>
    tpu.wait_indirect_dma semaphore(%arg9 : memref<!tpu.dma_semaphore, #tpu.memory_space<semaphore_mem>>) src(%arg7 : memref<125x128xf32, #tpu.memory_space<vmem>>) dst(%dma_wait3A_55 : memref<10000x128xf32, #tpu.memory_space<vmem_shared>>)
    %dma_wait3A_56 = arith.constant 0 : i32
    %dma_wait3A_57 = arith.constant 0 : i32
    %dma_wait3A_58 = tpu.memref_slice %arg6[%dma_wait3A_56, %dma_wait3A_57] : memref<80x125xi32, #tpu.memory_space<vmem>> -> memref<1x125xi32, #tpu.memory_space<vmem>>
    %dma_wait3A_59 = tpu.memref_squeeze %dma_wait3A_58 : memref<1x125xi32, #tpu.memory_space<vmem>> -> memref<125xi32, #tpu.memory_space<vmem>>
    %dma_wait3A_60 = arith.constant 0 : i32
    %dma_wait3A_61 = arith.constant 0 : i32
    %dma_wait3A_62 = tpu.memref_slice %arg8[%dma_wait3A_60, %dma_wait3A_61] : memref<10000x128xf32, #tpu.memory_space<vmem_shared>> -> memref<10000x128xf32, #tpu.memory_space<vmem_shared>>
    tpu.wait_indirect_dma semaphore(%arg9 : memref<!tpu.dma_semaphore, #tpu.memory_space<semaphore_mem>>) src(%arg7 : memref<125x128xf32, #tpu.memory_space<vmem>>) dst(%dma_wait3A_62 : memref<10000x128xf32, #tpu.memory_space<vmem_shared>>)
    %barrier3A_63 = arith.constant 0 : index
    tpu.barrier barrier_id(%barrier3A_63)
    %lt3A_64 = arith.constant 10 : i32
    %lt3A_65 = arith.cmpi slt, %arg1, %lt3A_64 : i32
    %convert_element_type3A_66 = arith.extui %lt3A_65 : i1 to i32
    %cond3A_67 = arith.constant 0 : i32
    %cond3A_68 = arith.cmpi ne, %convert_element_type3A_66, %cond3A_67 : i32
    scf.if %cond3A_68 {
      %mul3A_69 = arith.constant 1000 : i32
      %mul3A_70 = arith.muli %arg1, %mul3A_69 : i32
      %mul3A_71 = arith.constant 1000 : i32
      %mul3A_72 = arith.muli %arg1, %mul3A_71 : i32
      "tpu.region"() ({
        %run_scoped3A = tpu.sem_alloc : memref<!tpu.dma_semaphore, #tpu.memory_space<semaphore_mem>>
        %dma_start3A = arith.constant 0 : i32
        %dma_start3A_73 = tpu.memref_slice %arg5[%arg0, %mul3A_72, %dma_start3A] : memref<2x10000x128xf32, #tpu.memory_space<hbm>> -> memref<1x1000x128xf32, #tpu.memory_space<hbm>>
        %dma_start3A_74 = tpu.memref_squeeze %dma_start3A_73 : memref<1x1000x128xf32, #tpu.memory_space<hbm>> -> memref<1000x128xf32, #tpu.memory_space<hbm>>
        %dma_start3A_75 = arith.constant 0 : i32
        %dma_start3A_76 = tpu.memref_slice %arg8[%mul3A_70, %dma_start3A_75] : memref<10000x128xf32, #tpu.memory_space<vmem_shared>> -> memref<1000x128xf32, #tpu.memory_space<vmem_shared>>
        tpu.enqueue_dma source(%dma_start3A_76 : memref<1000x128xf32, #tpu.memory_space<vmem_shared>>) target(%dma_start3A_74 : memref<1000x128xf32, #tpu.memory_space<hbm>>) target_semaphore(%run_scoped3A : memref<!tpu.dma_semaphore, #tpu.memory_space<semaphore_mem>>)
        %dma_wait3A_77 = arith.constant 0 : i32
        %dma_wait3A_78 = tpu.memref_slice %arg5[%arg0, %mul3A_72, %dma_wait3A_77] : memref<2x10000x128xf32, #tpu.memory_space<hbm>> -> memref<1x1000x128xf32, #tpu.memory_space<hbm>>
        %dma_wait3A_79 = tpu.memref_squeeze %dma_wait3A_78 : memref<1x1000x128xf32, #tpu.memory_space<hbm>> -> memref<1000x128xf32, #tpu.memory_space<hbm>>
        %dma_wait3A_80 = arith.constant 0 : i32
        %dma_wait3A_81 = tpu.memref_slice %arg8[%mul3A_70, %dma_wait3A_80] : memref<10000x128xf32, #tpu.memory_space<vmem_shared>> -> memref<1000x128xf32, #tpu.memory_space<vmem_shared>>
        tpu.wait_dma2 semaphore(%run_scoped3A : memref<!tpu.dma_semaphore, #tpu.memory_space<semaphore_mem>>) src(%dma_wait3A_81 : memref<1000x128xf32, #tpu.memory_space<vmem_shared>>) dst(%dma_wait3A_79 : memref<1000x128xf32, #tpu.memory_space<hbm>>)
        tpu.yield
      }) : () -> ()
    } else {
    }
    return
  }
}

#map = affine_map<(d0, d1) -> (0, 0, 0)>
#map1 = affine_map<(d0, d1) -> (0, 0)>
module attributes {stable_mosaic.version = 14 : i64} {
  func.func @_seg_body(%arg0: i32, %arg1: i32, %arg2: memref<32x80x125xi32, #tpu.memory_space<hbm>>, %arg3: memref<32x80x125xi32, #tpu.memory_space<hbm>>, %arg4: memref<10000x128xf32, #tpu.memory_space<hbm>>, %arg5: memref<1000x128xf32, #tpu.memory_space<hbm>>, %arg6: memref<2x10000x128xf32, #tpu.memory_space<hbm>>, %arg7: memref<16x125xi32, #tpu.memory_space<vmem>>, %arg8: memref<16x125xi32, #tpu.memory_space<vmem>>, %arg9: memref<125x128xf32, #tpu.memory_space<vmem>>, %arg10: memref<125x128xf32, #tpu.memory_space<vmem>>, %arg11: memref<10000x128xf32, #tpu.memory_space<vmem_shared>>, %arg12: memref<!tpu.dma_semaphore, #tpu.memory_space<semaphore_mem>>, %arg13: memref<!tpu.dma_semaphore, #tpu.memory_space<semaphore_mem>>, %arg14: memref<!tpu.dma_semaphore, #tpu.memory_space<semaphore_mem>>, %arg15: memref<!tpu.dma_semaphore, #tpu.memory_space<semaphore_mem>>) attributes {dimension_semantics = [#tpu.dimension_semantics<core_parallel>, #tpu.dimension_semantics<subcore_parallel>], iteration_bounds = array<i64: 2, 16>, scalar_prefetch = 0 : i64, scratch_operands = 9 : i64, tpu.core_type = #tpu.core_type<sc_vector_subcore>, window_params = [{transform_indices = #map}, {transform_indices = #map}, {transform_indices = #map1}, {transform_indices = #map1}, {transform_indices = #map}]} {
    %mul3A = arith.constant 2 : i32
    %mul3A_0 = arith.muli %arg1, %mul3A : i32
    %add3A = arith.addi %mul3A_0, %arg0 : i32
    %lt3A = arith.constant 10 : i32
    %lt3A_1 = arith.cmpi slt, %arg1, %lt3A : i32
    %convert_element_type3A = arith.extui %lt3A_1 : i1 to i32
    %cond3A = arith.constant 0 : i32
    %cond3A_2 = arith.cmpi ne, %convert_element_type3A, %cond3A : i32
    scf.if %cond3A_2 {
      %mul3A_27 = arith.constant 1000 : i32
      %mul3A_28 = arith.muli %arg1, %mul3A_27 : i32
      "tpu.region"() ({
        %run_scoped3A = tpu.sem_alloc : memref<!tpu.dma_semaphore, #tpu.memory_space<semaphore_mem>>
        %dma_start3A = arith.constant 0 : i32
        %dma_start3A_29 = tpu.memref_slice %arg11[%mul3A_28, %dma_start3A] : memref<10000x128xf32, #tpu.memory_space<vmem_shared>> -> memref<1000x128xf32, #tpu.memory_space<vmem_shared>>
        tpu.enqueue_dma source(%arg5 : memref<1000x128xf32, #tpu.memory_space<hbm>>) target(%dma_start3A_29 : memref<1000x128xf32, #tpu.memory_space<vmem_shared>>) target_semaphore(%run_scoped3A : memref<!tpu.dma_semaphore, #tpu.memory_space<semaphore_mem>>)
        %dma_wait3A_30 = arith.constant 0 : i32
        %dma_wait3A_31 = tpu.memref_slice %arg11[%mul3A_28, %dma_wait3A_30] : memref<10000x128xf32, #tpu.memory_space<vmem_shared>> -> memref<1000x128xf32, #tpu.memory_space<vmem_shared>>
        tpu.wait_dma2 semaphore(%run_scoped3A : memref<!tpu.dma_semaphore, #tpu.memory_space<semaphore_mem>>) src(%arg5 : memref<1000x128xf32, #tpu.memory_space<hbm>>) dst(%dma_wait3A_31 : memref<1000x128xf32, #tpu.memory_space<vmem_shared>>)
        tpu.yield
      }) : () -> ()
    } else {
    }
    %barrier3A = arith.constant 0 : index
    tpu.barrier barrier_id(%barrier3A)
    %scan3A = arith.constant 0 : i32
    %scan3A_3 = arith.constant 0 : i32
    %scan3A_4 = arith.constant 5 : i32
    %scan3A_5 = arith.addi %scan3A_3, %scan3A_4 : i32
    %scan3A_6 = arith.constant 1 : i32
    scf.for %scan3A_27 = %scan3A_3 to %scan3A_5 step %scan3A_6  : i32 {
      %gt3A = arith.constant 0 : i32
      %gt3A_28 = arith.cmpi sgt, %scan3A_27, %gt3A : i32
      %convert_element_type3A_29 = arith.extui %gt3A_28 : i1 to i32
      %cond3A_30 = arith.constant 0 : i32
      %cond3A_31 = arith.cmpi ne, %convert_element_type3A_29, %cond3A_30 : i32
      scf.if %cond3A_31 {
        %dma_wait3A_469 = arith.constant 0 : i32
        %dma_wait3A_470 = arith.constant 0 : i32
        %dma_wait3A_471 = tpu.memref_slice %arg8[%dma_wait3A_469, %dma_wait3A_470] : memref<16x125xi32, #tpu.memory_space<vmem>> -> memref<1x125xi32, #tpu.memory_space<vmem>>
        %dma_wait3A_472 = tpu.memref_squeeze %dma_wait3A_471 : memref<1x125xi32, #tpu.memory_space<vmem>> -> memref<125xi32, #tpu.memory_space<vmem>>
        %dma_wait3A_473 = arith.constant 0 : i32
        %dma_wait3A_474 = arith.constant 0 : i32
        %dma_wait3A_475 = tpu.memref_slice %arg11[%dma_wait3A_473, %dma_wait3A_474] : memref<10000x128xf32, #tpu.memory_space<vmem_shared>> -> memref<10000x128xf32, #tpu.memory_space<vmem_shared>>
        tpu.wait_indirect_dma semaphore(%arg14 : memref<!tpu.dma_semaphore, #tpu.memory_space<semaphore_mem>>) src(%arg9 : memref<125x128xf32, #tpu.memory_space<vmem>>) dst(%dma_wait3A_475 : memref<10000x128xf32, #tpu.memory_space<vmem_shared>>)
        %dma_wait3A_476 = arith.constant 0 : i32
        %dma_wait3A_477 = arith.constant 0 : i32
        %dma_wait3A_478 = tpu.memref_slice %arg8[%dma_wait3A_476, %dma_wait3A_477] : memref<16x125xi32, #tpu.memory_space<vmem>> -> memref<1x125xi32, #tpu.memory_space<vmem>>
        %dma_wait3A_479 = tpu.memref_squeeze %dma_wait3A_478 : memref<1x125xi32, #tpu.memory_space<vmem>> -> memref<125xi32, #tpu.memory_space<vmem>>
        %dma_wait3A_480 = arith.constant 0 : i32
        %dma_wait3A_481 = arith.constant 0 : i32
        %dma_wait3A_482 = tpu.memref_slice %arg11[%dma_wait3A_480, %dma_wait3A_481] : memref<10000x128xf32, #tpu.memory_space<vmem_shared>> -> memref<10000x128xf32, #tpu.memory_space<vmem_shared>>
        tpu.wait_indirect_dma semaphore(%arg15 : memref<!tpu.dma_semaphore, #tpu.memory_space<semaphore_mem>>) src(%arg10 : memref<125x128xf32, #tpu.memory_space<vmem>>) dst(%dma_wait3A_482 : memref<10000x128xf32, #tpu.memory_space<vmem_shared>>)
      } else {
      }
      %mul3A_32 = arith.constant 16 : i32
      %mul3A_33 = arith.muli %scan3A_27, %mul3A_32 : i32
      "tpu.region"() ({
        %run_scoped3A = tpu.sem_alloc : memref<!tpu.dma_semaphore, #tpu.memory_space<semaphore_mem>>
        %dma_start3A_469 = arith.constant 0 : i32
        %dma_start3A_470 = tpu.memref_slice %arg2[%add3A, %mul3A_33, %dma_start3A_469] : memref<32x80x125xi32, #tpu.memory_space<hbm>> -> memref<1x16x125xi32, #tpu.memory_space<hbm>>
        %dma_start3A_471 = tpu.memref_squeeze %dma_start3A_470 : memref<1x16x125xi32, #tpu.memory_space<hbm>> -> memref<16x125xi32, #tpu.memory_space<hbm>>
        %dma_start3A_472 = arith.constant 0 : i32
        %dma_start3A_473 = tpu.memref_slice %arg2[%add3A, %mul3A_33, %dma_start3A_472] : memref<32x80x125xi32, #tpu.memory_space<hbm>> -> memref<1x16x125xi32, #tpu.memory_space<hbm>>
        %dma_start3A_474 = tpu.memref_squeeze %dma_start3A_473 : memref<1x16x125xi32, #tpu.memory_space<hbm>> -> memref<16x125xi32, #tpu.memory_space<hbm>>
        tpu.enqueue_dma source(%dma_start3A_474 : memref<16x125xi32, #tpu.memory_space<hbm>>) target(%arg7 : memref<16x125xi32, #tpu.memory_space<vmem>>) target_semaphore(%run_scoped3A : memref<!tpu.dma_semaphore, #tpu.memory_space<semaphore_mem>>)
        %dma_wait3A_475 = arith.constant 0 : i32
        %dma_wait3A_476 = tpu.memref_slice %arg2[%add3A, %mul3A_33, %dma_wait3A_475] : memref<32x80x125xi32, #tpu.memory_space<hbm>> -> memref<1x16x125xi32, #tpu.memory_space<hbm>>
        %dma_wait3A_477 = tpu.memref_squeeze %dma_wait3A_476 : memref<1x16x125xi32, #tpu.memory_space<hbm>> -> memref<16x125xi32, #tpu.memory_space<hbm>>
        %dma_wait3A_478 = arith.constant 0 : i32
        %dma_wait3A_479 = tpu.memref_slice %arg2[%add3A, %mul3A_33, %dma_wait3A_478] : memref<32x80x125xi32, #tpu.memory_space<hbm>> -> memref<1x16x125xi32, #tpu.memory_space<hbm>>
        %dma_wait3A_480 = tpu.memref_squeeze %dma_wait3A_479 : memref<1x16x125xi32, #tpu.memory_space<hbm>> -> memref<16x125xi32, #tpu.memory_space<hbm>>
        tpu.wait_dma2 semaphore(%run_scoped3A : memref<!tpu.dma_semaphore, #tpu.memory_space<semaphore_mem>>) src(%dma_wait3A_480 : memref<16x125xi32, #tpu.memory_space<hbm>>) dst(%arg7 : memref<16x125xi32, #tpu.memory_space<vmem>>)
        tpu.yield
      }) : () -> ()
      %mul3A_34 = arith.constant 16 : i32
      %mul3A_35 = arith.muli %scan3A_27, %mul3A_34 : i32
      "tpu.region"() ({
        %run_scoped3A = tpu.sem_alloc : memref<!tpu.dma_semaphore, #tpu.memory_space<semaphore_mem>>
        %dma_start3A_469 = arith.constant 0 : i32
        %dma_start3A_470 = tpu.memref_slice %arg3[%add3A, %mul3A_35, %dma_start3A_469] : memref<32x80x125xi32, #tpu.memory_space<hbm>> -> memref<1x16x125xi32, #tpu.memory_space<hbm>>
        %dma_start3A_471 = tpu.memref_squeeze %dma_start3A_470 : memref<1x16x125xi32, #tpu.memory_space<hbm>> -> memref<16x125xi32, #tpu.memory_space<hbm>>
        %dma_start3A_472 = arith.constant 0 : i32
        %dma_start3A_473 = tpu.memref_slice %arg3[%add3A, %mul3A_35, %dma_start3A_472] : memref<32x80x125xi32, #tpu.memory_space<hbm>> -> memref<1x16x125xi32, #tpu.memory_space<hbm>>
        %dma_start3A_474 = tpu.memref_squeeze %dma_start3A_473 : memref<1x16x125xi32, #tpu.memory_space<hbm>> -> memref<16x125xi32, #tpu.memory_space<hbm>>
        tpu.enqueue_dma source(%dma_start3A_474 : memref<16x125xi32, #tpu.memory_space<hbm>>) target(%arg8 : memref<16x125xi32, #tpu.memory_space<vmem>>) target_semaphore(%run_scoped3A : memref<!tpu.dma_semaphore, #tpu.memory_space<semaphore_mem>>)
        %dma_wait3A_475 = arith.constant 0 : i32
        %dma_wait3A_476 = tpu.memref_slice %arg3[%add3A, %mul3A_35, %dma_wait3A_475] : memref<32x80x125xi32, #tpu.memory_space<hbm>> -> memref<1x16x125xi32, #tpu.memory_space<hbm>>
        %dma_wait3A_477 = tpu.memref_squeeze %dma_wait3A_476 : memref<1x16x125xi32, #tpu.memory_space<hbm>> -> memref<16x125xi32, #tpu.memory_space<hbm>>
        %dma_wait3A_478 = arith.constant 0 : i32
        %dma_wait3A_479 = tpu.memref_slice %arg3[%add3A, %mul3A_35, %dma_wait3A_478] : memref<32x80x125xi32, #tpu.memory_space<hbm>> -> memref<1x16x125xi32, #tpu.memory_space<hbm>>
        %dma_wait3A_480 = tpu.memref_squeeze %dma_wait3A_479 : memref<1x16x125xi32, #tpu.memory_space<hbm>> -> memref<16x125xi32, #tpu.memory_space<hbm>>
        tpu.wait_dma2 semaphore(%run_scoped3A : memref<!tpu.dma_semaphore, #tpu.memory_space<semaphore_mem>>) src(%dma_wait3A_480 : memref<16x125xi32, #tpu.memory_space<hbm>>) dst(%arg8 : memref<16x125xi32, #tpu.memory_space<vmem>>)
        tpu.yield
      }) : () -> ()
      %dma_start3A = arith.constant 0 : i32
      %dma_start3A_36 = arith.constant 0 : i32
      %dma_start3A_37 = tpu.memref_slice %arg7[%dma_start3A, %dma_start3A_36] : memref<16x125xi32, #tpu.memory_space<vmem>> -> memref<1x125xi32, #tpu.memory_space<vmem>>
      %dma_start3A_38 = tpu.memref_squeeze %dma_start3A_37 : memref<1x125xi32, #tpu.memory_space<vmem>> -> memref<125xi32, #tpu.memory_space<vmem>>
      %dma_start3A_39 = arith.constant 0 : i32
      %dma_start3A_40 = arith.constant 0 : i32
      %dma_start3A_41 = tpu.memref_slice %arg4[%dma_start3A_39, %dma_start3A_40] : memref<10000x128xf32, #tpu.memory_space<hbm>> -> memref<10000x128xf32, #tpu.memory_space<hbm>>
      tpu.enqueue_indirect_dma source(%dma_start3A_41 : memref<10000x128xf32, #tpu.memory_space<hbm>>) target(%arg9 : memref<125x128xf32, #tpu.memory_space<vmem>>) offsets(%dma_start3A_38 : memref<125xi32, #tpu.memory_space<vmem>>) semaphore(%arg12 : memref<!tpu.dma_semaphore, #tpu.memory_space<semaphore_mem>>)
      %dma_start3A_42 = arith.constant 1 : i32
      %dma_start3A_43 = arith.constant 0 : i32
      %dma_start3A_44 = tpu.memref_slice %arg7[%dma_start3A_42, %dma_start3A_43] : memref<16x125xi32, #tpu.memory_space<vmem>> -> memref<1x125xi32, #tpu.memory_space<vmem>>
      %dma_start3A_45 = tpu.memref_squeeze %dma_start3A_44 : memref<1x125xi32, #tpu.memory_space<vmem>> -> memref<125xi32, #tpu.memory_space<vmem>>
      %dma_start3A_46 = arith.constant 0 : i32
      %dma_start3A_47 = arith.constant 0 : i32
      %dma_start3A_48 = tpu.memref_slice %arg4[%dma_start3A_46, %dma_start3A_47] : memref<10000x128xf32, #tpu.memory_space<hbm>> -> memref<10000x128xf32, #tpu.memory_space<hbm>>
      tpu.enqueue_indirect_dma source(%dma_start3A_48 : memref<10000x128xf32, #tpu.memory_space<hbm>>) target(%arg10 : memref<125x128xf32, #tpu.memory_space<vmem>>) offsets(%dma_start3A_45 : memref<125xi32, #tpu.memory_space<vmem>>) semaphore(%arg13 : memref<!tpu.dma_semaphore, #tpu.memory_space<semaphore_mem>>)
      %dma_wait3A_49 = arith.constant 0 : i32
      %dma_wait3A_50 = arith.constant 0 : i32
      %dma_wait3A_51 = tpu.memref_slice %arg7[%dma_wait3A_49, %dma_wait3A_50] : memref<16x125xi32, #tpu.memory_space<vmem>> -> memref<1x125xi32, #tpu.memory_space<vmem>>
      %dma_wait3A_52 = tpu.memref_squeeze %dma_wait3A_51 : memref<1x125xi32, #tpu.memory_space<vmem>> -> memref<125xi32, #tpu.memory_space<vmem>>
      %dma_wait3A_53 = arith.constant 0 : i32
      %dma_wait3A_54 = arith.constant 0 : i32
      %dma_wait3A_55 = tpu.memref_slice %arg4[%dma_wait3A_53, %dma_wait3A_54] : memref<10000x128xf32, #tpu.memory_space<hbm>> -> memref<10000x128xf32, #tpu.memory_space<hbm>>
      tpu.wait_indirect_dma semaphore(%arg12 : memref<!tpu.dma_semaphore, #tpu.memory_space<semaphore_mem>>) src(%dma_wait3A_55 : memref<10000x128xf32, #tpu.memory_space<hbm>>) dst(%arg9 : memref<125x128xf32, #tpu.memory_space<vmem>>)
      %dma_start3A_56 = arith.constant 0 : i32
      %dma_start3A_57 = arith.constant 0 : i32
      %dma_start3A_58 = tpu.memref_slice %arg8[%dma_start3A_56, %dma_start3A_57] : memref<16x125xi32, #tpu.memory_space<vmem>> -> memref<1x125xi32, #tpu.memory_space<vmem>>
      %dma_start3A_59 = tpu.memref_squeeze %dma_start3A_58 : memref<1x125xi32, #tpu.memory_space<vmem>> -> memref<125xi32, #tpu.memory_space<vmem>>
      %dma_start3A_60 = arith.constant 0 : i32
      %dma_start3A_61 = arith.constant 0 : i32
      %dma_start3A_62 = tpu.memref_slice %arg11[%dma_start3A_60, %dma_start3A_61] : memref<10000x128xf32, #tpu.memory_space<vmem_shared>> -> memref<10000x128xf32, #tpu.memory_space<vmem_shared>>
      tpu.enqueue_indirect_dma source(%arg9 : memref<125x128xf32, #tpu.memory_space<vmem>>) target(%dma_start3A_62 : memref<10000x128xf32, #tpu.memory_space<vmem_shared>>) offsets(%dma_start3A_59 : memref<125xi32, #tpu.memory_space<vmem>>) semaphore(%arg14 : memref<!tpu.dma_semaphore, #tpu.memory_space<semaphore_mem>>) {add = true}
      %dma_wait3A_63 = arith.constant 0 : i32
      %dma_wait3A_64 = arith.constant 0 : i32
      %dma_wait3A_65 = tpu.memref_slice %arg8[%dma_wait3A_63, %dma_wait3A_64] : memref<16x125xi32, #tpu.memory_space<vmem>> -> memref<1x125xi32, #tpu.memory_space<vmem>>
      %dma_wait3A_66 = tpu.memref_squeeze %dma_wait3A_65 : memref<1x125xi32, #tpu.memory_space<vmem>> -> memref<125xi32, #tpu.memory_space<vmem>>
      %dma_wait3A_67 = arith.constant 0 : i32
      %dma_wait3A_68 = arith.constant 0 : i32
      %dma_wait3A_69 = tpu.memref_slice %arg11[%dma_wait3A_67, %dma_wait3A_68] : memref<10000x128xf32, #tpu.memory_space<vmem_shared>> -> memref<10000x128xf32, #tpu.memory_space<vmem_shared>>
      tpu.wait_indirect_dma semaphore(%arg14 : memref<!tpu.dma_semaphore, #tpu.memory_space<semaphore_mem>>) src(%arg9 : memref<125x128xf32, #tpu.memory_space<vmem>>) dst(%dma_wait3A_69 : memref<10000x128xf32, #tpu.memory_space<vmem_shared>>)
      %dma_start3A_70 = arith.constant 2 : i32
      %dma_start3A_71 = arith.constant 0 : i32
      %dma_start3A_72 = tpu.memref_slice %arg7[%dma_start3A_70, %dma_start3A_71] : memref<16x125xi32, #tpu.memory_space<vmem>> -> memref<1x125xi32, #tpu.memory_space<vmem>>
      %dma_start3A_73 = tpu.memref_squeeze %dma_start3A_72 : memref<1x125xi32, #tpu.memory_space<vmem>> -> memref<125xi32, #tpu.memory_space<vmem>>
      %dma_start3A_74 = arith.constant 0 : i32
      %dma_start3A_75 = arith.constant 0 : i32
      %dma_start3A_76 = tpu.memref_slice %arg4[%dma_start3A_74, %dma_start3A_75] : memref<10000x128xf32, #tpu.memory_space<hbm>> -> memref<10000x128xf32, #tpu.memory_space<hbm>>
      tpu.enqueue_indirect_dma source(%dma_start3A_76 : memref<10000x128xf32, #tpu.memory_space<hbm>>) target(%arg9 : memref<125x128xf32, #tpu.memory_space<vmem>>) offsets(%dma_start3A_73 : memref<125xi32, #tpu.memory_space<vmem>>) semaphore(%arg12 : memref<!tpu.dma_semaphore, #tpu.memory_space<semaphore_mem>>)
      %dma_wait3A_77 = arith.constant 1 : i32
      %dma_wait3A_78 = arith.constant 0 : i32
      %dma_wait3A_79 = tpu.memref_slice %arg7[%dma_wait3A_77, %dma_wait3A_78] : memref<16x125xi32, #tpu.memory_space<vmem>> -> memref<1x125xi32, #tpu.memory_space<vmem>>
      %dma_wait3A_80 = tpu.memref_squeeze %dma_wait3A_79 : memref<1x125xi32, #tpu.memory_space<vmem>> -> memref<125xi32, #tpu.memory_space<vmem>>
      %dma_wait3A_81 = arith.constant 0 : i32
      %dma_wait3A_82 = arith.constant 0 : i32
      %dma_wait3A_83 = tpu.memref_slice %arg4[%dma_wait3A_81, %dma_wait3A_82] : memref<10000x128xf32, #tpu.memory_space<hbm>> -> memref<10000x128xf32, #tpu.memory_space<hbm>>
      tpu.wait_indirect_dma semaphore(%arg13 : memref<!tpu.dma_semaphore, #tpu.memory_space<semaphore_mem>>) src(%dma_wait3A_83 : memref<10000x128xf32, #tpu.memory_space<hbm>>) dst(%arg10 : memref<125x128xf32, #tpu.memory_space<vmem>>)
      %dma_start3A_84 = arith.constant 1 : i32
      %dma_start3A_85 = arith.constant 0 : i32
      %dma_start3A_86 = tpu.memref_slice %arg8[%dma_start3A_84, %dma_start3A_85] : memref<16x125xi32, #tpu.memory_space<vmem>> -> memref<1x125xi32, #tpu.memory_space<vmem>>
      %dma_start3A_87 = tpu.memref_squeeze %dma_start3A_86 : memref<1x125xi32, #tpu.memory_space<vmem>> -> memref<125xi32, #tpu.memory_space<vmem>>
      %dma_start3A_88 = arith.constant 0 : i32
      %dma_start3A_89 = arith.constant 0 : i32
      %dma_start3A_90 = tpu.memref_slice %arg11[%dma_start3A_88, %dma_start3A_89] : memref<10000x128xf32, #tpu.memory_space<vmem_shared>> -> memref<10000x128xf32, #tpu.memory_space<vmem_shared>>
      tpu.enqueue_indirect_dma source(%arg10 : memref<125x128xf32, #tpu.memory_space<vmem>>) target(%dma_start3A_90 : memref<10000x128xf32, #tpu.memory_space<vmem_shared>>) offsets(%dma_start3A_87 : memref<125xi32, #tpu.memory_space<vmem>>) semaphore(%arg15 : memref<!tpu.dma_semaphore, #tpu.memory_space<semaphore_mem>>) {add = true}
      %dma_wait3A_91 = arith.constant 0 : i32
      %dma_wait3A_92 = arith.constant 0 : i32
      %dma_wait3A_93 = tpu.memref_slice %arg8[%dma_wait3A_91, %dma_wait3A_92] : memref<16x125xi32, #tpu.memory_space<vmem>> -> memref<1x125xi32, #tpu.memory_space<vmem>>
      %dma_wait3A_94 = tpu.memref_squeeze %dma_wait3A_93 : memref<1x125xi32, #tpu.memory_space<vmem>> -> memref<125xi32, #tpu.memory_space<vmem>>
      %dma_wait3A_95 = arith.constant 0 : i32
      %dma_wait3A_96 = arith.constant 0 : i32
      %dma_wait3A_97 = tpu.memref_slice %arg11[%dma_wait3A_95, %dma_wait3A_96] : memref<10000x128xf32, #tpu.memory_space<vmem_shared>> -> memref<10000x128xf32, #tpu.memory_space<vmem_shared>>
      tpu.wait_indirect_dma semaphore(%arg15 : memref<!tpu.dma_semaphore, #tpu.memory_space<semaphore_mem>>) src(%arg10 : memref<125x128xf32, #tpu.memory_space<vmem>>) dst(%dma_wait3A_97 : memref<10000x128xf32, #tpu.memory_space<vmem_shared>>)
      %dma_start3A_98 = arith.constant 3 : i32
      %dma_start3A_99 = arith.constant 0 : i32
      %dma_start3A_100 = tpu.memref_slice %arg7[%dma_start3A_98, %dma_start3A_99] : memref<16x125xi32, #tpu.memory_space<vmem>> -> memref<1x125xi32, #tpu.memory_space<vmem>>
      %dma_start3A_101 = tpu.memref_squeeze %dma_start3A_100 : memref<1x125xi32, #tpu.memory_space<vmem>> -> memref<125xi32, #tpu.memory_space<vmem>>
      %dma_start3A_102 = arith.constant 0 : i32
      %dma_start3A_103 = arith.constant 0 : i32
      %dma_start3A_104 = tpu.memref_slice %arg4[%dma_start3A_102, %dma_start3A_103] : memref<10000x128xf32, #tpu.memory_space<hbm>> -> memref<10000x128xf32, #tpu.memory_space<hbm>>
      tpu.enqueue_indirect_dma source(%dma_start3A_104 : memref<10000x128xf32, #tpu.memory_space<hbm>>) target(%arg10 : memref<125x128xf32, #tpu.memory_space<vmem>>) offsets(%dma_start3A_101 : memref<125xi32, #tpu.memory_space<vmem>>) semaphore(%arg13 : memref<!tpu.dma_semaphore, #tpu.memory_space<semaphore_mem>>)
      %dma_wait3A_105 = arith.constant 2 : i32
      %dma_wait3A_106 = arith.constant 0 : i32
      %dma_wait3A_107 = tpu.memref_slice %arg7[%dma_wait3A_105, %dma_wait3A_106] : memref<16x125xi32, #tpu.memory_space<vmem>> -> memref<1x125xi32, #tpu.memory_space<vmem>>
      %dma_wait3A_108 = tpu.memref_squeeze %dma_wait3A_107 : memref<1x125xi32, #tpu.memory_space<vmem>> -> memref<125xi32, #tpu.memory_space<vmem>>
      %dma_wait3A_109 = arith.constant 0 : i32
      %dma_wait3A_110 = arith.constant 0 : i32
      %dma_wait3A_111 = tpu.memref_slice %arg4[%dma_wait3A_109, %dma_wait3A_110] : memref<10000x128xf32, #tpu.memory_space<hbm>> -> memref<10000x128xf32, #tpu.memory_space<hbm>>
      tpu.wait_indirect_dma semaphore(%arg12 : memref<!tpu.dma_semaphore, #tpu.memory_space<semaphore_mem>>) src(%dma_wait3A_111 : memref<10000x128xf32, #tpu.memory_space<hbm>>) dst(%arg9 : memref<125x128xf32, #tpu.memory_space<vmem>>)
      %dma_start3A_112 = arith.constant 2 : i32
      %dma_start3A_113 = arith.constant 0 : i32
      %dma_start3A_114 = tpu.memref_slice %arg8[%dma_start3A_112, %dma_start3A_113] : memref<16x125xi32, #tpu.memory_space<vmem>> -> memref<1x125xi32, #tpu.memory_space<vmem>>
      %dma_start3A_115 = tpu.memref_squeeze %dma_start3A_114 : memref<1x125xi32, #tpu.memory_space<vmem>> -> memref<125xi32, #tpu.memory_space<vmem>>
      %dma_start3A_116 = arith.constant 0 : i32
      %dma_start3A_117 = arith.constant 0 : i32
      %dma_start3A_118 = tpu.memref_slice %arg11[%dma_start3A_116, %dma_start3A_117] : memref<10000x128xf32, #tpu.memory_space<vmem_shared>> -> memref<10000x128xf32, #tpu.memory_space<vmem_shared>>
      tpu.enqueue_indirect_dma source(%arg9 : memref<125x128xf32, #tpu.memory_space<vmem>>) target(%dma_start3A_118 : memref<10000x128xf32, #tpu.memory_space<vmem_shared>>) offsets(%dma_start3A_115 : memref<125xi32, #tpu.memory_space<vmem>>) semaphore(%arg14 : memref<!tpu.dma_semaphore, #tpu.memory_space<semaphore_mem>>) {add = true}
      %dma_wait3A_119 = arith.constant 0 : i32
      %dma_wait3A_120 = arith.constant 0 : i32
      %dma_wait3A_121 = tpu.memref_slice %arg8[%dma_wait3A_119, %dma_wait3A_120] : memref<16x125xi32, #tpu.memory_space<vmem>> -> memref<1x125xi32, #tpu.memory_space<vmem>>
      %dma_wait3A_122 = tpu.memref_squeeze %dma_wait3A_121 : memref<1x125xi32, #tpu.memory_space<vmem>> -> memref<125xi32, #tpu.memory_space<vmem>>
      %dma_wait3A_123 = arith.constant 0 : i32
      %dma_wait3A_124 = arith.constant 0 : i32
      %dma_wait3A_125 = tpu.memref_slice %arg11[%dma_wait3A_123, %dma_wait3A_124] : memref<10000x128xf32, #tpu.memory_space<vmem_shared>> -> memref<10000x128xf32, #tpu.memory_space<vmem_shared>>
      tpu.wait_indirect_dma semaphore(%arg14 : memref<!tpu.dma_semaphore, #tpu.memory_space<semaphore_mem>>) src(%arg9 : memref<125x128xf32, #tpu.memory_space<vmem>>) dst(%dma_wait3A_125 : memref<10000x128xf32, #tpu.memory_space<vmem_shared>>)
      %dma_start3A_126 = arith.constant 4 : i32
      %dma_start3A_127 = arith.constant 0 : i32
      %dma_start3A_128 = tpu.memref_slice %arg7[%dma_start3A_126, %dma_start3A_127] : memref<16x125xi32, #tpu.memory_space<vmem>> -> memref<1x125xi32, #tpu.memory_space<vmem>>
      %dma_start3A_129 = tpu.memref_squeeze %dma_start3A_128 : memref<1x125xi32, #tpu.memory_space<vmem>> -> memref<125xi32, #tpu.memory_space<vmem>>
      %dma_start3A_130 = arith.constant 0 : i32
      %dma_start3A_131 = arith.constant 0 : i32
      %dma_start3A_132 = tpu.memref_slice %arg4[%dma_start3A_130, %dma_start3A_131] : memref<10000x128xf32, #tpu.memory_space<hbm>> -> memref<10000x128xf32, #tpu.memory_space<hbm>>
      tpu.enqueue_indirect_dma source(%dma_start3A_132 : memref<10000x128xf32, #tpu.memory_space<hbm>>) target(%arg9 : memref<125x128xf32, #tpu.memory_space<vmem>>) offsets(%dma_start3A_129 : memref<125xi32, #tpu.memory_space<vmem>>) semaphore(%arg12 : memref<!tpu.dma_semaphore, #tpu.memory_space<semaphore_mem>>)
      %dma_wait3A_133 = arith.constant 3 : i32
      %dma_wait3A_134 = arith.constant 0 : i32
      %dma_wait3A_135 = tpu.memref_slice %arg7[%dma_wait3A_133, %dma_wait3A_134] : memref<16x125xi32, #tpu.memory_space<vmem>> -> memref<1x125xi32, #tpu.memory_space<vmem>>
      %dma_wait3A_136 = tpu.memref_squeeze %dma_wait3A_135 : memref<1x125xi32, #tpu.memory_space<vmem>> -> memref<125xi32, #tpu.memory_space<vmem>>
      %dma_wait3A_137 = arith.constant 0 : i32
      %dma_wait3A_138 = arith.constant 0 : i32
      %dma_wait3A_139 = tpu.memref_slice %arg4[%dma_wait3A_137, %dma_wait3A_138] : memref<10000x128xf32, #tpu.memory_space<hbm>> -> memref<10000x128xf32, #tpu.memory_space<hbm>>
      tpu.wait_indirect_dma semaphore(%arg13 : memref<!tpu.dma_semaphore, #tpu.memory_space<semaphore_mem>>) src(%dma_wait3A_139 : memref<10000x128xf32, #tpu.memory_space<hbm>>) dst(%arg10 : memref<125x128xf32, #tpu.memory_space<vmem>>)
      %dma_start3A_140 = arith.constant 3 : i32
      %dma_start3A_141 = arith.constant 0 : i32
      %dma_start3A_142 = tpu.memref_slice %arg8[%dma_start3A_140, %dma_start3A_141] : memref<16x125xi32, #tpu.memory_space<vmem>> -> memref<1x125xi32, #tpu.memory_space<vmem>>
      %dma_start3A_143 = tpu.memref_squeeze %dma_start3A_142 : memref<1x125xi32, #tpu.memory_space<vmem>> -> memref<125xi32, #tpu.memory_space<vmem>>
      %dma_start3A_144 = arith.constant 0 : i32
      %dma_start3A_145 = arith.constant 0 : i32
      %dma_start3A_146 = tpu.memref_slice %arg11[%dma_start3A_144, %dma_start3A_145] : memref<10000x128xf32, #tpu.memory_space<vmem_shared>> -> memref<10000x128xf32, #tpu.memory_space<vmem_shared>>
      tpu.enqueue_indirect_dma source(%arg10 : memref<125x128xf32, #tpu.memory_space<vmem>>) target(%dma_start3A_146 : memref<10000x128xf32, #tpu.memory_space<vmem_shared>>) offsets(%dma_start3A_143 : memref<125xi32, #tpu.memory_space<vmem>>) semaphore(%arg15 : memref<!tpu.dma_semaphore, #tpu.memory_space<semaphore_mem>>) {add = true}
      %dma_wait3A_147 = arith.constant 0 : i32
      %dma_wait3A_148 = arith.constant 0 : i32
      %dma_wait3A_149 = tpu.memref_slice %arg8[%dma_wait3A_147, %dma_wait3A_148] : memref<16x125xi32, #tpu.memory_space<vmem>> -> memref<1x125xi32, #tpu.memory_space<vmem>>
      %dma_wait3A_150 = tpu.memref_squeeze %dma_wait3A_149 : memref<1x125xi32, #tpu.memory_space<vmem>> -> memref<125xi32, #tpu.memory_space<vmem>>
      %dma_wait3A_151 = arith.constant 0 : i32
      %dma_wait3A_152 = arith.constant 0 : i32
      %dma_wait3A_153 = tpu.memref_slice %arg11[%dma_wait3A_151, %dma_wait3A_152] : memref<10000x128xf32, #tpu.memory_space<vmem_shared>> -> memref<10000x128xf32, #tpu.memory_space<vmem_shared>>
      tpu.wait_indirect_dma semaphore(%arg15 : memref<!tpu.dma_semaphore, #tpu.memory_space<semaphore_mem>>) src(%arg10 : memref<125x128xf32, #tpu.memory_space<vmem>>) dst(%dma_wait3A_153 : memref<10000x128xf32, #tpu.memory_space<vmem_shared>>)
      %dma_start3A_154 = arith.constant 5 : i32
      %dma_start3A_155 = arith.constant 0 : i32
      %dma_start3A_156 = tpu.memref_slice %arg7[%dma_start3A_154, %dma_start3A_155] : memref<16x125xi32, #tpu.memory_space<vmem>> -> memref<1x125xi32, #tpu.memory_space<vmem>>
      %dma_start3A_157 = tpu.memref_squeeze %dma_start3A_156 : memref<1x125xi32, #tpu.memory_space<vmem>> -> memref<125xi32, #tpu.memory_space<vmem>>
      %dma_start3A_158 = arith.constant 0 : i32
      %dma_start3A_159 = arith.constant 0 : i32
      %dma_start3A_160 = tpu.memref_slice %arg4[%dma_start3A_158, %dma_start3A_159] : memref<10000x128xf32, #tpu.memory_space<hbm>> -> memref<10000x128xf32, #tpu.memory_space<hbm>>
      tpu.enqueue_indirect_dma source(%dma_start3A_160 : memref<10000x128xf32, #tpu.memory_space<hbm>>) target(%arg10 : memref<125x128xf32, #tpu.memory_space<vmem>>) offsets(%dma_start3A_157 : memref<125xi32, #tpu.memory_space<vmem>>) semaphore(%arg13 : memref<!tpu.dma_semaphore, #tpu.memory_space<semaphore_mem>>)
      %dma_wait3A_161 = arith.constant 4 : i32
      %dma_wait3A_162 = arith.constant 0 : i32
      %dma_wait3A_163 = tpu.memref_slice %arg7[%dma_wait3A_161, %dma_wait3A_162] : memref<16x125xi32, #tpu.memory_space<vmem>> -> memref<1x125xi32, #tpu.memory_space<vmem>>
      %dma_wait3A_164 = tpu.memref_squeeze %dma_wait3A_163 : memref<1x125xi32, #tpu.memory_space<vmem>> -> memref<125xi32, #tpu.memory_space<vmem>>
      %dma_wait3A_165 = arith.constant 0 : i32
      %dma_wait3A_166 = arith.constant 0 : i32
      %dma_wait3A_167 = tpu.memref_slice %arg4[%dma_wait3A_165, %dma_wait3A_166] : memref<10000x128xf32, #tpu.memory_space<hbm>> -> memref<10000x128xf32, #tpu.memory_space<hbm>>
      tpu.wait_indirect_dma semaphore(%arg12 : memref<!tpu.dma_semaphore, #tpu.memory_space<semaphore_mem>>) src(%dma_wait3A_167 : memref<10000x128xf32, #tpu.memory_space<hbm>>) dst(%arg9 : memref<125x128xf32, #tpu.memory_space<vmem>>)
      %dma_start3A_168 = arith.constant 4 : i32
      %dma_start3A_169 = arith.constant 0 : i32
      %dma_start3A_170 = tpu.memref_slice %arg8[%dma_start3A_168, %dma_start3A_169] : memref<16x125xi32, #tpu.memory_space<vmem>> -> memref<1x125xi32, #tpu.memory_space<vmem>>
      %dma_start3A_171 = tpu.memref_squeeze %dma_start3A_170 : memref<1x125xi32, #tpu.memory_space<vmem>> -> memref<125xi32, #tpu.memory_space<vmem>>
      %dma_start3A_172 = arith.constant 0 : i32
      %dma_start3A_173 = arith.constant 0 : i32
      %dma_start3A_174 = tpu.memref_slice %arg11[%dma_start3A_172, %dma_start3A_173] : memref<10000x128xf32, #tpu.memory_space<vmem_shared>> -> memref<10000x128xf32, #tpu.memory_space<vmem_shared>>
      tpu.enqueue_indirect_dma source(%arg9 : memref<125x128xf32, #tpu.memory_space<vmem>>) target(%dma_start3A_174 : memref<10000x128xf32, #tpu.memory_space<vmem_shared>>) offsets(%dma_start3A_171 : memref<125xi32, #tpu.memory_space<vmem>>) semaphore(%arg14 : memref<!tpu.dma_semaphore, #tpu.memory_space<semaphore_mem>>) {add = true}
      %dma_wait3A_175 = arith.constant 0 : i32
      %dma_wait3A_176 = arith.constant 0 : i32
      %dma_wait3A_177 = tpu.memref_slice %arg8[%dma_wait3A_175, %dma_wait3A_176] : memref<16x125xi32, #tpu.memory_space<vmem>> -> memref<1x125xi32, #tpu.memory_space<vmem>>
      %dma_wait3A_178 = tpu.memref_squeeze %dma_wait3A_177 : memref<1x125xi32, #tpu.memory_space<vmem>> -> memref<125xi32, #tpu.memory_space<vmem>>
      %dma_wait3A_179 = arith.constant 0 : i32
      %dma_wait3A_180 = arith.constant 0 : i32
      %dma_wait3A_181 = tpu.memref_slice %arg11[%dma_wait3A_179, %dma_wait3A_180] : memref<10000x128xf32, #tpu.memory_space<vmem_shared>> -> memref<10000x128xf32, #tpu.memory_space<vmem_shared>>
      tpu.wait_indirect_dma semaphore(%arg14 : memref<!tpu.dma_semaphore, #tpu.memory_space<semaphore_mem>>) src(%arg9 : memref<125x128xf32, #tpu.memory_space<vmem>>) dst(%dma_wait3A_181 : memref<10000x128xf32, #tpu.memory_space<vmem_shared>>)
      %dma_start3A_182 = arith.constant 6 : i32
      %dma_start3A_183 = arith.constant 0 : i32
      %dma_start3A_184 = tpu.memref_slice %arg7[%dma_start3A_182, %dma_start3A_183] : memref<16x125xi32, #tpu.memory_space<vmem>> -> memref<1x125xi32, #tpu.memory_space<vmem>>
      %dma_start3A_185 = tpu.memref_squeeze %dma_start3A_184 : memref<1x125xi32, #tpu.memory_space<vmem>> -> memref<125xi32, #tpu.memory_space<vmem>>
      %dma_start3A_186 = arith.constant 0 : i32
      %dma_start3A_187 = arith.constant 0 : i32
      %dma_start3A_188 = tpu.memref_slice %arg4[%dma_start3A_186, %dma_start3A_187] : memref<10000x128xf32, #tpu.memory_space<hbm>> -> memref<10000x128xf32, #tpu.memory_space<hbm>>
      tpu.enqueue_indirect_dma source(%dma_start3A_188 : memref<10000x128xf32, #tpu.memory_space<hbm>>) target(%arg9 : memref<125x128xf32, #tpu.memory_space<vmem>>) offsets(%dma_start3A_185 : memref<125xi32, #tpu.memory_space<vmem>>) semaphore(%arg12 : memref<!tpu.dma_semaphore, #tpu.memory_space<semaphore_mem>>)
      %dma_wait3A_189 = arith.constant 5 : i32
      %dma_wait3A_190 = arith.constant 0 : i32
      %dma_wait3A_191 = tpu.memref_slice %arg7[%dma_wait3A_189, %dma_wait3A_190] : memref<16x125xi32, #tpu.memory_space<vmem>> -> memref<1x125xi32, #tpu.memory_space<vmem>>
      %dma_wait3A_192 = tpu.memref_squeeze %dma_wait3A_191 : memref<1x125xi32, #tpu.memory_space<vmem>> -> memref<125xi32, #tpu.memory_space<vmem>>
      %dma_wait3A_193 = arith.constant 0 : i32
      %dma_wait3A_194 = arith.constant 0 : i32
      %dma_wait3A_195 = tpu.memref_slice %arg4[%dma_wait3A_193, %dma_wait3A_194] : memref<10000x128xf32, #tpu.memory_space<hbm>> -> memref<10000x128xf32, #tpu.memory_space<hbm>>
      tpu.wait_indirect_dma semaphore(%arg13 : memref<!tpu.dma_semaphore, #tpu.memory_space<semaphore_mem>>) src(%dma_wait3A_195 : memref<10000x128xf32, #tpu.memory_space<hbm>>) dst(%arg10 : memref<125x128xf32, #tpu.memory_space<vmem>>)
      %dma_start3A_196 = arith.constant 5 : i32
      %dma_start3A_197 = arith.constant 0 : i32
      %dma_start3A_198 = tpu.memref_slice %arg8[%dma_start3A_196, %dma_start3A_197] : memref<16x125xi32, #tpu.memory_space<vmem>> -> memref<1x125xi32, #tpu.memory_space<vmem>>
      %dma_start3A_199 = tpu.memref_squeeze %dma_start3A_198 : memref<1x125xi32, #tpu.memory_space<vmem>> -> memref<125xi32, #tpu.memory_space<vmem>>
      %dma_start3A_200 = arith.constant 0 : i32
      %dma_start3A_201 = arith.constant 0 : i32
      %dma_start3A_202 = tpu.memref_slice %arg11[%dma_start3A_200, %dma_start3A_201] : memref<10000x128xf32, #tpu.memory_space<vmem_shared>> -> memref<10000x128xf32, #tpu.memory_space<vmem_shared>>
      tpu.enqueue_indirect_dma source(%arg10 : memref<125x128xf32, #tpu.memory_space<vmem>>) target(%dma_start3A_202 : memref<10000x128xf32, #tpu.memory_space<vmem_shared>>) offsets(%dma_start3A_199 : memref<125xi32, #tpu.memory_space<vmem>>) semaphore(%arg15 : memref<!tpu.dma_semaphore, #tpu.memory_space<semaphore_mem>>) {add = true}
      %dma_wait3A_203 = arith.constant 0 : i32
      %dma_wait3A_204 = arith.constant 0 : i32
      %dma_wait3A_205 = tpu.memref_slice %arg8[%dma_wait3A_203, %dma_wait3A_204] : memref<16x125xi32, #tpu.memory_space<vmem>> -> memref<1x125xi32, #tpu.memory_space<vmem>>
      %dma_wait3A_206 = tpu.memref_squeeze %dma_wait3A_205 : memref<1x125xi32, #tpu.memory_space<vmem>> -> memref<125xi32, #tpu.memory_space<vmem>>
      %dma_wait3A_207 = arith.constant 0 : i32
      %dma_wait3A_208 = arith.constant 0 : i32
      %dma_wait3A_209 = tpu.memref_slice %arg11[%dma_wait3A_207, %dma_wait3A_208] : memref<10000x128xf32, #tpu.memory_space<vmem_shared>> -> memref<10000x128xf32, #tpu.memory_space<vmem_shared>>
      tpu.wait_indirect_dma semaphore(%arg15 : memref<!tpu.dma_semaphore, #tpu.memory_space<semaphore_mem>>) src(%arg10 : memref<125x128xf32, #tpu.memory_space<vmem>>) dst(%dma_wait3A_209 : memref<10000x128xf32, #tpu.memory_space<vmem_shared>>)
      %dma_start3A_210 = arith.constant 7 : i32
      %dma_start3A_211 = arith.constant 0 : i32
      %dma_start3A_212 = tpu.memref_slice %arg7[%dma_start3A_210, %dma_start3A_211] : memref<16x125xi32, #tpu.memory_space<vmem>> -> memref<1x125xi32, #tpu.memory_space<vmem>>
      %dma_start3A_213 = tpu.memref_squeeze %dma_start3A_212 : memref<1x125xi32, #tpu.memory_space<vmem>> -> memref<125xi32, #tpu.memory_space<vmem>>
      %dma_start3A_214 = arith.constant 0 : i32
      %dma_start3A_215 = arith.constant 0 : i32
      %dma_start3A_216 = tpu.memref_slice %arg4[%dma_start3A_214, %dma_start3A_215] : memref<10000x128xf32, #tpu.memory_space<hbm>> -> memref<10000x128xf32, #tpu.memory_space<hbm>>
      tpu.enqueue_indirect_dma source(%dma_start3A_216 : memref<10000x128xf32, #tpu.memory_space<hbm>>) target(%arg10 : memref<125x128xf32, #tpu.memory_space<vmem>>) offsets(%dma_start3A_213 : memref<125xi32, #tpu.memory_space<vmem>>) semaphore(%arg13 : memref<!tpu.dma_semaphore, #tpu.memory_space<semaphore_mem>>)
      %dma_wait3A_217 = arith.constant 6 : i32
      %dma_wait3A_218 = arith.constant 0 : i32
      %dma_wait3A_219 = tpu.memref_slice %arg7[%dma_wait3A_217, %dma_wait3A_218] : memref<16x125xi32, #tpu.memory_space<vmem>> -> memref<1x125xi32, #tpu.memory_space<vmem>>
      %dma_wait3A_220 = tpu.memref_squeeze %dma_wait3A_219 : memref<1x125xi32, #tpu.memory_space<vmem>> -> memref<125xi32, #tpu.memory_space<vmem>>
      %dma_wait3A_221 = arith.constant 0 : i32
      %dma_wait3A_222 = arith.constant 0 : i32
      %dma_wait3A_223 = tpu.memref_slice %arg4[%dma_wait3A_221, %dma_wait3A_222] : memref<10000x128xf32, #tpu.memory_space<hbm>> -> memref<10000x128xf32, #tpu.memory_space<hbm>>
      tpu.wait_indirect_dma semaphore(%arg12 : memref<!tpu.dma_semaphore, #tpu.memory_space<semaphore_mem>>) src(%dma_wait3A_223 : memref<10000x128xf32, #tpu.memory_space<hbm>>) dst(%arg9 : memref<125x128xf32, #tpu.memory_space<vmem>>)
      %dma_start3A_224 = arith.constant 6 : i32
      %dma_start3A_225 = arith.constant 0 : i32
      %dma_start3A_226 = tpu.memref_slice %arg8[%dma_start3A_224, %dma_start3A_225] : memref<16x125xi32, #tpu.memory_space<vmem>> -> memref<1x125xi32, #tpu.memory_space<vmem>>
      %dma_start3A_227 = tpu.memref_squeeze %dma_start3A_226 : memref<1x125xi32, #tpu.memory_space<vmem>> -> memref<125xi32, #tpu.memory_space<vmem>>
      %dma_start3A_228 = arith.constant 0 : i32
      %dma_start3A_229 = arith.constant 0 : i32
      %dma_start3A_230 = tpu.memref_slice %arg11[%dma_start3A_228, %dma_start3A_229] : memref<10000x128xf32, #tpu.memory_space<vmem_shared>> -> memref<10000x128xf32, #tpu.memory_space<vmem_shared>>
      tpu.enqueue_indirect_dma source(%arg9 : memref<125x128xf32, #tpu.memory_space<vmem>>) target(%dma_start3A_230 : memref<10000x128xf32, #tpu.memory_space<vmem_shared>>) offsets(%dma_start3A_227 : memref<125xi32, #tpu.memory_space<vmem>>) semaphore(%arg14 : memref<!tpu.dma_semaphore, #tpu.memory_space<semaphore_mem>>) {add = true}
      %dma_wait3A_231 = arith.constant 0 : i32
      %dma_wait3A_232 = arith.constant 0 : i32
      %dma_wait3A_233 = tpu.memref_slice %arg8[%dma_wait3A_231, %dma_wait3A_232] : memref<16x125xi32, #tpu.memory_space<vmem>> -> memref<1x125xi32, #tpu.memory_space<vmem>>
      %dma_wait3A_234 = tpu.memref_squeeze %dma_wait3A_233 : memref<1x125xi32, #tpu.memory_space<vmem>> -> memref<125xi32, #tpu.memory_space<vmem>>
      %dma_wait3A_235 = arith.constant 0 : i32
      %dma_wait3A_236 = arith.constant 0 : i32
      %dma_wait3A_237 = tpu.memref_slice %arg11[%dma_wait3A_235, %dma_wait3A_236] : memref<10000x128xf32, #tpu.memory_space<vmem_shared>> -> memref<10000x128xf32, #tpu.memory_space<vmem_shared>>
      tpu.wait_indirect_dma semaphore(%arg14 : memref<!tpu.dma_semaphore, #tpu.memory_space<semaphore_mem>>) src(%arg9 : memref<125x128xf32, #tpu.memory_space<vmem>>) dst(%dma_wait3A_237 : memref<10000x128xf32, #tpu.memory_space<vmem_shared>>)
      %dma_start3A_238 = arith.constant 8 : i32
      %dma_start3A_239 = arith.constant 0 : i32
      %dma_start3A_240 = tpu.memref_slice %arg7[%dma_start3A_238, %dma_start3A_239] : memref<16x125xi32, #tpu.memory_space<vmem>> -> memref<1x125xi32, #tpu.memory_space<vmem>>
      %dma_start3A_241 = tpu.memref_squeeze %dma_start3A_240 : memref<1x125xi32, #tpu.memory_space<vmem>> -> memref<125xi32, #tpu.memory_space<vmem>>
      %dma_start3A_242 = arith.constant 0 : i32
      %dma_start3A_243 = arith.constant 0 : i32
      %dma_start3A_244 = tpu.memref_slice %arg4[%dma_start3A_242, %dma_start3A_243] : memref<10000x128xf32, #tpu.memory_space<hbm>> -> memref<10000x128xf32, #tpu.memory_space<hbm>>
      tpu.enqueue_indirect_dma source(%dma_start3A_244 : memref<10000x128xf32, #tpu.memory_space<hbm>>) target(%arg9 : memref<125x128xf32, #tpu.memory_space<vmem>>) offsets(%dma_start3A_241 : memref<125xi32, #tpu.memory_space<vmem>>) semaphore(%arg12 : memref<!tpu.dma_semaphore, #tpu.memory_space<semaphore_mem>>)
      %dma_wait3A_245 = arith.constant 7 : i32
      %dma_wait3A_246 = arith.constant 0 : i32
      %dma_wait3A_247 = tpu.memref_slice %arg7[%dma_wait3A_245, %dma_wait3A_246] : memref<16x125xi32, #tpu.memory_space<vmem>> -> memref<1x125xi32, #tpu.memory_space<vmem>>
      %dma_wait3A_248 = tpu.memref_squeeze %dma_wait3A_247 : memref<1x125xi32, #tpu.memory_space<vmem>> -> memref<125xi32, #tpu.memory_space<vmem>>
      %dma_wait3A_249 = arith.constant 0 : i32
      %dma_wait3A_250 = arith.constant 0 : i32
      %dma_wait3A_251 = tpu.memref_slice %arg4[%dma_wait3A_249, %dma_wait3A_250] : memref<10000x128xf32, #tpu.memory_space<hbm>> -> memref<10000x128xf32, #tpu.memory_space<hbm>>
      tpu.wait_indirect_dma semaphore(%arg13 : memref<!tpu.dma_semaphore, #tpu.memory_space<semaphore_mem>>) src(%dma_wait3A_251 : memref<10000x128xf32, #tpu.memory_space<hbm>>) dst(%arg10 : memref<125x128xf32, #tpu.memory_space<vmem>>)
      %dma_start3A_252 = arith.constant 7 : i32
      %dma_start3A_253 = arith.constant 0 : i32
      %dma_start3A_254 = tpu.memref_slice %arg8[%dma_start3A_252, %dma_start3A_253] : memref<16x125xi32, #tpu.memory_space<vmem>> -> memref<1x125xi32, #tpu.memory_space<vmem>>
      %dma_start3A_255 = tpu.memref_squeeze %dma_start3A_254 : memref<1x125xi32, #tpu.memory_space<vmem>> -> memref<125xi32, #tpu.memory_space<vmem>>
      %dma_start3A_256 = arith.constant 0 : i32
      %dma_start3A_257 = arith.constant 0 : i32
      %dma_start3A_258 = tpu.memref_slice %arg11[%dma_start3A_256, %dma_start3A_257] : memref<10000x128xf32, #tpu.memory_space<vmem_shared>> -> memref<10000x128xf32, #tpu.memory_space<vmem_shared>>
      tpu.enqueue_indirect_dma source(%arg10 : memref<125x128xf32, #tpu.memory_space<vmem>>) target(%dma_start3A_258 : memref<10000x128xf32, #tpu.memory_space<vmem_shared>>) offsets(%dma_start3A_255 : memref<125xi32, #tpu.memory_space<vmem>>) semaphore(%arg15 : memref<!tpu.dma_semaphore, #tpu.memory_space<semaphore_mem>>) {add = true}
      %dma_wait3A_259 = arith.constant 0 : i32
      %dma_wait3A_260 = arith.constant 0 : i32
      %dma_wait3A_261 = tpu.memref_slice %arg8[%dma_wait3A_259, %dma_wait3A_260] : memref<16x125xi32, #tpu.memory_space<vmem>> -> memref<1x125xi32, #tpu.memory_space<vmem>>
      %dma_wait3A_262 = tpu.memref_squeeze %dma_wait3A_261 : memref<1x125xi32, #tpu.memory_space<vmem>> -> memref<125xi32, #tpu.memory_space<vmem>>
      %dma_wait3A_263 = arith.constant 0 : i32
      %dma_wait3A_264 = arith.constant 0 : i32
      %dma_wait3A_265 = tpu.memref_slice %arg11[%dma_wait3A_263, %dma_wait3A_264] : memref<10000x128xf32, #tpu.memory_space<vmem_shared>> -> memref<10000x128xf32, #tpu.memory_space<vmem_shared>>
      tpu.wait_indirect_dma semaphore(%arg15 : memref<!tpu.dma_semaphore, #tpu.memory_space<semaphore_mem>>) src(%arg10 : memref<125x128xf32, #tpu.memory_space<vmem>>) dst(%dma_wait3A_265 : memref<10000x128xf32, #tpu.memory_space<vmem_shared>>)
      %dma_start3A_266 = arith.constant 9 : i32
      %dma_start3A_267 = arith.constant 0 : i32
      %dma_start3A_268 = tpu.memref_slice %arg7[%dma_start3A_266, %dma_start3A_267] : memref<16x125xi32, #tpu.memory_space<vmem>> -> memref<1x125xi32, #tpu.memory_space<vmem>>
      %dma_start3A_269 = tpu.memref_squeeze %dma_start3A_268 : memref<1x125xi32, #tpu.memory_space<vmem>> -> memref<125xi32, #tpu.memory_space<vmem>>
      %dma_start3A_270 = arith.constant 0 : i32
      %dma_start3A_271 = arith.constant 0 : i32
      %dma_start3A_272 = tpu.memref_slice %arg4[%dma_start3A_270, %dma_start3A_271] : memref<10000x128xf32, #tpu.memory_space<hbm>> -> memref<10000x128xf32, #tpu.memory_space<hbm>>
      tpu.enqueue_indirect_dma source(%dma_start3A_272 : memref<10000x128xf32, #tpu.memory_space<hbm>>) target(%arg10 : memref<125x128xf32, #tpu.memory_space<vmem>>) offsets(%dma_start3A_269 : memref<125xi32, #tpu.memory_space<vmem>>) semaphore(%arg13 : memref<!tpu.dma_semaphore, #tpu.memory_space<semaphore_mem>>)
      %dma_wait3A_273 = arith.constant 8 : i32
      %dma_wait3A_274 = arith.constant 0 : i32
      %dma_wait3A_275 = tpu.memref_slice %arg7[%dma_wait3A_273, %dma_wait3A_274] : memref<16x125xi32, #tpu.memory_space<vmem>> -> memref<1x125xi32, #tpu.memory_space<vmem>>
      %dma_wait3A_276 = tpu.memref_squeeze %dma_wait3A_275 : memref<1x125xi32, #tpu.memory_space<vmem>> -> memref<125xi32, #tpu.memory_space<vmem>>
      %dma_wait3A_277 = arith.constant 0 : i32
      %dma_wait3A_278 = arith.constant 0 : i32
      %dma_wait3A_279 = tpu.memref_slice %arg4[%dma_wait3A_277, %dma_wait3A_278] : memref<10000x128xf32, #tpu.memory_space<hbm>> -> memref<10000x128xf32, #tpu.memory_space<hbm>>
      tpu.wait_indirect_dma semaphore(%arg12 : memref<!tpu.dma_semaphore, #tpu.memory_space<semaphore_mem>>) src(%dma_wait3A_279 : memref<10000x128xf32, #tpu.memory_space<hbm>>) dst(%arg9 : memref<125x128xf32, #tpu.memory_space<vmem>>)
      %dma_start3A_280 = arith.constant 8 : i32
      %dma_start3A_281 = arith.constant 0 : i32
      %dma_start3A_282 = tpu.memref_slice %arg8[%dma_start3A_280, %dma_start3A_281] : memref<16x125xi32, #tpu.memory_space<vmem>> -> memref<1x125xi32, #tpu.memory_space<vmem>>
      %dma_start3A_283 = tpu.memref_squeeze %dma_start3A_282 : memref<1x125xi32, #tpu.memory_space<vmem>> -> memref<125xi32, #tpu.memory_space<vmem>>
      %dma_start3A_284 = arith.constant 0 : i32
      %dma_start3A_285 = arith.constant 0 : i32
      %dma_start3A_286 = tpu.memref_slice %arg11[%dma_start3A_284, %dma_start3A_285] : memref<10000x128xf32, #tpu.memory_space<vmem_shared>> -> memref<10000x128xf32, #tpu.memory_space<vmem_shared>>
      tpu.enqueue_indirect_dma source(%arg9 : memref<125x128xf32, #tpu.memory_space<vmem>>) target(%dma_start3A_286 : memref<10000x128xf32, #tpu.memory_space<vmem_shared>>) offsets(%dma_start3A_283 : memref<125xi32, #tpu.memory_space<vmem>>) semaphore(%arg14 : memref<!tpu.dma_semaphore, #tpu.memory_space<semaphore_mem>>) {add = true}
      %dma_wait3A_287 = arith.constant 0 : i32
      %dma_wait3A_288 = arith.constant 0 : i32
      %dma_wait3A_289 = tpu.memref_slice %arg8[%dma_wait3A_287, %dma_wait3A_288] : memref<16x125xi32, #tpu.memory_space<vmem>> -> memref<1x125xi32, #tpu.memory_space<vmem>>
      %dma_wait3A_290 = tpu.memref_squeeze %dma_wait3A_289 : memref<1x125xi32, #tpu.memory_space<vmem>> -> memref<125xi32, #tpu.memory_space<vmem>>
      %dma_wait3A_291 = arith.constant 0 : i32
      %dma_wait3A_292 = arith.constant 0 : i32
      %dma_wait3A_293 = tpu.memref_slice %arg11[%dma_wait3A_291, %dma_wait3A_292] : memref<10000x128xf32, #tpu.memory_space<vmem_shared>> -> memref<10000x128xf32, #tpu.memory_space<vmem_shared>>
      tpu.wait_indirect_dma semaphore(%arg14 : memref<!tpu.dma_semaphore, #tpu.memory_space<semaphore_mem>>) src(%arg9 : memref<125x128xf32, #tpu.memory_space<vmem>>) dst(%dma_wait3A_293 : memref<10000x128xf32, #tpu.memory_space<vmem_shared>>)
      %dma_start3A_294 = arith.constant 10 : i32
      %dma_start3A_295 = arith.constant 0 : i32
      %dma_start3A_296 = tpu.memref_slice %arg7[%dma_start3A_294, %dma_start3A_295] : memref<16x125xi32, #tpu.memory_space<vmem>> -> memref<1x125xi32, #tpu.memory_space<vmem>>
      %dma_start3A_297 = tpu.memref_squeeze %dma_start3A_296 : memref<1x125xi32, #tpu.memory_space<vmem>> -> memref<125xi32, #tpu.memory_space<vmem>>
      %dma_start3A_298 = arith.constant 0 : i32
      %dma_start3A_299 = arith.constant 0 : i32
      %dma_start3A_300 = tpu.memref_slice %arg4[%dma_start3A_298, %dma_start3A_299] : memref<10000x128xf32, #tpu.memory_space<hbm>> -> memref<10000x128xf32, #tpu.memory_space<hbm>>
      tpu.enqueue_indirect_dma source(%dma_start3A_300 : memref<10000x128xf32, #tpu.memory_space<hbm>>) target(%arg9 : memref<125x128xf32, #tpu.memory_space<vmem>>) offsets(%dma_start3A_297 : memref<125xi32, #tpu.memory_space<vmem>>) semaphore(%arg12 : memref<!tpu.dma_semaphore, #tpu.memory_space<semaphore_mem>>)
      %dma_wait3A_301 = arith.constant 9 : i32
      %dma_wait3A_302 = arith.constant 0 : i32
      %dma_wait3A_303 = tpu.memref_slice %arg7[%dma_wait3A_301, %dma_wait3A_302] : memref<16x125xi32, #tpu.memory_space<vmem>> -> memref<1x125xi32, #tpu.memory_space<vmem>>
      %dma_wait3A_304 = tpu.memref_squeeze %dma_wait3A_303 : memref<1x125xi32, #tpu.memory_space<vmem>> -> memref<125xi32, #tpu.memory_space<vmem>>
      %dma_wait3A_305 = arith.constant 0 : i32
      %dma_wait3A_306 = arith.constant 0 : i32
      %dma_wait3A_307 = tpu.memref_slice %arg4[%dma_wait3A_305, %dma_wait3A_306] : memref<10000x128xf32, #tpu.memory_space<hbm>> -> memref<10000x128xf32, #tpu.memory_space<hbm>>
      tpu.wait_indirect_dma semaphore(%arg13 : memref<!tpu.dma_semaphore, #tpu.memory_space<semaphore_mem>>) src(%dma_wait3A_307 : memref<10000x128xf32, #tpu.memory_space<hbm>>) dst(%arg10 : memref<125x128xf32, #tpu.memory_space<vmem>>)
      %dma_start3A_308 = arith.constant 9 : i32
      %dma_start3A_309 = arith.constant 0 : i32
      %dma_start3A_310 = tpu.memref_slice %arg8[%dma_start3A_308, %dma_start3A_309] : memref<16x125xi32, #tpu.memory_space<vmem>> -> memref<1x125xi32, #tpu.memory_space<vmem>>
      %dma_start3A_311 = tpu.memref_squeeze %dma_start3A_310 : memref<1x125xi32, #tpu.memory_space<vmem>> -> memref<125xi32, #tpu.memory_space<vmem>>
      %dma_start3A_312 = arith.constant 0 : i32
      %dma_start3A_313 = arith.constant 0 : i32
      %dma_start3A_314 = tpu.memref_slice %arg11[%dma_start3A_312, %dma_start3A_313] : memref<10000x128xf32, #tpu.memory_space<vmem_shared>> -> memref<10000x128xf32, #tpu.memory_space<vmem_shared>>
      tpu.enqueue_indirect_dma source(%arg10 : memref<125x128xf32, #tpu.memory_space<vmem>>) target(%dma_start3A_314 : memref<10000x128xf32, #tpu.memory_space<vmem_shared>>) offsets(%dma_start3A_311 : memref<125xi32, #tpu.memory_space<vmem>>) semaphore(%arg15 : memref<!tpu.dma_semaphore, #tpu.memory_space<semaphore_mem>>) {add = true}
      %dma_wait3A_315 = arith.constant 0 : i32
      %dma_wait3A_316 = arith.constant 0 : i32
      %dma_wait3A_317 = tpu.memref_slice %arg8[%dma_wait3A_315, %dma_wait3A_316] : memref<16x125xi32, #tpu.memory_space<vmem>> -> memref<1x125xi32, #tpu.memory_space<vmem>>
      %dma_wait3A_318 = tpu.memref_squeeze %dma_wait3A_317 : memref<1x125xi32, #tpu.memory_space<vmem>> -> memref<125xi32, #tpu.memory_space<vmem>>
      %dma_wait3A_319 = arith.constant 0 : i32
      %dma_wait3A_320 = arith.constant 0 : i32
      %dma_wait3A_321 = tpu.memref_slice %arg11[%dma_wait3A_319, %dma_wait3A_320] : memref<10000x128xf32, #tpu.memory_space<vmem_shared>> -> memref<10000x128xf32, #tpu.memory_space<vmem_shared>>
      tpu.wait_indirect_dma semaphore(%arg15 : memref<!tpu.dma_semaphore, #tpu.memory_space<semaphore_mem>>) src(%arg10 : memref<125x128xf32, #tpu.memory_space<vmem>>) dst(%dma_wait3A_321 : memref<10000x128xf32, #tpu.memory_space<vmem_shared>>)
      %dma_start3A_322 = arith.constant 11 : i32
      %dma_start3A_323 = arith.constant 0 : i32
      %dma_start3A_324 = tpu.memref_slice %arg7[%dma_start3A_322, %dma_start3A_323] : memref<16x125xi32, #tpu.memory_space<vmem>> -> memref<1x125xi32, #tpu.memory_space<vmem>>
      %dma_start3A_325 = tpu.memref_squeeze %dma_start3A_324 : memref<1x125xi32, #tpu.memory_space<vmem>> -> memref<125xi32, #tpu.memory_space<vmem>>
      %dma_start3A_326 = arith.constant 0 : i32
      %dma_start3A_327 = arith.constant 0 : i32
      %dma_start3A_328 = tpu.memref_slice %arg4[%dma_start3A_326, %dma_start3A_327] : memref<10000x128xf32, #tpu.memory_space<hbm>> -> memref<10000x128xf32, #tpu.memory_space<hbm>>
      tpu.enqueue_indirect_dma source(%dma_start3A_328 : memref<10000x128xf32, #tpu.memory_space<hbm>>) target(%arg10 : memref<125x128xf32, #tpu.memory_space<vmem>>) offsets(%dma_start3A_325 : memref<125xi32, #tpu.memory_space<vmem>>) semaphore(%arg13 : memref<!tpu.dma_semaphore, #tpu.memory_space<semaphore_mem>>)
      %dma_wait3A_329 = arith.constant 10 : i32
      %dma_wait3A_330 = arith.constant 0 : i32
      %dma_wait3A_331 = tpu.memref_slice %arg7[%dma_wait3A_329, %dma_wait3A_330] : memref<16x125xi32, #tpu.memory_space<vmem>> -> memref<1x125xi32, #tpu.memory_space<vmem>>
      %dma_wait3A_332 = tpu.memref_squeeze %dma_wait3A_331 : memref<1x125xi32, #tpu.memory_space<vmem>> -> memref<125xi32, #tpu.memory_space<vmem>>
      %dma_wait3A_333 = arith.constant 0 : i32
      %dma_wait3A_334 = arith.constant 0 : i32
      %dma_wait3A_335 = tpu.memref_slice %arg4[%dma_wait3A_333, %dma_wait3A_334] : memref<10000x128xf32, #tpu.memory_space<hbm>> -> memref<10000x128xf32, #tpu.memory_space<hbm>>
      tpu.wait_indirect_dma semaphore(%arg12 : memref<!tpu.dma_semaphore, #tpu.memory_space<semaphore_mem>>) src(%dma_wait3A_335 : memref<10000x128xf32, #tpu.memory_space<hbm>>) dst(%arg9 : memref<125x128xf32, #tpu.memory_space<vmem>>)
      %dma_start3A_336 = arith.constant 10 : i32
      %dma_start3A_337 = arith.constant 0 : i32
      %dma_start3A_338 = tpu.memref_slice %arg8[%dma_start3A_336, %dma_start3A_337] : memref<16x125xi32, #tpu.memory_space<vmem>> -> memref<1x125xi32, #tpu.memory_space<vmem>>
      %dma_start3A_339 = tpu.memref_squeeze %dma_start3A_338 : memref<1x125xi32, #tpu.memory_space<vmem>> -> memref<125xi32, #tpu.memory_space<vmem>>
      %dma_start3A_340 = arith.constant 0 : i32
      %dma_start3A_341 = arith.constant 0 : i32
      %dma_start3A_342 = tpu.memref_slice %arg11[%dma_start3A_340, %dma_start3A_341] : memref<10000x128xf32, #tpu.memory_space<vmem_shared>> -> memref<10000x128xf32, #tpu.memory_space<vmem_shared>>
      tpu.enqueue_indirect_dma source(%arg9 : memref<125x128xf32, #tpu.memory_space<vmem>>) target(%dma_start3A_342 : memref<10000x128xf32, #tpu.memory_space<vmem_shared>>) offsets(%dma_start3A_339 : memref<125xi32, #tpu.memory_space<vmem>>) semaphore(%arg14 : memref<!tpu.dma_semaphore, #tpu.memory_space<semaphore_mem>>) {add = true}
      %dma_wait3A_343 = arith.constant 0 : i32
      %dma_wait3A_344 = arith.constant 0 : i32
      %dma_wait3A_345 = tpu.memref_slice %arg8[%dma_wait3A_343, %dma_wait3A_344] : memref<16x125xi32, #tpu.memory_space<vmem>> -> memref<1x125xi32, #tpu.memory_space<vmem>>
      %dma_wait3A_346 = tpu.memref_squeeze %dma_wait3A_345 : memref<1x125xi32, #tpu.memory_space<vmem>> -> memref<125xi32, #tpu.memory_space<vmem>>
      %dma_wait3A_347 = arith.constant 0 : i32
      %dma_wait3A_348 = arith.constant 0 : i32
      %dma_wait3A_349 = tpu.memref_slice %arg11[%dma_wait3A_347, %dma_wait3A_348] : memref<10000x128xf32, #tpu.memory_space<vmem_shared>> -> memref<10000x128xf32, #tpu.memory_space<vmem_shared>>
      tpu.wait_indirect_dma semaphore(%arg14 : memref<!tpu.dma_semaphore, #tpu.memory_space<semaphore_mem>>) src(%arg9 : memref<125x128xf32, #tpu.memory_space<vmem>>) dst(%dma_wait3A_349 : memref<10000x128xf32, #tpu.memory_space<vmem_shared>>)
      %dma_start3A_350 = arith.constant 12 : i32
      %dma_start3A_351 = arith.constant 0 : i32
      %dma_start3A_352 = tpu.memref_slice %arg7[%dma_start3A_350, %dma_start3A_351] : memref<16x125xi32, #tpu.memory_space<vmem>> -> memref<1x125xi32, #tpu.memory_space<vmem>>
      %dma_start3A_353 = tpu.memref_squeeze %dma_start3A_352 : memref<1x125xi32, #tpu.memory_space<vmem>> -> memref<125xi32, #tpu.memory_space<vmem>>
      %dma_start3A_354 = arith.constant 0 : i32
      %dma_start3A_355 = arith.constant 0 : i32
      %dma_start3A_356 = tpu.memref_slice %arg4[%dma_start3A_354, %dma_start3A_355] : memref<10000x128xf32, #tpu.memory_space<hbm>> -> memref<10000x128xf32, #tpu.memory_space<hbm>>
      tpu.enqueue_indirect_dma source(%dma_start3A_356 : memref<10000x128xf32, #tpu.memory_space<hbm>>) target(%arg9 : memref<125x128xf32, #tpu.memory_space<vmem>>) offsets(%dma_start3A_353 : memref<125xi32, #tpu.memory_space<vmem>>) semaphore(%arg12 : memref<!tpu.dma_semaphore, #tpu.memory_space<semaphore_mem>>)
      %dma_wait3A_357 = arith.constant 11 : i32
      %dma_wait3A_358 = arith.constant 0 : i32
      %dma_wait3A_359 = tpu.memref_slice %arg7[%dma_wait3A_357, %dma_wait3A_358] : memref<16x125xi32, #tpu.memory_space<vmem>> -> memref<1x125xi32, #tpu.memory_space<vmem>>
      %dma_wait3A_360 = tpu.memref_squeeze %dma_wait3A_359 : memref<1x125xi32, #tpu.memory_space<vmem>> -> memref<125xi32, #tpu.memory_space<vmem>>
      %dma_wait3A_361 = arith.constant 0 : i32
      %dma_wait3A_362 = arith.constant 0 : i32
      %dma_wait3A_363 = tpu.memref_slice %arg4[%dma_wait3A_361, %dma_wait3A_362] : memref<10000x128xf32, #tpu.memory_space<hbm>> -> memref<10000x128xf32, #tpu.memory_space<hbm>>
      tpu.wait_indirect_dma semaphore(%arg13 : memref<!tpu.dma_semaphore, #tpu.memory_space<semaphore_mem>>) src(%dma_wait3A_363 : memref<10000x128xf32, #tpu.memory_space<hbm>>) dst(%arg10 : memref<125x128xf32, #tpu.memory_space<vmem>>)
      %dma_start3A_364 = arith.constant 11 : i32
      %dma_start3A_365 = arith.constant 0 : i32
      %dma_start3A_366 = tpu.memref_slice %arg8[%dma_start3A_364, %dma_start3A_365] : memref<16x125xi32, #tpu.memory_space<vmem>> -> memref<1x125xi32, #tpu.memory_space<vmem>>
      %dma_start3A_367 = tpu.memref_squeeze %dma_start3A_366 : memref<1x125xi32, #tpu.memory_space<vmem>> -> memref<125xi32, #tpu.memory_space<vmem>>
      %dma_start3A_368 = arith.constant 0 : i32
      %dma_start3A_369 = arith.constant 0 : i32
      %dma_start3A_370 = tpu.memref_slice %arg11[%dma_start3A_368, %dma_start3A_369] : memref<10000x128xf32, #tpu.memory_space<vmem_shared>> -> memref<10000x128xf32, #tpu.memory_space<vmem_shared>>
      tpu.enqueue_indirect_dma source(%arg10 : memref<125x128xf32, #tpu.memory_space<vmem>>) target(%dma_start3A_370 : memref<10000x128xf32, #tpu.memory_space<vmem_shared>>) offsets(%dma_start3A_367 : memref<125xi32, #tpu.memory_space<vmem>>) semaphore(%arg15 : memref<!tpu.dma_semaphore, #tpu.memory_space<semaphore_mem>>) {add = true}
      %dma_wait3A_371 = arith.constant 0 : i32
      %dma_wait3A_372 = arith.constant 0 : i32
      %dma_wait3A_373 = tpu.memref_slice %arg8[%dma_wait3A_371, %dma_wait3A_372] : memref<16x125xi32, #tpu.memory_space<vmem>> -> memref<1x125xi32, #tpu.memory_space<vmem>>
      %dma_wait3A_374 = tpu.memref_squeeze %dma_wait3A_373 : memref<1x125xi32, #tpu.memory_space<vmem>> -> memref<125xi32, #tpu.memory_space<vmem>>
      %dma_wait3A_375 = arith.constant 0 : i32
      %dma_wait3A_376 = arith.constant 0 : i32
      %dma_wait3A_377 = tpu.memref_slice %arg11[%dma_wait3A_375, %dma_wait3A_376] : memref<10000x128xf32, #tpu.memory_space<vmem_shared>> -> memref<10000x128xf32, #tpu.memory_space<vmem_shared>>
      tpu.wait_indirect_dma semaphore(%arg15 : memref<!tpu.dma_semaphore, #tpu.memory_space<semaphore_mem>>) src(%arg10 : memref<125x128xf32, #tpu.memory_space<vmem>>) dst(%dma_wait3A_377 : memref<10000x128xf32, #tpu.memory_space<vmem_shared>>)
      %dma_start3A_378 = arith.constant 13 : i32
      %dma_start3A_379 = arith.constant 0 : i32
      %dma_start3A_380 = tpu.memref_slice %arg7[%dma_start3A_378, %dma_start3A_379] : memref<16x125xi32, #tpu.memory_space<vmem>> -> memref<1x125xi32, #tpu.memory_space<vmem>>
      %dma_start3A_381 = tpu.memref_squeeze %dma_start3A_380 : memref<1x125xi32, #tpu.memory_space<vmem>> -> memref<125xi32, #tpu.memory_space<vmem>>
      %dma_start3A_382 = arith.constant 0 : i32
      %dma_start3A_383 = arith.constant 0 : i32
      %dma_start3A_384 = tpu.memref_slice %arg4[%dma_start3A_382, %dma_start3A_383] : memref<10000x128xf32, #tpu.memory_space<hbm>> -> memref<10000x128xf32, #tpu.memory_space<hbm>>
      tpu.enqueue_indirect_dma source(%dma_start3A_384 : memref<10000x128xf32, #tpu.memory_space<hbm>>) target(%arg10 : memref<125x128xf32, #tpu.memory_space<vmem>>) offsets(%dma_start3A_381 : memref<125xi32, #tpu.memory_space<vmem>>) semaphore(%arg13 : memref<!tpu.dma_semaphore, #tpu.memory_space<semaphore_mem>>)
      %dma_wait3A_385 = arith.constant 12 : i32
      %dma_wait3A_386 = arith.constant 0 : i32
      %dma_wait3A_387 = tpu.memref_slice %arg7[%dma_wait3A_385, %dma_wait3A_386] : memref<16x125xi32, #tpu.memory_space<vmem>> -> memref<1x125xi32, #tpu.memory_space<vmem>>
      %dma_wait3A_388 = tpu.memref_squeeze %dma_wait3A_387 : memref<1x125xi32, #tpu.memory_space<vmem>> -> memref<125xi32, #tpu.memory_space<vmem>>
      %dma_wait3A_389 = arith.constant 0 : i32
      %dma_wait3A_390 = arith.constant 0 : i32
      %dma_wait3A_391 = tpu.memref_slice %arg4[%dma_wait3A_389, %dma_wait3A_390] : memref<10000x128xf32, #tpu.memory_space<hbm>> -> memref<10000x128xf32, #tpu.memory_space<hbm>>
      tpu.wait_indirect_dma semaphore(%arg12 : memref<!tpu.dma_semaphore, #tpu.memory_space<semaphore_mem>>) src(%dma_wait3A_391 : memref<10000x128xf32, #tpu.memory_space<hbm>>) dst(%arg9 : memref<125x128xf32, #tpu.memory_space<vmem>>)
      %dma_start3A_392 = arith.constant 12 : i32
      %dma_start3A_393 = arith.constant 0 : i32
      %dma_start3A_394 = tpu.memref_slice %arg8[%dma_start3A_392, %dma_start3A_393] : memref<16x125xi32, #tpu.memory_space<vmem>> -> memref<1x125xi32, #tpu.memory_space<vmem>>
      %dma_start3A_395 = tpu.memref_squeeze %dma_start3A_394 : memref<1x125xi32, #tpu.memory_space<vmem>> -> memref<125xi32, #tpu.memory_space<vmem>>
      %dma_start3A_396 = arith.constant 0 : i32
      %dma_start3A_397 = arith.constant 0 : i32
      %dma_start3A_398 = tpu.memref_slice %arg11[%dma_start3A_396, %dma_start3A_397] : memref<10000x128xf32, #tpu.memory_space<vmem_shared>> -> memref<10000x128xf32, #tpu.memory_space<vmem_shared>>
      tpu.enqueue_indirect_dma source(%arg9 : memref<125x128xf32, #tpu.memory_space<vmem>>) target(%dma_start3A_398 : memref<10000x128xf32, #tpu.memory_space<vmem_shared>>) offsets(%dma_start3A_395 : memref<125xi32, #tpu.memory_space<vmem>>) semaphore(%arg14 : memref<!tpu.dma_semaphore, #tpu.memory_space<semaphore_mem>>) {add = true}
      %dma_wait3A_399 = arith.constant 0 : i32
      %dma_wait3A_400 = arith.constant 0 : i32
      %dma_wait3A_401 = tpu.memref_slice %arg8[%dma_wait3A_399, %dma_wait3A_400] : memref<16x125xi32, #tpu.memory_space<vmem>> -> memref<1x125xi32, #tpu.memory_space<vmem>>
      %dma_wait3A_402 = tpu.memref_squeeze %dma_wait3A_401 : memref<1x125xi32, #tpu.memory_space<vmem>> -> memref<125xi32, #tpu.memory_space<vmem>>
      %dma_wait3A_403 = arith.constant 0 : i32
      %dma_wait3A_404 = arith.constant 0 : i32
      %dma_wait3A_405 = tpu.memref_slice %arg11[%dma_wait3A_403, %dma_wait3A_404] : memref<10000x128xf32, #tpu.memory_space<vmem_shared>> -> memref<10000x128xf32, #tpu.memory_space<vmem_shared>>
      tpu.wait_indirect_dma semaphore(%arg14 : memref<!tpu.dma_semaphore, #tpu.memory_space<semaphore_mem>>) src(%arg9 : memref<125x128xf32, #tpu.memory_space<vmem>>) dst(%dma_wait3A_405 : memref<10000x128xf32, #tpu.memory_space<vmem_shared>>)
      %dma_start3A_406 = arith.constant 14 : i32
      %dma_start3A_407 = arith.constant 0 : i32
      %dma_start3A_408 = tpu.memref_slice %arg7[%dma_start3A_406, %dma_start3A_407] : memref<16x125xi32, #tpu.memory_space<vmem>> -> memref<1x125xi32, #tpu.memory_space<vmem>>
      %dma_start3A_409 = tpu.memref_squeeze %dma_start3A_408 : memref<1x125xi32, #tpu.memory_space<vmem>> -> memref<125xi32, #tpu.memory_space<vmem>>
      %dma_start3A_410 = arith.constant 0 : i32
      %dma_start3A_411 = arith.constant 0 : i32
      %dma_start3A_412 = tpu.memref_slice %arg4[%dma_start3A_410, %dma_start3A_411] : memref<10000x128xf32, #tpu.memory_space<hbm>> -> memref<10000x128xf32, #tpu.memory_space<hbm>>
      tpu.enqueue_indirect_dma source(%dma_start3A_412 : memref<10000x128xf32, #tpu.memory_space<hbm>>) target(%arg9 : memref<125x128xf32, #tpu.memory_space<vmem>>) offsets(%dma_start3A_409 : memref<125xi32, #tpu.memory_space<vmem>>) semaphore(%arg12 : memref<!tpu.dma_semaphore, #tpu.memory_space<semaphore_mem>>)
      %dma_wait3A_413 = arith.constant 13 : i32
      %dma_wait3A_414 = arith.constant 0 : i32
      %dma_wait3A_415 = tpu.memref_slice %arg7[%dma_wait3A_413, %dma_wait3A_414] : memref<16x125xi32, #tpu.memory_space<vmem>> -> memref<1x125xi32, #tpu.memory_space<vmem>>
      %dma_wait3A_416 = tpu.memref_squeeze %dma_wait3A_415 : memref<1x125xi32, #tpu.memory_space<vmem>> -> memref<125xi32, #tpu.memory_space<vmem>>
      %dma_wait3A_417 = arith.constant 0 : i32
      %dma_wait3A_418 = arith.constant 0 : i32
      %dma_wait3A_419 = tpu.memref_slice %arg4[%dma_wait3A_417, %dma_wait3A_418] : memref<10000x128xf32, #tpu.memory_space<hbm>> -> memref<10000x128xf32, #tpu.memory_space<hbm>>
      tpu.wait_indirect_dma semaphore(%arg13 : memref<!tpu.dma_semaphore, #tpu.memory_space<semaphore_mem>>) src(%dma_wait3A_419 : memref<10000x128xf32, #tpu.memory_space<hbm>>) dst(%arg10 : memref<125x128xf32, #tpu.memory_space<vmem>>)
      %dma_start3A_420 = arith.constant 13 : i32
      %dma_start3A_421 = arith.constant 0 : i32
      %dma_start3A_422 = tpu.memref_slice %arg8[%dma_start3A_420, %dma_start3A_421] : memref<16x125xi32, #tpu.memory_space<vmem>> -> memref<1x125xi32, #tpu.memory_space<vmem>>
      %dma_start3A_423 = tpu.memref_squeeze %dma_start3A_422 : memref<1x125xi32, #tpu.memory_space<vmem>> -> memref<125xi32, #tpu.memory_space<vmem>>
      %dma_start3A_424 = arith.constant 0 : i32
      %dma_start3A_425 = arith.constant 0 : i32
      %dma_start3A_426 = tpu.memref_slice %arg11[%dma_start3A_424, %dma_start3A_425] : memref<10000x128xf32, #tpu.memory_space<vmem_shared>> -> memref<10000x128xf32, #tpu.memory_space<vmem_shared>>
      tpu.enqueue_indirect_dma source(%arg10 : memref<125x128xf32, #tpu.memory_space<vmem>>) target(%dma_start3A_426 : memref<10000x128xf32, #tpu.memory_space<vmem_shared>>) offsets(%dma_start3A_423 : memref<125xi32, #tpu.memory_space<vmem>>) semaphore(%arg15 : memref<!tpu.dma_semaphore, #tpu.memory_space<semaphore_mem>>) {add = true}
      %dma_wait3A_427 = arith.constant 0 : i32
      %dma_wait3A_428 = arith.constant 0 : i32
      %dma_wait3A_429 = tpu.memref_slice %arg8[%dma_wait3A_427, %dma_wait3A_428] : memref<16x125xi32, #tpu.memory_space<vmem>> -> memref<1x125xi32, #tpu.memory_space<vmem>>
      %dma_wait3A_430 = tpu.memref_squeeze %dma_wait3A_429 : memref<1x125xi32, #tpu.memory_space<vmem>> -> memref<125xi32, #tpu.memory_space<vmem>>
      %dma_wait3A_431 = arith.constant 0 : i32
      %dma_wait3A_432 = arith.constant 0 : i32
      %dma_wait3A_433 = tpu.memref_slice %arg11[%dma_wait3A_431, %dma_wait3A_432] : memref<10000x128xf32, #tpu.memory_space<vmem_shared>> -> memref<10000x128xf32, #tpu.memory_space<vmem_shared>>
      tpu.wait_indirect_dma semaphore(%arg15 : memref<!tpu.dma_semaphore, #tpu.memory_space<semaphore_mem>>) src(%arg10 : memref<125x128xf32, #tpu.memory_space<vmem>>) dst(%dma_wait3A_433 : memref<10000x128xf32, #tpu.memory_space<vmem_shared>>)
      %dma_start3A_434 = arith.constant 15 : i32
      %dma_start3A_435 = arith.constant 0 : i32
      %dma_start3A_436 = tpu.memref_slice %arg7[%dma_start3A_434, %dma_start3A_435] : memref<16x125xi32, #tpu.memory_space<vmem>> -> memref<1x125xi32, #tpu.memory_space<vmem>>
      %dma_start3A_437 = tpu.memref_squeeze %dma_start3A_436 : memref<1x125xi32, #tpu.memory_space<vmem>> -> memref<125xi32, #tpu.memory_space<vmem>>
      %dma_start3A_438 = arith.constant 0 : i32
      %dma_start3A_439 = arith.constant 0 : i32
      %dma_start3A_440 = tpu.memref_slice %arg4[%dma_start3A_438, %dma_start3A_439] : memref<10000x128xf32, #tpu.memory_space<hbm>> -> memref<10000x128xf32, #tpu.memory_space<hbm>>
      tpu.enqueue_indirect_dma source(%dma_start3A_440 : memref<10000x128xf32, #tpu.memory_space<hbm>>) target(%arg10 : memref<125x128xf32, #tpu.memory_space<vmem>>) offsets(%dma_start3A_437 : memref<125xi32, #tpu.memory_space<vmem>>) semaphore(%arg13 : memref<!tpu.dma_semaphore, #tpu.memory_space<semaphore_mem>>)
      %dma_wait3A_441 = arith.constant 14 : i32
      %dma_wait3A_442 = arith.constant 0 : i32
      %dma_wait3A_443 = tpu.memref_slice %arg7[%dma_wait3A_441, %dma_wait3A_442] : memref<16x125xi32, #tpu.memory_space<vmem>> -> memref<1x125xi32, #tpu.memory_space<vmem>>
      %dma_wait3A_444 = tpu.memref_squeeze %dma_wait3A_443 : memref<1x125xi32, #tpu.memory_space<vmem>> -> memref<125xi32, #tpu.memory_space<vmem>>
      %dma_wait3A_445 = arith.constant 0 : i32
      %dma_wait3A_446 = arith.constant 0 : i32
      %dma_wait3A_447 = tpu.memref_slice %arg4[%dma_wait3A_445, %dma_wait3A_446] : memref<10000x128xf32, #tpu.memory_space<hbm>> -> memref<10000x128xf32, #tpu.memory_space<hbm>>
      tpu.wait_indirect_dma semaphore(%arg12 : memref<!tpu.dma_semaphore, #tpu.memory_space<semaphore_mem>>) src(%dma_wait3A_447 : memref<10000x128xf32, #tpu.memory_space<hbm>>) dst(%arg9 : memref<125x128xf32, #tpu.memory_space<vmem>>)
      %dma_start3A_448 = arith.constant 14 : i32
      %dma_start3A_449 = arith.constant 0 : i32
      %dma_start3A_450 = tpu.memref_slice %arg8[%dma_start3A_448, %dma_start3A_449] : memref<16x125xi32, #tpu.memory_space<vmem>> -> memref<1x125xi32, #tpu.memory_space<vmem>>
      %dma_start3A_451 = tpu.memref_squeeze %dma_start3A_450 : memref<1x125xi32, #tpu.memory_space<vmem>> -> memref<125xi32, #tpu.memory_space<vmem>>
      %dma_start3A_452 = arith.constant 0 : i32
      %dma_start3A_453 = arith.constant 0 : i32
      %dma_start3A_454 = tpu.memref_slice %arg11[%dma_start3A_452, %dma_start3A_453] : memref<10000x128xf32, #tpu.memory_space<vmem_shared>> -> memref<10000x128xf32, #tpu.memory_space<vmem_shared>>
      tpu.enqueue_indirect_dma source(%arg9 : memref<125x128xf32, #tpu.memory_space<vmem>>) target(%dma_start3A_454 : memref<10000x128xf32, #tpu.memory_space<vmem_shared>>) offsets(%dma_start3A_451 : memref<125xi32, #tpu.memory_space<vmem>>) semaphore(%arg14 : memref<!tpu.dma_semaphore, #tpu.memory_space<semaphore_mem>>) {add = true}
      %dma_wait3A_455 = arith.constant 15 : i32
      %dma_wait3A_456 = arith.constant 0 : i32
      %dma_wait3A_457 = tpu.memref_slice %arg7[%dma_wait3A_455, %dma_wait3A_456] : memref<16x125xi32, #tpu.memory_space<vmem>> -> memref<1x125xi32, #tpu.memory_space<vmem>>
      %dma_wait3A_458 = tpu.memref_squeeze %dma_wait3A_457 : memref<1x125xi32, #tpu.memory_space<vmem>> -> memref<125xi32, #tpu.memory_space<vmem>>
      %dma_wait3A_459 = arith.constant 0 : i32
      %dma_wait3A_460 = arith.constant 0 : i32
      %dma_wait3A_461 = tpu.memref_slice %arg4[%dma_wait3A_459, %dma_wait3A_460] : memref<10000x128xf32, #tpu.memory_space<hbm>> -> memref<10000x128xf32, #tpu.memory_space<hbm>>
      tpu.wait_indirect_dma semaphore(%arg13 : memref<!tpu.dma_semaphore, #tpu.memory_space<semaphore_mem>>) src(%dma_wait3A_461 : memref<10000x128xf32, #tpu.memory_space<hbm>>) dst(%arg10 : memref<125x128xf32, #tpu.memory_space<vmem>>)
      %dma_start3A_462 = arith.constant 15 : i32
      %dma_start3A_463 = arith.constant 0 : i32
      %dma_start3A_464 = tpu.memref_slice %arg8[%dma_start3A_462, %dma_start3A_463] : memref<16x125xi32, #tpu.memory_space<vmem>> -> memref<1x125xi32, #tpu.memory_space<vmem>>
      %dma_start3A_465 = tpu.memref_squeeze %dma_start3A_464 : memref<1x125xi32, #tpu.memory_space<vmem>> -> memref<125xi32, #tpu.memory_space<vmem>>
      %dma_start3A_466 = arith.constant 0 : i32
      %dma_start3A_467 = arith.constant 0 : i32
      %dma_start3A_468 = tpu.memref_slice %arg11[%dma_start3A_466, %dma_start3A_467] : memref<10000x128xf32, #tpu.memory_space<vmem_shared>> -> memref<10000x128xf32, #tpu.memory_space<vmem_shared>>
      tpu.enqueue_indirect_dma source(%arg10 : memref<125x128xf32, #tpu.memory_space<vmem>>) target(%dma_start3A_468 : memref<10000x128xf32, #tpu.memory_space<vmem_shared>>) offsets(%dma_start3A_465 : memref<125xi32, #tpu.memory_space<vmem>>) semaphore(%arg15 : memref<!tpu.dma_semaphore, #tpu.memory_space<semaphore_mem>>) {add = true}
    }
    %scan3A_7 = arith.constant 5 : i32
    %dma_wait3A = arith.constant 0 : i32
    %dma_wait3A_8 = arith.constant 0 : i32
    %dma_wait3A_9 = tpu.memref_slice %arg8[%dma_wait3A, %dma_wait3A_8] : memref<16x125xi32, #tpu.memory_space<vmem>> -> memref<1x125xi32, #tpu.memory_space<vmem>>
    %dma_wait3A_10 = tpu.memref_squeeze %dma_wait3A_9 : memref<1x125xi32, #tpu.memory_space<vmem>> -> memref<125xi32, #tpu.memory_space<vmem>>
    %dma_wait3A_11 = arith.constant 0 : i32
    %dma_wait3A_12 = arith.constant 0 : i32
    %dma_wait3A_13 = tpu.memref_slice %arg11[%dma_wait3A_11, %dma_wait3A_12] : memref<10000x128xf32, #tpu.memory_space<vmem_shared>> -> memref<10000x128xf32, #tpu.memory_space<vmem_shared>>
    tpu.wait_indirect_dma semaphore(%arg14 : memref<!tpu.dma_semaphore, #tpu.memory_space<semaphore_mem>>) src(%arg9 : memref<125x128xf32, #tpu.memory_space<vmem>>) dst(%dma_wait3A_13 : memref<10000x128xf32, #tpu.memory_space<vmem_shared>>)
    %dma_wait3A_14 = arith.constant 0 : i32
    %dma_wait3A_15 = arith.constant 0 : i32
    %dma_wait3A_16 = tpu.memref_slice %arg8[%dma_wait3A_14, %dma_wait3A_15] : memref<16x125xi32, #tpu.memory_space<vmem>> -> memref<1x125xi32, #tpu.memory_space<vmem>>
    %dma_wait3A_17 = tpu.memref_squeeze %dma_wait3A_16 : memref<1x125xi32, #tpu.memory_space<vmem>> -> memref<125xi32, #tpu.memory_space<vmem>>
    %dma_wait3A_18 = arith.constant 0 : i32
    %dma_wait3A_19 = arith.constant 0 : i32
    %dma_wait3A_20 = tpu.memref_slice %arg11[%dma_wait3A_18, %dma_wait3A_19] : memref<10000x128xf32, #tpu.memory_space<vmem_shared>> -> memref<10000x128xf32, #tpu.memory_space<vmem_shared>>
    tpu.wait_indirect_dma semaphore(%arg15 : memref<!tpu.dma_semaphore, #tpu.memory_space<semaphore_mem>>) src(%arg10 : memref<125x128xf32, #tpu.memory_space<vmem>>) dst(%dma_wait3A_20 : memref<10000x128xf32, #tpu.memory_space<vmem_shared>>)
    %barrier3A_21 = arith.constant 0 : index
    tpu.barrier barrier_id(%barrier3A_21)
    %lt3A_22 = arith.constant 10 : i32
    %lt3A_23 = arith.cmpi slt, %arg1, %lt3A_22 : i32
    %convert_element_type3A_24 = arith.extui %lt3A_23 : i1 to i32
    %cond3A_25 = arith.constant 0 : i32
    %cond3A_26 = arith.cmpi ne, %convert_element_type3A_24, %cond3A_25 : i32
    scf.if %cond3A_26 {
      %mul3A_27 = arith.constant 1000 : i32
      %mul3A_28 = arith.muli %arg1, %mul3A_27 : i32
      %mul3A_29 = arith.constant 1000 : i32
      %mul3A_30 = arith.muli %arg1, %mul3A_29 : i32
      "tpu.region"() ({
        %run_scoped3A = tpu.sem_alloc : memref<!tpu.dma_semaphore, #tpu.memory_space<semaphore_mem>>
        %dma_start3A = arith.constant 0 : i32
        %dma_start3A_31 = tpu.memref_slice %arg6[%arg0, %mul3A_30, %dma_start3A] : memref<2x10000x128xf32, #tpu.memory_space<hbm>> -> memref<1x1000x128xf32, #tpu.memory_space<hbm>>
        %dma_start3A_32 = tpu.memref_squeeze %dma_start3A_31 : memref<1x1000x128xf32, #tpu.memory_space<hbm>> -> memref<1000x128xf32, #tpu.memory_space<hbm>>
        %dma_start3A_33 = arith.constant 0 : i32
        %dma_start3A_34 = tpu.memref_slice %arg11[%mul3A_28, %dma_start3A_33] : memref<10000x128xf32, #tpu.memory_space<vmem_shared>> -> memref<1000x128xf32, #tpu.memory_space<vmem_shared>>
        tpu.enqueue_dma source(%dma_start3A_34 : memref<1000x128xf32, #tpu.memory_space<vmem_shared>>) target(%dma_start3A_32 : memref<1000x128xf32, #tpu.memory_space<hbm>>) target_semaphore(%run_scoped3A : memref<!tpu.dma_semaphore, #tpu.memory_space<semaphore_mem>>)
        %dma_wait3A_35 = arith.constant 0 : i32
        %dma_wait3A_36 = tpu.memref_slice %arg6[%arg0, %mul3A_30, %dma_wait3A_35] : memref<2x10000x128xf32, #tpu.memory_space<hbm>> -> memref<1x1000x128xf32, #tpu.memory_space<hbm>>
        %dma_wait3A_37 = tpu.memref_squeeze %dma_wait3A_36 : memref<1x1000x128xf32, #tpu.memory_space<hbm>> -> memref<1000x128xf32, #tpu.memory_space<hbm>>
        %dma_wait3A_38 = arith.constant 0 : i32
        %dma_wait3A_39 = tpu.memref_slice %arg11[%mul3A_28, %dma_wait3A_38] : memref<10000x128xf32, #tpu.memory_space<vmem_shared>> -> memref<1000x128xf32, #tpu.memory_space<vmem_shared>>
        tpu.wait_dma2 semaphore(%run_scoped3A : memref<!tpu.dma_semaphore, #tpu.memory_space<semaphore_mem>>) src(%dma_wait3A_39 : memref<1000x128xf32, #tpu.memory_space<vmem_shared>>) dst(%dma_wait3A_37 : memref<1000x128xf32, #tpu.memory_space<hbm>>)
        tpu.yield
      }) : () -> ()
    } else {
    }
    return
  }
}

#map = affine_map<(d0, d1) -> (0, 0, 0)>
#map1 = affine_map<(d0, d1) -> (0, 0)>
module attributes {stable_mosaic.version = 14 : i64} {
  func.func @_seg_body(%arg0: i32, %arg1: i32, %arg2: memref<32x80x125xi32, #tpu.memory_space<hbm>>, %arg3: memref<32x80x125xi32, #tpu.memory_space<hbm>>, %arg4: memref<10000x128xf32, #tpu.memory_space<hbm>>, %arg5: memref<1000x128xf32, #tpu.memory_space<hbm>>, %arg6: memref<2x10000x128xf32, #tpu.memory_space<hbm>>, %arg7: memref<16x125xi32, #tpu.memory_space<vmem>>, %arg8: memref<16x125xi32, #tpu.memory_space<vmem>>, %arg9: memref<125x128xf32, #tpu.memory_space<vmem>>, %arg10: memref<125x128xf32, #tpu.memory_space<vmem>>, %arg11: memref<10000x128xf32, #tpu.memory_space<vmem_shared>>, %arg12: memref<!tpu.dma_semaphore, #tpu.memory_space<semaphore_mem>>, %arg13: memref<!tpu.dma_semaphore, #tpu.memory_space<semaphore_mem>>, %arg14: memref<!tpu.dma_semaphore, #tpu.memory_space<semaphore_mem>>, %arg15: memref<!tpu.dma_semaphore, #tpu.memory_space<semaphore_mem>>) attributes {dimension_semantics = [#tpu.dimension_semantics<core_parallel>, #tpu.dimension_semantics<subcore_parallel>], iteration_bounds = array<i64: 2, 16>, scalar_prefetch = 0 : i64, scratch_operands = 9 : i64, tpu.core_type = #tpu.core_type<sc_vector_subcore>, window_params = [{transform_indices = #map}, {transform_indices = #map}, {transform_indices = #map1}, {transform_indices = #map1}, {transform_indices = #map}]} {
    %mul3A = arith.constant 2 : i32
    %mul3A_0 = arith.muli %arg1, %mul3A : i32
    %add3A = arith.addi %mul3A_0, %arg0 : i32
    %lt3A = arith.constant 10 : i32
    %lt3A_1 = arith.cmpi slt, %arg1, %lt3A : i32
    %convert_element_type3A = arith.extui %lt3A_1 : i1 to i32
    %cond3A = arith.constant 0 : i32
    %cond3A_2 = arith.cmpi ne, %convert_element_type3A, %cond3A : i32
    scf.if %cond3A_2 {
      %mul3A_27 = arith.constant 1000 : i32
      %mul3A_28 = arith.muli %arg1, %mul3A_27 : i32
      "tpu.region"() ({
        %run_scoped3A = tpu.sem_alloc : memref<!tpu.dma_semaphore, #tpu.memory_space<semaphore_mem>>
        %dma_start3A = arith.constant 0 : i32
        %dma_start3A_29 = tpu.memref_slice %arg11[%mul3A_28, %dma_start3A] : memref<10000x128xf32, #tpu.memory_space<vmem_shared>> -> memref<1000x128xf32, #tpu.memory_space<vmem_shared>>
        tpu.enqueue_dma source(%arg5 : memref<1000x128xf32, #tpu.memory_space<hbm>>) target(%dma_start3A_29 : memref<1000x128xf32, #tpu.memory_space<vmem_shared>>) target_semaphore(%run_scoped3A : memref<!tpu.dma_semaphore, #tpu.memory_space<semaphore_mem>>)
        %dma_wait3A_30 = arith.constant 0 : i32
        %dma_wait3A_31 = tpu.memref_slice %arg11[%mul3A_28, %dma_wait3A_30] : memref<10000x128xf32, #tpu.memory_space<vmem_shared>> -> memref<1000x128xf32, #tpu.memory_space<vmem_shared>>
        tpu.wait_dma2 semaphore(%run_scoped3A : memref<!tpu.dma_semaphore, #tpu.memory_space<semaphore_mem>>) src(%arg5 : memref<1000x128xf32, #tpu.memory_space<hbm>>) dst(%dma_wait3A_31 : memref<1000x128xf32, #tpu.memory_space<vmem_shared>>)
        tpu.yield
      }) : () -> ()
    } else {
    }
    %barrier3A = arith.constant 0 : index
    tpu.barrier barrier_id(%barrier3A)
    %scan3A = arith.constant 0 : i32
    %scan3A_3 = arith.constant 0 : i32
    %scan3A_4 = arith.constant 5 : i32
    %scan3A_5 = arith.addi %scan3A_3, %scan3A_4 : i32
    %scan3A_6 = arith.constant 1 : i32
    scf.for %scan3A_27 = %scan3A_3 to %scan3A_5 step %scan3A_6  : i32 {
      %gt3A = arith.constant 0 : i32
      %gt3A_28 = arith.cmpi sgt, %scan3A_27, %gt3A : i32
      %convert_element_type3A_29 = arith.extui %gt3A_28 : i1 to i32
      %cond3A_30 = arith.constant 0 : i32
      %cond3A_31 = arith.cmpi ne, %convert_element_type3A_29, %cond3A_30 : i32
      scf.if %cond3A_31 {
        %dma_wait3A_469 = arith.constant 0 : i32
        %dma_wait3A_470 = arith.constant 0 : i32
        %dma_wait3A_471 = tpu.memref_slice %arg8[%dma_wait3A_469, %dma_wait3A_470] : memref<16x125xi32, #tpu.memory_space<vmem>> -> memref<1x125xi32, #tpu.memory_space<vmem>>
        %dma_wait3A_472 = tpu.memref_squeeze %dma_wait3A_471 : memref<1x125xi32, #tpu.memory_space<vmem>> -> memref<125xi32, #tpu.memory_space<vmem>>
        %dma_wait3A_473 = arith.constant 0 : i32
        %dma_wait3A_474 = arith.constant 0 : i32
        %dma_wait3A_475 = tpu.memref_slice %arg11[%dma_wait3A_473, %dma_wait3A_474] : memref<10000x128xf32, #tpu.memory_space<vmem_shared>> -> memref<10000x128xf32, #tpu.memory_space<vmem_shared>>
        tpu.wait_indirect_dma semaphore(%arg14 : memref<!tpu.dma_semaphore, #tpu.memory_space<semaphore_mem>>) src(%arg9 : memref<125x128xf32, #tpu.memory_space<vmem>>) dst(%dma_wait3A_475 : memref<10000x128xf32, #tpu.memory_space<vmem_shared>>)
        %dma_wait3A_476 = arith.constant 0 : i32
        %dma_wait3A_477 = arith.constant 0 : i32
        %dma_wait3A_478 = tpu.memref_slice %arg8[%dma_wait3A_476, %dma_wait3A_477] : memref<16x125xi32, #tpu.memory_space<vmem>> -> memref<1x125xi32, #tpu.memory_space<vmem>>
        %dma_wait3A_479 = tpu.memref_squeeze %dma_wait3A_478 : memref<1x125xi32, #tpu.memory_space<vmem>> -> memref<125xi32, #tpu.memory_space<vmem>>
        %dma_wait3A_480 = arith.constant 0 : i32
        %dma_wait3A_481 = arith.constant 0 : i32
        %dma_wait3A_482 = tpu.memref_slice %arg11[%dma_wait3A_480, %dma_wait3A_481] : memref<10000x128xf32, #tpu.memory_space<vmem_shared>> -> memref<10000x128xf32, #tpu.memory_space<vmem_shared>>
        tpu.wait_indirect_dma semaphore(%arg15 : memref<!tpu.dma_semaphore, #tpu.memory_space<semaphore_mem>>) src(%arg10 : memref<125x128xf32, #tpu.memory_space<vmem>>) dst(%dma_wait3A_482 : memref<10000x128xf32, #tpu.memory_space<vmem_shared>>)
      } else {
      }
      %mul3A_32 = arith.constant 16 : i32
      %mul3A_33 = arith.muli %scan3A_27, %mul3A_32 : i32
      "tpu.region"() ({
        %run_scoped3A = tpu.sem_alloc : memref<!tpu.dma_semaphore, #tpu.memory_space<semaphore_mem>>
        %dma_start3A_469 = arith.constant 0 : i32
        %dma_start3A_470 = tpu.memref_slice %arg2[%add3A, %mul3A_33, %dma_start3A_469] : memref<32x80x125xi32, #tpu.memory_space<hbm>> -> memref<1x16x125xi32, #tpu.memory_space<hbm>>
        %dma_start3A_471 = tpu.memref_squeeze %dma_start3A_470 : memref<1x16x125xi32, #tpu.memory_space<hbm>> -> memref<16x125xi32, #tpu.memory_space<hbm>>
        %dma_start3A_472 = arith.constant 0 : i32
        %dma_start3A_473 = tpu.memref_slice %arg2[%add3A, %mul3A_33, %dma_start3A_472] : memref<32x80x125xi32, #tpu.memory_space<hbm>> -> memref<1x16x125xi32, #tpu.memory_space<hbm>>
        %dma_start3A_474 = tpu.memref_squeeze %dma_start3A_473 : memref<1x16x125xi32, #tpu.memory_space<hbm>> -> memref<16x125xi32, #tpu.memory_space<hbm>>
        tpu.enqueue_dma source(%dma_start3A_474 : memref<16x125xi32, #tpu.memory_space<hbm>>) target(%arg7 : memref<16x125xi32, #tpu.memory_space<vmem>>) target_semaphore(%run_scoped3A : memref<!tpu.dma_semaphore, #tpu.memory_space<semaphore_mem>>)
        %dma_wait3A_475 = arith.constant 0 : i32
        %dma_wait3A_476 = tpu.memref_slice %arg2[%add3A, %mul3A_33, %dma_wait3A_475] : memref<32x80x125xi32, #tpu.memory_space<hbm>> -> memref<1x16x125xi32, #tpu.memory_space<hbm>>
        %dma_wait3A_477 = tpu.memref_squeeze %dma_wait3A_476 : memref<1x16x125xi32, #tpu.memory_space<hbm>> -> memref<16x125xi32, #tpu.memory_space<hbm>>
        %dma_wait3A_478 = arith.constant 0 : i32
        %dma_wait3A_479 = tpu.memref_slice %arg2[%add3A, %mul3A_33, %dma_wait3A_478] : memref<32x80x125xi32, #tpu.memory_space<hbm>> -> memref<1x16x125xi32, #tpu.memory_space<hbm>>
        %dma_wait3A_480 = tpu.memref_squeeze %dma_wait3A_479 : memref<1x16x125xi32, #tpu.memory_space<hbm>> -> memref<16x125xi32, #tpu.memory_space<hbm>>
        tpu.wait_dma2 semaphore(%run_scoped3A : memref<!tpu.dma_semaphore, #tpu.memory_space<semaphore_mem>>) src(%dma_wait3A_480 : memref<16x125xi32, #tpu.memory_space<hbm>>) dst(%arg7 : memref<16x125xi32, #tpu.memory_space<vmem>>)
        tpu.yield
      }) : () -> ()
      %mul3A_34 = arith.constant 16 : i32
      %mul3A_35 = arith.muli %scan3A_27, %mul3A_34 : i32
      "tpu.region"() ({
        %run_scoped3A = tpu.sem_alloc : memref<!tpu.dma_semaphore, #tpu.memory_space<semaphore_mem>>
        %dma_start3A_469 = arith.constant 0 : i32
        %dma_start3A_470 = tpu.memref_slice %arg3[%add3A, %mul3A_35, %dma_start3A_469] : memref<32x80x125xi32, #tpu.memory_space<hbm>> -> memref<1x16x125xi32, #tpu.memory_space<hbm>>
        %dma_start3A_471 = tpu.memref_squeeze %dma_start3A_470 : memref<1x16x125xi32, #tpu.memory_space<hbm>> -> memref<16x125xi32, #tpu.memory_space<hbm>>
        %dma_start3A_472 = arith.constant 0 : i32
        %dma_start3A_473 = tpu.memref_slice %arg3[%add3A, %mul3A_35, %dma_start3A_472] : memref<32x80x125xi32, #tpu.memory_space<hbm>> -> memref<1x16x125xi32, #tpu.memory_space<hbm>>
        %dma_start3A_474 = tpu.memref_squeeze %dma_start3A_473 : memref<1x16x125xi32, #tpu.memory_space<hbm>> -> memref<16x125xi32, #tpu.memory_space<hbm>>
        tpu.enqueue_dma source(%dma_start3A_474 : memref<16x125xi32, #tpu.memory_space<hbm>>) target(%arg8 : memref<16x125xi32, #tpu.memory_space<vmem>>) target_semaphore(%run_scoped3A : memref<!tpu.dma_semaphore, #tpu.memory_space<semaphore_mem>>)
        %dma_wait3A_475 = arith.constant 0 : i32
        %dma_wait3A_476 = tpu.memref_slice %arg3[%add3A, %mul3A_35, %dma_wait3A_475] : memref<32x80x125xi32, #tpu.memory_space<hbm>> -> memref<1x16x125xi32, #tpu.memory_space<hbm>>
        %dma_wait3A_477 = tpu.memref_squeeze %dma_wait3A_476 : memref<1x16x125xi32, #tpu.memory_space<hbm>> -> memref<16x125xi32, #tpu.memory_space<hbm>>
        %dma_wait3A_478 = arith.constant 0 : i32
        %dma_wait3A_479 = tpu.memref_slice %arg3[%add3A, %mul3A_35, %dma_wait3A_478] : memref<32x80x125xi32, #tpu.memory_space<hbm>> -> memref<1x16x125xi32, #tpu.memory_space<hbm>>
        %dma_wait3A_480 = tpu.memref_squeeze %dma_wait3A_479 : memref<1x16x125xi32, #tpu.memory_space<hbm>> -> memref<16x125xi32, #tpu.memory_space<hbm>>
        tpu.wait_dma2 semaphore(%run_scoped3A : memref<!tpu.dma_semaphore, #tpu.memory_space<semaphore_mem>>) src(%dma_wait3A_480 : memref<16x125xi32, #tpu.memory_space<hbm>>) dst(%arg8 : memref<16x125xi32, #tpu.memory_space<vmem>>)
        tpu.yield
      }) : () -> ()
      %dma_start3A = arith.constant 0 : i32
      %dma_start3A_36 = arith.constant 0 : i32
      %dma_start3A_37 = tpu.memref_slice %arg7[%dma_start3A, %dma_start3A_36] : memref<16x125xi32, #tpu.memory_space<vmem>> -> memref<1x125xi32, #tpu.memory_space<vmem>>
      %dma_start3A_38 = tpu.memref_squeeze %dma_start3A_37 : memref<1x125xi32, #tpu.memory_space<vmem>> -> memref<125xi32, #tpu.memory_space<vmem>>
      %dma_start3A_39 = arith.constant 0 : i32
      %dma_start3A_40 = arith.constant 0 : i32
      %dma_start3A_41 = tpu.memref_slice %arg4[%dma_start3A_39, %dma_start3A_40] : memref<10000x128xf32, #tpu.memory_space<hbm>> -> memref<10000x128xf32, #tpu.memory_space<hbm>>
      tpu.enqueue_indirect_dma source(%dma_start3A_41 : memref<10000x128xf32, #tpu.memory_space<hbm>>) target(%arg9 : memref<125x128xf32, #tpu.memory_space<vmem>>) offsets(%dma_start3A_38 : memref<125xi32, #tpu.memory_space<vmem>>) semaphore(%arg12 : memref<!tpu.dma_semaphore, #tpu.memory_space<semaphore_mem>>)
      %dma_start3A_42 = arith.constant 1 : i32
      %dma_start3A_43 = arith.constant 0 : i32
      %dma_start3A_44 = tpu.memref_slice %arg7[%dma_start3A_42, %dma_start3A_43] : memref<16x125xi32, #tpu.memory_space<vmem>> -> memref<1x125xi32, #tpu.memory_space<vmem>>
      %dma_start3A_45 = tpu.memref_squeeze %dma_start3A_44 : memref<1x125xi32, #tpu.memory_space<vmem>> -> memref<125xi32, #tpu.memory_space<vmem>>
      %dma_start3A_46 = arith.constant 0 : i32
      %dma_start3A_47 = arith.constant 0 : i32
      %dma_start3A_48 = tpu.memref_slice %arg4[%dma_start3A_46, %dma_start3A_47] : memref<10000x128xf32, #tpu.memory_space<hbm>> -> memref<10000x128xf32, #tpu.memory_space<hbm>>
      tpu.enqueue_indirect_dma source(%dma_start3A_48 : memref<10000x128xf32, #tpu.memory_space<hbm>>) target(%arg10 : memref<125x128xf32, #tpu.memory_space<vmem>>) offsets(%dma_start3A_45 : memref<125xi32, #tpu.memory_space<vmem>>) semaphore(%arg13 : memref<!tpu.dma_semaphore, #tpu.memory_space<semaphore_mem>>)
      %dma_wait3A_49 = arith.constant 0 : i32
      %dma_wait3A_50 = arith.constant 0 : i32
      %dma_wait3A_51 = tpu.memref_slice %arg7[%dma_wait3A_49, %dma_wait3A_50] : memref<16x125xi32, #tpu.memory_space<vmem>> -> memref<1x125xi32, #tpu.memory_space<vmem>>
      %dma_wait3A_52 = tpu.memref_squeeze %dma_wait3A_51 : memref<1x125xi32, #tpu.memory_space<vmem>> -> memref<125xi32, #tpu.memory_space<vmem>>
      %dma_wait3A_53 = arith.constant 0 : i32
      %dma_wait3A_54 = arith.constant 0 : i32
      %dma_wait3A_55 = tpu.memref_slice %arg4[%dma_wait3A_53, %dma_wait3A_54] : memref<10000x128xf32, #tpu.memory_space<hbm>> -> memref<10000x128xf32, #tpu.memory_space<hbm>>
      tpu.wait_indirect_dma semaphore(%arg12 : memref<!tpu.dma_semaphore, #tpu.memory_space<semaphore_mem>>) src(%dma_wait3A_55 : memref<10000x128xf32, #tpu.memory_space<hbm>>) dst(%arg9 : memref<125x128xf32, #tpu.memory_space<vmem>>)
      %dma_start3A_56 = arith.constant 0 : i32
      %dma_start3A_57 = arith.constant 0 : i32
      %dma_start3A_58 = tpu.memref_slice %arg8[%dma_start3A_56, %dma_start3A_57] : memref<16x125xi32, #tpu.memory_space<vmem>> -> memref<1x125xi32, #tpu.memory_space<vmem>>
      %dma_start3A_59 = tpu.memref_squeeze %dma_start3A_58 : memref<1x125xi32, #tpu.memory_space<vmem>> -> memref<125xi32, #tpu.memory_space<vmem>>
      %dma_start3A_60 = arith.constant 0 : i32
      %dma_start3A_61 = arith.constant 0 : i32
      %dma_start3A_62 = tpu.memref_slice %arg11[%dma_start3A_60, %dma_start3A_61] : memref<10000x128xf32, #tpu.memory_space<vmem_shared>> -> memref<10000x128xf32, #tpu.memory_space<vmem_shared>>
      tpu.enqueue_indirect_dma source(%arg9 : memref<125x128xf32, #tpu.memory_space<vmem>>) target(%dma_start3A_62 : memref<10000x128xf32, #tpu.memory_space<vmem_shared>>) offsets(%dma_start3A_59 : memref<125xi32, #tpu.memory_space<vmem>>) semaphore(%arg14 : memref<!tpu.dma_semaphore, #tpu.memory_space<semaphore_mem>>) {add = true}
      %dma_wait3A_63 = arith.constant 0 : i32
      %dma_wait3A_64 = arith.constant 0 : i32
      %dma_wait3A_65 = tpu.memref_slice %arg8[%dma_wait3A_63, %dma_wait3A_64] : memref<16x125xi32, #tpu.memory_space<vmem>> -> memref<1x125xi32, #tpu.memory_space<vmem>>
      %dma_wait3A_66 = tpu.memref_squeeze %dma_wait3A_65 : memref<1x125xi32, #tpu.memory_space<vmem>> -> memref<125xi32, #tpu.memory_space<vmem>>
      %dma_wait3A_67 = arith.constant 0 : i32
      %dma_wait3A_68 = arith.constant 0 : i32
      %dma_wait3A_69 = tpu.memref_slice %arg11[%dma_wait3A_67, %dma_wait3A_68] : memref<10000x128xf32, #tpu.memory_space<vmem_shared>> -> memref<10000x128xf32, #tpu.memory_space<vmem_shared>>
      tpu.wait_indirect_dma semaphore(%arg14 : memref<!tpu.dma_semaphore, #tpu.memory_space<semaphore_mem>>) src(%arg9 : memref<125x128xf32, #tpu.memory_space<vmem>>) dst(%dma_wait3A_69 : memref<10000x128xf32, #tpu.memory_space<vmem_shared>>)
      %dma_start3A_70 = arith.constant 2 : i32
      %dma_start3A_71 = arith.constant 0 : i32
      %dma_start3A_72 = tpu.memref_slice %arg7[%dma_start3A_70, %dma_start3A_71] : memref<16x125xi32, #tpu.memory_space<vmem>> -> memref<1x125xi32, #tpu.memory_space<vmem>>
      %dma_start3A_73 = tpu.memref_squeeze %dma_start3A_72 : memref<1x125xi32, #tpu.memory_space<vmem>> -> memref<125xi32, #tpu.memory_space<vmem>>
      %dma_start3A_74 = arith.constant 0 : i32
      %dma_start3A_75 = arith.constant 0 : i32
      %dma_start3A_76 = tpu.memref_slice %arg4[%dma_start3A_74, %dma_start3A_75] : memref<10000x128xf32, #tpu.memory_space<hbm>> -> memref<10000x128xf32, #tpu.memory_space<hbm>>
      tpu.enqueue_indirect_dma source(%dma_start3A_76 : memref<10000x128xf32, #tpu.memory_space<hbm>>) target(%arg9 : memref<125x128xf32, #tpu.memory_space<vmem>>) offsets(%dma_start3A_73 : memref<125xi32, #tpu.memory_space<vmem>>) semaphore(%arg12 : memref<!tpu.dma_semaphore, #tpu.memory_space<semaphore_mem>>)
      %dma_wait3A_77 = arith.constant 1 : i32
      %dma_wait3A_78 = arith.constant 0 : i32
      %dma_wait3A_79 = tpu.memref_slice %arg7[%dma_wait3A_77, %dma_wait3A_78] : memref<16x125xi32, #tpu.memory_space<vmem>> -> memref<1x125xi32, #tpu.memory_space<vmem>>
      %dma_wait3A_80 = tpu.memref_squeeze %dma_wait3A_79 : memref<1x125xi32, #tpu.memory_space<vmem>> -> memref<125xi32, #tpu.memory_space<vmem>>
      %dma_wait3A_81 = arith.constant 0 : i32
      %dma_wait3A_82 = arith.constant 0 : i32
      %dma_wait3A_83 = tpu.memref_slice %arg4[%dma_wait3A_81, %dma_wait3A_82] : memref<10000x128xf32, #tpu.memory_space<hbm>> -> memref<10000x128xf32, #tpu.memory_space<hbm>>
      tpu.wait_indirect_dma semaphore(%arg13 : memref<!tpu.dma_semaphore, #tpu.memory_space<semaphore_mem>>) src(%dma_wait3A_83 : memref<10000x128xf32, #tpu.memory_space<hbm>>) dst(%arg10 : memref<125x128xf32, #tpu.memory_space<vmem>>)
      %dma_start3A_84 = arith.constant 1 : i32
      %dma_start3A_85 = arith.constant 0 : i32
      %dma_start3A_86 = tpu.memref_slice %arg8[%dma_start3A_84, %dma_start3A_85] : memref<16x125xi32, #tpu.memory_space<vmem>> -> memref<1x125xi32, #tpu.memory_space<vmem>>
      %dma_start3A_87 = tpu.memref_squeeze %dma_start3A_86 : memref<1x125xi32, #tpu.memory_space<vmem>> -> memref<125xi32, #tpu.memory_space<vmem>>
      %dma_start3A_88 = arith.constant 0 : i32
      %dma_start3A_89 = arith.constant 0 : i32
      %dma_start3A_90 = tpu.memref_slice %arg11[%dma_start3A_88, %dma_start3A_89] : memref<10000x128xf32, #tpu.memory_space<vmem_shared>> -> memref<10000x128xf32, #tpu.memory_space<vmem_shared>>
      tpu.enqueue_indirect_dma source(%arg10 : memref<125x128xf32, #tpu.memory_space<vmem>>) target(%dma_start3A_90 : memref<10000x128xf32, #tpu.memory_space<vmem_shared>>) offsets(%dma_start3A_87 : memref<125xi32, #tpu.memory_space<vmem>>) semaphore(%arg15 : memref<!tpu.dma_semaphore, #tpu.memory_space<semaphore_mem>>) {add = true}
      %dma_wait3A_91 = arith.constant 0 : i32
      %dma_wait3A_92 = arith.constant 0 : i32
      %dma_wait3A_93 = tpu.memref_slice %arg8[%dma_wait3A_91, %dma_wait3A_92] : memref<16x125xi32, #tpu.memory_space<vmem>> -> memref<1x125xi32, #tpu.memory_space<vmem>>
      %dma_wait3A_94 = tpu.memref_squeeze %dma_wait3A_93 : memref<1x125xi32, #tpu.memory_space<vmem>> -> memref<125xi32, #tpu.memory_space<vmem>>
      %dma_wait3A_95 = arith.constant 0 : i32
      %dma_wait3A_96 = arith.constant 0 : i32
      %dma_wait3A_97 = tpu.memref_slice %arg11[%dma_wait3A_95, %dma_wait3A_96] : memref<10000x128xf32, #tpu.memory_space<vmem_shared>> -> memref<10000x128xf32, #tpu.memory_space<vmem_shared>>
      tpu.wait_indirect_dma semaphore(%arg15 : memref<!tpu.dma_semaphore, #tpu.memory_space<semaphore_mem>>) src(%arg10 : memref<125x128xf32, #tpu.memory_space<vmem>>) dst(%dma_wait3A_97 : memref<10000x128xf32, #tpu.memory_space<vmem_shared>>)
      %dma_start3A_98 = arith.constant 3 : i32
      %dma_start3A_99 = arith.constant 0 : i32
      %dma_start3A_100 = tpu.memref_slice %arg7[%dma_start3A_98, %dma_start3A_99] : memref<16x125xi32, #tpu.memory_space<vmem>> -> memref<1x125xi32, #tpu.memory_space<vmem>>
      %dma_start3A_101 = tpu.memref_squeeze %dma_start3A_100 : memref<1x125xi32, #tpu.memory_space<vmem>> -> memref<125xi32, #tpu.memory_space<vmem>>
      %dma_start3A_102 = arith.constant 0 : i32
      %dma_start3A_103 = arith.constant 0 : i32
      %dma_start3A_104 = tpu.memref_slice %arg4[%dma_start3A_102, %dma_start3A_103] : memref<10000x128xf32, #tpu.memory_space<hbm>> -> memref<10000x128xf32, #tpu.memory_space<hbm>>
      tpu.enqueue_indirect_dma source(%dma_start3A_104 : memref<10000x128xf32, #tpu.memory_space<hbm>>) target(%arg10 : memref<125x128xf32, #tpu.memory_space<vmem>>) offsets(%dma_start3A_101 : memref<125xi32, #tpu.memory_space<vmem>>) semaphore(%arg13 : memref<!tpu.dma_semaphore, #tpu.memory_space<semaphore_mem>>)
      %dma_wait3A_105 = arith.constant 2 : i32
      %dma_wait3A_106 = arith.constant 0 : i32
      %dma_wait3A_107 = tpu.memref_slice %arg7[%dma_wait3A_105, %dma_wait3A_106] : memref<16x125xi32, #tpu.memory_space<vmem>> -> memref<1x125xi32, #tpu.memory_space<vmem>>
      %dma_wait3A_108 = tpu.memref_squeeze %dma_wait3A_107 : memref<1x125xi32, #tpu.memory_space<vmem>> -> memref<125xi32, #tpu.memory_space<vmem>>
      %dma_wait3A_109 = arith.constant 0 : i32
      %dma_wait3A_110 = arith.constant 0 : i32
      %dma_wait3A_111 = tpu.memref_slice %arg4[%dma_wait3A_109, %dma_wait3A_110] : memref<10000x128xf32, #tpu.memory_space<hbm>> -> memref<10000x128xf32, #tpu.memory_space<hbm>>
      tpu.wait_indirect_dma semaphore(%arg12 : memref<!tpu.dma_semaphore, #tpu.memory_space<semaphore_mem>>) src(%dma_wait3A_111 : memref<10000x128xf32, #tpu.memory_space<hbm>>) dst(%arg9 : memref<125x128xf32, #tpu.memory_space<vmem>>)
      %dma_start3A_112 = arith.constant 2 : i32
      %dma_start3A_113 = arith.constant 0 : i32
      %dma_start3A_114 = tpu.memref_slice %arg8[%dma_start3A_112, %dma_start3A_113] : memref<16x125xi32, #tpu.memory_space<vmem>> -> memref<1x125xi32, #tpu.memory_space<vmem>>
      %dma_start3A_115 = tpu.memref_squeeze %dma_start3A_114 : memref<1x125xi32, #tpu.memory_space<vmem>> -> memref<125xi32, #tpu.memory_space<vmem>>
      %dma_start3A_116 = arith.constant 0 : i32
      %dma_start3A_117 = arith.constant 0 : i32
      %dma_start3A_118 = tpu.memref_slice %arg11[%dma_start3A_116, %dma_start3A_117] : memref<10000x128xf32, #tpu.memory_space<vmem_shared>> -> memref<10000x128xf32, #tpu.memory_space<vmem_shared>>
      tpu.enqueue_indirect_dma source(%arg9 : memref<125x128xf32, #tpu.memory_space<vmem>>) target(%dma_start3A_118 : memref<10000x128xf32, #tpu.memory_space<vmem_shared>>) offsets(%dma_start3A_115 : memref<125xi32, #tpu.memory_space<vmem>>) semaphore(%arg14 : memref<!tpu.dma_semaphore, #tpu.memory_space<semaphore_mem>>) {add = true}
      %dma_wait3A_119 = arith.constant 0 : i32
      %dma_wait3A_120 = arith.constant 0 : i32
      %dma_wait3A_121 = tpu.memref_slice %arg8[%dma_wait3A_119, %dma_wait3A_120] : memref<16x125xi32, #tpu.memory_space<vmem>> -> memref<1x125xi32, #tpu.memory_space<vmem>>
      %dma_wait3A_122 = tpu.memref_squeeze %dma_wait3A_121 : memref<1x125xi32, #tpu.memory_space<vmem>> -> memref<125xi32, #tpu.memory_space<vmem>>
      %dma_wait3A_123 = arith.constant 0 : i32
      %dma_wait3A_124 = arith.constant 0 : i32
      %dma_wait3A_125 = tpu.memref_slice %arg11[%dma_wait3A_123, %dma_wait3A_124] : memref<10000x128xf32, #tpu.memory_space<vmem_shared>> -> memref<10000x128xf32, #tpu.memory_space<vmem_shared>>
      tpu.wait_indirect_dma semaphore(%arg14 : memref<!tpu.dma_semaphore, #tpu.memory_space<semaphore_mem>>) src(%arg9 : memref<125x128xf32, #tpu.memory_space<vmem>>) dst(%dma_wait3A_125 : memref<10000x128xf32, #tpu.memory_space<vmem_shared>>)
      %dma_start3A_126 = arith.constant 4 : i32
      %dma_start3A_127 = arith.constant 0 : i32
      %dma_start3A_128 = tpu.memref_slice %arg7[%dma_start3A_126, %dma_start3A_127] : memref<16x125xi32, #tpu.memory_space<vmem>> -> memref<1x125xi32, #tpu.memory_space<vmem>>
      %dma_start3A_129 = tpu.memref_squeeze %dma_start3A_128 : memref<1x125xi32, #tpu.memory_space<vmem>> -> memref<125xi32, #tpu.memory_space<vmem>>
      %dma_start3A_130 = arith.constant 0 : i32
      %dma_start3A_131 = arith.constant 0 : i32
      %dma_start3A_132 = tpu.memref_slice %arg4[%dma_start3A_130, %dma_start3A_131] : memref<10000x128xf32, #tpu.memory_space<hbm>> -> memref<10000x128xf32, #tpu.memory_space<hbm>>
      tpu.enqueue_indirect_dma source(%dma_start3A_132 : memref<10000x128xf32, #tpu.memory_space<hbm>>) target(%arg9 : memref<125x128xf32, #tpu.memory_space<vmem>>) offsets(%dma_start3A_129 : memref<125xi32, #tpu.memory_space<vmem>>) semaphore(%arg12 : memref<!tpu.dma_semaphore, #tpu.memory_space<semaphore_mem>>)
      %dma_wait3A_133 = arith.constant 3 : i32
      %dma_wait3A_134 = arith.constant 0 : i32
      %dma_wait3A_135 = tpu.memref_slice %arg7[%dma_wait3A_133, %dma_wait3A_134] : memref<16x125xi32, #tpu.memory_space<vmem>> -> memref<1x125xi32, #tpu.memory_space<vmem>>
      %dma_wait3A_136 = tpu.memref_squeeze %dma_wait3A_135 : memref<1x125xi32, #tpu.memory_space<vmem>> -> memref<125xi32, #tpu.memory_space<vmem>>
      %dma_wait3A_137 = arith.constant 0 : i32
      %dma_wait3A_138 = arith.constant 0 : i32
      %dma_wait3A_139 = tpu.memref_slice %arg4[%dma_wait3A_137, %dma_wait3A_138] : memref<10000x128xf32, #tpu.memory_space<hbm>> -> memref<10000x128xf32, #tpu.memory_space<hbm>>
      tpu.wait_indirect_dma semaphore(%arg13 : memref<!tpu.dma_semaphore, #tpu.memory_space<semaphore_mem>>) src(%dma_wait3A_139 : memref<10000x128xf32, #tpu.memory_space<hbm>>) dst(%arg10 : memref<125x128xf32, #tpu.memory_space<vmem>>)
      %dma_start3A_140 = arith.constant 3 : i32
      %dma_start3A_141 = arith.constant 0 : i32
      %dma_start3A_142 = tpu.memref_slice %arg8[%dma_start3A_140, %dma_start3A_141] : memref<16x125xi32, #tpu.memory_space<vmem>> -> memref<1x125xi32, #tpu.memory_space<vmem>>
      %dma_start3A_143 = tpu.memref_squeeze %dma_start3A_142 : memref<1x125xi32, #tpu.memory_space<vmem>> -> memref<125xi32, #tpu.memory_space<vmem>>
      %dma_start3A_144 = arith.constant 0 : i32
      %dma_start3A_145 = arith.constant 0 : i32
      %dma_start3A_146 = tpu.memref_slice %arg11[%dma_start3A_144, %dma_start3A_145] : memref<10000x128xf32, #tpu.memory_space<vmem_shared>> -> memref<10000x128xf32, #tpu.memory_space<vmem_shared>>
      tpu.enqueue_indirect_dma source(%arg10 : memref<125x128xf32, #tpu.memory_space<vmem>>) target(%dma_start3A_146 : memref<10000x128xf32, #tpu.memory_space<vmem_shared>>) offsets(%dma_start3A_143 : memref<125xi32, #tpu.memory_space<vmem>>) semaphore(%arg15 : memref<!tpu.dma_semaphore, #tpu.memory_space<semaphore_mem>>) {add = true}
      %dma_wait3A_147 = arith.constant 0 : i32
      %dma_wait3A_148 = arith.constant 0 : i32
      %dma_wait3A_149 = tpu.memref_slice %arg8[%dma_wait3A_147, %dma_wait3A_148] : memref<16x125xi32, #tpu.memory_space<vmem>> -> memref<1x125xi32, #tpu.memory_space<vmem>>
      %dma_wait3A_150 = tpu.memref_squeeze %dma_wait3A_149 : memref<1x125xi32, #tpu.memory_space<vmem>> -> memref<125xi32, #tpu.memory_space<vmem>>
      %dma_wait3A_151 = arith.constant 0 : i32
      %dma_wait3A_152 = arith.constant 0 : i32
      %dma_wait3A_153 = tpu.memref_slice %arg11[%dma_wait3A_151, %dma_wait3A_152] : memref<10000x128xf32, #tpu.memory_space<vmem_shared>> -> memref<10000x128xf32, #tpu.memory_space<vmem_shared>>
      tpu.wait_indirect_dma semaphore(%arg15 : memref<!tpu.dma_semaphore, #tpu.memory_space<semaphore_mem>>) src(%arg10 : memref<125x128xf32, #tpu.memory_space<vmem>>) dst(%dma_wait3A_153 : memref<10000x128xf32, #tpu.memory_space<vmem_shared>>)
      %dma_start3A_154 = arith.constant 5 : i32
      %dma_start3A_155 = arith.constant 0 : i32
      %dma_start3A_156 = tpu.memref_slice %arg7[%dma_start3A_154, %dma_start3A_155] : memref<16x125xi32, #tpu.memory_space<vmem>> -> memref<1x125xi32, #tpu.memory_space<vmem>>
      %dma_start3A_157 = tpu.memref_squeeze %dma_start3A_156 : memref<1x125xi32, #tpu.memory_space<vmem>> -> memref<125xi32, #tpu.memory_space<vmem>>
      %dma_start3A_158 = arith.constant 0 : i32
      %dma_start3A_159 = arith.constant 0 : i32
      %dma_start3A_160 = tpu.memref_slice %arg4[%dma_start3A_158, %dma_start3A_159] : memref<10000x128xf32, #tpu.memory_space<hbm>> -> memref<10000x128xf32, #tpu.memory_space<hbm>>
      tpu.enqueue_indirect_dma source(%dma_start3A_160 : memref<10000x128xf32, #tpu.memory_space<hbm>>) target(%arg10 : memref<125x128xf32, #tpu.memory_space<vmem>>) offsets(%dma_start3A_157 : memref<125xi32, #tpu.memory_space<vmem>>) semaphore(%arg13 : memref<!tpu.dma_semaphore, #tpu.memory_space<semaphore_mem>>)
      %dma_wait3A_161 = arith.constant 4 : i32
      %dma_wait3A_162 = arith.constant 0 : i32
      %dma_wait3A_163 = tpu.memref_slice %arg7[%dma_wait3A_161, %dma_wait3A_162] : memref<16x125xi32, #tpu.memory_space<vmem>> -> memref<1x125xi32, #tpu.memory_space<vmem>>
      %dma_wait3A_164 = tpu.memref_squeeze %dma_wait3A_163 : memref<1x125xi32, #tpu.memory_space<vmem>> -> memref<125xi32, #tpu.memory_space<vmem>>
      %dma_wait3A_165 = arith.constant 0 : i32
      %dma_wait3A_166 = arith.constant 0 : i32
      %dma_wait3A_167 = tpu.memref_slice %arg4[%dma_wait3A_165, %dma_wait3A_166] : memref<10000x128xf32, #tpu.memory_space<hbm>> -> memref<10000x128xf32, #tpu.memory_space<hbm>>
      tpu.wait_indirect_dma semaphore(%arg12 : memref<!tpu.dma_semaphore, #tpu.memory_space<semaphore_mem>>) src(%dma_wait3A_167 : memref<10000x128xf32, #tpu.memory_space<hbm>>) dst(%arg9 : memref<125x128xf32, #tpu.memory_space<vmem>>)
      %dma_start3A_168 = arith.constant 4 : i32
      %dma_start3A_169 = arith.constant 0 : i32
      %dma_start3A_170 = tpu.memref_slice %arg8[%dma_start3A_168, %dma_start3A_169] : memref<16x125xi32, #tpu.memory_space<vmem>> -> memref<1x125xi32, #tpu.memory_space<vmem>>
      %dma_start3A_171 = tpu.memref_squeeze %dma_start3A_170 : memref<1x125xi32, #tpu.memory_space<vmem>> -> memref<125xi32, #tpu.memory_space<vmem>>
      %dma_start3A_172 = arith.constant 0 : i32
      %dma_start3A_173 = arith.constant 0 : i32
      %dma_start3A_174 = tpu.memref_slice %arg11[%dma_start3A_172, %dma_start3A_173] : memref<10000x128xf32, #tpu.memory_space<vmem_shared>> -> memref<10000x128xf32, #tpu.memory_space<vmem_shared>>
      tpu.enqueue_indirect_dma source(%arg9 : memref<125x128xf32, #tpu.memory_space<vmem>>) target(%dma_start3A_174 : memref<10000x128xf32, #tpu.memory_space<vmem_shared>>) offsets(%dma_start3A_171 : memref<125xi32, #tpu.memory_space<vmem>>) semaphore(%arg14 : memref<!tpu.dma_semaphore, #tpu.memory_space<semaphore_mem>>) {add = true}
      %dma_wait3A_175 = arith.constant 0 : i32
      %dma_wait3A_176 = arith.constant 0 : i32
      %dma_wait3A_177 = tpu.memref_slice %arg8[%dma_wait3A_175, %dma_wait3A_176] : memref<16x125xi32, #tpu.memory_space<vmem>> -> memref<1x125xi32, #tpu.memory_space<vmem>>
      %dma_wait3A_178 = tpu.memref_squeeze %dma_wait3A_177 : memref<1x125xi32, #tpu.memory_space<vmem>> -> memref<125xi32, #tpu.memory_space<vmem>>
      %dma_wait3A_179 = arith.constant 0 : i32
      %dma_wait3A_180 = arith.constant 0 : i32
      %dma_wait3A_181 = tpu.memref_slice %arg11[%dma_wait3A_179, %dma_wait3A_180] : memref<10000x128xf32, #tpu.memory_space<vmem_shared>> -> memref<10000x128xf32, #tpu.memory_space<vmem_shared>>
      tpu.wait_indirect_dma semaphore(%arg14 : memref<!tpu.dma_semaphore, #tpu.memory_space<semaphore_mem>>) src(%arg9 : memref<125x128xf32, #tpu.memory_space<vmem>>) dst(%dma_wait3A_181 : memref<10000x128xf32, #tpu.memory_space<vmem_shared>>)
      %dma_start3A_182 = arith.constant 6 : i32
      %dma_start3A_183 = arith.constant 0 : i32
      %dma_start3A_184 = tpu.memref_slice %arg7[%dma_start3A_182, %dma_start3A_183] : memref<16x125xi32, #tpu.memory_space<vmem>> -> memref<1x125xi32, #tpu.memory_space<vmem>>
      %dma_start3A_185 = tpu.memref_squeeze %dma_start3A_184 : memref<1x125xi32, #tpu.memory_space<vmem>> -> memref<125xi32, #tpu.memory_space<vmem>>
      %dma_start3A_186 = arith.constant 0 : i32
      %dma_start3A_187 = arith.constant 0 : i32
      %dma_start3A_188 = tpu.memref_slice %arg4[%dma_start3A_186, %dma_start3A_187] : memref<10000x128xf32, #tpu.memory_space<hbm>> -> memref<10000x128xf32, #tpu.memory_space<hbm>>
      tpu.enqueue_indirect_dma source(%dma_start3A_188 : memref<10000x128xf32, #tpu.memory_space<hbm>>) target(%arg9 : memref<125x128xf32, #tpu.memory_space<vmem>>) offsets(%dma_start3A_185 : memref<125xi32, #tpu.memory_space<vmem>>) semaphore(%arg12 : memref<!tpu.dma_semaphore, #tpu.memory_space<semaphore_mem>>)
      %dma_wait3A_189 = arith.constant 5 : i32
      %dma_wait3A_190 = arith.constant 0 : i32
      %dma_wait3A_191 = tpu.memref_slice %arg7[%dma_wait3A_189, %dma_wait3A_190] : memref<16x125xi32, #tpu.memory_space<vmem>> -> memref<1x125xi32, #tpu.memory_space<vmem>>
      %dma_wait3A_192 = tpu.memref_squeeze %dma_wait3A_191 : memref<1x125xi32, #tpu.memory_space<vmem>> -> memref<125xi32, #tpu.memory_space<vmem>>
      %dma_wait3A_193 = arith.constant 0 : i32
      %dma_wait3A_194 = arith.constant 0 : i32
      %dma_wait3A_195 = tpu.memref_slice %arg4[%dma_wait3A_193, %dma_wait3A_194] : memref<10000x128xf32, #tpu.memory_space<hbm>> -> memref<10000x128xf32, #tpu.memory_space<hbm>>
      tpu.wait_indirect_dma semaphore(%arg13 : memref<!tpu.dma_semaphore, #tpu.memory_space<semaphore_mem>>) src(%dma_wait3A_195 : memref<10000x128xf32, #tpu.memory_space<hbm>>) dst(%arg10 : memref<125x128xf32, #tpu.memory_space<vmem>>)
      %dma_start3A_196 = arith.constant 5 : i32
      %dma_start3A_197 = arith.constant 0 : i32
      %dma_start3A_198 = tpu.memref_slice %arg8[%dma_start3A_196, %dma_start3A_197] : memref<16x125xi32, #tpu.memory_space<vmem>> -> memref<1x125xi32, #tpu.memory_space<vmem>>
      %dma_start3A_199 = tpu.memref_squeeze %dma_start3A_198 : memref<1x125xi32, #tpu.memory_space<vmem>> -> memref<125xi32, #tpu.memory_space<vmem>>
      %dma_start3A_200 = arith.constant 0 : i32
      %dma_start3A_201 = arith.constant 0 : i32
      %dma_start3A_202 = tpu.memref_slice %arg11[%dma_start3A_200, %dma_start3A_201] : memref<10000x128xf32, #tpu.memory_space<vmem_shared>> -> memref<10000x128xf32, #tpu.memory_space<vmem_shared>>
      tpu.enqueue_indirect_dma source(%arg10 : memref<125x128xf32, #tpu.memory_space<vmem>>) target(%dma_start3A_202 : memref<10000x128xf32, #tpu.memory_space<vmem_shared>>) offsets(%dma_start3A_199 : memref<125xi32, #tpu.memory_space<vmem>>) semaphore(%arg15 : memref<!tpu.dma_semaphore, #tpu.memory_space<semaphore_mem>>) {add = true}
      %dma_wait3A_203 = arith.constant 0 : i32
      %dma_wait3A_204 = arith.constant 0 : i32
      %dma_wait3A_205 = tpu.memref_slice %arg8[%dma_wait3A_203, %dma_wait3A_204] : memref<16x125xi32, #tpu.memory_space<vmem>> -> memref<1x125xi32, #tpu.memory_space<vmem>>
      %dma_wait3A_206 = tpu.memref_squeeze %dma_wait3A_205 : memref<1x125xi32, #tpu.memory_space<vmem>> -> memref<125xi32, #tpu.memory_space<vmem>>
      %dma_wait3A_207 = arith.constant 0 : i32
      %dma_wait3A_208 = arith.constant 0 : i32
      %dma_wait3A_209 = tpu.memref_slice %arg11[%dma_wait3A_207, %dma_wait3A_208] : memref<10000x128xf32, #tpu.memory_space<vmem_shared>> -> memref<10000x128xf32, #tpu.memory_space<vmem_shared>>
      tpu.wait_indirect_dma semaphore(%arg15 : memref<!tpu.dma_semaphore, #tpu.memory_space<semaphore_mem>>) src(%arg10 : memref<125x128xf32, #tpu.memory_space<vmem>>) dst(%dma_wait3A_209 : memref<10000x128xf32, #tpu.memory_space<vmem_shared>>)
      %dma_start3A_210 = arith.constant 7 : i32
      %dma_start3A_211 = arith.constant 0 : i32
      %dma_start3A_212 = tpu.memref_slice %arg7[%dma_start3A_210, %dma_start3A_211] : memref<16x125xi32, #tpu.memory_space<vmem>> -> memref<1x125xi32, #tpu.memory_space<vmem>>
      %dma_start3A_213 = tpu.memref_squeeze %dma_start3A_212 : memref<1x125xi32, #tpu.memory_space<vmem>> -> memref<125xi32, #tpu.memory_space<vmem>>
      %dma_start3A_214 = arith.constant 0 : i32
      %dma_start3A_215 = arith.constant 0 : i32
      %dma_start3A_216 = tpu.memref_slice %arg4[%dma_start3A_214, %dma_start3A_215] : memref<10000x128xf32, #tpu.memory_space<hbm>> -> memref<10000x128xf32, #tpu.memory_space<hbm>>
      tpu.enqueue_indirect_dma source(%dma_start3A_216 : memref<10000x128xf32, #tpu.memory_space<hbm>>) target(%arg10 : memref<125x128xf32, #tpu.memory_space<vmem>>) offsets(%dma_start3A_213 : memref<125xi32, #tpu.memory_space<vmem>>) semaphore(%arg13 : memref<!tpu.dma_semaphore, #tpu.memory_space<semaphore_mem>>)
      %dma_wait3A_217 = arith.constant 6 : i32
      %dma_wait3A_218 = arith.constant 0 : i32
      %dma_wait3A_219 = tpu.memref_slice %arg7[%dma_wait3A_217, %dma_wait3A_218] : memref<16x125xi32, #tpu.memory_space<vmem>> -> memref<1x125xi32, #tpu.memory_space<vmem>>
      %dma_wait3A_220 = tpu.memref_squeeze %dma_wait3A_219 : memref<1x125xi32, #tpu.memory_space<vmem>> -> memref<125xi32, #tpu.memory_space<vmem>>
      %dma_wait3A_221 = arith.constant 0 : i32
      %dma_wait3A_222 = arith.constant 0 : i32
      %dma_wait3A_223 = tpu.memref_slice %arg4[%dma_wait3A_221, %dma_wait3A_222] : memref<10000x128xf32, #tpu.memory_space<hbm>> -> memref<10000x128xf32, #tpu.memory_space<hbm>>
      tpu.wait_indirect_dma semaphore(%arg12 : memref<!tpu.dma_semaphore, #tpu.memory_space<semaphore_mem>>) src(%dma_wait3A_223 : memref<10000x128xf32, #tpu.memory_space<hbm>>) dst(%arg9 : memref<125x128xf32, #tpu.memory_space<vmem>>)
      %dma_start3A_224 = arith.constant 6 : i32
      %dma_start3A_225 = arith.constant 0 : i32
      %dma_start3A_226 = tpu.memref_slice %arg8[%dma_start3A_224, %dma_start3A_225] : memref<16x125xi32, #tpu.memory_space<vmem>> -> memref<1x125xi32, #tpu.memory_space<vmem>>
      %dma_start3A_227 = tpu.memref_squeeze %dma_start3A_226 : memref<1x125xi32, #tpu.memory_space<vmem>> -> memref<125xi32, #tpu.memory_space<vmem>>
      %dma_start3A_228 = arith.constant 0 : i32
      %dma_start3A_229 = arith.constant 0 : i32
      %dma_start3A_230 = tpu.memref_slice %arg11[%dma_start3A_228, %dma_start3A_229] : memref<10000x128xf32, #tpu.memory_space<vmem_shared>> -> memref<10000x128xf32, #tpu.memory_space<vmem_shared>>
      tpu.enqueue_indirect_dma source(%arg9 : memref<125x128xf32, #tpu.memory_space<vmem>>) target(%dma_start3A_230 : memref<10000x128xf32, #tpu.memory_space<vmem_shared>>) offsets(%dma_start3A_227 : memref<125xi32, #tpu.memory_space<vmem>>) semaphore(%arg14 : memref<!tpu.dma_semaphore, #tpu.memory_space<semaphore_mem>>) {add = true}
      %dma_wait3A_231 = arith.constant 0 : i32
      %dma_wait3A_232 = arith.constant 0 : i32
      %dma_wait3A_233 = tpu.memref_slice %arg8[%dma_wait3A_231, %dma_wait3A_232] : memref<16x125xi32, #tpu.memory_space<vmem>> -> memref<1x125xi32, #tpu.memory_space<vmem>>
      %dma_wait3A_234 = tpu.memref_squeeze %dma_wait3A_233 : memref<1x125xi32, #tpu.memory_space<vmem>> -> memref<125xi32, #tpu.memory_space<vmem>>
      %dma_wait3A_235 = arith.constant 0 : i32
      %dma_wait3A_236 = arith.constant 0 : i32
      %dma_wait3A_237 = tpu.memref_slice %arg11[%dma_wait3A_235, %dma_wait3A_236] : memref<10000x128xf32, #tpu.memory_space<vmem_shared>> -> memref<10000x128xf32, #tpu.memory_space<vmem_shared>>
      tpu.wait_indirect_dma semaphore(%arg14 : memref<!tpu.dma_semaphore, #tpu.memory_space<semaphore_mem>>) src(%arg9 : memref<125x128xf32, #tpu.memory_space<vmem>>) dst(%dma_wait3A_237 : memref<10000x128xf32, #tpu.memory_space<vmem_shared>>)
      %dma_start3A_238 = arith.constant 8 : i32
      %dma_start3A_239 = arith.constant 0 : i32
      %dma_start3A_240 = tpu.memref_slice %arg7[%dma_start3A_238, %dma_start3A_239] : memref<16x125xi32, #tpu.memory_space<vmem>> -> memref<1x125xi32, #tpu.memory_space<vmem>>
      %dma_start3A_241 = tpu.memref_squeeze %dma_start3A_240 : memref<1x125xi32, #tpu.memory_space<vmem>> -> memref<125xi32, #tpu.memory_space<vmem>>
      %dma_start3A_242 = arith.constant 0 : i32
      %dma_start3A_243 = arith.constant 0 : i32
      %dma_start3A_244 = tpu.memref_slice %arg4[%dma_start3A_242, %dma_start3A_243] : memref<10000x128xf32, #tpu.memory_space<hbm>> -> memref<10000x128xf32, #tpu.memory_space<hbm>>
      tpu.enqueue_indirect_dma source(%dma_start3A_244 : memref<10000x128xf32, #tpu.memory_space<hbm>>) target(%arg9 : memref<125x128xf32, #tpu.memory_space<vmem>>) offsets(%dma_start3A_241 : memref<125xi32, #tpu.memory_space<vmem>>) semaphore(%arg12 : memref<!tpu.dma_semaphore, #tpu.memory_space<semaphore_mem>>)
      %dma_wait3A_245 = arith.constant 7 : i32
      %dma_wait3A_246 = arith.constant 0 : i32
      %dma_wait3A_247 = tpu.memref_slice %arg7[%dma_wait3A_245, %dma_wait3A_246] : memref<16x125xi32, #tpu.memory_space<vmem>> -> memref<1x125xi32, #tpu.memory_space<vmem>>
      %dma_wait3A_248 = tpu.memref_squeeze %dma_wait3A_247 : memref<1x125xi32, #tpu.memory_space<vmem>> -> memref<125xi32, #tpu.memory_space<vmem>>
      %dma_wait3A_249 = arith.constant 0 : i32
      %dma_wait3A_250 = arith.constant 0 : i32
      %dma_wait3A_251 = tpu.memref_slice %arg4[%dma_wait3A_249, %dma_wait3A_250] : memref<10000x128xf32, #tpu.memory_space<hbm>> -> memref<10000x128xf32, #tpu.memory_space<hbm>>
      tpu.wait_indirect_dma semaphore(%arg13 : memref<!tpu.dma_semaphore, #tpu.memory_space<semaphore_mem>>) src(%dma_wait3A_251 : memref<10000x128xf32, #tpu.memory_space<hbm>>) dst(%arg10 : memref<125x128xf32, #tpu.memory_space<vmem>>)
      %dma_start3A_252 = arith.constant 7 : i32
      %dma_start3A_253 = arith.constant 0 : i32
      %dma_start3A_254 = tpu.memref_slice %arg8[%dma_start3A_252, %dma_start3A_253] : memref<16x125xi32, #tpu.memory_space<vmem>> -> memref<1x125xi32, #tpu.memory_space<vmem>>
      %dma_start3A_255 = tpu.memref_squeeze %dma_start3A_254 : memref<1x125xi32, #tpu.memory_space<vmem>> -> memref<125xi32, #tpu.memory_space<vmem>>
      %dma_start3A_256 = arith.constant 0 : i32
      %dma_start3A_257 = arith.constant 0 : i32
      %dma_start3A_258 = tpu.memref_slice %arg11[%dma_start3A_256, %dma_start3A_257] : memref<10000x128xf32, #tpu.memory_space<vmem_shared>> -> memref<10000x128xf32, #tpu.memory_space<vmem_shared>>
      tpu.enqueue_indirect_dma source(%arg10 : memref<125x128xf32, #tpu.memory_space<vmem>>) target(%dma_start3A_258 : memref<10000x128xf32, #tpu.memory_space<vmem_shared>>) offsets(%dma_start3A_255 : memref<125xi32, #tpu.memory_space<vmem>>) semaphore(%arg15 : memref<!tpu.dma_semaphore, #tpu.memory_space<semaphore_mem>>) {add = true}
      %dma_wait3A_259 = arith.constant 0 : i32
      %dma_wait3A_260 = arith.constant 0 : i32
      %dma_wait3A_261 = tpu.memref_slice %arg8[%dma_wait3A_259, %dma_wait3A_260] : memref<16x125xi32, #tpu.memory_space<vmem>> -> memref<1x125xi32, #tpu.memory_space<vmem>>
      %dma_wait3A_262 = tpu.memref_squeeze %dma_wait3A_261 : memref<1x125xi32, #tpu.memory_space<vmem>> -> memref<125xi32, #tpu.memory_space<vmem>>
      %dma_wait3A_263 = arith.constant 0 : i32
      %dma_wait3A_264 = arith.constant 0 : i32
      %dma_wait3A_265 = tpu.memref_slice %arg11[%dma_wait3A_263, %dma_wait3A_264] : memref<10000x128xf32, #tpu.memory_space<vmem_shared>> -> memref<10000x128xf32, #tpu.memory_space<vmem_shared>>
      tpu.wait_indirect_dma semaphore(%arg15 : memref<!tpu.dma_semaphore, #tpu.memory_space<semaphore_mem>>) src(%arg10 : memref<125x128xf32, #tpu.memory_space<vmem>>) dst(%dma_wait3A_265 : memref<10000x128xf32, #tpu.memory_space<vmem_shared>>)
      %dma_start3A_266 = arith.constant 9 : i32
      %dma_start3A_267 = arith.constant 0 : i32
      %dma_start3A_268 = tpu.memref_slice %arg7[%dma_start3A_266, %dma_start3A_267] : memref<16x125xi32, #tpu.memory_space<vmem>> -> memref<1x125xi32, #tpu.memory_space<vmem>>
      %dma_start3A_269 = tpu.memref_squeeze %dma_start3A_268 : memref<1x125xi32, #tpu.memory_space<vmem>> -> memref<125xi32, #tpu.memory_space<vmem>>
      %dma_start3A_270 = arith.constant 0 : i32
      %dma_start3A_271 = arith.constant 0 : i32
      %dma_start3A_272 = tpu.memref_slice %arg4[%dma_start3A_270, %dma_start3A_271] : memref<10000x128xf32, #tpu.memory_space<hbm>> -> memref<10000x128xf32, #tpu.memory_space<hbm>>
      tpu.enqueue_indirect_dma source(%dma_start3A_272 : memref<10000x128xf32, #tpu.memory_space<hbm>>) target(%arg10 : memref<125x128xf32, #tpu.memory_space<vmem>>) offsets(%dma_start3A_269 : memref<125xi32, #tpu.memory_space<vmem>>) semaphore(%arg13 : memref<!tpu.dma_semaphore, #tpu.memory_space<semaphore_mem>>)
      %dma_wait3A_273 = arith.constant 8 : i32
      %dma_wait3A_274 = arith.constant 0 : i32
      %dma_wait3A_275 = tpu.memref_slice %arg7[%dma_wait3A_273, %dma_wait3A_274] : memref<16x125xi32, #tpu.memory_space<vmem>> -> memref<1x125xi32, #tpu.memory_space<vmem>>
      %dma_wait3A_276 = tpu.memref_squeeze %dma_wait3A_275 : memref<1x125xi32, #tpu.memory_space<vmem>> -> memref<125xi32, #tpu.memory_space<vmem>>
      %dma_wait3A_277 = arith.constant 0 : i32
      %dma_wait3A_278 = arith.constant 0 : i32
      %dma_wait3A_279 = tpu.memref_slice %arg4[%dma_wait3A_277, %dma_wait3A_278] : memref<10000x128xf32, #tpu.memory_space<hbm>> -> memref<10000x128xf32, #tpu.memory_space<hbm>>
      tpu.wait_indirect_dma semaphore(%arg12 : memref<!tpu.dma_semaphore, #tpu.memory_space<semaphore_mem>>) src(%dma_wait3A_279 : memref<10000x128xf32, #tpu.memory_space<hbm>>) dst(%arg9 : memref<125x128xf32, #tpu.memory_space<vmem>>)
      %dma_start3A_280 = arith.constant 8 : i32
      %dma_start3A_281 = arith.constant 0 : i32
      %dma_start3A_282 = tpu.memref_slice %arg8[%dma_start3A_280, %dma_start3A_281] : memref<16x125xi32, #tpu.memory_space<vmem>> -> memref<1x125xi32, #tpu.memory_space<vmem>>
      %dma_start3A_283 = tpu.memref_squeeze %dma_start3A_282 : memref<1x125xi32, #tpu.memory_space<vmem>> -> memref<125xi32, #tpu.memory_space<vmem>>
      %dma_start3A_284 = arith.constant 0 : i32
      %dma_start3A_285 = arith.constant 0 : i32
      %dma_start3A_286 = tpu.memref_slice %arg11[%dma_start3A_284, %dma_start3A_285] : memref<10000x128xf32, #tpu.memory_space<vmem_shared>> -> memref<10000x128xf32, #tpu.memory_space<vmem_shared>>
      tpu.enqueue_indirect_dma source(%arg9 : memref<125x128xf32, #tpu.memory_space<vmem>>) target(%dma_start3A_286 : memref<10000x128xf32, #tpu.memory_space<vmem_shared>>) offsets(%dma_start3A_283 : memref<125xi32, #tpu.memory_space<vmem>>) semaphore(%arg14 : memref<!tpu.dma_semaphore, #tpu.memory_space<semaphore_mem>>) {add = true}
      %dma_wait3A_287 = arith.constant 0 : i32
      %dma_wait3A_288 = arith.constant 0 : i32
      %dma_wait3A_289 = tpu.memref_slice %arg8[%dma_wait3A_287, %dma_wait3A_288] : memref<16x125xi32, #tpu.memory_space<vmem>> -> memref<1x125xi32, #tpu.memory_space<vmem>>
      %dma_wait3A_290 = tpu.memref_squeeze %dma_wait3A_289 : memref<1x125xi32, #tpu.memory_space<vmem>> -> memref<125xi32, #tpu.memory_space<vmem>>
      %dma_wait3A_291 = arith.constant 0 : i32
      %dma_wait3A_292 = arith.constant 0 : i32
      %dma_wait3A_293 = tpu.memref_slice %arg11[%dma_wait3A_291, %dma_wait3A_292] : memref<10000x128xf32, #tpu.memory_space<vmem_shared>> -> memref<10000x128xf32, #tpu.memory_space<vmem_shared>>
      tpu.wait_indirect_dma semaphore(%arg14 : memref<!tpu.dma_semaphore, #tpu.memory_space<semaphore_mem>>) src(%arg9 : memref<125x128xf32, #tpu.memory_space<vmem>>) dst(%dma_wait3A_293 : memref<10000x128xf32, #tpu.memory_space<vmem_shared>>)
      %dma_start3A_294 = arith.constant 10 : i32
      %dma_start3A_295 = arith.constant 0 : i32
      %dma_start3A_296 = tpu.memref_slice %arg7[%dma_start3A_294, %dma_start3A_295] : memref<16x125xi32, #tpu.memory_space<vmem>> -> memref<1x125xi32, #tpu.memory_space<vmem>>
      %dma_start3A_297 = tpu.memref_squeeze %dma_start3A_296 : memref<1x125xi32, #tpu.memory_space<vmem>> -> memref<125xi32, #tpu.memory_space<vmem>>
      %dma_start3A_298 = arith.constant 0 : i32
      %dma_start3A_299 = arith.constant 0 : i32
      %dma_start3A_300 = tpu.memref_slice %arg4[%dma_start3A_298, %dma_start3A_299] : memref<10000x128xf32, #tpu.memory_space<hbm>> -> memref<10000x128xf32, #tpu.memory_space<hbm>>
      tpu.enqueue_indirect_dma source(%dma_start3A_300 : memref<10000x128xf32, #tpu.memory_space<hbm>>) target(%arg9 : memref<125x128xf32, #tpu.memory_space<vmem>>) offsets(%dma_start3A_297 : memref<125xi32, #tpu.memory_space<vmem>>) semaphore(%arg12 : memref<!tpu.dma_semaphore, #tpu.memory_space<semaphore_mem>>)
      %dma_wait3A_301 = arith.constant 9 : i32
      %dma_wait3A_302 = arith.constant 0 : i32
      %dma_wait3A_303 = tpu.memref_slice %arg7[%dma_wait3A_301, %dma_wait3A_302] : memref<16x125xi32, #tpu.memory_space<vmem>> -> memref<1x125xi32, #tpu.memory_space<vmem>>
      %dma_wait3A_304 = tpu.memref_squeeze %dma_wait3A_303 : memref<1x125xi32, #tpu.memory_space<vmem>> -> memref<125xi32, #tpu.memory_space<vmem>>
      %dma_wait3A_305 = arith.constant 0 : i32
      %dma_wait3A_306 = arith.constant 0 : i32
      %dma_wait3A_307 = tpu.memref_slice %arg4[%dma_wait3A_305, %dma_wait3A_306] : memref<10000x128xf32, #tpu.memory_space<hbm>> -> memref<10000x128xf32, #tpu.memory_space<hbm>>
      tpu.wait_indirect_dma semaphore(%arg13 : memref<!tpu.dma_semaphore, #tpu.memory_space<semaphore_mem>>) src(%dma_wait3A_307 : memref<10000x128xf32, #tpu.memory_space<hbm>>) dst(%arg10 : memref<125x128xf32, #tpu.memory_space<vmem>>)
      %dma_start3A_308 = arith.constant 9 : i32
      %dma_start3A_309 = arith.constant 0 : i32
      %dma_start3A_310 = tpu.memref_slice %arg8[%dma_start3A_308, %dma_start3A_309] : memref<16x125xi32, #tpu.memory_space<vmem>> -> memref<1x125xi32, #tpu.memory_space<vmem>>
      %dma_start3A_311 = tpu.memref_squeeze %dma_start3A_310 : memref<1x125xi32, #tpu.memory_space<vmem>> -> memref<125xi32, #tpu.memory_space<vmem>>
      %dma_start3A_312 = arith.constant 0 : i32
      %dma_start3A_313 = arith.constant 0 : i32
      %dma_start3A_314 = tpu.memref_slice %arg11[%dma_start3A_312, %dma_start3A_313] : memref<10000x128xf32, #tpu.memory_space<vmem_shared>> -> memref<10000x128xf32, #tpu.memory_space<vmem_shared>>
      tpu.enqueue_indirect_dma source(%arg10 : memref<125x128xf32, #tpu.memory_space<vmem>>) target(%dma_start3A_314 : memref<10000x128xf32, #tpu.memory_space<vmem_shared>>) offsets(%dma_start3A_311 : memref<125xi32, #tpu.memory_space<vmem>>) semaphore(%arg15 : memref<!tpu.dma_semaphore, #tpu.memory_space<semaphore_mem>>) {add = true}
      %dma_wait3A_315 = arith.constant 0 : i32
      %dma_wait3A_316 = arith.constant 0 : i32
      %dma_wait3A_317 = tpu.memref_slice %arg8[%dma_wait3A_315, %dma_wait3A_316] : memref<16x125xi32, #tpu.memory_space<vmem>> -> memref<1x125xi32, #tpu.memory_space<vmem>>
      %dma_wait3A_318 = tpu.memref_squeeze %dma_wait3A_317 : memref<1x125xi32, #tpu.memory_space<vmem>> -> memref<125xi32, #tpu.memory_space<vmem>>
      %dma_wait3A_319 = arith.constant 0 : i32
      %dma_wait3A_320 = arith.constant 0 : i32
      %dma_wait3A_321 = tpu.memref_slice %arg11[%dma_wait3A_319, %dma_wait3A_320] : memref<10000x128xf32, #tpu.memory_space<vmem_shared>> -> memref<10000x128xf32, #tpu.memory_space<vmem_shared>>
      tpu.wait_indirect_dma semaphore(%arg15 : memref<!tpu.dma_semaphore, #tpu.memory_space<semaphore_mem>>) src(%arg10 : memref<125x128xf32, #tpu.memory_space<vmem>>) dst(%dma_wait3A_321 : memref<10000x128xf32, #tpu.memory_space<vmem_shared>>)
      %dma_start3A_322 = arith.constant 11 : i32
      %dma_start3A_323 = arith.constant 0 : i32
      %dma_start3A_324 = tpu.memref_slice %arg7[%dma_start3A_322, %dma_start3A_323] : memref<16x125xi32, #tpu.memory_space<vmem>> -> memref<1x125xi32, #tpu.memory_space<vmem>>
      %dma_start3A_325 = tpu.memref_squeeze %dma_start3A_324 : memref<1x125xi32, #tpu.memory_space<vmem>> -> memref<125xi32, #tpu.memory_space<vmem>>
      %dma_start3A_326 = arith.constant 0 : i32
      %dma_start3A_327 = arith.constant 0 : i32
      %dma_start3A_328 = tpu.memref_slice %arg4[%dma_start3A_326, %dma_start3A_327] : memref<10000x128xf32, #tpu.memory_space<hbm>> -> memref<10000x128xf32, #tpu.memory_space<hbm>>
      tpu.enqueue_indirect_dma source(%dma_start3A_328 : memref<10000x128xf32, #tpu.memory_space<hbm>>) target(%arg10 : memref<125x128xf32, #tpu.memory_space<vmem>>) offsets(%dma_start3A_325 : memref<125xi32, #tpu.memory_space<vmem>>) semaphore(%arg13 : memref<!tpu.dma_semaphore, #tpu.memory_space<semaphore_mem>>)
      %dma_wait3A_329 = arith.constant 10 : i32
      %dma_wait3A_330 = arith.constant 0 : i32
      %dma_wait3A_331 = tpu.memref_slice %arg7[%dma_wait3A_329, %dma_wait3A_330] : memref<16x125xi32, #tpu.memory_space<vmem>> -> memref<1x125xi32, #tpu.memory_space<vmem>>
      %dma_wait3A_332 = tpu.memref_squeeze %dma_wait3A_331 : memref<1x125xi32, #tpu.memory_space<vmem>> -> memref<125xi32, #tpu.memory_space<vmem>>
      %dma_wait3A_333 = arith.constant 0 : i32
      %dma_wait3A_334 = arith.constant 0 : i32
      %dma_wait3A_335 = tpu.memref_slice %arg4[%dma_wait3A_333, %dma_wait3A_334] : memref<10000x128xf32, #tpu.memory_space<hbm>> -> memref<10000x128xf32, #tpu.memory_space<hbm>>
      tpu.wait_indirect_dma semaphore(%arg12 : memref<!tpu.dma_semaphore, #tpu.memory_space<semaphore_mem>>) src(%dma_wait3A_335 : memref<10000x128xf32, #tpu.memory_space<hbm>>) dst(%arg9 : memref<125x128xf32, #tpu.memory_space<vmem>>)
      %dma_start3A_336 = arith.constant 10 : i32
      %dma_start3A_337 = arith.constant 0 : i32
      %dma_start3A_338 = tpu.memref_slice %arg8[%dma_start3A_336, %dma_start3A_337] : memref<16x125xi32, #tpu.memory_space<vmem>> -> memref<1x125xi32, #tpu.memory_space<vmem>>
      %dma_start3A_339 = tpu.memref_squeeze %dma_start3A_338 : memref<1x125xi32, #tpu.memory_space<vmem>> -> memref<125xi32, #tpu.memory_space<vmem>>
      %dma_start3A_340 = arith.constant 0 : i32
      %dma_start3A_341 = arith.constant 0 : i32
      %dma_start3A_342 = tpu.memref_slice %arg11[%dma_start3A_340, %dma_start3A_341] : memref<10000x128xf32, #tpu.memory_space<vmem_shared>> -> memref<10000x128xf32, #tpu.memory_space<vmem_shared>>
      tpu.enqueue_indirect_dma source(%arg9 : memref<125x128xf32, #tpu.memory_space<vmem>>) target(%dma_start3A_342 : memref<10000x128xf32, #tpu.memory_space<vmem_shared>>) offsets(%dma_start3A_339 : memref<125xi32, #tpu.memory_space<vmem>>) semaphore(%arg14 : memref<!tpu.dma_semaphore, #tpu.memory_space<semaphore_mem>>) {add = true}
      %dma_wait3A_343 = arith.constant 0 : i32
      %dma_wait3A_344 = arith.constant 0 : i32
      %dma_wait3A_345 = tpu.memref_slice %arg8[%dma_wait3A_343, %dma_wait3A_344] : memref<16x125xi32, #tpu.memory_space<vmem>> -> memref<1x125xi32, #tpu.memory_space<vmem>>
      %dma_wait3A_346 = tpu.memref_squeeze %dma_wait3A_345 : memref<1x125xi32, #tpu.memory_space<vmem>> -> memref<125xi32, #tpu.memory_space<vmem>>
      %dma_wait3A_347 = arith.constant 0 : i32
      %dma_wait3A_348 = arith.constant 0 : i32
      %dma_wait3A_349 = tpu.memref_slice %arg11[%dma_wait3A_347, %dma_wait3A_348] : memref<10000x128xf32, #tpu.memory_space<vmem_shared>> -> memref<10000x128xf32, #tpu.memory_space<vmem_shared>>
      tpu.wait_indirect_dma semaphore(%arg14 : memref<!tpu.dma_semaphore, #tpu.memory_space<semaphore_mem>>) src(%arg9 : memref<125x128xf32, #tpu.memory_space<vmem>>) dst(%dma_wait3A_349 : memref<10000x128xf32, #tpu.memory_space<vmem_shared>>)
      %dma_start3A_350 = arith.constant 12 : i32
      %dma_start3A_351 = arith.constant 0 : i32
      %dma_start3A_352 = tpu.memref_slice %arg7[%dma_start3A_350, %dma_start3A_351] : memref<16x125xi32, #tpu.memory_space<vmem>> -> memref<1x125xi32, #tpu.memory_space<vmem>>
      %dma_start3A_353 = tpu.memref_squeeze %dma_start3A_352 : memref<1x125xi32, #tpu.memory_space<vmem>> -> memref<125xi32, #tpu.memory_space<vmem>>
      %dma_start3A_354 = arith.constant 0 : i32
      %dma_start3A_355 = arith.constant 0 : i32
      %dma_start3A_356 = tpu.memref_slice %arg4[%dma_start3A_354, %dma_start3A_355] : memref<10000x128xf32, #tpu.memory_space<hbm>> -> memref<10000x128xf32, #tpu.memory_space<hbm>>
      tpu.enqueue_indirect_dma source(%dma_start3A_356 : memref<10000x128xf32, #tpu.memory_space<hbm>>) target(%arg9 : memref<125x128xf32, #tpu.memory_space<vmem>>) offsets(%dma_start3A_353 : memref<125xi32, #tpu.memory_space<vmem>>) semaphore(%arg12 : memref<!tpu.dma_semaphore, #tpu.memory_space<semaphore_mem>>)
      %dma_wait3A_357 = arith.constant 11 : i32
      %dma_wait3A_358 = arith.constant 0 : i32
      %dma_wait3A_359 = tpu.memref_slice %arg7[%dma_wait3A_357, %dma_wait3A_358] : memref<16x125xi32, #tpu.memory_space<vmem>> -> memref<1x125xi32, #tpu.memory_space<vmem>>
      %dma_wait3A_360 = tpu.memref_squeeze %dma_wait3A_359 : memref<1x125xi32, #tpu.memory_space<vmem>> -> memref<125xi32, #tpu.memory_space<vmem>>
      %dma_wait3A_361 = arith.constant 0 : i32
      %dma_wait3A_362 = arith.constant 0 : i32
      %dma_wait3A_363 = tpu.memref_slice %arg4[%dma_wait3A_361, %dma_wait3A_362] : memref<10000x128xf32, #tpu.memory_space<hbm>> -> memref<10000x128xf32, #tpu.memory_space<hbm>>
      tpu.wait_indirect_dma semaphore(%arg13 : memref<!tpu.dma_semaphore, #tpu.memory_space<semaphore_mem>>) src(%dma_wait3A_363 : memref<10000x128xf32, #tpu.memory_space<hbm>>) dst(%arg10 : memref<125x128xf32, #tpu.memory_space<vmem>>)
      %dma_start3A_364 = arith.constant 11 : i32
      %dma_start3A_365 = arith.constant 0 : i32
      %dma_start3A_366 = tpu.memref_slice %arg8[%dma_start3A_364, %dma_start3A_365] : memref<16x125xi32, #tpu.memory_space<vmem>> -> memref<1x125xi32, #tpu.memory_space<vmem>>
      %dma_start3A_367 = tpu.memref_squeeze %dma_start3A_366 : memref<1x125xi32, #tpu.memory_space<vmem>> -> memref<125xi32, #tpu.memory_space<vmem>>
      %dma_start3A_368 = arith.constant 0 : i32
      %dma_start3A_369 = arith.constant 0 : i32
      %dma_start3A_370 = tpu.memref_slice %arg11[%dma_start3A_368, %dma_start3A_369] : memref<10000x128xf32, #tpu.memory_space<vmem_shared>> -> memref<10000x128xf32, #tpu.memory_space<vmem_shared>>
      tpu.enqueue_indirect_dma source(%arg10 : memref<125x128xf32, #tpu.memory_space<vmem>>) target(%dma_start3A_370 : memref<10000x128xf32, #tpu.memory_space<vmem_shared>>) offsets(%dma_start3A_367 : memref<125xi32, #tpu.memory_space<vmem>>) semaphore(%arg15 : memref<!tpu.dma_semaphore, #tpu.memory_space<semaphore_mem>>) {add = true}
      %dma_wait3A_371 = arith.constant 0 : i32
      %dma_wait3A_372 = arith.constant 0 : i32
      %dma_wait3A_373 = tpu.memref_slice %arg8[%dma_wait3A_371, %dma_wait3A_372] : memref<16x125xi32, #tpu.memory_space<vmem>> -> memref<1x125xi32, #tpu.memory_space<vmem>>
      %dma_wait3A_374 = tpu.memref_squeeze %dma_wait3A_373 : memref<1x125xi32, #tpu.memory_space<vmem>> -> memref<125xi32, #tpu.memory_space<vmem>>
      %dma_wait3A_375 = arith.constant 0 : i32
      %dma_wait3A_376 = arith.constant 0 : i32
      %dma_wait3A_377 = tpu.memref_slice %arg11[%dma_wait3A_375, %dma_wait3A_376] : memref<10000x128xf32, #tpu.memory_space<vmem_shared>> -> memref<10000x128xf32, #tpu.memory_space<vmem_shared>>
      tpu.wait_indirect_dma semaphore(%arg15 : memref<!tpu.dma_semaphore, #tpu.memory_space<semaphore_mem>>) src(%arg10 : memref<125x128xf32, #tpu.memory_space<vmem>>) dst(%dma_wait3A_377 : memref<10000x128xf32, #tpu.memory_space<vmem_shared>>)
      %dma_start3A_378 = arith.constant 13 : i32
      %dma_start3A_379 = arith.constant 0 : i32
      %dma_start3A_380 = tpu.memref_slice %arg7[%dma_start3A_378, %dma_start3A_379] : memref<16x125xi32, #tpu.memory_space<vmem>> -> memref<1x125xi32, #tpu.memory_space<vmem>>
      %dma_start3A_381 = tpu.memref_squeeze %dma_start3A_380 : memref<1x125xi32, #tpu.memory_space<vmem>> -> memref<125xi32, #tpu.memory_space<vmem>>
      %dma_start3A_382 = arith.constant 0 : i32
      %dma_start3A_383 = arith.constant 0 : i32
      %dma_start3A_384 = tpu.memref_slice %arg4[%dma_start3A_382, %dma_start3A_383] : memref<10000x128xf32, #tpu.memory_space<hbm>> -> memref<10000x128xf32, #tpu.memory_space<hbm>>
      tpu.enqueue_indirect_dma source(%dma_start3A_384 : memref<10000x128xf32, #tpu.memory_space<hbm>>) target(%arg10 : memref<125x128xf32, #tpu.memory_space<vmem>>) offsets(%dma_start3A_381 : memref<125xi32, #tpu.memory_space<vmem>>) semaphore(%arg13 : memref<!tpu.dma_semaphore, #tpu.memory_space<semaphore_mem>>)
      %dma_wait3A_385 = arith.constant 12 : i32
      %dma_wait3A_386 = arith.constant 0 : i32
      %dma_wait3A_387 = tpu.memref_slice %arg7[%dma_wait3A_385, %dma_wait3A_386] : memref<16x125xi32, #tpu.memory_space<vmem>> -> memref<1x125xi32, #tpu.memory_space<vmem>>
      %dma_wait3A_388 = tpu.memref_squeeze %dma_wait3A_387 : memref<1x125xi32, #tpu.memory_space<vmem>> -> memref<125xi32, #tpu.memory_space<vmem>>
      %dma_wait3A_389 = arith.constant 0 : i32
      %dma_wait3A_390 = arith.constant 0 : i32
      %dma_wait3A_391 = tpu.memref_slice %arg4[%dma_wait3A_389, %dma_wait3A_390] : memref<10000x128xf32, #tpu.memory_space<hbm>> -> memref<10000x128xf32, #tpu.memory_space<hbm>>
      tpu.wait_indirect_dma semaphore(%arg12 : memref<!tpu.dma_semaphore, #tpu.memory_space<semaphore_mem>>) src(%dma_wait3A_391 : memref<10000x128xf32, #tpu.memory_space<hbm>>) dst(%arg9 : memref<125x128xf32, #tpu.memory_space<vmem>>)
      %dma_start3A_392 = arith.constant 12 : i32
      %dma_start3A_393 = arith.constant 0 : i32
      %dma_start3A_394 = tpu.memref_slice %arg8[%dma_start3A_392, %dma_start3A_393] : memref<16x125xi32, #tpu.memory_space<vmem>> -> memref<1x125xi32, #tpu.memory_space<vmem>>
      %dma_start3A_395 = tpu.memref_squeeze %dma_start3A_394 : memref<1x125xi32, #tpu.memory_space<vmem>> -> memref<125xi32, #tpu.memory_space<vmem>>
      %dma_start3A_396 = arith.constant 0 : i32
      %dma_start3A_397 = arith.constant 0 : i32
      %dma_start3A_398 = tpu.memref_slice %arg11[%dma_start3A_396, %dma_start3A_397] : memref<10000x128xf32, #tpu.memory_space<vmem_shared>> -> memref<10000x128xf32, #tpu.memory_space<vmem_shared>>
      tpu.enqueue_indirect_dma source(%arg9 : memref<125x128xf32, #tpu.memory_space<vmem>>) target(%dma_start3A_398 : memref<10000x128xf32, #tpu.memory_space<vmem_shared>>) offsets(%dma_start3A_395 : memref<125xi32, #tpu.memory_space<vmem>>) semaphore(%arg14 : memref<!tpu.dma_semaphore, #tpu.memory_space<semaphore_mem>>) {add = true}
      %dma_wait3A_399 = arith.constant 0 : i32
      %dma_wait3A_400 = arith.constant 0 : i32
      %dma_wait3A_401 = tpu.memref_slice %arg8[%dma_wait3A_399, %dma_wait3A_400] : memref<16x125xi32, #tpu.memory_space<vmem>> -> memref<1x125xi32, #tpu.memory_space<vmem>>
      %dma_wait3A_402 = tpu.memref_squeeze %dma_wait3A_401 : memref<1x125xi32, #tpu.memory_space<vmem>> -> memref<125xi32, #tpu.memory_space<vmem>>
      %dma_wait3A_403 = arith.constant 0 : i32
      %dma_wait3A_404 = arith.constant 0 : i32
      %dma_wait3A_405 = tpu.memref_slice %arg11[%dma_wait3A_403, %dma_wait3A_404] : memref<10000x128xf32, #tpu.memory_space<vmem_shared>> -> memref<10000x128xf32, #tpu.memory_space<vmem_shared>>
      tpu.wait_indirect_dma semaphore(%arg14 : memref<!tpu.dma_semaphore, #tpu.memory_space<semaphore_mem>>) src(%arg9 : memref<125x128xf32, #tpu.memory_space<vmem>>) dst(%dma_wait3A_405 : memref<10000x128xf32, #tpu.memory_space<vmem_shared>>)
      %dma_start3A_406 = arith.constant 14 : i32
      %dma_start3A_407 = arith.constant 0 : i32
      %dma_start3A_408 = tpu.memref_slice %arg7[%dma_start3A_406, %dma_start3A_407] : memref<16x125xi32, #tpu.memory_space<vmem>> -> memref<1x125xi32, #tpu.memory_space<vmem>>
      %dma_start3A_409 = tpu.memref_squeeze %dma_start3A_408 : memref<1x125xi32, #tpu.memory_space<vmem>> -> memref<125xi32, #tpu.memory_space<vmem>>
      %dma_start3A_410 = arith.constant 0 : i32
      %dma_start3A_411 = arith.constant 0 : i32
      %dma_start3A_412 = tpu.memref_slice %arg4[%dma_start3A_410, %dma_start3A_411] : memref<10000x128xf32, #tpu.memory_space<hbm>> -> memref<10000x128xf32, #tpu.memory_space<hbm>>
      tpu.enqueue_indirect_dma source(%dma_start3A_412 : memref<10000x128xf32, #tpu.memory_space<hbm>>) target(%arg9 : memref<125x128xf32, #tpu.memory_space<vmem>>) offsets(%dma_start3A_409 : memref<125xi32, #tpu.memory_space<vmem>>) semaphore(%arg12 : memref<!tpu.dma_semaphore, #tpu.memory_space<semaphore_mem>>)
      %dma_wait3A_413 = arith.constant 13 : i32
      %dma_wait3A_414 = arith.constant 0 : i32
      %dma_wait3A_415 = tpu.memref_slice %arg7[%dma_wait3A_413, %dma_wait3A_414] : memref<16x125xi32, #tpu.memory_space<vmem>> -> memref<1x125xi32, #tpu.memory_space<vmem>>
      %dma_wait3A_416 = tpu.memref_squeeze %dma_wait3A_415 : memref<1x125xi32, #tpu.memory_space<vmem>> -> memref<125xi32, #tpu.memory_space<vmem>>
      %dma_wait3A_417 = arith.constant 0 : i32
      %dma_wait3A_418 = arith.constant 0 : i32
      %dma_wait3A_419 = tpu.memref_slice %arg4[%dma_wait3A_417, %dma_wait3A_418] : memref<10000x128xf32, #tpu.memory_space<hbm>> -> memref<10000x128xf32, #tpu.memory_space<hbm>>
      tpu.wait_indirect_dma semaphore(%arg13 : memref<!tpu.dma_semaphore, #tpu.memory_space<semaphore_mem>>) src(%dma_wait3A_419 : memref<10000x128xf32, #tpu.memory_space<hbm>>) dst(%arg10 : memref<125x128xf32, #tpu.memory_space<vmem>>)
      %dma_start3A_420 = arith.constant 13 : i32
      %dma_start3A_421 = arith.constant 0 : i32
      %dma_start3A_422 = tpu.memref_slice %arg8[%dma_start3A_420, %dma_start3A_421] : memref<16x125xi32, #tpu.memory_space<vmem>> -> memref<1x125xi32, #tpu.memory_space<vmem>>
      %dma_start3A_423 = tpu.memref_squeeze %dma_start3A_422 : memref<1x125xi32, #tpu.memory_space<vmem>> -> memref<125xi32, #tpu.memory_space<vmem>>
      %dma_start3A_424 = arith.constant 0 : i32
      %dma_start3A_425 = arith.constant 0 : i32
      %dma_start3A_426 = tpu.memref_slice %arg11[%dma_start3A_424, %dma_start3A_425] : memref<10000x128xf32, #tpu.memory_space<vmem_shared>> -> memref<10000x128xf32, #tpu.memory_space<vmem_shared>>
      tpu.enqueue_indirect_dma source(%arg10 : memref<125x128xf32, #tpu.memory_space<vmem>>) target(%dma_start3A_426 : memref<10000x128xf32, #tpu.memory_space<vmem_shared>>) offsets(%dma_start3A_423 : memref<125xi32, #tpu.memory_space<vmem>>) semaphore(%arg15 : memref<!tpu.dma_semaphore, #tpu.memory_space<semaphore_mem>>) {add = true}
      %dma_wait3A_427 = arith.constant 0 : i32
      %dma_wait3A_428 = arith.constant 0 : i32
      %dma_wait3A_429 = tpu.memref_slice %arg8[%dma_wait3A_427, %dma_wait3A_428] : memref<16x125xi32, #tpu.memory_space<vmem>> -> memref<1x125xi32, #tpu.memory_space<vmem>>
      %dma_wait3A_430 = tpu.memref_squeeze %dma_wait3A_429 : memref<1x125xi32, #tpu.memory_space<vmem>> -> memref<125xi32, #tpu.memory_space<vmem>>
      %dma_wait3A_431 = arith.constant 0 : i32
      %dma_wait3A_432 = arith.constant 0 : i32
      %dma_wait3A_433 = tpu.memref_slice %arg11[%dma_wait3A_431, %dma_wait3A_432] : memref<10000x128xf32, #tpu.memory_space<vmem_shared>> -> memref<10000x128xf32, #tpu.memory_space<vmem_shared>>
      tpu.wait_indirect_dma semaphore(%arg15 : memref<!tpu.dma_semaphore, #tpu.memory_space<semaphore_mem>>) src(%arg10 : memref<125x128xf32, #tpu.memory_space<vmem>>) dst(%dma_wait3A_433 : memref<10000x128xf32, #tpu.memory_space<vmem_shared>>)
      %dma_start3A_434 = arith.constant 15 : i32
      %dma_start3A_435 = arith.constant 0 : i32
      %dma_start3A_436 = tpu.memref_slice %arg7[%dma_start3A_434, %dma_start3A_435] : memref<16x125xi32, #tpu.memory_space<vmem>> -> memref<1x125xi32, #tpu.memory_space<vmem>>
      %dma_start3A_437 = tpu.memref_squeeze %dma_start3A_436 : memref<1x125xi32, #tpu.memory_space<vmem>> -> memref<125xi32, #tpu.memory_space<vmem>>
      %dma_start3A_438 = arith.constant 0 : i32
      %dma_start3A_439 = arith.constant 0 : i32
      %dma_start3A_440 = tpu.memref_slice %arg4[%dma_start3A_438, %dma_start3A_439] : memref<10000x128xf32, #tpu.memory_space<hbm>> -> memref<10000x128xf32, #tpu.memory_space<hbm>>
      tpu.enqueue_indirect_dma source(%dma_start3A_440 : memref<10000x128xf32, #tpu.memory_space<hbm>>) target(%arg10 : memref<125x128xf32, #tpu.memory_space<vmem>>) offsets(%dma_start3A_437 : memref<125xi32, #tpu.memory_space<vmem>>) semaphore(%arg13 : memref<!tpu.dma_semaphore, #tpu.memory_space<semaphore_mem>>)
      %dma_wait3A_441 = arith.constant 14 : i32
      %dma_wait3A_442 = arith.constant 0 : i32
      %dma_wait3A_443 = tpu.memref_slice %arg7[%dma_wait3A_441, %dma_wait3A_442] : memref<16x125xi32, #tpu.memory_space<vmem>> -> memref<1x125xi32, #tpu.memory_space<vmem>>
      %dma_wait3A_444 = tpu.memref_squeeze %dma_wait3A_443 : memref<1x125xi32, #tpu.memory_space<vmem>> -> memref<125xi32, #tpu.memory_space<vmem>>
      %dma_wait3A_445 = arith.constant 0 : i32
      %dma_wait3A_446 = arith.constant 0 : i32
      %dma_wait3A_447 = tpu.memref_slice %arg4[%dma_wait3A_445, %dma_wait3A_446] : memref<10000x128xf32, #tpu.memory_space<hbm>> -> memref<10000x128xf32, #tpu.memory_space<hbm>>
      tpu.wait_indirect_dma semaphore(%arg12 : memref<!tpu.dma_semaphore, #tpu.memory_space<semaphore_mem>>) src(%dma_wait3A_447 : memref<10000x128xf32, #tpu.memory_space<hbm>>) dst(%arg9 : memref<125x128xf32, #tpu.memory_space<vmem>>)
      %dma_start3A_448 = arith.constant 14 : i32
      %dma_start3A_449 = arith.constant 0 : i32
      %dma_start3A_450 = tpu.memref_slice %arg8[%dma_start3A_448, %dma_start3A_449] : memref<16x125xi32, #tpu.memory_space<vmem>> -> memref<1x125xi32, #tpu.memory_space<vmem>>
      %dma_start3A_451 = tpu.memref_squeeze %dma_start3A_450 : memref<1x125xi32, #tpu.memory_space<vmem>> -> memref<125xi32, #tpu.memory_space<vmem>>
      %dma_start3A_452 = arith.constant 0 : i32
      %dma_start3A_453 = arith.constant 0 : i32
      %dma_start3A_454 = tpu.memref_slice %arg11[%dma_start3A_452, %dma_start3A_453] : memref<10000x128xf32, #tpu.memory_space<vmem_shared>> -> memref<10000x128xf32, #tpu.memory_space<vmem_shared>>
      tpu.enqueue_indirect_dma source(%arg9 : memref<125x128xf32, #tpu.memory_space<vmem>>) target(%dma_start3A_454 : memref<10000x128xf32, #tpu.memory_space<vmem_shared>>) offsets(%dma_start3A_451 : memref<125xi32, #tpu.memory_space<vmem>>) semaphore(%arg14 : memref<!tpu.dma_semaphore, #tpu.memory_space<semaphore_mem>>) {add = true}
      %dma_wait3A_455 = arith.constant 15 : i32
      %dma_wait3A_456 = arith.constant 0 : i32
      %dma_wait3A_457 = tpu.memref_slice %arg7[%dma_wait3A_455, %dma_wait3A_456] : memref<16x125xi32, #tpu.memory_space<vmem>> -> memref<1x125xi32, #tpu.memory_space<vmem>>
      %dma_wait3A_458 = tpu.memref_squeeze %dma_wait3A_457 : memref<1x125xi32, #tpu.memory_space<vmem>> -> memref<125xi32, #tpu.memory_space<vmem>>
      %dma_wait3A_459 = arith.constant 0 : i32
      %dma_wait3A_460 = arith.constant 0 : i32
      %dma_wait3A_461 = tpu.memref_slice %arg4[%dma_wait3A_459, %dma_wait3A_460] : memref<10000x128xf32, #tpu.memory_space<hbm>> -> memref<10000x128xf32, #tpu.memory_space<hbm>>
      tpu.wait_indirect_dma semaphore(%arg13 : memref<!tpu.dma_semaphore, #tpu.memory_space<semaphore_mem>>) src(%dma_wait3A_461 : memref<10000x128xf32, #tpu.memory_space<hbm>>) dst(%arg10 : memref<125x128xf32, #tpu.memory_space<vmem>>)
      %dma_start3A_462 = arith.constant 15 : i32
      %dma_start3A_463 = arith.constant 0 : i32
      %dma_start3A_464 = tpu.memref_slice %arg8[%dma_start3A_462, %dma_start3A_463] : memref<16x125xi32, #tpu.memory_space<vmem>> -> memref<1x125xi32, #tpu.memory_space<vmem>>
      %dma_start3A_465 = tpu.memref_squeeze %dma_start3A_464 : memref<1x125xi32, #tpu.memory_space<vmem>> -> memref<125xi32, #tpu.memory_space<vmem>>
      %dma_start3A_466 = arith.constant 0 : i32
      %dma_start3A_467 = arith.constant 0 : i32
      %dma_start3A_468 = tpu.memref_slice %arg11[%dma_start3A_466, %dma_start3A_467] : memref<10000x128xf32, #tpu.memory_space<vmem_shared>> -> memref<10000x128xf32, #tpu.memory_space<vmem_shared>>
      tpu.enqueue_indirect_dma source(%arg10 : memref<125x128xf32, #tpu.memory_space<vmem>>) target(%dma_start3A_468 : memref<10000x128xf32, #tpu.memory_space<vmem_shared>>) offsets(%dma_start3A_465 : memref<125xi32, #tpu.memory_space<vmem>>) semaphore(%arg15 : memref<!tpu.dma_semaphore, #tpu.memory_space<semaphore_mem>>) {add = true}
    }
    %scan3A_7 = arith.constant 5 : i32
    %dma_wait3A = arith.constant 0 : i32
    %dma_wait3A_8 = arith.constant 0 : i32
    %dma_wait3A_9 = tpu.memref_slice %arg8[%dma_wait3A, %dma_wait3A_8] : memref<16x125xi32, #tpu.memory_space<vmem>> -> memref<1x125xi32, #tpu.memory_space<vmem>>
    %dma_wait3A_10 = tpu.memref_squeeze %dma_wait3A_9 : memref<1x125xi32, #tpu.memory_space<vmem>> -> memref<125xi32, #tpu.memory_space<vmem>>
    %dma_wait3A_11 = arith.constant 0 : i32
    %dma_wait3A_12 = arith.constant 0 : i32
    %dma_wait3A_13 = tpu.memref_slice %arg11[%dma_wait3A_11, %dma_wait3A_12] : memref<10000x128xf32, #tpu.memory_space<vmem_shared>> -> memref<10000x128xf32, #tpu.memory_space<vmem_shared>>
    tpu.wait_indirect_dma semaphore(%arg14 : memref<!tpu.dma_semaphore, #tpu.memory_space<semaphore_mem>>) src(%arg9 : memref<125x128xf32, #tpu.memory_space<vmem>>) dst(%dma_wait3A_13 : memref<10000x128xf32, #tpu.memory_space<vmem_shared>>)
    %dma_wait3A_14 = arith.constant 0 : i32
    %dma_wait3A_15 = arith.constant 0 : i32
    %dma_wait3A_16 = tpu.memref_slice %arg8[%dma_wait3A_14, %dma_wait3A_15] : memref<16x125xi32, #tpu.memory_space<vmem>> -> memref<1x125xi32, #tpu.memory_space<vmem>>
    %dma_wait3A_17 = tpu.memref_squeeze %dma_wait3A_16 : memref<1x125xi32, #tpu.memory_space<vmem>> -> memref<125xi32, #tpu.memory_space<vmem>>
    %dma_wait3A_18 = arith.constant 0 : i32
    %dma_wait3A_19 = arith.constant 0 : i32
    %dma_wait3A_20 = tpu.memref_slice %arg11[%dma_wait3A_18, %dma_wait3A_19] : memref<10000x128xf32, #tpu.memory_space<vmem_shared>> -> memref<10000x128xf32, #tpu.memory_space<vmem_shared>>
    tpu.wait_indirect_dma semaphore(%arg15 : memref<!tpu.dma_semaphore, #tpu.memory_space<semaphore_mem>>) src(%arg10 : memref<125x128xf32, #tpu.memory_space<vmem>>) dst(%dma_wait3A_20 : memref<10000x128xf32, #tpu.memory_space<vmem_shared>>)
    %barrier3A_21 = arith.constant 0 : index
    tpu.barrier barrier_id(%barrier3A_21)
    %lt3A_22 = arith.constant 10 : i32
    %lt3A_23 = arith.cmpi slt, %arg1, %lt3A_22 : i32
    %convert_element_type3A_24 = arith.extui %lt3A_23 : i1 to i32
    %cond3A_25 = arith.constant 0 : i32
    %cond3A_26 = arith.cmpi ne, %convert_element_type3A_24, %cond3A_25 : i32
    scf.if %cond3A_26 {
      %mul3A_27 = arith.constant 1000 : i32
      %mul3A_28 = arith.muli %arg1, %mul3A_27 : i32
      %mul3A_29 = arith.constant 1000 : i32
      %mul3A_30 = arith.muli %arg1, %mul3A_29 : i32
      "tpu.region"() ({
        %run_scoped3A = tpu.sem_alloc : memref<!tpu.dma_semaphore, #tpu.memory_space<semaphore_mem>>
        %dma_start3A = arith.constant 0 : i32
        %dma_start3A_31 = tpu.memref_slice %arg6[%arg0, %mul3A_30, %dma_start3A] : memref<2x10000x128xf32, #tpu.memory_space<hbm>> -> memref<1x1000x128xf32, #tpu.memory_space<hbm>>
        %dma_start3A_32 = tpu.memref_squeeze %dma_start3A_31 : memref<1x1000x128xf32, #tpu.memory_space<hbm>> -> memref<1000x128xf32, #tpu.memory_space<hbm>>
        %dma_start3A_33 = arith.constant 0 : i32
        %dma_start3A_34 = tpu.memref_slice %arg11[%mul3A_28, %dma_start3A_33] : memref<10000x128xf32, #tpu.memory_space<vmem_shared>> -> memref<1000x128xf32, #tpu.memory_space<vmem_shared>>
        tpu.enqueue_dma source(%dma_start3A_34 : memref<1000x128xf32, #tpu.memory_space<vmem_shared>>) target(%dma_start3A_32 : memref<1000x128xf32, #tpu.memory_space<hbm>>) target_semaphore(%run_scoped3A : memref<!tpu.dma_semaphore, #tpu.memory_space<semaphore_mem>>)
        %dma_wait3A_35 = arith.constant 0 : i32
        %dma_wait3A_36 = tpu.memref_slice %arg6[%arg0, %mul3A_30, %dma_wait3A_35] : memref<2x10000x128xf32, #tpu.memory_space<hbm>> -> memref<1x1000x128xf32, #tpu.memory_space<hbm>>
        %dma_wait3A_37 = tpu.memref_squeeze %dma_wait3A_36 : memref<1x1000x128xf32, #tpu.memory_space<hbm>> -> memref<1000x128xf32, #tpu.memory_space<hbm>>
        %dma_wait3A_38 = arith.constant 0 : i32
        %dma_wait3A_39 = tpu.memref_slice %arg11[%mul3A_28, %dma_wait3A_38] : memref<10000x128xf32, #tpu.memory_space<vmem_shared>> -> memref<1000x128xf32, #tpu.memory_space<vmem_shared>>
        tpu.wait_dma2 semaphore(%run_scoped3A : memref<!tpu.dma_semaphore, #tpu.memory_space<semaphore_mem>>) src(%dma_wait3A_39 : memref<1000x128xf32, #tpu.memory_space<vmem_shared>>) dst(%dma_wait3A_37 : memref<1000x128xf32, #tpu.memory_space<hbm>>)
        tpu.yield
      }) : () -> ()
    } else {
    }
    return
  }
}

module attributes {stable_mosaic.version = 14 : i64} {
  func.func @_proj_body(%arg0: i32, %arg1: memref<1000x128xf32, #tpu.memory_space<vmem>>, %arg2: memref<128x128xf32, #tpu.memory_space<vmem>>, %arg3: memref<1x128xf32, #tpu.memory_space<vmem>>, %arg4: memref<128x128xf32, #tpu.memory_space<vmem>>, %arg5: memref<1000x128xf32, #tpu.memory_space<vmem>>, %arg6: memref<1000x128xf32, #tpu.memory_space<vmem>>, %arg7: memref<1000x128xf32, #tpu.memory_space<vmem>>) attributes {dimension_semantics = [#tpu.dimension_semantics<arbitrary>], iteration_bounds = array<i64: 10>, scalar_prefetch = 0 : i64, scratch_operands = 0 : i64, tpu.core_type = #tpu.core_type<tc>, window_params = [{transform_indices = @transform_0, window_bounds = array<i64: 1000, 128>}, {pipeline_mode = #tpu.pipeline_mode<synchronous>, transform_indices = @transform_1, window_bounds = array<i64: 128, 128>}, {pipeline_mode = #tpu.pipeline_mode<synchronous>, transform_indices = @transform_2, window_bounds = array<i64: 1, 128>}, {pipeline_mode = #tpu.pipeline_mode<synchronous>, transform_indices = @transform_3, window_bounds = array<i64: 128, 128>}, {transform_indices = @transform_4, window_bounds = array<i64: 1000, 128>}, {transform_indices = @transform_5, window_bounds = array<i64: 1000, 128>}, {transform_indices = @transform_6, window_bounds = array<i64: 1000, 128>}]} {
    %get3A = arith.constant 0 : index
    %get3A_0 = arith.constant 0 : index
    %get3A_1 = vector.load %arg5[%get3A, %get3A_0] : memref<1000x128xf32, #tpu.memory_space<vmem>>, vector<1000x1xf32>
    %get3A_2 = arith.constant 0 : index
    %get3A_3 = arith.constant 0 : index
    %get3A_4 = vector.load %arg6[%get3A_2, %get3A_3] : memref<1000x128xf32, #tpu.memory_space<vmem>>, vector<1000x1xf32>
    %add3A = arith.addf %get3A_1, %get3A_4 : vector<1000x1xf32>
    %add3A_5 = arith.constant 1.000000e+00 : f32
    %add3A_6 = vector.broadcast %add3A_5 : f32 to vector<1000x1xf32>
    %add3A_7 = arith.addf %add3A, %add3A_6 : vector<1000x1xf32>
    %rsqrt3A = math.rsqrt %add3A_7 : vector<1000x1xf32>
    %get3A_8 = arith.constant 0 : index
    %get3A_9 = arith.constant 0 : index
    %get3A_10 = vector.load %arg1[%get3A_8, %get3A_9] : memref<1000x128xf32, #tpu.memory_space<vmem>>, vector<1000x128xf32>
    %get3A_11 = arith.constant 0 : index
    %get3A_12 = arith.constant 0 : index
    %get3A_13 = vector.load %arg2[%get3A_11, %get3A_12] : memref<128x128xf32, #tpu.memory_space<vmem>>, vector<128x128xf32>
    %dot_general3A = arith.constant dense<0.000000e+00> : vector<1000x128xf32>
    %dot_general3A_14 = tpu.matmul %get3A_10, %get3A_13, %dot_general3A {dimension_numbers = #tpu.dot_dimension_numbers<[1], [0], [0], [1], [0, 0, 1, 1], [], []>, transpose_lhs_hint = false} : vector<1000x128xf32>, vector<128x128xf32>, vector<1000x128xf32> -> vector<1000x128xf32>
    %get3A_15 = arith.constant 0 : index
    %get3A_16 = arith.constant 0 : index
    %get3A_17 = vector.load %arg3[%get3A_15, %get3A_16] : memref<1x128xf32, #tpu.memory_space<vmem>>, vector<1x128xf32>
    %add3A_18 = vector.broadcast %get3A_17 : vector<1x128xf32> to vector<1000x128xf32>
    %add3A_19 = arith.addf %dot_general3A_14, %add3A_18 : vector<1000x128xf32>
    %get3A_20 = arith.constant 0 : index
    %get3A_21 = arith.constant 0 : index
    %get3A_22 = vector.load %arg4[%get3A_20, %get3A_21] : memref<128x128xf32, #tpu.memory_space<vmem>>, vector<128x128xf32>
    %dot_general3A_23 = arith.constant dense<0.000000e+00> : vector<1000x128xf32>
    %dot_general3A_24 = tpu.matmul %add3A_19, %get3A_22, %dot_general3A_23 {dimension_numbers = #tpu.dot_dimension_numbers<[1], [0], [0], [1], [0, 0, 1, 1], [], []>, transpose_lhs_hint = false} : vector<1000x128xf32>, vector<128x128xf32>, vector<1000x128xf32> -> vector<1000x128xf32>
    %mul3A = vector.broadcast %rsqrt3A : vector<1000x1xf32> to vector<1000x128xf32>
    %mul3A_25 = arith.mulf %dot_general3A_24, %mul3A : vector<1000x128xf32>
    %swap3A = arith.constant 0 : index
    %swap3A_26 = arith.constant 0 : index
    %swap3A_27 = vector.load %arg7[%swap3A, %swap3A_26] : memref<1000x128xf32, #tpu.memory_space<vmem>>, vector<1000x128xf32>
    tpu.vector_store %arg7[%swap3A, %swap3A_26], %mul3A_25 {strides = array<i32>} : memref<1000x128xf32, #tpu.memory_space<vmem>>, vector<1000x128xf32>,
    return
  }
  func.func @transform_0(%arg0: i32) -> (i32, i32) {
    %c0_i32 = arith.constant 0 : i32
    %c0_i32_0 = arith.constant 0 : i32
    return %arg0, %c0_i32 : i32, i32
  }
  func.func @transform_1(%arg0: i32) -> (i32, i32) {
    %c0_i32 = arith.constant 0 : i32
    %c0_i32_0 = arith.constant 0 : i32
    %c0_i32_1 = arith.constant 0 : i32
    return %c0_i32, %c0_i32_0 : i32, i32
  }
  func.func @transform_2(%arg0: i32) -> (i32, i32) {
    %c0_i32 = arith.constant 0 : i32
    %c0_i32_0 = arith.constant 0 : i32
    %c0_i32_1 = arith.constant 0 : i32
    return %c0_i32, %c0_i32_0 : i32, i32
  }
  func.func @transform_3(%arg0: i32) -> (i32, i32) {
    %c0_i32 = arith.constant 0 : i32
    %c0_i32_0 = arith.constant 0 : i32
    %c0_i32_1 = arith.constant 0 : i32
    return %c0_i32, %c0_i32_0 : i32, i32
  }
  func.func @transform_4(%arg0: i32) -> (i32, i32) {
    %c0_i32 = arith.constant 0 : i32
    %c0_i32_0 = arith.constant 0 : i32
    return %arg0, %c0_i32 : i32, i32
  }
  func.func @transform_5(%arg0: i32) -> (i32, i32) {
    %c0_i32 = arith.constant 0 : i32
    %c0_i32_0 = arith.constant 0 : i32
    return %arg0, %c0_i32 : i32, i32
  }
  func.func @transform_6(%arg0: i32) -> (i32, i32) {
    %c0_i32 = arith.constant 0 : i32
    %c0_i32_0 = arith.constant 0 : i32
    return %arg0, %c0_i32 : i32, i32
  }
}

module attributes {stable_mosaic.version = 14 : i64} {
  func.func @_mid_body(%arg0: i32, %arg1: memref<1000x128xf32, #tpu.memory_space<vmem>>, %arg2: memref<1000x128xf32, #tpu.memory_space<vmem>>, %arg3: memref<1000x128xf32, #tpu.memory_space<vmem>>, %arg4: memref<1000x128xf32, #tpu.memory_space<vmem>>, %arg5: memref<1000x128xf32, #tpu.memory_space<vmem>>, %arg6: memref<1x128xf32, #tpu.memory_space<vmem>>, %arg7: memref<128x128xf32, #tpu.memory_space<vmem>>, %arg8: memref<1000x128xf32, #tpu.memory_space<vmem>>) attributes {dimension_semantics = [#tpu.dimension_semantics<arbitrary>], iteration_bounds = array<i64: 10>, scalar_prefetch = 0 : i64, scratch_operands = 0 : i64, tpu.core_type = #tpu.core_type<tc>, window_params = [{transform_indices = @transform_0, window_bounds = array<i64: 1000, 128>}, {transform_indices = @transform_1, window_bounds = array<i64: 1000, 128>}, {transform_indices = @transform_2, window_bounds = array<i64: 1000, 128>}, {transform_indices = @transform_3, window_bounds = array<i64: 1000, 128>}, {transform_indices = @transform_4, window_bounds = array<i64: 1000, 128>}, {pipeline_mode = #tpu.pipeline_mode<synchronous>, transform_indices = @transform_5, window_bounds = array<i64: 1, 128>}, {pipeline_mode = #tpu.pipeline_mode<synchronous>, transform_indices = @transform_6, window_bounds = array<i64: 128, 128>}, {transform_indices = @transform_7, window_bounds = array<i64: 1000, 128>}]} {
    %get3A = arith.constant 0 : index
    %get3A_0 = arith.constant 0 : index
    %get3A_1 = vector.load %arg4[%get3A, %get3A_0] : memref<1000x128xf32, #tpu.memory_space<vmem>>, vector<1000x1xf32>
    %get3A_2 = arith.constant 0 : index
    %get3A_3 = arith.constant 0 : index
    %get3A_4 = vector.load %arg5[%get3A_2, %get3A_3] : memref<1000x128xf32, #tpu.memory_space<vmem>>, vector<1000x1xf32>
    %add3A = arith.addf %get3A_1, %get3A_4 : vector<1000x1xf32>
    %add3A_5 = arith.constant 1.000000e+00 : f32
    %add3A_6 = vector.broadcast %add3A_5 : f32 to vector<1000x1xf32>
    %add3A_7 = arith.addf %add3A, %add3A_6 : vector<1000x1xf32>
    %rsqrt3A = math.rsqrt %add3A_7 : vector<1000x1xf32>
    %get3A_8 = arith.constant 0 : index
    %get3A_9 = arith.constant 0 : index
    %get3A_10 = vector.load %arg1[%get3A_8, %get3A_9] : memref<1000x128xf32, #tpu.memory_space<vmem>>, vector<1000x128xf32>
    %get3A_11 = arith.constant 0 : index
    %get3A_12 = arith.constant 0 : index
    %get3A_13 = vector.load %arg2[%get3A_11, %get3A_12] : memref<1000x128xf32, #tpu.memory_space<vmem>>, vector<1000x128xf32>
    %add3A_14 = arith.addf %get3A_10, %get3A_13 : vector<1000x128xf32>
    %get3A_15 = arith.constant 0 : index
    %get3A_16 = arith.constant 0 : index
    %get3A_17 = vector.load %arg3[%get3A_15, %get3A_16] : memref<1000x128xf32, #tpu.memory_space<vmem>>, vector<1000x128xf32>
    %add3A_18 = arith.addf %add3A_14, %get3A_17 : vector<1000x128xf32>
    %mul3A = vector.broadcast %rsqrt3A : vector<1000x1xf32> to vector<1000x128xf32>
    %mul3A_19 = arith.mulf %add3A_18, %mul3A : vector<1000x128xf32>
    %get3A_20 = arith.constant 0 : index
    %get3A_21 = arith.constant 0 : index
    %get3A_22 = vector.load %arg6[%get3A_20, %get3A_21] : memref<1x128xf32, #tpu.memory_space<vmem>>, vector<1x128xf32>
    %add3A_23 = vector.broadcast %get3A_22 : vector<1x128xf32> to vector<1000x128xf32>
    %add3A_24 = arith.addf %mul3A_19, %add3A_23 : vector<1000x128xf32>
    %max3A = arith.constant 0.000000e+00 : f32
    %max3A_25 = vector.broadcast %max3A : f32 to vector<1000x128xf32>
    %max3A_26 = arith.maximumf %add3A_24, %max3A_25 : vector<1000x128xf32>
    %get3A_27 = arith.constant 0 : index
    %get3A_28 = arith.constant 0 : index
    %get3A_29 = vector.load %arg7[%get3A_27, %get3A_28] : memref<128x128xf32, #tpu.memory_space<vmem>>, vector<128x128xf32>
    %dot_general3A = arith.constant dense<0.000000e+00> : vector<1000x128xf32>
    %dot_general3A_30 = tpu.matmul %max3A_26, %get3A_29, %dot_general3A {dimension_numbers = #tpu.dot_dimension_numbers<[1], [0], [0], [1], [0, 0, 1, 1], [], []>, transpose_lhs_hint = false} : vector<1000x128xf32>, vector<128x128xf32>, vector<1000x128xf32> -> vector<1000x128xf32>
    %mul3A_31 = vector.broadcast %rsqrt3A : vector<1000x1xf32> to vector<1000x128xf32>
    %mul3A_32 = arith.mulf %dot_general3A_30, %mul3A_31 : vector<1000x128xf32>
    %swap3A = arith.constant 0 : index
    %swap3A_33 = arith.constant 0 : index
    %swap3A_34 = vector.load %arg8[%swap3A, %swap3A_33] : memref<1000x128xf32, #tpu.memory_space<vmem>>, vector<1000x128xf32>
    tpu.vector_store %arg8[%swap3A, %swap3A_33], %mul3A_32 {strides = array<i32>} : memref<1000x128xf32, #tpu.memory_space<vmem>>, vector<1000x128xf32>,
    return
  }
  func.func @transform_0(%arg0: i32) -> (i32, i32) {
    %c0_i32 = arith.constant 0 : i32
    %c0_i32_0 = arith.constant 0 : i32
    return %arg0, %c0_i32 : i32, i32
  }
  func.func @transform_1(%arg0: i32) -> (i32, i32) {
    %c0_i32 = arith.constant 0 : i32
    %c0_i32_0 = arith.constant 0 : i32
    return %arg0, %c0_i32 : i32, i32
  }
  func.func @transform_2(%arg0: i32) -> (i32, i32) {
    %c0_i32 = arith.constant 0 : i32
    %c0_i32_0 = arith.constant 0 : i32
    return %arg0, %c0_i32 : i32, i32
  }
  func.func @transform_3(%arg0: i32) -> (i32, i32) {
    %c0_i32 = arith.constant 0 : i32
    %c0_i32_0 = arith.constant 0 : i32
    return %arg0, %c0_i32 : i32, i32
  }
  func.func @transform_4(%arg0: i32) -> (i32, i32) {
    %c0_i32 = arith.constant 0 : i32
    %c0_i32_0 = arith.constant 0 : i32
    return %arg0, %c0_i32 : i32, i32
  }
  func.func @transform_5(%arg0: i32) -> (i32, i32) {
    %c0_i32 = arith.constant 0 : i32
    %c0_i32_0 = arith.constant 0 : i32
    %c0_i32_1 = arith.constant 0 : i32
    return %c0_i32, %c0_i32_0 : i32, i32
  }
  func.func @transform_6(%arg0: i32) -> (i32, i32) {
    %c0_i32 = arith.constant 0 : i32
    %c0_i32_0 = arith.constant 0 : i32
    %c0_i32_1 = arith.constant 0 : i32
    return %c0_i32, %c0_i32_0 : i32, i32
  }
  func.func @transform_7(%arg0: i32) -> (i32, i32) {
    %c0_i32 = arith.constant 0 : i32
    %c0_i32_0 = arith.constant 0 : i32
    return %arg0, %c0_i32 : i32, i32
  }
}

module attributes {stable_mosaic.version = 14 : i64} {
  func.func @_fin_body(%arg0: i32, %arg1: memref<1000x128xf32, #tpu.memory_space<vmem>>, %arg2: memref<1000x128xf32, #tpu.memory_space<vmem>>, %arg3: memref<1000x128xf32, #tpu.memory_space<vmem>>, %arg4: memref<1000x128xf32, #tpu.memory_space<vmem>>, %arg5: memref<1000x128xf32, #tpu.memory_space<vmem>>, %arg6: memref<1x128xf32, #tpu.memory_space<vmem>>, %arg7: memref<1x128xf32, #tpu.memory_space<vmem>>, %arg8: memref<1x1xf32, #tpu.memory_space<vmem>>, %arg9: memref<1x1xf32, #tpu.memory_space<vmem>>, %arg10: memref<1x128xf32, #tpu.memory_space<vmem>>) attributes {dimension_semantics = [#tpu.dimension_semantics<arbitrary>], iteration_bounds = array<i64: 10>, scalar_prefetch = 0 : i64, scratch_operands = 1 : i64, tpu.core_type = #tpu.core_type<tc>, window_params = [{transform_indices = @transform_0, window_bounds = array<i64: 1000, 128>}, {transform_indices = @transform_1, window_bounds = array<i64: 1000, 128>}, {transform_indices = @transform_2, window_bounds = array<i64: 1000, 128>}, {transform_indices = @transform_3, window_bounds = array<i64: 1000, 128>}, {transform_indices = @transform_4, window_bounds = array<i64: 1000, 128>}, {pipeline_mode = #tpu.pipeline_mode<synchronous>, transform_indices = @transform_5, window_bounds = array<i64: 1, 128>}, {pipeline_mode = #tpu.pipeline_mode<synchronous>, transform_indices = @transform_6, window_bounds = array<i64: 1, 128>}, {pipeline_mode = #tpu.pipeline_mode<synchronous>, transform_indices = @transform_7, window_bounds = array<i64: 1, 1>}, {pipeline_mode = #tpu.pipeline_mode<synchronous>, transform_indices = @transform_8, window_bounds = array<i64: 1, 1>}]} {
    %eq3A = arith.constant 0 : i32
    %eq3A_0 = arith.cmpi eq, %arg0, %eq3A : i32
    %convert_element_type3A = arith.extui %eq3A_0 : i1 to i32
    %cond3A = arith.constant 0 : i32
    %cond3A_1 = arith.cmpi ne, %convert_element_type3A, %cond3A : i32
    scf.if %cond3A_1 {
      %broadcast_in_dim3A_41 = arith.constant 0.000000e+00 : f32
      %broadcast_in_dim3A_42 = vector.broadcast %broadcast_in_dim3A_41 : f32 to vector<1x128xf32>
      %swap3A_43 = arith.constant 0 : index
      %swap3A_44 = arith.constant 0 : index
      %swap3A_45 = vector.load %arg10[%swap3A_43, %swap3A_44] : memref<1x128xf32, #tpu.memory_space<vmem>>, vector<1x128xf32>
      tpu.vector_store %arg10[%swap3A_43, %swap3A_44], %broadcast_in_dim3A_42 {strides = array<i32>} : memref<1x128xf32, #tpu.memory_space<vmem>>, vector<1x128xf32>,
    } else {
    }
    %get3A = arith.constant 0 : index
    %get3A_2 = arith.constant 0 : index
    %get3A_3 = vector.load %arg4[%get3A, %get3A_2] : memref<1000x128xf32, #tpu.memory_space<vmem>>, vector<1000x1xf32>
    %get3A_4 = arith.constant 0 : index
    %get3A_5 = arith.constant 0 : index
    %get3A_6 = vector.load %arg5[%get3A_4, %get3A_5] : memref<1000x128xf32, #tpu.memory_space<vmem>>, vector<1000x1xf32>
    %add3A = arith.addf %get3A_3, %get3A_6 : vector<1000x1xf32>
    %add3A_7 = arith.constant 1.000000e+00 : f32
    %add3A_8 = vector.broadcast %add3A_7 : f32 to vector<1000x1xf32>
    %add3A_9 = arith.addf %add3A, %add3A_8 : vector<1000x1xf32>
    %rsqrt3A = math.rsqrt %add3A_9 : vector<1000x1xf32>
    %get3A_10 = arith.constant 0 : index
    %get3A_11 = arith.constant 0 : index
    %get3A_12 = vector.load %arg1[%get3A_10, %get3A_11] : memref<1000x128xf32, #tpu.memory_space<vmem>>, vector<1000x128xf32>
    %get3A_13 = arith.constant 0 : index
    %get3A_14 = arith.constant 0 : index
    %get3A_15 = vector.load %arg2[%get3A_13, %get3A_14] : memref<1000x128xf32, #tpu.memory_space<vmem>>, vector<1000x128xf32>
    %add3A_16 = arith.addf %get3A_12, %get3A_15 : vector<1000x128xf32>
    %get3A_17 = arith.constant 0 : index
    %get3A_18 = arith.constant 0 : index
    %get3A_19 = vector.load %arg3[%get3A_17, %get3A_18] : memref<1000x128xf32, #tpu.memory_space<vmem>>, vector<1000x128xf32>
    %add3A_20 = arith.addf %add3A_16, %get3A_19 : vector<1000x128xf32>
    %mul3A = vector.broadcast %rsqrt3A : vector<1000x1xf32> to vector<1000x128xf32>
    %mul3A_21 = arith.mulf %add3A_20, %mul3A : vector<1000x128xf32>
    %get3A_22 = arith.constant 0 : index
    %get3A_23 = arith.constant 0 : index
    %get3A_24 = vector.load %arg6[%get3A_22, %get3A_23] : memref<1x128xf32, #tpu.memory_space<vmem>>, vector<1x128xf32>
    %add3A_25 = vector.broadcast %get3A_24 : vector<1x128xf32> to vector<1000x128xf32>
    %add3A_26 = arith.addf %mul3A_21, %add3A_25 : vector<1000x128xf32>
    %max3A = arith.constant 0.000000e+00 : f32
    %max3A_27 = vector.broadcast %max3A : f32 to vector<1000x128xf32>
    %max3A_28 = arith.maximumf %add3A_26, %max3A_27 : vector<1000x128xf32>
    %get3A_29 = arith.constant 0 : index
    %get3A_30 = arith.constant 0 : index
    %get3A_31 = vector.load %arg10[%get3A_29, %get3A_30] : memref<1x128xf32, #tpu.memory_space<vmem>>, vector<1x128xf32>
    %reduce_sum3A = arith.constant dense<0.000000e+00> : vector<128xf32>
    %reduce_sum3A_32 = vector.multi_reduction <add>, %max3A_28, %reduce_sum3A [0] : vector<1000x128xf32> to vector<128xf32>
    %broadcast_in_dim3A = vector.shape_cast %reduce_sum3A_32 : vector<128xf32> to vector<1x128xf32>
    %add3A_33 = arith.addf %get3A_31, %broadcast_in_dim3A : vector<1x128xf32>
    %swap3A = arith.constant 0 : index
    %swap3A_34 = arith.constant 0 : index
    %swap3A_35 = vector.load %arg10[%swap3A, %swap3A_34] : memref<1x128xf32, #tpu.memory_space<vmem>>, vector<1x128xf32>
    tpu.vector_store %arg10[%swap3A, %swap3A_34], %add3A_33 {strides = array<i32>} : memref<1x128xf32, #tpu.memory_space<vmem>>, vector<1x128xf32>,
    %eq3A_36 = arith.constant 9 : i32
    %eq3A_37 = arith.cmpi eq, %arg0, %eq3A_36 : i32
    %convert_element_type3A_38 = arith.extui %eq3A_37 : i1 to i32
    %cond3A_39 = arith.constant 0 : i32
    %cond3A_40 = arith.cmpi ne, %convert_element_type3A_38, %cond3A_39 : i32
    scf.if %cond3A_40 {
      %get3A_41 = arith.constant 0 : index
      %get3A_42 = arith.constant 0 : index
      %get3A_43 = vector.load %arg10[%get3A_41, %get3A_42] : memref<1x128xf32, #tpu.memory_space<vmem>>, vector<1x128xf32>
      %mul3A_44 = arith.constant 9.99999974E-5 : f32
      %mul3A_45 = vector.broadcast %mul3A_44 : f32 to vector<1x128xf32>
      %mul3A_46 = arith.mulf %get3A_43, %mul3A_45 : vector<1x128xf32>
      %get3A_47 = arith.constant 0 : index
      %get3A_48 = arith.constant 0 : index
      %get3A_49 = vector.load %arg7[%get3A_47, %get3A_48] : memref<1x128xf32, #tpu.memory_space<vmem>>, vector<1x128xf32>
      %mul3A_50 = arith.mulf %mul3A_46, %get3A_49 : vector<1x128xf32>
      %reduce_sum3A_51 = arith.constant dense<0.000000e+00> : vector<1xf32>
      %reduce_sum3A_52 = vector.multi_reduction <add>, %mul3A_50, %reduce_sum3A_51 [1] : vector<1x128xf32> to vector<1xf32>
      %broadcast_in_dim3A_53 = vector.shape_cast %reduce_sum3A_52 : vector<1xf32> to vector<1x1xf32>
      %get3A_54 = arith.constant 0 : index
      %get3A_55 = arith.constant 0 : index
      %get3A_56 = vector.load %arg8[%get3A_54, %get3A_55] : memref<1x1xf32, #tpu.memory_space<vmem>>, vector<1x1xf32>
      %add3A_57 = arith.addf %broadcast_in_dim3A_53, %get3A_56 : vector<1x1xf32>
      %swap3A_58 = arith.constant 0 : index
      %swap3A_59 = arith.constant 0 : index
      %swap3A_60 = vector.load %arg9[%swap3A_58, %swap3A_59] : memref<1x1xf32, #tpu.memory_space<vmem>>, vector<1x1xf32>
      tpu.vector_store %arg9[%swap3A_58, %swap3A_59], %add3A_57 {strides = array<i32>} : memref<1x1xf32, #tpu.memory_space<vmem>>, vector<1x1xf32>,
    } else {
    }
    return
  }
  func.func @transform_0(%arg0: i32) -> (i32, i32) {
    %c0_i32 = arith.constant 0 : i32
    %c0_i32_0 = arith.constant 0 : i32
    return %arg0, %c0_i32 : i32, i32
  }
  func.func @transform_1(%arg0: i32) -> (i32, i32) {
    %c0_i32 = arith.constant 0 : i32
    %c0_i32_0 = arith.constant 0 : i32
    return %arg0, %c0_i32 : i32, i32
  }
  func.func @transform_2(%arg0: i32) -> (i32, i32) {
    %c0_i32 = arith.constant 0 : i32
    %c0_i32_0 = arith.constant 0 : i32
    return %arg0, %c0_i32 : i32, i32
  }
  func.func @transform_3(%arg0: i32) -> (i32, i32) {
    %c0_i32 = arith.constant 0 : i32
    %c0_i32_0 = arith.constant 0 : i32
    return %arg0, %c0_i32 : i32, i32
  }
  func.func @transform_4(%arg0: i32) -> (i32, i32) {
    %c0_i32 = arith.constant 0 : i32
    %c0_i32_0 = arith.constant 0 : i32
    return %arg0, %c0_i32 : i32, i32
  }
  func.func @transform_5(%arg0: i32) -> (i32, i32) {
    %c0_i32 = arith.constant 0 : i32
    %c0_i32_0 = arith.constant 0 : i32
    %c0_i32_1 = arith.constant 0 : i32
    return %c0_i32, %c0_i32_0 : i32, i32
  }
  func.func @transform_6(%arg0: i32) -> (i32, i32) {
    %c0_i32 = arith.constant 0 : i32
    %c0_i32_0 = arith.constant 0 : i32
    %c0_i32_1 = arith.constant 0 : i32
    return %c0_i32, %c0_i32_0 : i32, i32
  }
  func.func @transform_7(%arg0: i32) -> (i32, i32) {
    %c0_i32 = arith.constant 0 : i32
    %c0_i32_0 = arith.constant 0 : i32
    %c0_i32_1 = arith.constant 0 : i32
    return %c0_i32, %c0_i32_0 : i32, i32
  }
  func.func @transform_8(%arg0: i32) -> (i32, i32) {
    %c0_i32 = arith.constant 0 : i32
    %c0_i32_0 = arith.constant 0 : i32
    %c0_i32_1 = arith.constant 0 : i32
    return %c0_i32, %c0_i32_0 : i32, i32
  }
}

</mosaic_0001>

<sc_bundles>
// kernel: kernel.10.cloned.1.call-start
scs
__scs_entry_jumppad:
0x0: {  	(pc) =	sbr.rel $0x88, $3  }
0x1: {  	(tag) =	ssettag $0x0;
	lr =	simm.s32 $0x1  }
0x2: {  	[smem:$0x3F95] =	sst lr;
	_ =	strace $0xD0000000  }
0x3: {  	_ = 	snop  }
0x4: {  	_ = 	snop  }
0x5: {  	_ = 	snop  }
0x6: {  	_ = 	snop  }
0x7: {  	_ = 	snop  }
__scs_overlays_trampoline_lowered:
0x8: {  	[smem:$0x3FA4] =	sst s0  }
0x9: {  	[smem:$0x3FA5] =	sst s1  }
0xa: {  	[smem:$0x3FA6] =	sst s2  }
0xb: {  	[smem:$0x3FA7] =	sst s3  }
0xc: {  	[smem:$0x3FA8] =	sst s4  }
0xd: {  	[smem:$0x3FA9] =	sst s5  }
0xe: {  	[smem:$0x3FAA] =	sst s6  }
0xf: {  	[smem:$0x3FAB] =	sst s7  }
0x10: {  	[smem:$0x3FAC] =	sst s8  }
0x11: {  	[smem:$0x3FAD] =	sst s9;
	s0 =	simm.s32 @!p0 $0x0  }
0x12: {  	s1 =	sld [smem:$0x3F93];
	s0 =	simm.s32 @p0 $0x1  }
0x13: {  	[smem:$0x3FAE] =	sst s0;
	s0 =	simm.s32 @!p1 $0x0  }
0x14: {  	s2 =	sld [smem:$0x3F92];
	s0 =	simm.s32 @p1 $0x1  }
0x15: {  	[smem:$0x3FAF] =	sst s0;
	s0 =	simm.s32 @!p2 $0x0  }
0x16: {  	s3 =	sld [smem:$0x3FDB];
	s0 =	simm.s32 @p2 $0x1  }
0x17: {  	s4 =	simm.s32 $0x1BF5;
	[smem:$0x3FB1] =	sst s0  }
0x18: {  	s0 =	sld [smem:$0x3F94];
	_ =	swait.ge [sflag:s4], $0x0  }
0x19: {  	s7 =	sld [smem:$0x3F95]  }
0x1a: {  	s8 =	sadd.s32 $0xFFFFE003, lr  }
0x1b: {  	s9 =	sadd.s32 $0xFFFFFEF7, lr;
	s5 =	simm.s32 $0xFFFFFFFF;
	p2 =	slt.u32 s8, $0xFFFFF086  }
0x1c: {  	p1 =	slt.u32 s9, $0xF7A;
	s5 =	simm.s32 @!p2 $0x0  }
0x1d: {  	s5 =	simm.s32 @p1 $0x1;
	p0 =	seq.s32 s7, s2  }
0x1e: {  	s7 =	smul.u32 @!p0 $0xF7A, s2;
	p2 =	seq.s32 @!p0 s5, $0x0  }
0x1f: {  	s9 =	smul.u32 $0xF7A, s1;
	s8 =	simm.s32 @!p0 $0x1BF5;
	p2 =	por !p2, p0  }
0x20: {  	[sflag:s8] =	ssyncset.s32 @!p0 $0xFFFFF086;
	s6 =	sadd.s32 @!p0 s3, s7;
	s7 =	simm.s32 @!p0 $0x108  }
0x21: {  	s3 =	sadd.s32 s3, s9;
	s6 =	sadd.s32 @!p0 $0x88, s6;
	s7 =	simm.s32 @p2 $0x1082  }
0x22: {  	[simem:s7], [sflag:s8] =	dma.local @!p0 [hbm:s6], $0xF7A  }
0x23: {  	s9 =	sor.u32 $0xD0000000, s2;
	s6 =	simm.s32 $0x108;
	_ =	swait.ge @!p0 [sflag:s8], $0x0  }
0x24: {  	s3 =	sadd.s32 $0x88, s3;
	s6 =	simm.s32 @!p1 $0x1082;
	[sflag:s4] =	ssyncset.s32 $0xFFFFF086  }
0x25: {  	[simem:s6], [sflag:s4] =	dma.local [hbm:s3], $0xF7A  }
0x26: {  	[smem:$0x3F95] =	sst s1;
	(tag) =	ssettag s2;
	_ =	strace s9  }
0x27: {  	s1 =	sld [smem:$0x3FA5]  }
0x28: {  	s2 =	sld [smem:$0x3FA6]  }
0x29: {  	s4 =	sld [smem:$0x3FA8]  }
0x2a: {  	p0 =	seq.s32 s5, $0x0;
	s5 =	sld [smem:$0x3FA9]  }
0x2b: {  	s6 =	sld [smem:$0x3FAA]  }
0x2c: {  	s7 =	sld [smem:$0x3FAB]  }
0x2d: {  	s3 =	simm.s32 $0x108;
	s8 =	sld [smem:$0x3FAC]  }
0x2e: {  	s3 =	simm.s32 @!p0 $0x1082;
	s9 =	sld [smem:$0x3FAD]  }
0x2f: {  	lr =	sadd.s32 s0, s3;
	s0 =	sld [smem:$0x3FA4]  }
0x30: {  	s3 =	sld [smem:$0x3FA7]  }
0x31: {  	[smem:$0x3FB0] =	sst s10  }
0x32: {  	s10 =	sld [smem:$0x3FAE];
	_ =	sdelay $0x3  }
0x33: {  	p0 =	seq.s32 s10, $0x1;
	s10 =	sld [smem:$0x3FB0];
	_ =	sdelay $0x3  }
0x34: {  	[smem:$0x3FB0] =	sst s10  }
0x35: {  	s10 =	sld [smem:$0x3FAF];
	_ =	sdelay $0x3  }
0x36: {  	p1 =	seq.s32 s10, $0x1;
	s10 =	sld [smem:$0x3FB0];
	_ =	sdelay $0x3  }
0x37: {  	[smem:$0x3FB0] =	sst s10  }
0x38: {  	s10 =	sld [smem:$0x3FB1]  }
0x39: {  	_ = 	snop;
	(pc) =	sbr.ind lr, $3  }
0x3a: {  	_ = 	snop  }
0x3b: {  	_ = 	snop  }
0x3c: {  	p2 =	seq.s32 s10, $0x1;
	s10 =	sld [smem:$0x3FB0]  }
0x3d: {  	_ =	shalt  }
0x3e: {  	_ =	shalt  }
0x3f: {  	_ =	shalt  }
0x40: {  	_ =	shalt  }
0x41: {  	_ =	shalt  }
0x42: {  	_ =	shalt  }
0x43: {  	_ =	shalt  }
0x44: {  	_ =	shalt  }
0x45: {  	_ =	shalt  }
0x46: {  	_ =	shalt  }
0x47: {  	_ =	shalt  }
0x48: {  	_ =	shalt  }
0x49: {  	_ =	shalt  }
0x4a: {  	_ =	shalt  }
0x4b: {  	_ =	shalt  }
0x4c: {  	_ =	shalt  }
0x4d: {  	_ =	shalt  }
0x4e: {  	_ =	shalt  }
0x4f: {  	_ =	shalt  }
0x50: {  	_ =	shalt  }
0x51: {  	_ =	shalt  }
0x52: {  	_ =	shalt  }
0x53: {  	_ =	shalt  }
0x54: {  	_ =	shalt  }
0x55: {  	_ =	shalt  }
0x56: {  	_ =	shalt  }
0x57: {  	_ =	shalt  }
0x58: {  	_ =	shalt  }
0x59: {  	_ =	shalt  }
0x5a: {  	_ =	shalt  }
0x5b: {  	_ =	shalt  }
0x5c: {  	_ =	shalt  }
0x5d: {  	_ =	shalt  }
0x5e: {  	_ =	shalt  }
0x5f: {  	_ =	shalt  }
0x60: {  	_ =	shalt  }
0x61: {  	_ =	shalt  }
0x62: {  	_ =	shalt  }
0x63: {  	_ =	shalt  }
0x64: {  	_ =	shalt  }
0x65: {  	_ =	shalt  }
0x66: {  	_ =	shalt  }
0x67: {  	_ =	shalt  }
0x68: {  	_ =	shalt  }
0x69: {  	_ =	shalt  }
0x6a: {  	_ =	shalt  }
0x6b: {  	_ =	shalt  }
0x6c: {  	_ =	shalt  }
0x6d: {  	_ =	shalt  }
0x6e: {  	_ =	shalt  }
0x6f: {  	_ =	shalt  }
0x70: {  	_ =	shalt  }
0x71: {  	_ =	shalt  }
0x72: {  	_ =	shalt  }
0x73: {  	_ =	shalt  }
0x74: {  	_ =	shalt  }
0x75: {  	_ =	shalt  }
0x76: {  	_ =	shalt  }
0x77: {  	_ =	shalt  }
0x78: {  	_ =	shalt  }
0x79: {  	_ =	shalt  }
0x7a: {  	_ =	shalt  }
0x7b: {  	_ =	shalt  }
0x7c: {  	_ =	shalt  }
0x7d: {  	_ =	shalt  }
0x7e: {  	_ =	shalt  }
0x7f: {  	_ =	shalt  }
0x80: {  	_ =	shalt  }
0x81: {  	_ =	shalt  }
0x82: {  	_ =	shalt  }
0x83: {  	_ =	shalt  }
0x84: {  	_ =	shalt  }
0x85: {  	_ =	shalt  }
0x86: {  	_ =	shalt  }
0x87: {  	_ =	shalt  }
.Lfunc_end0:
.L_simem_size_0:
called_computation_lowered:
.L_overlay_start_0:
0x88: {  	s2 =	sld [smem:$0x3FD9]  }
0x89: {  	s3 =	sld [smem:$0x3FFE];
	_ =	sdelay $0x1  }
0x8a: {  	s1 =	srdreg.scid  }
0x8b: {  	s0 =	sand.u32 $0x1, s1  }
0x8c: {  	s16 =	sshll.u32 s0, $0xA;
	s2 =	sadd.s32 s3, s2  }
0x8d: {  	s2 =	sadd.s32 s2, s16  }
0x8e: {  	[smem:$0x3FBC] =	sst s2  }
0x8f: {  	_ = 	snop  }
0x90: {  	(tm) =	ssettm $0x1  }
0x91: {  	s17 =	sld [smem:$0x3FFB];
	_ =	sdelay $0x3  }
0x92: {  	_ =	strace s17  }
0x93: {  	s2 =	sld [smem:$0x3FFC];
	_ =	sdelay $0x3  }
0x94: {  	_ =	strace s2  }
0x95: {  	s2 =	sld [smem:$0x3FFD];
	_ =	sdelay $0x3  }
0x96: {  	_ =	strace s2  }
0x97: {  	_ =	strace $0x8FFFFFFF  }
0x98: {  	s18 =	sld [smem:$0x3FDB];
	_ =	sdelay $0x1  }
0x99: {  	s19 =	simm.s32 $_scs_section_size  }
0x9a: {  	s4 =	simm.s32 $_size__tile_overlayer_lowered;
	s5 =	simm.s32 $_tile_overlayer_lowered  }
0x9b: {  	s22 =	simm.s32 $0x1BFF;
	s21 =	sshll.u32 s5, $0x1;
	s2 =	sadd.s32 s19, s18  }
0x9c: {  	s6 =	simm.s32 $0x0;
	s20 =	sshll.u32 s4, $0x1;
	s4 =	sadd.s32 s21, s2  }
0x9d: {  	[timem:s6], [sflag:s22] =	dma.local [hbm:s4], s20  }
0x9e: {  	_ =	swait.ge [sflag:s22], s20  }
0x9f: {  	s3 =	ssub.s32 $0x0, s20;
	[sflag:s22] =	ssyncset.done $0x0  }
0xa0: {  	[sflag:s22] =	ssyncadd.s32 s3;
	_ =	sdelay $0x1  }
0xa1: {  	s23 =	simm.s32 $0x1B8B  }
0xa2: {  	_ =	swait.ge [sflag:s23], $0x1  }
0xa3: {  	[sflag:s23] =	ssyncset.done $0x0  }
0xa4: {  	s25 =	simm.s32 $0x1B8E;
	s24 =	sld [smem:$0x3FFE];
	[sflag:s23] =	ssyncadd.s32 $0xFFFFFFFF  }
0xa5: {  	s26 =	simm.s32 $execute0_lowered;
	[smem:$0x3FD2] =	sst s25  }
0xa6: {  	s4 =	sshll.u32 s26, $0x1;
	_ =	strace $0x80000046;
	[dreg:$0x1] =	wrdreg $0xFFFFFFFF  }
0xa7: {  	s28 =	simm.s32 $_size_execute0_lowered;
	s2 =	sadd.s32 s2, s4;
	[dreg:$0x0] =	wrdreg $0x0  }
0xa8: {  	s4 =	sshll.u32 s28, $0x1;
	[dreg:$0x2] =	wrdreg s2  }
0xa9: {  	[dreg:$0x3] =	wrdreg s4  }
0xaa: {  	[dreg:$0x4] =	wrdreg $0xC0  }
0xab: {  	_ =	task [dreg:s6], $0x5FFFF  }
0xac: {  	[dreg:$0x1] =	wrdreg $0xFFFFFFFF  }
0xad: {  	[dreg:$0x0] =	wrdreg $0x60  }
0xae: {  	[dreg:$0x2] =	wrdreg s24  }
0xaf: {  	[dreg:$0x3] =	wrdreg $0x68000  }
0xb0: {  	[dreg:$0x4] =	wrdreg $0x9  }
0xb1: {  	_ =	task.clear_ibuf [dreg:s6], $0x5FFFF;
	_ =	strace $0x90000046  }
0xb2: {  	s29 =	simm.s32 $0x9;
	_ =	strace $0x80000048  }
0xb3: {  	_ =	swait.ge [sflag:s29], $0x1  }
0xb4: {  	[sflag:s29] =	ssyncadd.s32 $0xFFFFFFFF  }
0xb5: {  	_ =	strace $0x90000048  }
0xb6: {  	_ =	sfence  }
0xb7: {  	s30 =	sld [smem:$0x0];
	_ =	sdelay $0x2  }
0xb8: {  	s31 =	sshll.u32 s1, $0xD;
	s1 =	sshrl.u32 s1, $0x2  }
0xb9: {  	s3 =	sand.u32 $0x4000, s31;
	s1 =	sadd.s32 s1, s30  }
0xba: {  	s0 =	sor.u32 s3, s0;
	s1 =	sshll.u32 s1, $0x11  }
0xbb: {  	s0 =	sor.u32 s1, s0  }
0xbc: {  	s0 =	sadd.s32 $0x8F2B, s0  }
0xbd: {  	[sflag:s0] =	ssyncadd.remote.s32 $0x1  }
0xbe: {  	_ =	sfence.sel $0xFFFF  }
0xbf: {  	[dreg:$0x0] =	wrdreg $0xFFFFFFFF;
	(pc) =	sbr.abs _section_cstart, $3  }
0xc0: {  	[dreg:$0x1] =	wrdreg $0xFFFFFFFF  }
0xc1: {  	_ =	task.clear_ibuf [dreg:s6], $0x2FFFF;
	_ =	strace $0x9FFFFFFF  }
0xc2: {  	(tm) =	ssettm $0x7FFFFFFF  }
0xc3: {  	_ =	shalt  }
tec
execute0_lowered:
.L_overlay_start_1:
0x0: {  	(tag) =	ssettag $0x1  }
0x1: {  	s1 =	srdreg.scid;
	s6 =	rddreg [dreg:$0x0]  }
0x2: {  	s0 =	stileid.u32;
	s2 =	rddreg [dreg:$0x1];
	s3 =	simm.s32 $0x0  }
0x3: {  	s11 =	simm.s32 $0x2;
	s12 =	simm.s32 $0x2800;
	s13 =	simm.s32 $0x7D  }
0x4: {  	s14 =	simm.s32 $0x1;
	s15 =	simm.s32 $0x0;
	s5 =	sand.u32 $0x1, s1  }
0x5: {  	s28 =	sshll.u32 s0, $0x1;
	[smem:$0x7FF] =	sst s3;
	s8 =	smul.u32 $0x1F400, s0  }
0x6: {  	s10 =	smul.u32 $0x7D000, s0;
	p0 =	sgt.u32 s0, $0x9;
	s1 =	sor.u32 s5, s28  }
0x7: {  	s7 =	smul.u32 $0x138800, s5;
	s29 =	ssub.s32 $0x2, s5;
	s5 =	sadd.s32 $0x13400, s6  }
0x8: {  	s4 =	smul.u32 $0x500, s1;
	s1 =	rddreg [dreg:$0x2];
	_ =	strace $0x80000047  }
0x9: {  	s30 =	sshrl.u32 s29, $0x1;
	s31 =	sshrl.u32 s10, $0x2;
	s7 =	sadd.s32 s8, s7  }
0xa: {  	s8 =	ssub.s32 s29, s30;
	s10 =	sadd.s32 s31, s2;
	s9 =	sadd.s32 s4, s6  }
0xb: {  	s4 =	sadd.s32 $0xF400, s6;
	s7 =	sshrl.u32 s7, $0x3;
	s8 =	smax.u32 s8, $0x1  }
0xc: {  	s7 =	sadd.s32 s7, s6;
	s6 =	sadd.s32 $0x5400, s9;
	s9 =	sshll.u32 @!p0 s0, $0x6  }
0xd: {  	s10 =	sshrl.u32 @!p0 s10, $0x3;
	s7 =	sadd.s32 $0x13C00, s7;
	s9 =	sor.u32 @!p0 $0x1C02, s9  }
.LBB2_1:
0xe: {  	[spmem:s10], [sflag:s9] =	dma.local @!p0 [hbm:s4], $0x3E80  }
0xf: {  	s16 =	simm.s32 @!p0 $0x2  }
0x10: {  	_ =	swait.ge @!p0 [sflag:s16], $0x3E80  }
0x11: {  	[sflag:s16] =	ssyncset.done @!p0 $0x0  }
0x12: {  	[sflag:s16] =	ssyncadd.s32 @!p0 $0xFFFFC180  }
0x13: {  	[tilespmem:s3], [sflag:$0x2] =	stream.linear.gather [hbm4b:s6+s3], $0x2800, $0x38;
	[tilespmem:$0x1A080] =	vst v63  }
0x14: {  	_ =	swait.ge [sflag:s11], $0x2800  }
0x15: {  	[sflag:s11] =	ssyncset.done $0x0  }
0x16: {  	[sflag:s11] =	ssyncadd.s32 $0xFFFFD800  }
0x17: {  	[tilespmem:s12], [sflag:$0x2] =	stream.linear.gather [hbm4b:s5+s3], $0x3E80, $0x38;
	[tilespmem:$0x1A080] =	vst v63  }
0x18: {  	_ =	swait.ge [sflag:s11], $0x3E80  }
0x19: {  	[sflag:s11] =	ssyncset.done $0x0  }
0x1a: {  	p1 =	por $0x1, $0x1;
	[sflag:s11] =	ssyncadd.s32 $0xFFFFC180  }
0x1b: {  	s17 =	simm.s32 @!p1 $0x1;
	[bflag:$0x0] =	sbarrier.arrive $0xFFFF  }
0x1c: {  	_ =	swait.ge @!p1 [sflag:s17], $0x3E80  }
0x1d: {  	s18 =	simm.s32 $0x0;
	[sflag:s17] =	ssyncset.done @!p1 $0x0  }
0x1e: {  	s16 =	simm.s32 $0x1;
	[sflag:s17] =	ssyncadd.s32 @!p1 $0xFFFFC180;
	s17 =	simm.s32 $0x80  }
.LBB2_2:
0x1f: {  	[spmem:s2] =	stream.indirect.scatter.add.f32 [tilespmem:s12], [sflag:$0x1], $0x80, s18, s13, $0xb8;
	[tilespmem:$0x1A080] =	vst v63  }
0x20: {  	p1 =	slt.u32 s16, $0x8;
	s16 =	sadd.s32 $0x1, s16  }
0x21: {  	p2 =	sne.s32 s16, $0x50  }
.Ltmp0:
0x22: {  	(pc) =	sbr.rel @p2 .LBB2_2-.Ltmp0, $4  }
0x23: {  	s18 =	smov.u32 s17;
	s19 =	simm.s32 @!p1 $0x1  }
0x24: {  	_ =	swait.ge @!p1 [sflag:s19], $0x3E80  }
0x25: {  	[sflag:s19] =	ssyncset.done @!p1 $0x0  }
0x26: {  	s17 =	sadd.s32 $0x80, s17;
	[sflag:s19] =	ssyncadd.s32 @!p1 $0xFFFFC180  }
0x27: {  	[spmem:s2] =	stream.indirect.scatter.add.f32 [tilespmem:s12], [sflag:$0x1], $0x80, s18, s13, $0xb8;
	[tilespmem:$0x1A080] =	vst v63  }
0x28: {  	_ =	swait.ge [sflag:s14], $0x3E80  }
0x29: {  	[sflag:s14] =	ssyncset.done $0x0  }
0x2a: {  	[sflag:s14] =	ssyncadd.s32 $0xFFFFC180  }
0x2b: {  	_ =	swait.ge [sflag:s14], $0x3E80  }
0x2c: {  	[sflag:s14] =	ssyncset.done $0x0  }
0x2d: {  	[sflag:s14] =	ssyncadd.s32 $0xFFFFC180  }
0x2e: {  	_ =	swait.ge [sflag:s14], $0x3E80  }
0x2f: {  	[sflag:s14] =	ssyncset.done $0x0  }
0x30: {  	[sflag:s14] =	ssyncadd.s32 $0xFFFFC180  }
0x31: {  	_ =	swait.ge [sflag:s14], $0x3E80  }
0x32: {  	[sflag:s14] =	ssyncset.done $0x0  }
0x33: {  	[sflag:s14] =	ssyncadd.s32 $0xFFFFC180  }
0x34: {  	_ =	swait.ge [sflag:s14], $0x3E80  }
0x35: {  	[sflag:s14] =	ssyncset.done $0x0  }
0x36: {  	[sflag:s14] =	ssyncadd.s32 $0xFFFFC180  }
0x37: {  	_ =	swait.ge [sflag:s14], $0x3E80  }
0x38: {  	[sflag:s14] =	ssyncset.done $0x0  }
0x39: {  	[sflag:s14] =	ssyncadd.s32 $0xFFFFC180  }
0x3a: {  	_ =	swait.ge [sflag:s14], $0x3E80  }
0x3b: {  	[sflag:s14] =	ssyncset.done $0x0  }
0x3c: {  	[sflag:s14] =	ssyncadd.s32 $0xFFFFC180  }
0x3d: {  	_ =	swait.ge [sflag:s14], $0x3E80  }
0x3e: {  	s15 =	sadd.s32 $0x1, s15;
	[sflag:s14] =	ssyncset.done $0x0  }
0x3f: {  	p1 =	sne.s32 s15, s8;
	[sflag:s14] =	ssyncadd.s32 $0xFFFFC180  }
.Ltmp1:
0x40: {  	s16 =	simm.s32 @!p0 $0x2;
	[bflag:$0x0] =	sbarrier.arrive $0xFFFF;
	(pc) =	sbr.rel @p1 .LBB2_1-.Ltmp1, $4  }
0x41: {  	[hbm:s7], [sflag:s9] =	dma.local @!p0 [spmem:s10], $0x3E80  }
0x42: {  	_ =	swait.ge @!p0 [sflag:s16], $0x3E80  }
0x43: {  	[sflag:s16] =	ssyncset.done @!p0 $0x0  }
0x44: {  	[sflag:s16] =	ssyncadd.s32 @!p0 $0xFFFFC180  }
0x45: {  	_ =	sfence.sel $0x180000  }
0x46: {  	[bflag:$0x0] =	sbarrier.arrive $0xFFFF  }
0x47: {  	p0 =	sne.s32 s0, $0x0;
	_ =	strace $0x90000047  }
0x48: {  	s0 =	sadd.s32 @!p0 $0x100000, s1;
	[bflag:$0x2] =	sbarrier.arrive $0xFFFF  }
0x49: {  	[sflag:s0] =	ssyncadd.tile.s32 @!p0 $0x1;
	_ =	shalt  }
.Lfunc_end2:
_tile_overlayer_lowered:
.L_overlay_start_2:
0x4a: {  	(tag) =	ssettag $0x2  }
0x4b: {  	s0 =	rddreg [dreg:$0x0];
	s2 =	stileid.u32  }
0x4c: {  	s1 =	rddreg [dreg:$0x1];
	p0 =	sne.s32 s2, $0x0  }
0x4d: {  	s3 =	rddreg [dreg:$0x2];
	[bflag:$0x3] =	sbarrier.arrive $0xFFFF;
	s2 =	simm.s32 @!p0 $0x1C02  }
0x4e: {  	[timem:s3], [sflag:s2] =	dma.local @!p0 [hbm:s0], s1  }
0x4f: {  	s0 =	simm.s32 @!p0 $0x2  }
0x50: {  	_ =	swait.ge @!p0 [sflag:s0], s1  }
0x51: {  	s1 =	ssub.s32 @!p0 $0x0, s1;
	[sflag:s0] =	ssyncset.done @!p0 $0x0  }
0x52: {  	[sflag:s0] =	ssyncadd.s32 @!p0 s1  }
0x53: {  	[bflag:$0x3] =	sbarrier.arrive $0xFFFF  }
0x54: {  	_ =	shalt  }

// kernel: kernel.13.cloned.1.call-start
scs
__scs_entry_jumppad:
0x0: {  	(pc) =	sbr.rel $0x88, $3  }
0x1: {  	(tag) =	ssettag $0x0;
	lr =	simm.s32 $0x1  }
0x2: {  	[smem:$0x3F95] =	sst lr;
	_ =	strace $0xD0000000  }
0x3: {  	_ = 	snop  }
0x4: {  	_ = 	snop  }
0x5: {  	_ = 	snop  }
0x6: {  	_ = 	snop  }
0x7: {  	_ = 	snop  }
__scs_overlays_trampoline_lowered:
0x8: {  	[smem:$0x3FA4] =	sst s0  }
0x9: {  	[smem:$0x3FA5] =	sst s1  }
0xa: {  	[smem:$0x3FA6] =	sst s2  }
0xb: {  	[smem:$0x3FA7] =	sst s3  }
0xc: {  	[smem:$0x3FA8] =	sst s4  }
0xd: {  	[smem:$0x3FA9] =	sst s5  }
0xe: {  	[smem:$0x3FAA] =	sst s6  }
0xf: {  	[smem:$0x3FAB] =	sst s7  }
0x10: {  	[smem:$0x3FAC] =	sst s8  }
0x11: {  	[smem:$0x3FAD] =	sst s9;
	s0 =	simm.s32 @!p0 $0x0  }
0x12: {  	s1 =	sld [smem:$0x3F93];
	s0 =	simm.s32 @p0 $0x1  }
0x13: {  	[smem:$0x3FAE] =	sst s0;
	s0 =	simm.s32 @!p1 $0x0  }
0x14: {  	s2 =	sld [smem:$0x3F92];
	s0 =	simm.s32 @p1 $0x1  }
0x15: {  	[smem:$0x3FAF] =	sst s0;
	s0 =	simm.s32 @!p2 $0x0  }
0x16: {  	s3 =	sld [smem:$0x3FDB];
	s0 =	simm.s32 @p2 $0x1  }
0x17: {  	s4 =	simm.s32 $0x1BF5;
	[smem:$0x3FB1] =	sst s0  }
0x18: {  	s0 =	sld [smem:$0x3F94];
	_ =	swait.ge [sflag:s4], $0x0  }
0x19: {  	s7 =	sld [smem:$0x3F95]  }
0x1a: {  	s8 =	sadd.s32 $0xFFFFE003, lr  }
0x1b: {  	s9 =	sadd.s32 $0xFFFFFEF7, lr;
	s5 =	simm.s32 $0xFFFFFFFF;
	p2 =	slt.u32 s8, $0xFFFFF086  }
0x1c: {  	p1 =	slt.u32 s9, $0xF7A;
	s5 =	simm.s32 @!p2 $0x0  }
0x1d: {  	s5 =	simm.s32 @p1 $0x1;
	p0 =	seq.s32 s7, s2  }
0x1e: {  	s7 =	smul.u32 @!p0 $0xF7A, s2;
	p2 =	seq.s32 @!p0 s5, $0x0  }
0x1f: {  	s9 =	smul.u32 $0xF7A, s1;
	s8 =	simm.s32 @!p0 $0x1BF5;
	p2 =	por !p2, p0  }
0x20: {  	[sflag:s8] =	ssyncset.s32 @!p0 $0xFFFFF086;
	s6 =	sadd.s32 @!p0 s3, s7;
	s7 =	simm.s32 @!p0 $0x108  }
0x21: {  	s3 =	sadd.s32 s3, s9;
	s6 =	sadd.s32 @!p0 $0x88, s6;
	s7 =	simm.s32 @p2 $0x1082  }
0x22: {  	[simem:s7], [sflag:s8] =	dma.local @!p0 [hbm:s6], $0xF7A  }
0x23: {  	s9 =	sor.u32 $0xD0000000, s2;
	s6 =	simm.s32 $0x108;
	_ =	swait.ge @!p0 [sflag:s8], $0x0  }
0x24: {  	s3 =	sadd.s32 $0x88, s3;
	s6 =	simm.s32 @!p1 $0x1082;
	[sflag:s4] =	ssyncset.s32 $0xFFFFF086  }
0x25: {  	[simem:s6], [sflag:s4] =	dma.local [hbm:s3], $0xF7A  }
0x26: {  	[smem:$0x3F95] =	sst s1;
	(tag) =	ssettag s2;
	_ =	strace s9  }
0x27: {  	s1 =	sld [smem:$0x3FA5]  }
0x28: {  	s2 =	sld [smem:$0x3FA6]  }
0x29: {  	s4 =	sld [smem:$0x3FA8]  }
0x2a: {  	p0 =	seq.s32 s5, $0x0;
	s5 =	sld [smem:$0x3FA9]  }
0x2b: {  	s6 =	sld [smem:$0x3FAA]  }
0x2c: {  	s7 =	sld [smem:$0x3FAB]  }
0x2d: {  	s3 =	simm.s32 $0x108;
	s8 =	sld [smem:$0x3FAC]  }
0x2e: {  	s3 =	simm.s32 @!p0 $0x1082;
	s9 =	sld [smem:$0x3FAD]  }
0x2f: {  	lr =	sadd.s32 s0, s3;
	s0 =	sld [smem:$0x3FA4]  }
0x30: {  	s3 =	sld [smem:$0x3FA7]  }
0x31: {  	[smem:$0x3FB0] =	sst s10  }
0x32: {  	s10 =	sld [smem:$0x3FAE];
	_ =	sdelay $0x3  }
0x33: {  	p0 =	seq.s32 s10, $0x1;
	s10 =	sld [smem:$0x3FB0];
	_ =	sdelay $0x3  }
0x34: {  	[smem:$0x3FB0] =	sst s10  }
0x35: {  	s10 =	sld [smem:$0x3FAF];
	_ =	sdelay $0x3  }
0x36: {  	p1 =	seq.s32 s10, $0x1;
	s10 =	sld [smem:$0x3FB0];
	_ =	sdelay $0x3  }
0x37: {  	[smem:$0x3FB0] =	sst s10  }
0x38: {  	s10 =	sld [smem:$0x3FB1]  }
0x39: {  	_ = 	snop;
	(pc) =	sbr.ind lr, $3  }
0x3a: {  	_ = 	snop  }
0x3b: {  	_ = 	snop  }
0x3c: {  	p2 =	seq.s32 s10, $0x1;
	s10 =	sld [smem:$0x3FB0]  }
0x3d: {  	_ =	shalt  }
0x3e: {  	_ =	shalt  }
0x3f: {  	_ =	shalt  }
0x40: {  	_ =	shalt  }
0x41: {  	_ =	shalt  }
0x42: {  	_ =	shalt  }
0x43: {  	_ =	shalt  }
0x44: {  	_ =	shalt  }
0x45: {  	_ =	shalt  }
0x46: {  	_ =	shalt  }
0x47: {  	_ =	shalt  }
0x48: {  	_ =	shalt  }
0x49: {  	_ =	shalt  }
0x4a: {  	_ =	shalt  }
0x4b: {  	_ =	shalt  }
0x4c: {  	_ =	shalt  }
0x4d: {  	_ =	shalt  }
0x4e: {  	_ =	shalt  }
0x4f: {  	_ =	shalt  }
0x50: {  	_ =	shalt  }
0x51: {  	_ =	shalt  }
0x52: {  	_ =	shalt  }
0x53: {  	_ =	shalt  }
0x54: {  	_ =	shalt  }
0x55: {  	_ =	shalt  }
0x56: {  	_ =	shalt  }
0x57: {  	_ =	shalt  }
0x58: {  	_ =	shalt  }
0x59: {  	_ =	shalt  }
0x5a: {  	_ =	shalt  }
0x5b: {  	_ =	shalt  }
0x5c: {  	_ =	shalt  }
0x5d: {  	_ =	shalt  }
0x5e: {  	_ =	shalt  }
0x5f: {  	_ =	shalt  }
0x60: {  	_ =	shalt  }
0x61: {  	_ =	shalt  }
0x62: {  	_ =	shalt  }
0x63: {  	_ =	shalt  }
0x64: {  	_ =	shalt  }
0x65: {  	_ =	shalt  }
0x66: {  	_ =	shalt  }
0x67: {  	_ =	shalt  }
0x68: {  	_ =	shalt  }
0x69: {  	_ =	shalt  }
0x6a: {  	_ =	shalt  }
0x6b: {  	_ =	shalt  }
0x6c: {  	_ =	shalt  }
0x6d: {  	_ =	shalt  }
0x6e: {  	_ =	shalt  }
0x6f: {  	_ =	shalt  }
0x70: {  	_ =	shalt  }
0x71: {  	_ =	shalt  }
0x72: {  	_ =	shalt  }
0x73: {  	_ =	shalt  }
0x74: {  	_ =	shalt  }
0x75: {  	_ =	shalt  }
0x76: {  	_ =	shalt  }
0x77: {  	_ =	shalt  }
0x78: {  	_ =	shalt  }
0x79: {  	_ =	shalt  }
0x7a: {  	_ =	shalt  }
0x7b: {  	_ =	shalt  }
0x7c: {  	_ =	shalt  }
0x7d: {  	_ =	shalt  }
0x7e: {  	_ =	shalt  }
0x7f: {  	_ =	shalt  }
0x80: {  	_ =	shalt  }
0x81: {  	_ =	shalt  }
0x82: {  	_ =	shalt  }
0x83: {  	_ =	shalt  }
0x84: {  	_ =	shalt  }
0x85: {  	_ =	shalt  }
0x86: {  	_ =	shalt  }
0x87: {  	_ =	shalt  }
.Lfunc_end0:
.L_simem_size_0:
called_computation.1_lowered:
.L_overlay_start_0:
0x88: {  	s2 =	sld [smem:$0x3FD9]  }
0x89: {  	s3 =	sld [smem:$0x3FFE];
	_ =	sdelay $0x1  }
0x8a: {  	s1 =	srdreg.scid  }
0x8b: {  	s0 =	sand.u32 $0x1, s1  }
0x8c: {  	s16 =	sshll.u32 s0, $0xA;
	s2 =	sadd.s32 s3, s2  }
0x8d: {  	s2 =	sadd.s32 s2, s16  }
0x8e: {  	[smem:$0x3FBC] =	sst s2  }
0x8f: {  	_ = 	snop  }
0x90: {  	(tm) =	ssettm $0x1  }
0x91: {  	s17 =	sld [smem:$0x3FFB];
	_ =	sdelay $0x3  }
0x92: {  	_ =	strace s17  }
0x93: {  	s2 =	sld [smem:$0x3FFC];
	_ =	sdelay $0x3  }
0x94: {  	_ =	strace s2  }
0x95: {  	s2 =	sld [smem:$0x3FFD];
	_ =	sdelay $0x3  }
0x96: {  	_ =	strace s2  }
0x97: {  	_ =	strace $0x8FFFFFFF  }
0x98: {  	s18 =	sld [smem:$0x3FDB];
	_ =	sdelay $0x1  }
0x99: {  	s19 =	simm.s32 $_scs_section_size  }
0x9a: {  	s4 =	simm.s32 $_size__tile_overlayer_lowered;
	s5 =	simm.s32 $_tile_overlayer_lowered  }
0x9b: {  	s22 =	simm.s32 $0x1BFF;
	s21 =	sshll.u32 s5, $0x1;
	s2 =	sadd.s32 s19, s18  }
0x9c: {  	s6 =	simm.s32 $0x0;
	s20 =	sshll.u32 s4, $0x1;
	s4 =	sadd.s32 s21, s2  }
0x9d: {  	[timem:s6], [sflag:s22] =	dma.local [hbm:s4], s20  }
0x9e: {  	_ =	swait.ge [sflag:s22], s20  }
0x9f: {  	s3 =	ssub.s32 $0x0, s20;
	[sflag:s22] =	ssyncset.done $0x0  }
0xa0: {  	[sflag:s22] =	ssyncadd.s32 s3;
	_ =	sdelay $0x1  }
0xa1: {  	s23 =	simm.s32 $0x1B8B  }
0xa2: {  	_ =	swait.ge [sflag:s23], $0x1  }
0xa3: {  	[sflag:s23] =	ssyncset.done $0x0  }
0xa4: {  	s25 =	simm.s32 $0x1B8E;
	s24 =	sld [smem:$0x3FFE];
	[sflag:s23] =	ssyncadd.s32 $0xFFFFFFFF  }
0xa5: {  	s26 =	simm.s32 $execute0_lowered;
	[smem:$0x3FD2] =	sst s25  }
0xa6: {  	s4 =	sshll.u32 s26, $0x1;
	_ =	strace $0x80000049;
	[dreg:$0x1] =	wrdreg $0xFFFFFFFF  }
0xa7: {  	s28 =	simm.s32 $_size_execute0_lowered;
	s2 =	sadd.s32 s2, s4;
	[dreg:$0x0] =	wrdreg $0x0  }
0xa8: {  	s4 =	sshll.u32 s28, $0x1;
	[dreg:$0x2] =	wrdreg s2  }
0xa9: {  	[dreg:$0x3] =	wrdreg s4  }
0xaa: {  	[dreg:$0x4] =	wrdreg $0xC0  }
0xab: {  	_ =	task [dreg:s6], $0x5FFFF  }
0xac: {  	[dreg:$0x1] =	wrdreg $0xFFFFFFFF  }
0xad: {  	[dreg:$0x0] =	wrdreg $0x60  }
0xae: {  	[dreg:$0x2] =	wrdreg s24  }
0xaf: {  	[dreg:$0x3] =	wrdreg $0x90000  }
0xb0: {  	[dreg:$0x4] =	wrdreg $0x9  }
0xb1: {  	_ =	task.clear_ibuf [dreg:s6], $0x5FFFF;
	_ =	strace $0x90000049  }
0xb2: {  	s29 =	simm.s32 $0x9;
	_ =	strace $0x8000004B  }
0xb3: {  	_ =	swait.ge [sflag:s29], $0x1  }
0xb4: {  	[sflag:s29] =	ssyncadd.s32 $0xFFFFFFFF  }
0xb5: {  	_ =	strace $0x9000004B  }
0xb6: {  	_ =	sfence  }
0xb7: {  	s30 =	sld [smem:$0x0];
	_ =	sdelay $0x2  }
0xb8: {  	s31 =	sshll.u32 s1, $0xD;
	s1 =	sshrl.u32 s1, $0x2  }
0xb9: {  	s3 =	sand.u32 $0x4000, s31;
	s1 =	sadd.s32 s1, s30  }
0xba: {  	s0 =	sor.u32 s3, s0;
	s1 =	sshll.u32 s1, $0x11  }
0xbb: {  	s0 =	sor.u32 s1, s0  }
0xbc: {  	s0 =	sadd.s32 $0x8F2B, s0  }
0xbd: {  	[sflag:s0] =	ssyncadd.remote.s32 $0x1  }
0xbe: {  	_ =	sfence.sel $0xFFFF  }
0xbf: {  	[dreg:$0x0] =	wrdreg $0xFFFFFFFF;
	(pc) =	sbr.abs _section_cstart, $3  }
0xc0: {  	[dreg:$0x1] =	wrdreg $0xFFFFFFFF  }
0xc1: {  	_ =	task.clear_ibuf [dreg:s6], $0x2FFFF;
	_ =	strace $0x9FFFFFFF  }
0xc2: {  	(tm) =	ssettm $0x7FFFFFFF  }
0xc3: {  	_ =	shalt  }
tec
execute0_lowered:
.L_overlay_start_1:
0x0: {  	(tag) =	ssettag $0x1  }
0x1: {  	s0 =	srdreg.scid;
	s5 =	rddreg [dreg:$0x0]  }
0x2: {  	s9 =	stileid.u32;
	s2 =	rddreg [dreg:$0x1];
	s3 =	simm.s32 $0x0  }
0x3: {  	s10 =	simm.s32 $0x80;
	s11 =	simm.s32 $0x100;
	s12 =	simm.s32 $0x880  }
0x4: {  	s13 =	simm.s32 $0x180;
	[smem:$0x7FF] =	sst s3;
	s24 =	sadd.s32 $0xF400, s5  }
0x5: {  	s14 =	simm.s32 $0x900;
	_ =	strace $0x8000004A;
	[dreg:$0x16] =	wrdreg s24  }
0x6: {  	s15 =	simm.s32 $0x200;
	s16 =	simm.s32 $0x980;
	[dreg:$0x5] =	wrdreg s10  }
0x7: {  	s17 =	simm.s32 $0x280;
	s18 =	simm.s32 $0xA00;
	[dreg:$0x6] =	wrdreg s11  }
0x8: {  	s19 =	simm.s32 $0x300;
	s20 =	simm.s32 $0xA80;
	[dreg:$0x7] =	wrdreg s12  }
0x9: {  	s21 =	simm.s32 $0x380;
	s22 =	simm.s32 $0xB00;
	[dreg:$0x8] =	wrdreg s13  }
0xa: {  	s23 =	simm.s32 $0x400;
	s28 =	simm.s32 $0x700;
	[dreg:$0x9] =	wrdreg s14  }
0xb: {  	s29 =	simm.s32 $0xE80;
	s1 =	smul.u32 $0x5000, s9;
	[dreg:$0xa] =	wrdreg s15  }
0xc: {  	s30 =	simm.s32 $0x780;
	s7 =	smul.u32 $0x1F400, s9;
	[dreg:$0xb] =	wrdreg s16  }
0xd: {  	s0 =	sand.u32 $0x1, s0;
	s26 =	smul.u32 $0x7D000, s9;
	[dreg:$0xc] =	wrdreg s17  }
0xe: {  	s31 =	simm.s32 $0xF00;
	s4 =	smul.u32 $0x2800, s0;
	[dreg:$0xd] =	wrdreg s18  }
0xf: {  	p0 =	sgt.u32 s9, $0x9;
	s6 =	smul.u32 $0x138800, s0;
	[dreg:$0xe] =	wrdreg s19  }
0x10: {  	s0 =	ssub.s32 $0x2, s0;
	s10 =	simm.s32 $0x5;
	[dreg:$0xf] =	wrdreg s20  }
0x11: {  	s11 =	simm.s32 $0x800;
	s12 =	simm.s32 $0x7D;
	[dreg:$0x10] =	wrdreg s21  }
0x12: {  	s13 =	simm.s32 $0x1000;
	s14 =	simm.s32 $0x5000;
	[dreg:$0x11] =	wrdreg s22  }
0x13: {  	s15 =	simm.s32 $0x1;
	s16 =	simm.s32 $0x3;
	[dreg:$0x12] =	wrdreg s23  }
0x14: {  	s24 =	simm.s32 $0xB80;
	s17 =	simm.s32 $0x2;
	s18 =	simm.s32 $0x4  }
0x15: {  	s19 =	simm.s32 $0x500;
	s20 =	simm.s32 $0xC80;
	s21 =	simm.s32 $0x580  }
0x16: {  	s22 =	simm.s32 $0xD00;
	s23 =	simm.s32 $0x600;
	s25 =	sshrl.u32 s0, $0x1  }
0x17: {  	[dreg:$0x13] =	wrdreg s24;
	s24 =	simm.s32 $0xD80;
	s1 =	sadd.s32 s4, s1  }
0x18: {  	s6 =	sadd.s32 s7, s6;
	s4 =	sadd.s32 $0x6BE00, s5;
	s0 =	ssub.s32 s0, s25  }
0x19: {  	s25 =	simm.s32 $0x480;
	s1 =	sshrl.u32 s1, $0x3;
	s6 =	sshrl.u32 s6, $0x3  }
0x1a: {  	s0 =	smax.u32 s0, $0x1;
	[dreg:$0x14] =	wrdreg s25;
	s1 =	sadd.s32 s1, s5  }
0x1b: {  	s25 =	simm.s32 $0x680;
	[dreg:$0x18] =	wrdreg s0;
	s8 =	sadd.s32 $0x5400, s1  }
0x1c: {  	s5 =	sadd.s32 s6, s5;
	s1 =	sadd.s32 $0x61E00, s1;
	[dreg:$0x3] =	wrdreg s8  }
0x1d: {  	s5 =	sadd.s32 $0x93000, s5;
	s8 =	sshrl.u32 s26, $0x2;
	[dreg:$0x4] =	wrdreg s1  }
0x1e: {  	[dreg:$0x17] =	wrdreg s5;
	s1 =	sshll.u32 @!p0 s9, $0x6;
	s26 =	simm.s32 $0xC00  }
0x1f: {  	s6 =	sadd.s32 s8, s2;
	s7 =	sor.u32 @!p0 $0x1C05, s1;
	[dreg:$0x15] =	wrdreg s26  }
0x20: {  	s0 =	simm.s32 $0x0;
	s8 =	sshrl.u32 @!p0 s6, $0x3;
	[dreg:$0x19] =	wrdreg s7  }
0x21: {  	s26 =	simm.s32 $0xE00;
	s1 =	simm.s32 $0xF80;
	[dreg:$0x1a] =	wrdreg s8  }
.LBB2_1:
0x22: {  	s5 =	rddreg [dreg:$0x16]  }
0x23: {  	[spmem:s8], [sflag:s7] =	dma.local @!p0 [hbm:s5], $0x3E80  }
0x24: {  	s5 =	simm.s32 @!p0 $0x5  }
0x25: {  	_ =	swait.ge @!p0 [sflag:s5], $0x3E80  }
0x26: {  	[sflag:s5] =	ssyncset.done @!p0 $0x0  }
0x27: {  	p1 =	por $0x1, $0x1;
	[sflag:s5] =	ssyncadd.s32 @!p0 $0xFFFFC180  }
0x28: {  	s5 =	simm.s32 @!p1 $0x3;
	[bflag:$0x0] =	sbarrier.arrive $0xFFFF  }
0x29: {  	_ =	swait.ge @!p1 [sflag:s5], $0x3E80  }
0x2a: {  	[sflag:s5] =	ssyncset.done @!p1 $0x0  }
0x2b: {  	[sflag:s5] =	ssyncadd.s32 @!p1 $0xFFFFC180;
	s5 =	simm.s32 @!p1 $0x4  }
0x2c: {  	_ =	swait.ge @!p1 [sflag:s5], $0x3E80  }
0x2d: {  	s6 =	rddreg [dreg:$0x4];
	[sflag:s5] =	ssyncset.done @!p1 $0x0  }
0x2e: {  	[sflag:s5] =	ssyncadd.s32 @!p1 $0xFFFFC180;
	s7 =	sadd.s32 $0x0, s6  }
0x2f: {  	[tilespmem:s3], [sflag:$0x5] =	stream.linear.gather [hbm4b:s7+s3], $0x800, $0x38;
	[tilespmem:$0x1C880] =	vst v63  }
0x30: {  	_ =	swait.ge [sflag:s10], $0x800  }
0x31: {  	s8 =	rddreg [dreg:$0x3];
	[sflag:s10] =	ssyncset.done $0x0  }
0x32: {  	[sflag:s10] =	ssyncadd.s32 $0xFFFFF800;
	s5 =	sadd.s32 $0x0, s8  }
0x33: {  	[tilespmem:s11], [sflag:$0x5] =	stream.linear.gather [hbm4b:s5+s3], $0x800, $0x38;
	[tilespmem:$0x1C880] =	vst v63  }
0x34: {  	_ =	swait.ge [sflag:s10], $0x800  }
0x35: {  	[sflag:s10] =	ssyncset.done $0x0  }
0x36: {  	[sflag:s10] =	ssyncadd.s32 $0xFFFFF800  }
0x37: {  	[tilespmem:s13], [sflag:$0x1] =	stream.indirect.gather [hbm4b:s4+s12], $0x80, s3, s12, $0xb8;
	[tilespmem:$0x1C880] =	vst v63  }
0x38: {  	s9 =	rddreg [dreg:$0x5]  }
0x39: {  	[tilespmem:s14], [sflag:$0x2] =	stream.indirect.gather [hbm4b:s4+s12], $0x80, s9, s12, $0xb8;
	[tilespmem:$0x1C880] =	vst v63  }
0x3a: {  	_ =	swait.ge [sflag:s15], $0x3E80  }
0x3b: {  	[sflag:s15] =	ssyncset.done $0x0  }
0x3c: {  	[sflag:s15] =	ssyncadd.s32 $0xFFFFC180  }
0x3d: {  	[spmem:s2] =	stream.indirect.scatter.add.f32 [tilespmem:s13], [sflag:$0x3], $0x80, s11, s12, $0xb8;
	[tilespmem:$0x1C880] =	vst v63  }
0x3e: {  	_ =	swait.ge [sflag:s16], $0x3E80  }
0x3f: {  	[sflag:s16] =	ssyncset.done $0x0  }
0x40: {  	s6 =	rddreg [dreg:$0x6];
	[sflag:s16] =	ssyncadd.s32 $0xFFFFC180  }
0x41: {  	[tilespmem:s13], [sflag:$0x1] =	stream.indirect.gather [hbm4b:s4+s12], $0x80, s6, s12, $0xb8;
	[tilespmem:$0x1C880] =	vst v63  }
0x42: {  	_ =	swait.ge [sflag:s17], $0x3E80  }
0x43: {  	[sflag:s17] =	ssyncset.done $0x0  }
0x44: {  	s7 =	rddreg [dreg:$0x7];
	[sflag:s17] =	ssyncadd.s32 $0xFFFFC180  }
0x45: {  	[spmem:s2] =	stream.indirect.scatter.add.f32 [tilespmem:s14], [sflag:$0x4], $0x80, s7, s12, $0xb8;
	[tilespmem:$0x1C880] =	vst v63  }
0x46: {  	_ =	swait.ge [sflag:s18], $0x3E80  }
0x47: {  	[sflag:s18] =	ssyncset.done $0x0  }
0x48: {  	s8 =	rddreg [dreg:$0x8];
	[sflag:s18] =	ssyncadd.s32 $0xFFFFC180  }
0x49: {  	[tilespmem:s14], [sflag:$0x2] =	stream.indirect.gather [hbm4b:s4+s12], $0x80, s8, s12, $0xb8;
	[tilespmem:$0x1C880] =	vst v63  }
0x4a: {  	_ =	swait.ge [sflag:s15], $0x3E80  }
0x4b: {  	[sflag:s15] =	ssyncset.done $0x0  }
0x4c: {  	s9 =	rddreg [dreg:$0x9];
	[sflag:s15] =	ssyncadd.s32 $0xFFFFC180  }
0x4d: {  	[spmem:s2] =	stream.indirect.scatter.add.f32 [tilespmem:s13], [sflag:$0x3], $0x80, s9, s12, $0xb8;
	[tilespmem:$0x1C880] =	vst v63  }
0x4e: {  	_ =	swait.ge [sflag:s16], $0x3E80  }
0x4f: {  	[sflag:s16] =	ssyncset.done $0x0  }
0x50: {  	s6 =	rddreg [dreg:$0xa];
	[sflag:s16] =	ssyncadd.s32 $0xFFFFC180  }
0x51: {  	[tilespmem:s13], [sflag:$0x1] =	stream.indirect.gather [hbm4b:s4+s12], $0x80, s6, s12, $0xb8;
	[tilespmem:$0x1C880] =	vst v63  }
0x52: {  	_ =	swait.ge [sflag:s17], $0x3E80  }
0x53: {  	[sflag:s17] =	ssyncset.done $0x0  }
0x54: {  	s7 =	rddreg [dreg:$0xb];
	[sflag:s17] =	ssyncadd.s32 $0xFFFFC180  }
0x55: {  	[spmem:s2] =	stream.indirect.scatter.add.f32 [tilespmem:s14], [sflag:$0x4], $0x80, s7, s12, $0xb8;
	[tilespmem:$0x1C880] =	vst v63  }
0x56: {  	_ =	swait.ge [sflag:s18], $0x3E80  }
0x57: {  	[sflag:s18] =	ssyncset.done $0x0  }
0x58: {  	s8 =	rddreg [dreg:$0xc];
	[sflag:s18] =	ssyncadd.s32 $0xFFFFC180  }
0x59: {  	[tilespmem:s14], [sflag:$0x2] =	stream.indirect.gather [hbm4b:s4+s12], $0x80, s8, s12, $0xb8;
	[tilespmem:$0x1C880] =	vst v63  }
0x5a: {  	_ =	swait.ge [sflag:s15], $0x3E80  }
0x5b: {  	[sflag:s15] =	ssyncset.done $0x0  }
0x5c: {  	s9 =	rddreg [dreg:$0xd];
	[sflag:s15] =	ssyncadd.s32 $0xFFFFC180  }
0x5d: {  	[spmem:s2] =	stream.indirect.scatter.add.f32 [tilespmem:s13], [sflag:$0x3], $0x80, s9, s12, $0xb8;
	[tilespmem:$0x1C880] =	vst v63  }
0x5e: {  	_ =	swait.ge [sflag:s16], $0x3E80  }
0x5f: {  	[sflag:s16] =	ssyncset.done $0x0  }
0x60: {  	s6 =	rddreg [dreg:$0xe];
	[sflag:s16] =	ssyncadd.s32 $0xFFFFC180  }
0x61: {  	[tilespmem:s13], [sflag:$0x1] =	stream.indirect.gather [hbm4b:s4+s12], $0x80, s6, s12, $0xb8;
	[tilespmem:$0x1C880] =	vst v63  }
0x62: {  	_ =	swait.ge [sflag:s17], $0x3E80  }
0x63: {  	[sflag:s17] =	ssyncset.done $0x0  }
0x64: {  	s7 =	rddreg [dreg:$0xf];
	[sflag:s17] =	ssyncadd.s32 $0xFFFFC180  }
0x65: {  	[spmem:s2] =	stream.indirect.scatter.add.f32 [tilespmem:s14], [sflag:$0x4], $0x80, s7, s12, $0xb8;
	[tilespmem:$0x1C880] =	vst v63  }
0x66: {  	_ =	swait.ge [sflag:s18], $0x3E80  }
0x67: {  	[sflag:s18] =	ssyncset.done $0x0  }
0x68: {  	s8 =	rddreg [dreg:$0x10];
	[sflag:s18] =	ssyncadd.s32 $0xFFFFC180  }
0x69: {  	[tilespmem:s14], [sflag:$0x2] =	stream.indirect.gather [hbm4b:s4+s12], $0x80, s8, s12, $0xb8;
	[tilespmem:$0x1C880] =	vst v63  }
0x6a: {  	_ =	swait.ge [sflag:s15], $0x3E80  }
0x6b: {  	[sflag:s15] =	ssyncset.done $0x0  }
0x6c: {  	s9 =	rddreg [dreg:$0x11];
	[sflag:s15] =	ssyncadd.s32 $0xFFFFC180  }
0x6d: {  	[spmem:s2] =	stream.indirect.scatter.add.f32 [tilespmem:s13], [sflag:$0x3], $0x80, s9, s12, $0xb8;
	[tilespmem:$0x1C880] =	vst v63  }
0x6e: {  	_ =	swait.ge [sflag:s16], $0x3E80  }
0x6f: {  	[sflag:s16] =	ssyncset.done $0x0  }
0x70: {  	s6 =	rddreg [dreg:$0x12];
	[sflag:s16] =	ssyncadd.s32 $0xFFFFC180  }
0x71: {  	[tilespmem:s13], [sflag:$0x1] =	stream.indirect.gather [hbm4b:s4+s12], $0x80, s6, s12, $0xb8;
	[tilespmem:$0x1C880] =	vst v63  }
0x72: {  	_ =	swait.ge [sflag:s17], $0x3E80  }
0x73: {  	[sflag:s17] =	ssyncset.done $0x0  }
0x74: {  	s7 =	rddreg [dreg:$0x13];
	[sflag:s17] =	ssyncadd.s32 $0xFFFFC180  }
0x75: {  	[spmem:s2] =	stream.indirect.scatter.add.f32 [tilespmem:s14], [sflag:$0x4], $0x80, s7, s12, $0xb8;
	[tilespmem:$0x1C880] =	vst v63  }
0x76: {  	_ =	swait.ge [sflag:s18], $0x3E80  }
0x77: {  	[sflag:s18] =	ssyncset.done $0x0  }
0x78: {  	s8 =	rddreg [dreg:$0x14];
	[sflag:s18] =	ssyncadd.s32 $0xFFFFC180  }
0x79: {  	[tilespmem:s14], [sflag:$0x2] =	stream.indirect.gather [hbm4b:s4+s12], $0x80, s8, s12, $0xb8;
	[tilespmem:$0x1C880] =	vst v63  }
0x7a: {  	_ =	swait.ge [sflag:s15], $0x3E80  }
0x7b: {  	[sflag:s15] =	ssyncset.done $0x0  }
0x7c: {  	s9 =	rddreg [dreg:$0x15];
	[sflag:s15] =	ssyncadd.s32 $0xFFFFC180  }
0x7d: {  	[spmem:s2] =	stream.indirect.scatter.add.f32 [tilespmem:s13], [sflag:$0x3], $0x80, s9, s12, $0xb8;
	[tilespmem:$0x1C880] =	vst v63  }
0x7e: {  	_ =	swait.ge [sflag:s16], $0x3E80  }
0x7f: {  	[sflag:s16] =	ssyncset.done $0x0  }
0x80: {  	[sflag:s16] =	ssyncadd.s32 $0xFFFFC180  }
0x81: {  	[tilespmem:s13], [sflag:$0x1] =	stream.indirect.gather [hbm4b:s4+s12], $0x80, s19, s12, $0xb8;
	[tilespmem:$0x1C880] =	vst v63  }
0x82: {  	_ =	swait.ge [sflag:s17], $0x3E80  }
0x83: {  	[sflag:s17] =	ssyncset.done $0x0  }
0x84: {  	[sflag:s17] =	ssyncadd.s32 $0xFFFFC180  }
0x85: {  	[spmem:s2] =	stream.indirect.scatter.add.f32 [tilespmem:s14], [sflag:$0x4], $0x80, s20, s12, $0xb8;
	[tilespmem:$0x1C880] =	vst v63  }
0x86: {  	_ =	swait.ge [sflag:s18], $0x3E80  }
0x87: {  	[sflag:s18] =	ssyncset.done $0x0  }
0x88: {  	[sflag:s18] =	ssyncadd.s32 $0xFFFFC180  }
0x89: {  	[tilespmem:s14], [sflag:$0x2] =	stream.indirect.gather [hbm4b:s4+s12], $0x80, s21, s12, $0xb8;
	[tilespmem:$0x1C880] =	vst v63  }
0x8a: {  	_ =	swait.ge [sflag:s15], $0x3E80  }
0x8b: {  	[sflag:s15] =	ssyncset.done $0x0  }
0x8c: {  	[sflag:s15] =	ssyncadd.s32 $0xFFFFC180  }
0x8d: {  	[spmem:s2] =	stream.indirect.scatter.add.f32 [tilespmem:s13], [sflag:$0x3], $0x80, s22, s12, $0xb8;
	[tilespmem:$0x1C880] =	vst v63  }
0x8e: {  	_ =	swait.ge [sflag:s16], $0x3E80  }
0x8f: {  	[sflag:s16] =	ssyncset.done $0x0  }
0x90: {  	[sflag:s16] =	ssyncadd.s32 $0xFFFFC180  }
0x91: {  	[tilespmem:s13], [sflag:$0x1] =	stream.indirect.gather [hbm4b:s4+s12], $0x80, s23, s12, $0xb8;
	[tilespmem:$0x1C880] =	vst v63  }
0x92: {  	_ =	swait.ge [sflag:s17], $0x3E80  }
0x93: {  	[sflag:s17] =	ssyncset.done $0x0  }
0x94: {  	[sflag:s17] =	ssyncadd.s32 $0xFFFFC180  }
0x95: {  	[spmem:s2] =	stream.indirect.scatter.add.f32 [tilespmem:s14], [sflag:$0x4], $0x80, s24, s12, $0xb8;
	[tilespmem:$0x1C880] =	vst v63  }
0x96: {  	_ =	swait.ge [sflag:s18], $0x3E80  }
0x97: {  	[sflag:s18] =	ssyncset.done $0x0  }
0x98: {  	[sflag:s18] =	ssyncadd.s32 $0xFFFFC180  }
0x99: {  	[tilespmem:s14], [sflag:$0x2] =	stream.indirect.gather [hbm4b:s4+s12], $0x80, s25, s12, $0xb8;
	[tilespmem:$0x1C880] =	vst v63  }
0x9a: {  	_ =	swait.ge [sflag:s15], $0x3E80  }
0x9b: {  	[sflag:s15] =	ssyncset.done $0x0  }
0x9c: {  	[sflag:s15] =	ssyncadd.s32 $0xFFFFC180  }
0x9d: {  	[spmem:s2] =	stream.indirect.scatter.add.f32 [tilespmem:s13], [sflag:$0x3], $0x80, s26, s12, $0xb8;
	[tilespmem:$0x1C880] =	vst v63  }
0x9e: {  	_ =	swait.ge [sflag:s16], $0x3E80  }
0x9f: {  	[sflag:s16] =	ssyncset.done $0x0  }
0xa0: {  	[sflag:s16] =	ssyncadd.s32 $0xFFFFC180  }
0xa1: {  	[tilespmem:s13], [sflag:$0x1] =	stream.indirect.gather [hbm4b:s4+s12], $0x80, s28, s12, $0xb8;
	[tilespmem:$0x1C880] =	vst v63  }
0xa2: {  	_ =	swait.ge [sflag:s17], $0x3E80  }
0xa3: {  	[sflag:s17] =	ssyncset.done $0x0  }
0xa4: {  	[sflag:s17] =	ssyncadd.s32 $0xFFFFC180  }
0xa5: {  	[spmem:s2] =	stream.indirect.scatter.add.f32 [tilespmem:s14], [sflag:$0x4], $0x80, s29, s12, $0xb8;
	[tilespmem:$0x1C880] =	vst v63  }
0xa6: {  	_ =	swait.ge [sflag:s18], $0x3E80  }
0xa7: {  	[sflag:s18] =	ssyncset.done $0x0  }
0xa8: {  	[sflag:s18] =	ssyncadd.s32 $0xFFFFC180  }
0xa9: {  	[tilespmem:s14], [sflag:$0x2] =	stream.indirect.gather [hbm4b:s4+s12], $0x80, s30, s12, $0xb8;
	[tilespmem:$0x1C880] =	vst v63  }
0xaa: {  	_ =	swait.ge [sflag:s15], $0x3E80  }
0xab: {  	[sflag:s15] =	ssyncset.done $0x0  }
0xac: {  	[sflag:s15] =	ssyncadd.s32 $0xFFFFC180  }
0xad: {  	[spmem:s2] =	stream.indirect.scatter.add.f32 [tilespmem:s13], [sflag:$0x3], $0x80, s31, s12, $0xb8;
	[tilespmem:$0x1C880] =	vst v63  }
0xae: {  	p2 =	por $0x0, $0x0;
	_ =	swait.ge [sflag:s17], $0x3E80  }
0xaf: {  	s5 =	simm.s32 $0x100;
	s6 =	simm.s32 $0x200;
	[sflag:s17] =	ssyncset.done $0x0  }
.LBB2_2:
0xb0: {  	s7 =	simm.s32 @!p2 $0x3;
	[sflag:s17] =	ssyncadd.s32 $0xFFFFC180  }
0xb1: {  	[spmem:s2] =	stream.indirect.scatter.add.f32 [tilespmem:s14], [sflag:$0x4], $0x80, s1, s12, $0xb8;
	[tilespmem:$0x1C880] =	vst v63  }
0xb2: {  	_ =	swait.ge @!p2 [sflag:s7], $0x3E80  }
0xb3: {  	[sflag:s7] =	ssyncset.done @!p2 $0x0  }
0xb4: {  	[sflag:s7] =	ssyncadd.s32 @!p2 $0xFFFFC180;
	s7 =	simm.s32 @!p2 $0x4  }
0xb5: {  	_ =	swait.ge @!p2 [sflag:s7], $0x3E80  }
0xb6: {  	[sflag:s7] =	ssyncset.done @!p2 $0x0;
	s9 =	rddreg [dreg:$0x4]  }
0xb7: {  	[sflag:s7] =	ssyncadd.s32 @!p2 $0xFFFFC180;
	s9 =	sadd.s32 s5, s9  }
0xb8: {  	[tilespmem:s3], [sflag:$0x5] =	stream.linear.gather [hbm4b:s9+s3], $0x800, $0x38;
	[tilespmem:$0x1C880] =	vst v63  }
0xb9: {  	_ =	swait.ge [sflag:s10], $0x800  }
0xba: {  	s9 =	rddreg [dreg:$0x3];
	[sflag:s10] =	ssyncset.done $0x0  }
0xbb: {  	[sflag:s10] =	ssyncadd.s32 $0xFFFFF800;
	s7 =	sadd.s32 s5, s9  }
0xbc: {  	[tilespmem:s11], [sflag:$0x5] =	stream.linear.gather [hbm4b:s7+s3], $0x800, $0x38;
	[tilespmem:$0x1C880] =	vst v63  }
0xbd: {  	_ =	swait.ge [sflag:s10], $0x800  }
0xbe: {  	[sflag:s10] =	ssyncset.done $0x0  }
0xbf: {  	[sflag:s10] =	ssyncadd.s32 $0xFFFFF800  }
0xc0: {  	[tilespmem:s13], [sflag:$0x1] =	stream.indirect.gather [hbm4b:s4+s12], $0x80, s3, s12, $0xb8;
	[tilespmem:$0x1C880] =	vst v63  }
0xc1: {  	s9 =	rddreg [dreg:$0x5]  }
0xc2: {  	[tilespmem:s14], [sflag:$0x2] =	stream.indirect.gather [hbm4b:s4+s12], $0x80, s9, s12, $0xb8;
	[tilespmem:$0x1C880] =	vst v63  }
0xc3: {  	_ =	swait.ge [sflag:s15], $0x3E80  }
0xc4: {  	[sflag:s15] =	ssyncset.done $0x0  }
0xc5: {  	[sflag:s15] =	ssyncadd.s32 $0xFFFFC180  }
0xc6: {  	[spmem:s2] =	stream.indirect.scatter.add.f32 [tilespmem:s13], [sflag:$0x3], $0x80, s11, s12, $0xb8;
	[tilespmem:$0x1C880] =	vst v63  }
0xc7: {  	_ =	swait.ge [sflag:s16], $0x3E80  }
0xc8: {  	s8 =	smov.u32 s6;
	[sflag:s16] =	ssyncset.done $0x0  }
0xc9: {  	s5 =	smov.u32 s8;
	s8 =	rddreg [dreg:$0x6];
	[sflag:s16] =	ssyncadd.s32 $0xFFFFC180  }
0xca: {  	[tilespmem:s13], [sflag:$0x1] =	stream.indirect.gather [hbm4b:s4+s12], $0x80, s8, s12, $0xb8;
	[tilespmem:$0x1C880] =	vst v63  }
0xcb: {  	_ =	swait.ge [sflag:s17], $0x3E80  }
0xcc: {  	[sflag:s17] =	ssyncset.done $0x0  }
0xcd: {  	s9 =	rddreg [dreg:$0x7];
	[sflag:s17] =	ssyncadd.s32 $0xFFFFC180  }
0xce: {  	[spmem:s2] =	stream.indirect.scatter.add.f32 [tilespmem:s14], [sflag:$0x4], $0x80, s9, s12, $0xb8;
	[tilespmem:$0x1C880] =	vst v63  }
0xcf: {  	_ =	swait.ge [sflag:s18], $0x3E80  }
0xd0: {  	[sflag:s18] =	ssyncset.done $0x0  }
0xd1: {  	s8 =	rddreg [dreg:$0x8];
	[sflag:s18] =	ssyncadd.s32 $0xFFFFC180  }
0xd2: {  	[tilespmem:s14], [sflag:$0x2] =	stream.indirect.gather [hbm4b:s4+s12], $0x80, s8, s12, $0xb8;
	[tilespmem:$0x1C880] =	vst v63  }
0xd3: {  	_ =	swait.ge [sflag:s15], $0x3E80  }
0xd4: {  	[sflag:s15] =	ssyncset.done $0x0  }
0xd5: {  	s9 =	rddreg [dreg:$0x9];
	[sflag:s15] =	ssyncadd.s32 $0xFFFFC180  }
0xd6: {  	[spmem:s2] =	stream.indirect.scatter.add.f32 [tilespmem:s13], [sflag:$0x3], $0x80, s9, s12, $0xb8;
	[tilespmem:$0x1C880] =	vst v63  }
0xd7: {  	_ =	swait.ge [sflag:s16], $0x3E80  }
0xd8: {  	[sflag:s16] =	ssyncset.done $0x0  }
0xd9: {  	s8 =	rddreg [dreg:$0xa];
	[sflag:s16] =	ssyncadd.s32 $0xFFFFC180  }
0xda: {  	[tilespmem:s13], [sflag:$0x1] =	stream.indirect.gather [hbm4b:s4+s12], $0x80, s8, s12, $0xb8;
	[tilespmem:$0x1C880] =	vst v63  }
0xdb: {  	_ =	swait.ge [sflag:s17], $0x3E80  }
0xdc: {  	[sflag:s17] =	ssyncset.done $0x0  }
0xdd: {  	s9 =	rddreg [dreg:$0xb];
	[sflag:s17] =	ssyncadd.s32 $0xFFFFC180  }
0xde: {  	[spmem:s2] =	stream.indirect.scatter.add.f32 [tilespmem:s14], [sflag:$0x4], $0x80, s9, s12, $0xb8;
	[tilespmem:$0x1C880] =	vst v63  }
0xdf: {  	_ =	swait.ge [sflag:s18], $0x3E80  }
0xe0: {  	[sflag:s18] =	ssyncset.done $0x0  }
0xe1: {  	s8 =	rddreg [dreg:$0xc];
	[sflag:s18] =	ssyncadd.s32 $0xFFFFC180  }
0xe2: {  	[tilespmem:s14], [sflag:$0x2] =	stream.indirect.gather [hbm4b:s4+s12], $0x80, s8, s12, $0xb8;
	[tilespmem:$0x1C880] =	vst v63  }
0xe3: {  	_ =	swait.ge [sflag:s15], $0x3E80  }
0xe4: {  	[sflag:s15] =	ssyncset.done $0x0  }
0xe5: {  	s9 =	rddreg [dreg:$0xd];
	[sflag:s15] =	ssyncadd.s32 $0xFFFFC180  }
0xe6: {  	[spmem:s2] =	stream.indirect.scatter.add.f32 [tilespmem:s13], [sflag:$0x3], $0x80, s9, s12, $0xb8;
	[tilespmem:$0x1C880] =	vst v63  }
0xe7: {  	_ =	swait.ge [sflag:s16], $0x3E80  }
0xe8: {  	[sflag:s16] =	ssyncset.done $0x0  }
0xe9: {  	s8 =	rddreg [dreg:$0xe];
	[sflag:s16] =	ssyncadd.s32 $0xFFFFC180  }
0xea: {  	[tilespmem:s13], [sflag:$0x1] =	stream.indirect.gather [hbm4b:s4+s12], $0x80, s8, s12, $0xb8;
	[tilespmem:$0x1C880] =	vst v63  }
0xeb: {  	_ =	swait.ge [sflag:s17], $0x3E80  }
0xec: {  	[sflag:s17] =	ssyncset.done $0x0  }
0xed: {  	s9 =	rddreg [dreg:$0xf];
	[sflag:s17] =	ssyncadd.s32 $0xFFFFC180  }
0xee: {  	[spmem:s2] =	stream.indirect.scatter.add.f32 [tilespmem:s14], [sflag:$0x4], $0x80, s9, s12, $0xb8;
	[tilespmem:$0x1C880] =	vst v63  }
0xef: {  	_ =	swait.ge [sflag:s18], $0x3E80  }
0xf0: {  	[sflag:s18] =	ssyncset.done $0x0  }
0xf1: {  	s8 =	rddreg [dreg:$0x10];
	[sflag:s18] =	ssyncadd.s32 $0xFFFFC180  }
0xf2: {  	[tilespmem:s14], [sflag:$0x2] =	stream.indirect.gather [hbm4b:s4+s12], $0x80, s8, s12, $0xb8;
	[tilespmem:$0x1C880] =	vst v63  }
0xf3: {  	_ =	swait.ge [sflag:s15], $0x3E80  }
0xf4: {  	[sflag:s15] =	ssyncset.done $0x0  }
0xf5: {  	s9 =	rddreg [dreg:$0x11];
	[sflag:s15] =	ssyncadd.s32 $0xFFFFC180  }
0xf6: {  	[spmem:s2] =	stream.indirect.scatter.add.f32 [tilespmem:s13], [sflag:$0x3], $0x80, s9, s12, $0xb8;
	[tilespmem:$0x1C880] =	vst v63  }
0xf7: {  	_ =	swait.ge [sflag:s16], $0x3E80  }
0xf8: {  	[sflag:s16] =	ssyncset.done $0x0  }
0xf9: {  	s8 =	rddreg [dreg:$0x12];
	[sflag:s16] =	ssyncadd.s32 $0xFFFFC180  }
0xfa: {  	[tilespmem:s13], [sflag:$0x1] =	stream.indirect.gather [hbm4b:s4+s12], $0x80, s8, s12, $0xb8;
	[tilespmem:$0x1C880] =	vst v63  }
0xfb: {  	_ =	swait.ge [sflag:s17], $0x3E80  }
0xfc: {  	[sflag:s17] =	ssyncset.done $0x0  }
0xfd: {  	s9 =	rddreg [dreg:$0x13];
	[sflag:s17] =	ssyncadd.s32 $0xFFFFC180  }
0xfe: {  	[spmem:s2] =	stream.indirect.scatter.add.f32 [tilespmem:s14], [sflag:$0x4], $0x80, s9, s12, $0xb8;
	[tilespmem:$0x1C880] =	vst v63  }
0xff: {  	_ =	swait.ge [sflag:s18], $0x3E80  }
0x100: {  	[sflag:s18] =	ssyncset.done $0x0  }
0x101: {  	s8 =	rddreg [dreg:$0x14];
	[sflag:s18] =	ssyncadd.s32 $0xFFFFC180  }
0x102: {  	[tilespmem:s14], [sflag:$0x2] =	stream.indirect.gather [hbm4b:s4+s12], $0x80, s8, s12, $0xb8;
	[tilespmem:$0x1C880] =	vst v63  }
0x103: {  	_ =	swait.ge [sflag:s15], $0x3E80  }
0x104: {  	[sflag:s15] =	ssyncset.done $0x0  }
0x105: {  	s9 =	rddreg [dreg:$0x15];
	[sflag:s15] =	ssyncadd.s32 $0xFFFFC180  }
0x106: {  	[spmem:s2] =	stream.indirect.scatter.add.f32 [tilespmem:s13], [sflag:$0x3], $0x80, s9, s12, $0xb8;
	[tilespmem:$0x1C880] =	vst v63  }
0x107: {  	_ =	swait.ge [sflag:s16], $0x3E80  }
0x108: {  	[sflag:s16] =	ssyncset.done $0x0  }
0x109: {  	[sflag:s16] =	ssyncadd.s32 $0xFFFFC180  }
0x10a: {  	[tilespmem:s13], [sflag:$0x1] =	stream.indirect.gather [hbm4b:s4+s12], $0x80, s19, s12, $0xb8;
	[tilespmem:$0x1C880] =	vst v63  }
0x10b: {  	_ =	swait.ge [sflag:s17], $0x3E80  }
0x10c: {  	[sflag:s17] =	ssyncset.done $0x0  }
0x10d: {  	[sflag:s17] =	ssyncadd.s32 $0xFFFFC180  }
0x10e: {  	[spmem:s2] =	stream.indirect.scatter.add.f32 [tilespmem:s14], [sflag:$0x4], $0x80, s20, s12, $0xb8;
	[tilespmem:$0x1C880] =	vst v63  }
0x10f: {  	_ =	swait.ge [sflag:s18], $0x3E80  }
0x110: {  	[sflag:s18] =	ssyncset.done $0x0  }
0x111: {  	[sflag:s18] =	ssyncadd.s32 $0xFFFFC180  }
0x112: {  	[tilespmem:s14], [sflag:$0x2] =	stream.indirect.gather [hbm4b:s4+s12], $0x80, s21, s12, $0xb8;
	[tilespmem:$0x1C880] =	vst v63  }
0x113: {  	_ =	swait.ge [sflag:s15], $0x3E80  }
0x114: {  	[sflag:s15] =	ssyncset.done $0x0  }
0x115: {  	[sflag:s15] =	ssyncadd.s32 $0xFFFFC180  }
0x116: {  	[spmem:s2] =	stream.indirect.scatter.add.f32 [tilespmem:s13], [sflag:$0x3], $0x80, s22, s12, $0xb8;
	[tilespmem:$0x1C880] =	vst v63  }
0x117: {  	_ =	swait.ge [sflag:s16], $0x3E80  }
0x118: {  	[sflag:s16] =	ssyncset.done $0x0  }
0x119: {  	[sflag:s16] =	ssyncadd.s32 $0xFFFFC180  }
0x11a: {  	[tilespmem:s13], [sflag:$0x1] =	stream.indirect.gather [hbm4b:s4+s12], $0x80, s23, s12, $0xb8;
	[tilespmem:$0x1C880] =	vst v63  }
0x11b: {  	_ =	swait.ge [sflag:s17], $0x3E80  }
0x11c: {  	[sflag:s17] =	ssyncset.done $0x0  }
0x11d: {  	[sflag:s17] =	ssyncadd.s32 $0xFFFFC180  }
0x11e: {  	[spmem:s2] =	stream.indirect.scatter.add.f32 [tilespmem:s14], [sflag:$0x4], $0x80, s24, s12, $0xb8;
	[tilespmem:$0x1C880] =	vst v63  }
0x11f: {  	_ =	swait.ge [sflag:s18], $0x3E80  }
0x120: {  	[sflag:s18] =	ssyncset.done $0x0  }
0x121: {  	[sflag:s18] =	ssyncadd.s32 $0xFFFFC180  }
0x122: {  	[tilespmem:s14], [sflag:$0x2] =	stream.indirect.gather [hbm4b:s4+s12], $0x80, s25, s12, $0xb8;
	[tilespmem:$0x1C880] =	vst v63  }
0x123: {  	_ =	swait.ge [sflag:s15], $0x3E80  }
0x124: {  	[sflag:s15] =	ssyncset.done $0x0  }
0x125: {  	[sflag:s15] =	ssyncadd.s32 $0xFFFFC180  }
0x126: {  	[spmem:s2] =	stream.indirect.scatter.add.f32 [tilespmem:s13], [sflag:$0x3], $0x80, s26, s12, $0xb8;
	[tilespmem:$0x1C880] =	vst v63  }
0x127: {  	_ =	swait.ge [sflag:s16], $0x3E80  }
0x128: {  	[sflag:s16] =	ssyncset.done $0x0  }
0x129: {  	[sflag:s16] =	ssyncadd.s32 $0xFFFFC180  }
0x12a: {  	[tilespmem:s13], [sflag:$0x1] =	stream.indirect.gather [hbm4b:s4+s12], $0x80, s28, s12, $0xb8;
	[tilespmem:$0x1C880] =	vst v63  }
0x12b: {  	_ =	swait.ge [sflag:s17], $0x3E80  }
0x12c: {  	[sflag:s17] =	ssyncset.done $0x0  }
0x12d: {  	[sflag:s17] =	ssyncadd.s32 $0xFFFFC180  }
0x12e: {  	[spmem:s2] =	stream.indirect.scatter.add.f32 [tilespmem:s14], [sflag:$0x4], $0x80, s29, s12, $0xb8;
	[tilespmem:$0x1C880] =	vst v63  }
0x12f: {  	_ =	swait.ge [sflag:s18], $0x3E80  }
0x130: {  	[sflag:s18] =	ssyncset.done $0x0  }
0x131: {  	s6 =	sadd.s32 $0x100, s6;
	[sflag:s18] =	ssyncadd.s32 $0xFFFFC180  }
0x132: {  	[tilespmem:s14], [sflag:$0x2] =	stream.indirect.gather [hbm4b:s4+s12], $0x80, s30, s12, $0xb8;
	[tilespmem:$0x1C880] =	vst v63  }
0x133: {  	p1 =	sne.s32 s6, $0x500;
	_ =	swait.ge [sflag:s15], $0x3E80  }
.Ltmp0:
0x134: {  	[sflag:s15] =	ssyncset.done $0x0;
	(pc) =	sbr.rel @p1 .LBB2_2-.Ltmp0, $4  }
0x135: {  	[sflag:s15] =	ssyncadd.s32 $0xFFFFC180  }
0x136: {  	[spmem:s2] =	stream.indirect.scatter.add.f32 [tilespmem:s13], [sflag:$0x3], $0x80, s31, s12, $0xb8;
	[tilespmem:$0x1C880] =	vst v63  }
0x137: {  	_ =	swait.ge [sflag:s17], $0x3E80  }
0x138: {  	p2 =	seq.s32 s5, $0x0;
	[sflag:s17] =	ssyncset.done $0x0  }
0x139: {  	s6 =	simm.s32 @!p2 $0x3;
	[sflag:s17] =	ssyncadd.s32 $0xFFFFC180  }
0x13a: {  	[spmem:s2] =	stream.indirect.scatter.add.f32 [tilespmem:s14], [sflag:$0x4], $0x80, s1, s12, $0xb8;
	[tilespmem:$0x1C880] =	vst v63  }
0x13b: {  	_ =	swait.ge @!p2 [sflag:s6], $0x3E80  }
0x13c: {  	[sflag:s6] =	ssyncset.done @!p2 $0x0  }
0x13d: {  	[sflag:s6] =	ssyncadd.s32 @!p2 $0xFFFFC180;
	s6 =	simm.s32 @!p2 $0x4  }
0x13e: {  	_ =	swait.ge @!p2 [sflag:s6], $0x3E80  }
0x13f: {  	s7 =	rddreg [dreg:$0x4];
	[sflag:s6] =	ssyncset.done @!p2 $0x0  }
0x140: {  	[sflag:s6] =	ssyncadd.s32 @!p2 $0xFFFFC180;
	s8 =	sadd.s32 s5, s7  }
0x141: {  	[tilespmem:s3], [sflag:$0x5] =	stream.linear.gather [hbm4b:s8+s3], $0x800, $0x38;
	[tilespmem:$0x1C880] =	vst v63  }
0x142: {  	_ =	swait.ge [sflag:s10], $0x800  }
0x143: {  	s9 =	rddreg [dreg:$0x3];
	[sflag:s10] =	ssyncset.done $0x0  }
0x144: {  	s7 =	sadd.s32 s5, s9;
	[sflag:s10] =	ssyncadd.s32 $0xFFFFF800  }
0x145: {  	[tilespmem:s11], [sflag:$0x5] =	stream.linear.gather [hbm4b:s7+s3], $0x800, $0x38;
	[tilespmem:$0x1C880] =	vst v63  }
0x146: {  	_ =	swait.ge [sflag:s10], $0x800  }
0x147: {  	[sflag:s10] =	ssyncset.done $0x0  }
0x148: {  	[sflag:s10] =	ssyncadd.s32 $0xFFFFF800  }
0x149: {  	[tilespmem:s13], [sflag:$0x1] =	stream.indirect.gather [hbm4b:s4+s12], $0x80, s3, s12, $0xb8;
	[tilespmem:$0x1C880] =	vst v63  }
0x14a: {  	s8 =	rddreg [dreg:$0x5]  }
0x14b: {  	[tilespmem:s14], [sflag:$0x2] =	stream.indirect.gather [hbm4b:s4+s12], $0x80, s8, s12, $0xb8;
	[tilespmem:$0x1C880] =	vst v63  }
0x14c: {  	_ =	swait.ge [sflag:s15], $0x3E80  }
0x14d: {  	[sflag:s15] =	ssyncset.done $0x0  }
0x14e: {  	[sflag:s15] =	ssyncadd.s32 $0xFFFFC180  }
0x14f: {  	[spmem:s2] =	stream.indirect.scatter.add.f32 [tilespmem:s13], [sflag:$0x3], $0x80, s11, s12, $0xb8;
	[tilespmem:$0x1C880] =	vst v63  }
0x150: {  	_ =	swait.ge [sflag:s16], $0x3E80  }
0x151: {  	[sflag:s16] =	ssyncset.done $0x0  }
0x152: {  	s9 =	rddreg [dreg:$0x6];
	[sflag:s16] =	ssyncadd.s32 $0xFFFFC180  }
0x153: {  	[tilespmem:s13], [sflag:$0x1] =	stream.indirect.gather [hbm4b:s4+s12], $0x80, s9, s12, $0xb8;
	[tilespmem:$0x1C880] =	vst v63  }
0x154: {  	_ =	swait.ge [sflag:s17], $0x3E80  }
0x155: {  	[sflag:s17] =	ssyncset.done $0x0  }
0x156: {  	s6 =	rddreg [dreg:$0x7];
	[sflag:s17] =	ssyncadd.s32 $0xFFFFC180  }
0x157: {  	[spmem:s2] =	stream.indirect.scatter.add.f32 [tilespmem:s14], [sflag:$0x4], $0x80, s6, s12, $0xb8;
	[tilespmem:$0x1C880] =	vst v63  }
0x158: {  	_ =	swait.ge [sflag:s18], $0x3E80  }
0x159: {  	[sflag:s18] =	ssyncset.done $0x0  }
0x15a: {  	s7 =	rddreg [dreg:$0x8];
	[sflag:s18] =	ssyncadd.s32 $0xFFFFC180  }
0x15b: {  	[tilespmem:s14], [sflag:$0x2] =	stream.indirect.gather [hbm4b:s4+s12], $0x80, s7, s12, $0xb8;
	[tilespmem:$0x1C880] =	vst v63  }
0x15c: {  	_ =	swait.ge [sflag:s15], $0x3E80  }
0x15d: {  	[sflag:s15] =	ssyncset.done $0x0  }
0x15e: {  	s8 =	rddreg [dreg:$0x9];
	[sflag:s15] =	ssyncadd.s32 $0xFFFFC180  }
0x15f: {  	[spmem:s2] =	stream.indirect.scatter.add.f32 [tilespmem:s13], [sflag:$0x3], $0x80, s8, s12, $0xb8;
	[tilespmem:$0x1C880] =	vst v63  }
0x160: {  	_ =	swait.ge [sflag:s16], $0x3E80  }
0x161: {  	[sflag:s16] =	ssyncset.done $0x0  }
0x162: {  	s9 =	rddreg [dreg:$0xa];
	[sflag:s16] =	ssyncadd.s32 $0xFFFFC180  }
0x163: {  	[tilespmem:s13], [sflag:$0x1] =	stream.indirect.gather [hbm4b:s4+s12], $0x80, s9, s12, $0xb8;
	[tilespmem:$0x1C880] =	vst v63  }
0x164: {  	_ =	swait.ge [sflag:s17], $0x3E80  }
0x165: {  	[sflag:s17] =	ssyncset.done $0x0  }
0x166: {  	s6 =	rddreg [dreg:$0xb];
	[sflag:s17] =	ssyncadd.s32 $0xFFFFC180  }
0x167: {  	[spmem:s2] =	stream.indirect.scatter.add.f32 [tilespmem:s14], [sflag:$0x4], $0x80, s6, s12, $0xb8;
	[tilespmem:$0x1C880] =	vst v63  }
0x168: {  	_ =	swait.ge [sflag:s18], $0x3E80  }
0x169: {  	[sflag:s18] =	ssyncset.done $0x0  }
0x16a: {  	s7 =	rddreg [dreg:$0xc];
	[sflag:s18] =	ssyncadd.s32 $0xFFFFC180  }
0x16b: {  	[tilespmem:s14], [sflag:$0x2] =	stream.indirect.gather [hbm4b:s4+s12], $0x80, s7, s12, $0xb8;
	[tilespmem:$0x1C880] =	vst v63  }
0x16c: {  	_ =	swait.ge [sflag:s15], $0x3E80  }
0x16d: {  	[sflag:s15] =	ssyncset.done $0x0  }
0x16e: {  	s8 =	rddreg [dreg:$0xd];
	[sflag:s15] =	ssyncadd.s32 $0xFFFFC180  }
0x16f: {  	[spmem:s2] =	stream.indirect.scatter.add.f32 [tilespmem:s13], [sflag:$0x3], $0x80, s8, s12, $0xb8;
	[tilespmem:$0x1C880] =	vst v63  }
0x170: {  	_ =	swait.ge [sflag:s16], $0x3E80  }
0x171: {  	[sflag:s16] =	ssyncset.done $0x0  }
0x172: {  	s9 =	rddreg [dreg:$0xe];
	[sflag:s16] =	ssyncadd.s32 $0xFFFFC180  }
0x173: {  	[tilespmem:s13], [sflag:$0x1] =	stream.indirect.gather [hbm4b:s4+s12], $0x80, s9, s12, $0xb8;
	[tilespmem:$0x1C880] =	vst v63  }
0x174: {  	_ =	swait.ge [sflag:s17], $0x3E80  }
0x175: {  	[sflag:s17] =	ssyncset.done $0x0  }
0x176: {  	s6 =	rddreg [dreg:$0xf];
	[sflag:s17] =	ssyncadd.s32 $0xFFFFC180  }
0x177: {  	[spmem:s2] =	stream.indirect.scatter.add.f32 [tilespmem:s14], [sflag:$0x4], $0x80, s6, s12, $0xb8;
	[tilespmem:$0x1C880] =	vst v63  }
0x178: {  	_ =	swait.ge [sflag:s18], $0x3E80  }
0x179: {  	[sflag:s18] =	ssyncset.done $0x0  }
0x17a: {  	s7 =	rddreg [dreg:$0x10];
	[sflag:s18] =	ssyncadd.s32 $0xFFFFC180  }
0x17b: {  	[tilespmem:s14], [sflag:$0x2] =	stream.indirect.gather [hbm4b:s4+s12], $0x80, s7, s12, $0xb8;
	[tilespmem:$0x1C880] =	vst v63  }
0x17c: {  	_ =	swait.ge [sflag:s15], $0x3E80  }
0x17d: {  	[sflag:s15] =	ssyncset.done $0x0  }
0x17e: {  	s8 =	rddreg [dreg:$0x11];
	[sflag:s15] =	ssyncadd.s32 $0xFFFFC180  }
0x17f: {  	[spmem:s2] =	stream.indirect.scatter.add.f32 [tilespmem:s13], [sflag:$0x3], $0x80, s8, s12, $0xb8;
	[tilespmem:$0x1C880] =	vst v63  }
0x180: {  	_ =	swait.ge [sflag:s16], $0x3E80  }
0x181: {  	[sflag:s16] =	ssyncset.done $0x0  }
0x182: {  	s9 =	rddreg [dreg:$0x12];
	[sflag:s16] =	ssyncadd.s32 $0xFFFFC180  }
0x183: {  	[tilespmem:s13], [sflag:$0x1] =	stream.indirect.gather [hbm4b:s4+s12], $0x80, s9, s12, $0xb8;
	[tilespmem:$0x1C880] =	vst v63  }
0x184: {  	_ =	swait.ge [sflag:s17], $0x3E80  }
0x185: {  	[sflag:s17] =	ssyncset.done $0x0  }
0x186: {  	s6 =	rddreg [dreg:$0x13];
	[sflag:s17] =	ssyncadd.s32 $0xFFFFC180  }
0x187: {  	[spmem:s2] =	stream.indirect.scatter.add.f32 [tilespmem:s14], [sflag:$0x4], $0x80, s6, s12, $0xb8;
	[tilespmem:$0x1C880] =	vst v63  }
0x188: {  	_ =	swait.ge [sflag:s18], $0x3E80  }
0x189: {  	[sflag:s18] =	ssyncset.done $0x0  }
0x18a: {  	s7 =	rddreg [dreg:$0x14];
	[sflag:s18] =	ssyncadd.s32 $0xFFFFC180  }
0x18b: {  	[tilespmem:s14], [sflag:$0x2] =	stream.indirect.gather [hbm4b:s4+s12], $0x80, s7, s12, $0xb8;
	[tilespmem:$0x1C880] =	vst v63  }
0x18c: {  	_ =	swait.ge [sflag:s15], $0x3E80  }
0x18d: {  	[sflag:s15] =	ssyncset.done $0x0  }
0x18e: {  	s8 =	rddreg [dreg:$0x15];
	[sflag:s15] =	ssyncadd.s32 $0xFFFFC180  }
0x18f: {  	[spmem:s2] =	stream.indirect.scatter.add.f32 [tilespmem:s13], [sflag:$0x3], $0x80, s8, s12, $0xb8;
	[tilespmem:$0x1C880] =	vst v63  }
0x190: {  	_ =	swait.ge [sflag:s16], $0x3E80  }
0x191: {  	[sflag:s16] =	ssyncset.done $0x0  }
0x192: {  	[sflag:s16] =	ssyncadd.s32 $0xFFFFC180  }
0x193: {  	[tilespmem:s13], [sflag:$0x1] =	stream.indirect.gather [hbm4b:s4+s12], $0x80, s19, s12, $0xb8;
	[tilespmem:$0x1C880] =	vst v63  }
0x194: {  	_ =	swait.ge [sflag:s17], $0x3E80  }
0x195: {  	[sflag:s17] =	ssyncset.done $0x0  }
0x196: {  	[sflag:s17] =	ssyncadd.s32 $0xFFFFC180  }
0x197: {  	[spmem:s2] =	stream.indirect.scatter.add.f32 [tilespmem:s14], [sflag:$0x4], $0x80, s20, s12, $0xb8;
	[tilespmem:$0x1C880] =	vst v63  }
0x198: {  	_ =	swait.ge [sflag:s18], $0x3E80  }
0x199: {  	[sflag:s18] =	ssyncset.done $0x0  }
0x19a: {  	[sflag:s18] =	ssyncadd.s32 $0xFFFFC180  }
0x19b: {  	[tilespmem:s14], [sflag:$0x2] =	stream.indirect.gather [hbm4b:s4+s12], $0x80, s21, s12, $0xb8;
	[tilespmem:$0x1C880] =	vst v63  }
0x19c: {  	_ =	swait.ge [sflag:s15], $0x3E80  }
0x19d: {  	[sflag:s15] =	ssyncset.done $0x0  }
0x19e: {  	[sflag:s15] =	ssyncadd.s32 $0xFFFFC180  }
0x19f: {  	[spmem:s2] =	stream.indirect.scatter.add.f32 [tilespmem:s13], [sflag:$0x3], $0x80, s22, s12, $0xb8;
	[tilespmem:$0x1C880] =	vst v63  }
0x1a0: {  	_ =	swait.ge [sflag:s16], $0x3E80  }
0x1a1: {  	[sflag:s16] =	ssyncset.done $0x0  }
0x1a2: {  	[sflag:s16] =	ssyncadd.s32 $0xFFFFC180  }
0x1a3: {  	[tilespmem:s13], [sflag:$0x1] =	stream.indirect.gather [hbm4b:s4+s12], $0x80, s23, s12, $0xb8;
	[tilespmem:$0x1C880] =	vst v63  }
0x1a4: {  	_ =	swait.ge [sflag:s17], $0x3E80  }
0x1a5: {  	[sflag:s17] =	ssyncset.done $0x0  }
0x1a6: {  	[sflag:s17] =	ssyncadd.s32 $0xFFFFC180  }
0x1a7: {  	[spmem:s2] =	stream.indirect.scatter.add.f32 [tilespmem:s14], [sflag:$0x4], $0x80, s24, s12, $0xb8;
	[tilespmem:$0x1C880] =	vst v63  }
0x1a8: {  	_ =	swait.ge [sflag:s18], $0x3E80  }
0x1a9: {  	[sflag:s18] =	ssyncset.done $0x0  }
0x1aa: {  	[sflag:s18] =	ssyncadd.s32 $0xFFFFC180  }
0x1ab: {  	[tilespmem:s14], [sflag:$0x2] =	stream.indirect.gather [hbm4b:s4+s12], $0x80, s25, s12, $0xb8;
	[tilespmem:$0x1C880] =	vst v63  }
0x1ac: {  	_ =	swait.ge [sflag:s15], $0x3E80  }
0x1ad: {  	[sflag:s15] =	ssyncset.done $0x0  }
0x1ae: {  	[sflag:s15] =	ssyncadd.s32 $0xFFFFC180  }
0x1af: {  	[spmem:s2] =	stream.indirect.scatter.add.f32 [tilespmem:s13], [sflag:$0x3], $0x80, s26, s12, $0xb8;
	[tilespmem:$0x1C880] =	vst v63  }
0x1b0: {  	_ =	swait.ge [sflag:s16], $0x3E80  }
0x1b1: {  	[sflag:s16] =	ssyncset.done $0x0  }
0x1b2: {  	[sflag:s16] =	ssyncadd.s32 $0xFFFFC180  }
0x1b3: {  	[tilespmem:s13], [sflag:$0x1] =	stream.indirect.gather [hbm4b:s4+s12], $0x80, s28, s12, $0xb8;
	[tilespmem:$0x1C880] =	vst v63  }
0x1b4: {  	_ =	swait.ge [sflag:s17], $0x3E80  }
0x1b5: {  	[sflag:s17] =	ssyncset.done $0x0  }
0x1b6: {  	[sflag:s17] =	ssyncadd.s32 $0xFFFFC180  }
0x1b7: {  	[spmem:s2] =	stream.indirect.scatter.add.f32 [tilespmem:s14], [sflag:$0x4], $0x80, s29, s12, $0xb8;
	[tilespmem:$0x1C880] =	vst v63  }
0x1b8: {  	_ =	swait.ge [sflag:s18], $0x3E80  }
0x1b9: {  	[sflag:s18] =	ssyncset.done $0x0  }
0x1ba: {  	[sflag:s18] =	ssyncadd.s32 $0xFFFFC180  }
0x1bb: {  	[tilespmem:s14], [sflag:$0x2] =	stream.indirect.gather [hbm4b:s4+s12], $0x80, s30, s12, $0xb8;
	[tilespmem:$0x1C880] =	vst v63  }
0x1bc: {  	_ =	swait.ge [sflag:s15], $0x3E80  }
0x1bd: {  	[sflag:s15] =	ssyncset.done $0x0  }
0x1be: {  	[sflag:s15] =	ssyncadd.s32 $0xFFFFC180  }
0x1bf: {  	[spmem:s2] =	stream.indirect.scatter.add.f32 [tilespmem:s13], [sflag:$0x3], $0x80, s31, s12, $0xb8;
	[tilespmem:$0x1C880] =	vst v63  }
0x1c0: {  	_ =	swait.ge [sflag:s17], $0x3E80  }
0x1c1: {  	[sflag:s17] =	ssyncset.done $0x0  }
0x1c2: {  	[sflag:s17] =	ssyncadd.s32 $0xFFFFC180  }
0x1c3: {  	[spmem:s2] =	stream.indirect.scatter.add.f32 [tilespmem:s14], [sflag:$0x4], $0x80, s1, s12, $0xb8;
	[tilespmem:$0x1C880] =	vst v63  }
0x1c4: {  	_ =	swait.ge [sflag:s16], $0x3E80  }
0x1c5: {  	[sflag:s16] =	ssyncset.done $0x0  }
0x1c6: {  	[sflag:s16] =	ssyncadd.s32 $0xFFFFC180  }
0x1c7: {  	_ =	swait.ge [sflag:s18], $0x3E80  }
0x1c8: {  	[sflag:s18] =	ssyncset.done $0x0  }
0x1c9: {  	[sflag:s18] =	ssyncadd.s32 $0xFFFFC180  }
0x1ca: {  	[bflag:$0x0] =	sbarrier.arrive $0xFFFF  }
0x1cb: {  	s5 =	rddreg [dreg:$0x17]  }
0x1cc: {  	s7 =	rddreg [dreg:$0x19]  }
0x1cd: {  	s8 =	rddreg [dreg:$0x1a]  }
0x1ce: {  	[hbm:s5], [sflag:s7] =	dma.local @!p0 [spmem:s8], $0x3E80  }
0x1cf: {  	s5 =	simm.s32 @!p0 $0x5  }
0x1d0: {  	_ =	swait.ge @!p0 [sflag:s5], $0x3E80  }
0x1d1: {  	s0 =	sadd.s32 $0x1, s0;
	s9 =	rddreg [dreg:$0x18]  }
0x1d2: {  	p1 =	sne.s32 s0, s9  }
.Ltmp1:
0x1d3: {  	_ = 	snop;
	(pc) =	sbr.rel @p1 .LBB2_1-.Ltmp1, $3  }
0x1d4: {  	_ =	sdelay $0x1  }
0x1d5: {  	[sflag:s5] =	ssyncset.done @!p0 $0x0  }
0x1d6: {  	[sflag:s5] =	ssyncadd.s32 @!p0 $0xFFFFC180  }
0x1d7: {  	_ =	sfence.sel $0x180000  }
0x1d8: {  	[bflag:$0x0] =	sbarrier.arrive $0xFFFF  }
0x1d9: {  	_ =	strace $0x9000004A  }
0x1da: {  	s0 =	stileid.u32;
	[bflag:$0x2] =	sbarrier.arrive $0xFFFF  }
0x1db: {  	p0 =	sne.s32 s0, $0x0;
	s0 =	rddreg [dreg:$0x2]  }
0x1dc: {  	s0 =	sadd.s32 @!p0 $0x100000, s0  }
0x1dd: {  	[sflag:s0] =	ssyncadd.tile.s32 @!p0 $0x1;
	_ =	shalt  }
.Lfunc_end2:
_tile_overlayer_lowered:
.L_overlay_start_2:
0x1de: {  	(tag) =	ssettag $0x2  }
0x1df: {  	s0 =	rddreg [dreg:$0x0];
	s2 =	stileid.u32  }
0x1e0: {  	s1 =	rddreg [dreg:$0x1];
	p0 =	sne.s32 s2, $0x0  }
0x1e1: {  	s3 =	rddreg [dreg:$0x2];
	[bflag:$0x3] =	sbarrier.arrive $0xFFFF;
	s2 =	simm.s32 @!p0 $0x1C05  }
0x1e2: {  	[timem:s3], [sflag:s2] =	dma.local @!p0 [hbm:s0], s1  }
0x1e3: {  	s0 =	simm.s32 @!p0 $0x5  }
0x1e4: {  	_ =	swait.ge @!p0 [sflag:s0], s1  }
0x1e5: {  	s1 =	ssub.s32 @!p0 $0x0, s1;
	[sflag:s0] =	ssyncset.done @!p0 $0x0  }
0x1e6: {  	[sflag:s0] =	ssyncadd.s32 @!p0 s1  }
0x1e7: {  	[bflag:$0x3] =	sbarrier.arrive $0xFFFF  }
0x1e8: {  	_ =	shalt  }

// kernel: kernel.16.cloned.1.call-start
scs
__scs_entry_jumppad:
0x0: {  	(pc) =	sbr.rel $0x88, $3  }
0x1: {  	(tag) =	ssettag $0x0;
	lr =	simm.s32 $0x1  }
0x2: {  	[smem:$0x3F95] =	sst lr;
	_ =	strace $0xD0000000  }
0x3: {  	_ = 	snop  }
0x4: {  	_ = 	snop  }
0x5: {  	_ = 	snop  }
0x6: {  	_ = 	snop  }
0x7: {  	_ = 	snop  }
__scs_overlays_trampoline_lowered:
0x8: {  	[smem:$0x3FA4] =	sst s0  }
0x9: {  	[smem:$0x3FA5] =	sst s1  }
0xa: {  	[smem:$0x3FA6] =	sst s2  }
0xb: {  	[smem:$0x3FA7] =	sst s3  }
0xc: {  	[smem:$0x3FA8] =	sst s4  }
0xd: {  	[smem:$0x3FA9] =	sst s5  }
0xe: {  	[smem:$0x3FAA] =	sst s6  }
0xf: {  	[smem:$0x3FAB] =	sst s7  }
0x10: {  	[smem:$0x3FAC] =	sst s8  }
0x11: {  	[smem:$0x3FAD] =	sst s9;
	s0 =	simm.s32 @!p0 $0x0  }
0x12: {  	s1 =	sld [smem:$0x3F93];
	s0 =	simm.s32 @p0 $0x1  }
0x13: {  	[smem:$0x3FAE] =	sst s0;
	s0 =	simm.s32 @!p1 $0x0  }
0x14: {  	s2 =	sld [smem:$0x3F92];
	s0 =	simm.s32 @p1 $0x1  }
0x15: {  	[smem:$0x3FAF] =	sst s0;
	s0 =	simm.s32 @!p2 $0x0  }
0x16: {  	s3 =	sld [smem:$0x3FDB];
	s0 =	simm.s32 @p2 $0x1  }
0x17: {  	s4 =	simm.s32 $0x1BF5;
	[smem:$0x3FB1] =	sst s0  }
0x18: {  	s0 =	sld [smem:$0x3F94];
	_ =	swait.ge [sflag:s4], $0x0  }
0x19: {  	s7 =	sld [smem:$0x3F95]  }
0x1a: {  	s8 =	sadd.s32 $0xFFFFE003, lr  }
0x1b: {  	s9 =	sadd.s32 $0xFFFFFEF7, lr;
	s5 =	simm.s32 $0xFFFFFFFF;
	p2 =	slt.u32 s8, $0xFFFFF086  }
0x1c: {  	p1 =	slt.u32 s9, $0xF7A;
	s5 =	simm.s32 @!p2 $0x0  }
0x1d: {  	s5 =	simm.s32 @p1 $0x1;
	p0 =	seq.s32 s7, s2  }
0x1e: {  	s7 =	smul.u32 @!p0 $0xF7A, s2;
	p2 =	seq.s32 @!p0 s5, $0x0  }
0x1f: {  	s9 =	smul.u32 $0xF7A, s1;
	s8 =	simm.s32 @!p0 $0x1BF5;
	p2 =	por !p2, p0  }
0x20: {  	[sflag:s8] =	ssyncset.s32 @!p0 $0xFFFFF086;
	s6 =	sadd.s32 @!p0 s3, s7;
	s7 =	simm.s32 @!p0 $0x108  }
0x21: {  	s3 =	sadd.s32 s3, s9;
	s6 =	sadd.s32 @!p0 $0x88, s6;
	s7 =	simm.s32 @p2 $0x1082  }
0x22: {  	[simem:s7], [sflag:s8] =	dma.local @!p0 [hbm:s6], $0xF7A  }
0x23: {  	s9 =	sor.u32 $0xD0000000, s2;
	s6 =	simm.s32 $0x108;
	_ =	swait.ge @!p0 [sflag:s8], $0x0  }
0x24: {  	s3 =	sadd.s32 $0x88, s3;
	s6 =	simm.s32 @!p1 $0x1082;
	[sflag:s4] =	ssyncset.s32 $0xFFFFF086  }
0x25: {  	[simem:s6], [sflag:s4] =	dma.local [hbm:s3], $0xF7A  }
0x26: {  	[smem:$0x3F95] =	sst s1;
	(tag) =	ssettag s2;
	_ =	strace s9  }
0x27: {  	s1 =	sld [smem:$0x3FA5]  }
0x28: {  	s2 =	sld [smem:$0x3FA6]  }
0x29: {  	s4 =	sld [smem:$0x3FA8]  }
0x2a: {  	p0 =	seq.s32 s5, $0x0;
	s5 =	sld [smem:$0x3FA9]  }
0x2b: {  	s6 =	sld [smem:$0x3FAA]  }
0x2c: {  	s7 =	sld [smem:$0x3FAB]  }
0x2d: {  	s3 =	simm.s32 $0x108;
	s8 =	sld [smem:$0x3FAC]  }
0x2e: {  	s3 =	simm.s32 @!p0 $0x1082;
	s9 =	sld [smem:$0x3FAD]  }
0x2f: {  	lr =	sadd.s32 s0, s3;
	s0 =	sld [smem:$0x3FA4]  }
0x30: {  	s3 =	sld [smem:$0x3FA7]  }
0x31: {  	[smem:$0x3FB0] =	sst s10  }
0x32: {  	s10 =	sld [smem:$0x3FAE];
	_ =	sdelay $0x3  }
0x33: {  	p0 =	seq.s32 s10, $0x1;
	s10 =	sld [smem:$0x3FB0];
	_ =	sdelay $0x3  }
0x34: {  	[smem:$0x3FB0] =	sst s10  }
0x35: {  	s10 =	sld [smem:$0x3FAF];
	_ =	sdelay $0x3  }
0x36: {  	p1 =	seq.s32 s10, $0x1;
	s10 =	sld [smem:$0x3FB0];
	_ =	sdelay $0x3  }
0x37: {  	[smem:$0x3FB0] =	sst s10  }
0x38: {  	s10 =	sld [smem:$0x3FB1]  }
0x39: {  	_ = 	snop;
	(pc) =	sbr.ind lr, $3  }
0x3a: {  	_ = 	snop  }
0x3b: {  	_ = 	snop  }
0x3c: {  	p2 =	seq.s32 s10, $0x1;
	s10 =	sld [smem:$0x3FB0]  }
0x3d: {  	_ =	shalt  }
0x3e: {  	_ =	shalt  }
0x3f: {  	_ =	shalt  }
0x40: {  	_ =	shalt  }
0x41: {  	_ =	shalt  }
0x42: {  	_ =	shalt  }
0x43: {  	_ =	shalt  }
0x44: {  	_ =	shalt  }
0x45: {  	_ =	shalt  }
0x46: {  	_ =	shalt  }
0x47: {  	_ =	shalt  }
0x48: {  	_ =	shalt  }
0x49: {  	_ =	shalt  }
0x4a: {  	_ =	shalt  }
0x4b: {  	_ =	shalt  }
0x4c: {  	_ =	shalt  }
0x4d: {  	_ =	shalt  }
0x4e: {  	_ =	shalt  }
0x4f: {  	_ =	shalt  }
0x50: {  	_ =	shalt  }
0x51: {  	_ =	shalt  }
0x52: {  	_ =	shalt  }
0x53: {  	_ =	shalt  }
0x54: {  	_ =	shalt  }
0x55: {  	_ =	shalt  }
0x56: {  	_ =	shalt  }
0x57: {  	_ =	shalt  }
0x58: {  	_ =	shalt  }
0x59: {  	_ =	shalt  }
0x5a: {  	_ =	shalt  }
0x5b: {  	_ =	shalt  }
0x5c: {  	_ =	shalt  }
0x5d: {  	_ =	shalt  }
0x5e: {  	_ =	shalt  }
0x5f: {  	_ =	shalt  }
0x60: {  	_ =	shalt  }
0x61: {  	_ =	shalt  }
0x62: {  	_ =	shalt  }
0x63: {  	_ =	shalt  }
0x64: {  	_ =	shalt  }
0x65: {  	_ =	shalt  }
0x66: {  	_ =	shalt  }
0x67: {  	_ =	shalt  }
0x68: {  	_ =	shalt  }
0x69: {  	_ =	shalt  }
0x6a: {  	_ =	shalt  }
0x6b: {  	_ =	shalt  }
0x6c: {  	_ =	shalt  }
0x6d: {  	_ =	shalt  }
0x6e: {  	_ =	shalt  }
0x6f: {  	_ =	shalt  }
0x70: {  	_ =	shalt  }
0x71: {  	_ =	shalt  }
0x72: {  	_ =	shalt  }
0x73: {  	_ =	shalt  }
0x74: {  	_ =	shalt  }
0x75: {  	_ =	shalt  }
0x76: {  	_ =	shalt  }
0x77: {  	_ =	shalt  }
0x78: {  	_ =	shalt  }
0x79: {  	_ =	shalt  }
0x7a: {  	_ =	shalt  }
0x7b: {  	_ =	shalt  }
0x7c: {  	_ =	shalt  }
0x7d: {  	_ =	shalt  }
0x7e: {  	_ =	shalt  }
0x7f: {  	_ =	shalt  }
0x80: {  	_ =	shalt  }
0x81: {  	_ =	shalt  }
0x82: {  	_ =	shalt  }
0x83: {  	_ =	shalt  }
0x84: {  	_ =	shalt  }
0x85: {  	_ =	shalt  }
0x86: {  	_ =	shalt  }
0x87: {  	_ =	shalt  }
.Lfunc_end0:
.L_simem_size_0:
called_computation.2_lowered:
.L_overlay_start_0:
0x88: {  	s2 =	sld [smem:$0x3FD9]  }
0x89: {  	s3 =	sld [smem:$0x3FFE];
	_ =	sdelay $0x1  }
0x8a: {  	s1 =	srdreg.scid  }
0x8b: {  	s0 =	sand.u32 $0x1, s1  }
0x8c: {  	s16 =	sshll.u32 s0, $0xA;
	s2 =	sadd.s32 s3, s2  }
0x8d: {  	s2 =	sadd.s32 s2, s16  }
0x8e: {  	[smem:$0x3FBC] =	sst s2  }
0x8f: {  	_ = 	snop  }
0x90: {  	(tm) =	ssettm $0x1  }
0x91: {  	s17 =	sld [smem:$0x3FFB];
	_ =	sdelay $0x3  }
0x92: {  	_ =	strace s17  }
0x93: {  	s2 =	sld [smem:$0x3FFC];
	_ =	sdelay $0x3  }
0x94: {  	_ =	strace s2  }
0x95: {  	s2 =	sld [smem:$0x3FFD];
	_ =	sdelay $0x3  }
0x96: {  	_ =	strace s2  }
0x97: {  	_ =	strace $0x8FFFFFFF  }
0x98: {  	s18 =	sld [smem:$0x3FDB];
	_ =	sdelay $0x1  }
0x99: {  	s19 =	simm.s32 $_scs_section_size  }
0x9a: {  	s4 =	simm.s32 $_size__tile_overlayer_lowered;
	s5 =	simm.s32 $_tile_overlayer_lowered  }
0x9b: {  	s22 =	simm.s32 $0x1BFF;
	s21 =	sshll.u32 s5, $0x1;
	s2 =	sadd.s32 s19, s18  }
0x9c: {  	s6 =	simm.s32 $0x0;
	s20 =	sshll.u32 s4, $0x1;
	s4 =	sadd.s32 s21, s2  }
0x9d: {  	[timem:s6], [sflag:s22] =	dma.local [hbm:s4], s20  }
0x9e: {  	_ =	swait.ge [sflag:s22], s20  }
0x9f: {  	s3 =	ssub.s32 $0x0, s20;
	[sflag:s22] =	ssyncset.done $0x0  }
0xa0: {  	[sflag:s22] =	ssyncadd.s32 s3;
	_ =	sdelay $0x1  }
0xa1: {  	s23 =	simm.s32 $0x1B8B  }
0xa2: {  	_ =	swait.ge [sflag:s23], $0x1  }
0xa3: {  	[sflag:s23] =	ssyncset.done $0x0  }
0xa4: {  	s25 =	simm.s32 $0x1B8E;
	s24 =	sld [smem:$0x3FFE];
	[sflag:s23] =	ssyncadd.s32 $0xFFFFFFFF  }
0xa5: {  	s26 =	simm.s32 $execute0_lowered;
	[smem:$0x3FD2] =	sst s25  }
0xa6: {  	s4 =	sshll.u32 s26, $0x1;
	_ =	strace $0x8000004C;
	[dreg:$0x1] =	wrdreg $0xFFFFFFFF  }
0xa7: {  	s28 =	simm.s32 $_size_execute0_lowered;
	s2 =	sadd.s32 s2, s4;
	[dreg:$0x0] =	wrdreg $0x0  }
0xa8: {  	s4 =	sshll.u32 s28, $0x1;
	[dreg:$0x2] =	wrdreg s2  }
0xa9: {  	[dreg:$0x3] =	wrdreg s4  }
0xaa: {  	[dreg:$0x4] =	wrdreg $0xC0  }
0xab: {  	_ =	task [dreg:s6], $0x5FFFF  }
0xac: {  	[dreg:$0x1] =	wrdreg $0xFFFFFFFF  }
0xad: {  	[dreg:$0x0] =	wrdreg $0x60  }
0xae: {  	[dreg:$0x2] =	wrdreg s24  }
0xaf: {  	[dreg:$0x3] =	wrdreg $0x90000  }
0xb0: {  	[dreg:$0x4] =	wrdreg $0x9  }
0xb1: {  	_ =	task.clear_ibuf [dreg:s6], $0x5FFFF;
	_ =	strace $0x9000004C  }
0xb2: {  	s29 =	simm.s32 $0x9;
	_ =	strace $0x8000004E  }
0xb3: {  	_ =	swait.ge [sflag:s29], $0x1  }
0xb4: {  	[sflag:s29] =	ssyncadd.s32 $0xFFFFFFFF  }
0xb5: {  	_ =	strace $0x9000004E  }
0xb6: {  	_ =	sfence  }
0xb7: {  	s30 =	sld [smem:$0x0];
	_ =	sdelay $0x2  }
0xb8: {  	s31 =	sshll.u32 s1, $0xD;
	s1 =	sshrl.u32 s1, $0x2  }
0xb9: {  	s3 =	sand.u32 $0x4000, s31;
	s1 =	sadd.s32 s1, s30  }
0xba: {  	s0 =	sor.u32 s3, s0;
	s1 =	sshll.u32 s1, $0x11  }
0xbb: {  	s0 =	sor.u32 s1, s0  }
0xbc: {  	s0 =	sadd.s32 $0x8F2B, s0  }
0xbd: {  	[sflag:s0] =	ssyncadd.remote.s32 $0x1  }
0xbe: {  	_ =	sfence.sel $0xFFFF  }
0xbf: {  	[dreg:$0x0] =	wrdreg $0xFFFFFFFF;
	(pc) =	sbr.abs _section_cstart, $3  }
0xc0: {  	[dreg:$0x1] =	wrdreg $0xFFFFFFFF  }
0xc1: {  	_ =	task.clear_ibuf [dreg:s6], $0x2FFFF;
	_ =	strace $0x9FFFFFFF  }
0xc2: {  	(tm) =	ssettm $0x7FFFFFFF  }
0xc3: {  	_ =	shalt  }
tec
execute0_lowered:
.L_overlay_start_1:
0x0: {  	(tag) =	ssettag $0x1  }
0x1: {  	s0 =	srdreg.scid;
	s5 =	rddreg [dreg:$0x0]  }
0x2: {  	s9 =	stileid.u32;
	s2 =	rddreg [dreg:$0x1];
	s3 =	simm.s32 $0x0  }
0x3: {  	s10 =	simm.s32 $0x80;
	s11 =	simm.s32 $0x100;
	s12 =	simm.s32 $0x880  }
0x4: {  	s13 =	simm.s32 $0x180;
	[smem:$0x7FF] =	sst s3;
	s24 =	sadd.s32 $0xF400, s5  }
0x5: {  	s14 =	simm.s32 $0x900;
	_ =	strace $0x8000004D;
	[dreg:$0x16] =	wrdreg s24  }
0x6: {  	s15 =	simm.s32 $0x200;
	s16 =	simm.s32 $0x980;
	[dreg:$0x5] =	wrdreg s10  }
0x7: {  	s17 =	simm.s32 $0x280;
	s18 =	simm.s32 $0xA00;
	[dreg:$0x6] =	wrdreg s11  }
0x8: {  	s19 =	simm.s32 $0x300;
	s20 =	simm.s32 $0xA80;
	[dreg:$0x7] =	wrdreg s12  }
0x9: {  	s21 =	simm.s32 $0x380;
	s22 =	simm.s32 $0xB00;
	[dreg:$0x8] =	wrdreg s13  }
0xa: {  	s23 =	simm.s32 $0x400;
	s28 =	simm.s32 $0x700;
	[dreg:$0x9] =	wrdreg s14  }
0xb: {  	s29 =	simm.s32 $0xE80;
	s1 =	smul.u32 $0x5000, s9;
	[dreg:$0xa] =	wrdreg s15  }
0xc: {  	s30 =	simm.s32 $0x780;
	s7 =	smul.u32 $0x1F400, s9;
	[dreg:$0xb] =	wrdreg s16  }
0xd: {  	s0 =	sand.u32 $0x1, s0;
	s26 =	smul.u32 $0x7D000, s9;
	[dreg:$0xc] =	wrdreg s17  }
0xe: {  	s31 =	simm.s32 $0xF00;
	s4 =	smul.u32 $0x2800, s0;
	[dreg:$0xd] =	wrdreg s18  }
0xf: {  	p0 =	sgt.u32 s9, $0x9;
	s6 =	smul.u32 $0x138800, s0;
	[dreg:$0xe] =	wrdreg s19  }
0x10: {  	s0 =	ssub.s32 $0x2, s0;
	s10 =	simm.s32 $0x5;
	[dreg:$0xf] =	wrdreg s20  }
0x11: {  	s11 =	simm.s32 $0x800;
	s12 =	simm.s32 $0x7D;
	[dreg:$0x10] =	wrdreg s21  }
0x12: {  	s13 =	simm.s32 $0x1000;
	s14 =	simm.s32 $0x5000;
	[dreg:$0x11] =	wrdreg s22  }
0x13: {  	s15 =	simm.s32 $0x1;
	s16 =	simm.s32 $0x3;
	[dreg:$0x12] =	wrdreg s23  }
0x14: {  	s24 =	simm.s32 $0xB80;
	s17 =	simm.s32 $0x2;
	s18 =	simm.s32 $0x4  }
0x15: {  	s19 =	simm.s32 $0x500;
	s20 =	simm.s32 $0xC80;
	s21 =	simm.s32 $0x580  }
0x16: {  	s22 =	simm.s32 $0xD00;
	s23 =	simm.s32 $0x600;
	s25 =	sshrl.u32 s0, $0x1  }
0x17: {  	[dreg:$0x13] =	wrdreg s24;
	s24 =	simm.s32 $0xD80;
	s1 =	sadd.s32 s4, s1  }
0x18: {  	s6 =	sadd.s32 s7, s6;
	s4 =	sadd.s32 $0x6BE00, s5;
	s0 =	ssub.s32 s0, s25  }
0x19: {  	s25 =	simm.s32 $0x480;
	s1 =	sshrl.u32 s1, $0x3;
	s6 =	sshrl.u32 s6, $0x3  }
0x1a: {  	s0 =	smax.u32 s0, $0x1;
	[dreg:$0x14] =	wrdreg s25;
	s1 =	sadd.s32 s1, s5  }
0x1b: {  	s25 =	simm.s32 $0x680;
	[dreg:$0x18] =	wrdreg s0;
	s8 =	sadd.s32 $0x5400, s1  }
0x1c: {  	s5 =	sadd.s32 s6, s5;
	s1 =	sadd.s32 $0x61E00, s1;
	[dreg:$0x3] =	wrdreg s8  }
0x1d: {  	s5 =	sadd.s32 $0x93000, s5;
	s8 =	sshrl.u32 s26, $0x2;
	[dreg:$0x4] =	wrdreg s1  }
0x1e: {  	[dreg:$0x17] =	wrdreg s5;
	s1 =	sshll.u32 @!p0 s9, $0x6;
	s26 =	simm.s32 $0xC00  }
0x1f: {  	s6 =	sadd.s32 s8, s2;
	s7 =	sor.u32 @!p0 $0x1C05, s1;
	[dreg:$0x15] =	wrdreg s26  }
0x20: {  	s0 =	simm.s32 $0x0;
	s8 =	sshrl.u32 @!p0 s6, $0x3;
	[dreg:$0x19] =	wrdreg s7  }
0x21: {  	s26 =	simm.s32 $0xE00;
	s1 =	simm.s32 $0xF80;
	[dreg:$0x1a] =	wrdreg s8  }
.LBB2_1:
0x22: {  	s5 =	rddreg [dreg:$0x16]  }
0x23: {  	[spmem:s8], [sflag:s7] =	dma.local @!p0 [hbm:s5], $0x3E80  }
0x24: {  	s5 =	simm.s32 @!p0 $0x5  }
0x25: {  	_ =	swait.ge @!p0 [sflag:s5], $0x3E80  }
0x26: {  	[sflag:s5] =	ssyncset.done @!p0 $0x0  }
0x27: {  	p1 =	por $0x1, $0x1;
	[sflag:s5] =	ssyncadd.s32 @!p0 $0xFFFFC180  }
0x28: {  	s5 =	simm.s32 @!p1 $0x3;
	[bflag:$0x0] =	sbarrier.arrive $0xFFFF  }
0x29: {  	_ =	swait.ge @!p1 [sflag:s5], $0x3E80  }
0x2a: {  	[sflag:s5] =	ssyncset.done @!p1 $0x0  }
0x2b: {  	[sflag:s5] =	ssyncadd.s32 @!p1 $0xFFFFC180;
	s5 =	simm.s32 @!p1 $0x4  }
0x2c: {  	_ =	swait.ge @!p1 [sflag:s5], $0x3E80  }
0x2d: {  	s6 =	rddreg [dreg:$0x4];
	[sflag:s5] =	ssyncset.done @!p1 $0x0  }
0x2e: {  	[sflag:s5] =	ssyncadd.s32 @!p1 $0xFFFFC180;
	s7 =	sadd.s32 $0x0, s6  }
0x2f: {  	[tilespmem:s3], [sflag:$0x5] =	stream.linear.gather [hbm4b:s7+s3], $0x800, $0x38;
	[tilespmem:$0x1C880] =	vst v63  }
0x30: {  	_ =	swait.ge [sflag:s10], $0x800  }
0x31: {  	s8 =	rddreg [dreg:$0x3];
	[sflag:s10] =	ssyncset.done $0x0  }
0x32: {  	[sflag:s10] =	ssyncadd.s32 $0xFFFFF800;
	s5 =	sadd.s32 $0x0, s8  }
0x33: {  	[tilespmem:s11], [sflag:$0x5] =	stream.linear.gather [hbm4b:s5+s3], $0x800, $0x38;
	[tilespmem:$0x1C880] =	vst v63  }
0x34: {  	_ =	swait.ge [sflag:s10], $0x800  }
0x35: {  	[sflag:s10] =	ssyncset.done $0x0  }
0x36: {  	[sflag:s10] =	ssyncadd.s32 $0xFFFFF800  }
0x37: {  	[tilespmem:s13], [sflag:$0x1] =	stream.indirect.gather [hbm4b:s4+s12], $0x80, s3, s12, $0xb8;
	[tilespmem:$0x1C880] =	vst v63  }
0x38: {  	s9 =	rddreg [dreg:$0x5]  }
0x39: {  	[tilespmem:s14], [sflag:$0x2] =	stream.indirect.gather [hbm4b:s4+s12], $0x80, s9, s12, $0xb8;
	[tilespmem:$0x1C880] =	vst v63  }
0x3a: {  	_ =	swait.ge [sflag:s15], $0x3E80  }
0x3b: {  	[sflag:s15] =	ssyncset.done $0x0  }
0x3c: {  	[sflag:s15] =	ssyncadd.s32 $0xFFFFC180  }
0x3d: {  	[spmem:s2] =	stream.indirect.scatter.add.f32 [tilespmem:s13], [sflag:$0x3], $0x80, s11, s12, $0xb8;
	[tilespmem:$0x1C880] =	vst v63  }
0x3e: {  	_ =	swait.ge [sflag:s16], $0x3E80  }
0x3f: {  	[sflag:s16] =	ssyncset.done $0x0  }
0x40: {  	s6 =	rddreg [dreg:$0x6];
	[sflag:s16] =	ssyncadd.s32 $0xFFFFC180  }
0x41: {  	[tilespmem:s13], [sflag:$0x1] =	stream.indirect.gather [hbm4b:s4+s12], $0x80, s6, s12, $0xb8;
	[tilespmem:$0x1C880] =	vst v63  }
0x42: {  	_ =	swait.ge [sflag:s17], $0x3E80  }
0x43: {  	[sflag:s17] =	ssyncset.done $0x0  }
0x44: {  	s7 =	rddreg [dreg:$0x7];
	[sflag:s17] =	ssyncadd.s32 $0xFFFFC180  }
0x45: {  	[spmem:s2] =	stream.indirect.scatter.add.f32 [tilespmem:s14], [sflag:$0x4], $0x80, s7, s12, $0xb8;
	[tilespmem:$0x1C880] =	vst v63  }
0x46: {  	_ =	swait.ge [sflag:s18], $0x3E80  }
0x47: {  	[sflag:s18] =	ssyncset.done $0x0  }
0x48: {  	s8 =	rddreg [dreg:$0x8];
	[sflag:s18] =	ssyncadd.s32 $0xFFFFC180  }
0x49: {  	[tilespmem:s14], [sflag:$0x2] =	stream.indirect.gather [hbm4b:s4+s12], $0x80, s8, s12, $0xb8;
	[tilespmem:$0x1C880] =	vst v63  }
0x4a: {  	_ =	swait.ge [sflag:s15], $0x3E80  }
0x4b: {  	[sflag:s15] =	ssyncset.done $0x0  }
0x4c: {  	s9 =	rddreg [dreg:$0x9];
	[sflag:s15] =	ssyncadd.s32 $0xFFFFC180  }
0x4d: {  	[spmem:s2] =	stream.indirect.scatter.add.f32 [tilespmem:s13], [sflag:$0x3], $0x80, s9, s12, $0xb8;
	[tilespmem:$0x1C880] =	vst v63  }
0x4e: {  	_ =	swait.ge [sflag:s16], $0x3E80  }
0x4f: {  	[sflag:s16] =	ssyncset.done $0x0  }
0x50: {  	s6 =	rddreg [dreg:$0xa];
	[sflag:s16] =	ssyncadd.s32 $0xFFFFC180  }
0x51: {  	[tilespmem:s13], [sflag:$0x1] =	stream.indirect.gather [hbm4b:s4+s12], $0x80, s6, s12, $0xb8;
	[tilespmem:$0x1C880] =	vst v63  }
0x52: {  	_ =	swait.ge [sflag:s17], $0x3E80  }
0x53: {  	[sflag:s17] =	ssyncset.done $0x0  }
0x54: {  	s7 =	rddreg [dreg:$0xb];
	[sflag:s17] =	ssyncadd.s32 $0xFFFFC180  }
0x55: {  	[spmem:s2] =	stream.indirect.scatter.add.f32 [tilespmem:s14], [sflag:$0x4], $0x80, s7, s12, $0xb8;
	[tilespmem:$0x1C880] =	vst v63  }
0x56: {  	_ =	swait.ge [sflag:s18], $0x3E80  }
0x57: {  	[sflag:s18] =	ssyncset.done $0x0  }
0x58: {  	s8 =	rddreg [dreg:$0xc];
	[sflag:s18] =	ssyncadd.s32 $0xFFFFC180  }
0x59: {  	[tilespmem:s14], [sflag:$0x2] =	stream.indirect.gather [hbm4b:s4+s12], $0x80, s8, s12, $0xb8;
	[tilespmem:$0x1C880] =	vst v63  }
0x5a: {  	_ =	swait.ge [sflag:s15], $0x3E80  }
0x5b: {  	[sflag:s15] =	ssyncset.done $0x0  }
0x5c: {  	s9 =	rddreg [dreg:$0xd];
	[sflag:s15] =	ssyncadd.s32 $0xFFFFC180  }
0x5d: {  	[spmem:s2] =	stream.indirect.scatter.add.f32 [tilespmem:s13], [sflag:$0x3], $0x80, s9, s12, $0xb8;
	[tilespmem:$0x1C880] =	vst v63  }
0x5e: {  	_ =	swait.ge [sflag:s16], $0x3E80  }
0x5f: {  	[sflag:s16] =	ssyncset.done $0x0  }
0x60: {  	s6 =	rddreg [dreg:$0xe];
	[sflag:s16] =	ssyncadd.s32 $0xFFFFC180  }
0x61: {  	[tilespmem:s13], [sflag:$0x1] =	stream.indirect.gather [hbm4b:s4+s12], $0x80, s6, s12, $0xb8;
	[tilespmem:$0x1C880] =	vst v63  }
0x62: {  	_ =	swait.ge [sflag:s17], $0x3E80  }
0x63: {  	[sflag:s17] =	ssyncset.done $0x0  }
0x64: {  	s7 =	rddreg [dreg:$0xf];
	[sflag:s17] =	ssyncadd.s32 $0xFFFFC180  }
0x65: {  	[spmem:s2] =	stream.indirect.scatter.add.f32 [tilespmem:s14], [sflag:$0x4], $0x80, s7, s12, $0xb8;
	[tilespmem:$0x1C880] =	vst v63  }
0x66: {  	_ =	swait.ge [sflag:s18], $0x3E80  }
0x67: {  	[sflag:s18] =	ssyncset.done $0x0  }
0x68: {  	s8 =	rddreg [dreg:$0x10];
	[sflag:s18] =	ssyncadd.s32 $0xFFFFC180  }
0x69: {  	[tilespmem:s14], [sflag:$0x2] =	stream.indirect.gather [hbm4b:s4+s12], $0x80, s8, s12, $0xb8;
	[tilespmem:$0x1C880] =	vst v63  }
0x6a: {  	_ =	swait.ge [sflag:s15], $0x3E80  }
0x6b: {  	[sflag:s15] =	ssyncset.done $0x0  }
0x6c: {  	s9 =	rddreg [dreg:$0x11];
	[sflag:s15] =	ssyncadd.s32 $0xFFFFC180  }
0x6d: {  	[spmem:s2] =	stream.indirect.scatter.add.f32 [tilespmem:s13], [sflag:$0x3], $0x80, s9, s12, $0xb8;
	[tilespmem:$0x1C880] =	vst v63  }
0x6e: {  	_ =	swait.ge [sflag:s16], $0x3E80  }
0x6f: {  	[sflag:s16] =	ssyncset.done $0x0  }
0x70: {  	s6 =	rddreg [dreg:$0x12];
	[sflag:s16] =	ssyncadd.s32 $0xFFFFC180  }
0x71: {  	[tilespmem:s13], [sflag:$0x1] =	stream.indirect.gather [hbm4b:s4+s12], $0x80, s6, s12, $0xb8;
	[tilespmem:$0x1C880] =	vst v63  }
0x72: {  	_ =	swait.ge [sflag:s17], $0x3E80  }
0x73: {  	[sflag:s17] =	ssyncset.done $0x0  }
0x74: {  	s7 =	rddreg [dreg:$0x13];
	[sflag:s17] =	ssyncadd.s32 $0xFFFFC180  }
0x75: {  	[spmem:s2] =	stream.indirect.scatter.add.f32 [tilespmem:s14], [sflag:$0x4], $0x80, s7, s12, $0xb8;
	[tilespmem:$0x1C880] =	vst v63  }
0x76: {  	_ =	swait.ge [sflag:s18], $0x3E80  }
0x77: {  	[sflag:s18] =	ssyncset.done $0x0  }
0x78: {  	s8 =	rddreg [dreg:$0x14];
	[sflag:s18] =	ssyncadd.s32 $0xFFFFC180  }
0x79: {  	[tilespmem:s14], [sflag:$0x2] =	stream.indirect.gather [hbm4b:s4+s12], $0x80, s8, s12, $0xb8;
	[tilespmem:$0x1C880] =	vst v63  }
0x7a: {  	_ =	swait.ge [sflag:s15], $0x3E80  }
0x7b: {  	[sflag:s15] =	ssyncset.done $0x0  }
0x7c: {  	s9 =	rddreg [dreg:$0x15];
	[sflag:s15] =	ssyncadd.s32 $0xFFFFC180  }
0x7d: {  	[spmem:s2] =	stream.indirect.scatter.add.f32 [tilespmem:s13], [sflag:$0x3], $0x80, s9, s12, $0xb8;
	[tilespmem:$0x1C880] =	vst v63  }
0x7e: {  	_ =	swait.ge [sflag:s16], $0x3E80  }
0x7f: {  	[sflag:s16] =	ssyncset.done $0x0  }
0x80: {  	[sflag:s16] =	ssyncadd.s32 $0xFFFFC180  }
0x81: {  	[tilespmem:s13], [sflag:$0x1] =	stream.indirect.gather [hbm4b:s4+s12], $0x80, s19, s12, $0xb8;
	[tilespmem:$0x1C880] =	vst v63  }
0x82: {  	_ =	swait.ge [sflag:s17], $0x3E80  }
0x83: {  	[sflag:s17] =	ssyncset.done $0x0  }
0x84: {  	[sflag:s17] =	ssyncadd.s32 $0xFFFFC180  }
0x85: {  	[spmem:s2] =	stream.indirect.scatter.add.f32 [tilespmem:s14], [sflag:$0x4], $0x80, s20, s12, $0xb8;
	[tilespmem:$0x1C880] =	vst v63  }
0x86: {  	_ =	swait.ge [sflag:s18], $0x3E80  }
0x87: {  	[sflag:s18] =	ssyncset.done $0x0  }
0x88: {  	[sflag:s18] =	ssyncadd.s32 $0xFFFFC180  }
0x89: {  	[tilespmem:s14], [sflag:$0x2] =	stream.indirect.gather [hbm4b:s4+s12], $0x80, s21, s12, $0xb8;
	[tilespmem:$0x1C880] =	vst v63  }
0x8a: {  	_ =	swait.ge [sflag:s15], $0x3E80  }
0x8b: {  	[sflag:s15] =	ssyncset.done $0x0  }
0x8c: {  	[sflag:s15] =	ssyncadd.s32 $0xFFFFC180  }
0x8d: {  	[spmem:s2] =	stream.indirect.scatter.add.f32 [tilespmem:s13], [sflag:$0x3], $0x80, s22, s12, $0xb8;
	[tilespmem:$0x1C880] =	vst v63  }
0x8e: {  	_ =	swait.ge [sflag:s16], $0x3E80  }
0x8f: {  	[sflag:s16] =	ssyncset.done $0x0  }
0x90: {  	[sflag:s16] =	ssyncadd.s32 $0xFFFFC180  }
0x91: {  	[tilespmem:s13], [sflag:$0x1] =	stream.indirect.gather [hbm4b:s4+s12], $0x80, s23, s12, $0xb8;
	[tilespmem:$0x1C880] =	vst v63  }
0x92: {  	_ =	swait.ge [sflag:s17], $0x3E80  }
0x93: {  	[sflag:s17] =	ssyncset.done $0x0  }
0x94: {  	[sflag:s17] =	ssyncadd.s32 $0xFFFFC180  }
0x95: {  	[spmem:s2] =	stream.indirect.scatter.add.f32 [tilespmem:s14], [sflag:$0x4], $0x80, s24, s12, $0xb8;
	[tilespmem:$0x1C880] =	vst v63  }
0x96: {  	_ =	swait.ge [sflag:s18], $0x3E80  }
0x97: {  	[sflag:s18] =	ssyncset.done $0x0  }
0x98: {  	[sflag:s18] =	ssyncadd.s32 $0xFFFFC180  }
0x99: {  	[tilespmem:s14], [sflag:$0x2] =	stream.indirect.gather [hbm4b:s4+s12], $0x80, s25, s12, $0xb8;
	[tilespmem:$0x1C880] =	vst v63  }
0x9a: {  	_ =	swait.ge [sflag:s15], $0x3E80  }
0x9b: {  	[sflag:s15] =	ssyncset.done $0x0  }
0x9c: {  	[sflag:s15] =	ssyncadd.s32 $0xFFFFC180  }
0x9d: {  	[spmem:s2] =	stream.indirect.scatter.add.f32 [tilespmem:s13], [sflag:$0x3], $0x80, s26, s12, $0xb8;
	[tilespmem:$0x1C880] =	vst v63  }
0x9e: {  	_ =	swait.ge [sflag:s16], $0x3E80  }
0x9f: {  	[sflag:s16] =	ssyncset.done $0x0  }
0xa0: {  	[sflag:s16] =	ssyncadd.s32 $0xFFFFC180  }
0xa1: {  	[tilespmem:s13], [sflag:$0x1] =	stream.indirect.gather [hbm4b:s4+s12], $0x80, s28, s12, $0xb8;
	[tilespmem:$0x1C880] =	vst v63  }
0xa2: {  	_ =	swait.ge [sflag:s17], $0x3E80  }
0xa3: {  	[sflag:s17] =	ssyncset.done $0x0  }
0xa4: {  	[sflag:s17] =	ssyncadd.s32 $0xFFFFC180  }
0xa5: {  	[spmem:s2] =	stream.indirect.scatter.add.f32 [tilespmem:s14], [sflag:$0x4], $0x80, s29, s12, $0xb8;
	[tilespmem:$0x1C880] =	vst v63  }
0xa6: {  	_ =	swait.ge [sflag:s18], $0x3E80  }
0xa7: {  	[sflag:s18] =	ssyncset.done $0x0  }
0xa8: {  	[sflag:s18] =	ssyncadd.s32 $0xFFFFC180  }
0xa9: {  	[tilespmem:s14], [sflag:$0x2] =	stream.indirect.gather [hbm4b:s4+s12], $0x80, s30, s12, $0xb8;
	[tilespmem:$0x1C880] =	vst v63  }
0xaa: {  	_ =	swait.ge [sflag:s15], $0x3E80  }
0xab: {  	[sflag:s15] =	ssyncset.done $0x0  }
0xac: {  	[sflag:s15] =	ssyncadd.s32 $0xFFFFC180  }
0xad: {  	[spmem:s2] =	stream.indirect.scatter.add.f32 [tilespmem:s13], [sflag:$0x3], $0x80, s31, s12, $0xb8;
	[tilespmem:$0x1C880] =	vst v63  }
0xae: {  	p2 =	por $0x0, $0x0;
	_ =	swait.ge [sflag:s17], $0x3E80  }
0xaf: {  	s5 =	simm.s32 $0x100;
	s6 =	simm.s32 $0x200;
	[sflag:s17] =	ssyncset.done $0x0  }
.LBB2_2:
0xb0: {  	s7 =	simm.s32 @!p2 $0x3;
	[sflag:s17] =	ssyncadd.s32 $0xFFFFC180  }
0xb1: {  	[spmem:s2] =	stream.indirect.scatter.add.f32 [tilespmem:s14], [sflag:$0x4], $0x80, s1, s12, $0xb8;
	[tilespmem:$0x1C880] =	vst v63  }
0xb2: {  	_ =	swait.ge @!p2 [sflag:s7], $0x3E80  }
0xb3: {  	[sflag:s7] =	ssyncset.done @!p2 $0x0  }
0xb4: {  	[sflag:s7] =	ssyncadd.s32 @!p2 $0xFFFFC180;
	s7 =	simm.s32 @!p2 $0x4  }
0xb5: {  	_ =	swait.ge @!p2 [sflag:s7], $0x3E80  }
0xb6: {  	[sflag:s7] =	ssyncset.done @!p2 $0x0;
	s9 =	rddreg [dreg:$0x4]  }
0xb7: {  	[sflag:s7] =	ssyncadd.s32 @!p2 $0xFFFFC180;
	s9 =	sadd.s32 s5, s9  }
0xb8: {  	[tilespmem:s3], [sflag:$0x5] =	stream.linear.gather [hbm4b:s9+s3], $0x800, $0x38;
	[tilespmem:$0x1C880] =	vst v63  }
0xb9: {  	_ =	swait.ge [sflag:s10], $0x800  }
0xba: {  	s9 =	rddreg [dreg:$0x3];
	[sflag:s10] =	ssyncset.done $0x0  }
0xbb: {  	[sflag:s10] =	ssyncadd.s32 $0xFFFFF800;
	s7 =	sadd.s32 s5, s9  }
0xbc: {  	[tilespmem:s11], [sflag:$0x5] =	stream.linear.gather [hbm4b:s7+s3], $0x800, $0x38;
	[tilespmem:$0x1C880] =	vst v63  }
0xbd: {  	_ =	swait.ge [sflag:s10], $0x800  }
0xbe: {  	[sflag:s10] =	ssyncset.done $0x0  }
0xbf: {  	[sflag:s10] =	ssyncadd.s32 $0xFFFFF800  }
0xc0: {  	[tilespmem:s13], [sflag:$0x1] =	stream.indirect.gather [hbm4b:s4+s12], $0x80, s3, s12, $0xb8;
	[tilespmem:$0x1C880] =	vst v63  }
0xc1: {  	s9 =	rddreg [dreg:$0x5]  }
0xc2: {  	[tilespmem:s14], [sflag:$0x2] =	stream.indirect.gather [hbm4b:s4+s12], $0x80, s9, s12, $0xb8;
	[tilespmem:$0x1C880] =	vst v63  }
0xc3: {  	_ =	swait.ge [sflag:s15], $0x3E80  }
0xc4: {  	[sflag:s15] =	ssyncset.done $0x0  }
0xc5: {  	[sflag:s15] =	ssyncadd.s32 $0xFFFFC180  }
0xc6: {  	[spmem:s2] =	stream.indirect.scatter.add.f32 [tilespmem:s13], [sflag:$0x3], $0x80, s11, s12, $0xb8;
	[tilespmem:$0x1C880] =	vst v63  }
0xc7: {  	_ =	swait.ge [sflag:s16], $0x3E80  }
0xc8: {  	s8 =	smov.u32 s6;
	[sflag:s16] =	ssyncset.done $0x0  }
0xc9: {  	s5 =	smov.u32 s8;
	s8 =	rddreg [dreg:$0x6];
	[sflag:s16] =	ssyncadd.s32 $0xFFFFC180  }
0xca: {  	[tilespmem:s13], [sflag:$0x1] =	stream.indirect.gather [hbm4b:s4+s12], $0x80, s8, s12, $0xb8;
	[tilespmem:$0x1C880] =	vst v63  }
0xcb: {  	_ =	swait.ge [sflag:s17], $0x3E80  }
0xcc: {  	[sflag:s17] =	ssyncset.done $0x0  }
0xcd: {  	s9 =	rddreg [dreg:$0x7];
	[sflag:s17] =	ssyncadd.s32 $0xFFFFC180  }
0xce: {  	[spmem:s2] =	stream.indirect.scatter.add.f32 [tilespmem:s14], [sflag:$0x4], $0x80, s9, s12, $0xb8;
	[tilespmem:$0x1C880] =	vst v63  }
0xcf: {  	_ =	swait.ge [sflag:s18], $0x3E80  }
0xd0: {  	[sflag:s18] =	ssyncset.done $0x0  }
0xd1: {  	s8 =	rddreg [dreg:$0x8];
	[sflag:s18] =	ssyncadd.s32 $0xFFFFC180  }
0xd2: {  	[tilespmem:s14], [sflag:$0x2] =	stream.indirect.gather [hbm4b:s4+s12], $0x80, s8, s12, $0xb8;
	[tilespmem:$0x1C880] =	vst v63  }
0xd3: {  	_ =	swait.ge [sflag:s15], $0x3E80  }
0xd4: {  	[sflag:s15] =	ssyncset.done $0x0  }
0xd5: {  	s9 =	rddreg [dreg:$0x9];
	[sflag:s15] =	ssyncadd.s32 $0xFFFFC180  }
0xd6: {  	[spmem:s2] =	stream.indirect.scatter.add.f32 [tilespmem:s13], [sflag:$0x3], $0x80, s9, s12, $0xb8;
	[tilespmem:$0x1C880] =	vst v63  }
0xd7: {  	_ =	swait.ge [sflag:s16], $0x3E80  }
0xd8: {  	[sflag:s16] =	ssyncset.done $0x0  }
0xd9: {  	s8 =	rddreg [dreg:$0xa];
	[sflag:s16] =	ssyncadd.s32 $0xFFFFC180  }
0xda: {  	[tilespmem:s13], [sflag:$0x1] =	stream.indirect.gather [hbm4b:s4+s12], $0x80, s8, s12, $0xb8;
	[tilespmem:$0x1C880] =	vst v63  }
0xdb: {  	_ =	swait.ge [sflag:s17], $0x3E80  }
0xdc: {  	[sflag:s17] =	ssyncset.done $0x0  }
0xdd: {  	s9 =	rddreg [dreg:$0xb];
	[sflag:s17] =	ssyncadd.s32 $0xFFFFC180  }
0xde: {  	[spmem:s2] =	stream.indirect.scatter.add.f32 [tilespmem:s14], [sflag:$0x4], $0x80, s9, s12, $0xb8;
	[tilespmem:$0x1C880] =	vst v63  }
0xdf: {  	_ =	swait.ge [sflag:s18], $0x3E80  }
0xe0: {  	[sflag:s18] =	ssyncset.done $0x0  }
0xe1: {  	s8 =	rddreg [dreg:$0xc];
	[sflag:s18] =	ssyncadd.s32 $0xFFFFC180  }
0xe2: {  	[tilespmem:s14], [sflag:$0x2] =	stream.indirect.gather [hbm4b:s4+s12], $0x80, s8, s12, $0xb8;
	[tilespmem:$0x1C880] =	vst v63  }
0xe3: {  	_ =	swait.ge [sflag:s15], $0x3E80  }
0xe4: {  	[sflag:s15] =	ssyncset.done $0x0  }
0xe5: {  	s9 =	rddreg [dreg:$0xd];
	[sflag:s15] =	ssyncadd.s32 $0xFFFFC180  }
0xe6: {  	[spmem:s2] =	stream.indirect.scatter.add.f32 [tilespmem:s13], [sflag:$0x3], $0x80, s9, s12, $0xb8;
	[tilespmem:$0x1C880] =	vst v63  }
0xe7: {  	_ =	swait.ge [sflag:s16], $0x3E80  }
0xe8: {  	[sflag:s16] =	ssyncset.done $0x0  }
0xe9: {  	s8 =	rddreg [dreg:$0xe];
	[sflag:s16] =	ssyncadd.s32 $0xFFFFC180  }
0xea: {  	[tilespmem:s13], [sflag:$0x1] =	stream.indirect.gather [hbm4b:s4+s12], $0x80, s8, s12, $0xb8;
	[tilespmem:$0x1C880] =	vst v63  }
0xeb: {  	_ =	swait.ge [sflag:s17], $0x3E80  }
0xec: {  	[sflag:s17] =	ssyncset.done $0x0  }
0xed: {  	s9 =	rddreg [dreg:$0xf];
	[sflag:s17] =	ssyncadd.s32 $0xFFFFC180  }
0xee: {  	[spmem:s2] =	stream.indirect.scatter.add.f32 [tilespmem:s14], [sflag:$0x4], $0x80, s9, s12, $0xb8;
	[tilespmem:$0x1C880] =	vst v63  }
0xef: {  	_ =	swait.ge [sflag:s18], $0x3E80  }
0xf0: {  	[sflag:s18] =	ssyncset.done $0x0  }
0xf1: {  	s8 =	rddreg [dreg:$0x10];
	[sflag:s18] =	ssyncadd.s32 $0xFFFFC180  }
0xf2: {  	[tilespmem:s14], [sflag:$0x2] =	stream.indirect.gather [hbm4b:s4+s12], $0x80, s8, s12, $0xb8;
	[tilespmem:$0x1C880] =	vst v63  }
0xf3: {  	_ =	swait.ge [sflag:s15], $0x3E80  }
0xf4: {  	[sflag:s15] =	ssyncset.done $0x0  }
0xf5: {  	s9 =	rddreg [dreg:$0x11];
	[sflag:s15] =	ssyncadd.s32 $0xFFFFC180  }
0xf6: {  	[spmem:s2] =	stream.indirect.scatter.add.f32 [tilespmem:s13], [sflag:$0x3], $0x80, s9, s12, $0xb8;
	[tilespmem:$0x1C880] =	vst v63  }
0xf7: {  	_ =	swait.ge [sflag:s16], $0x3E80  }
0xf8: {  	[sflag:s16] =	ssyncset.done $0x0  }
0xf9: {  	s8 =	rddreg [dreg:$0x12];
	[sflag:s16] =	ssyncadd.s32 $0xFFFFC180  }
0xfa: {  	[tilespmem:s13], [sflag:$0x1] =	stream.indirect.gather [hbm4b:s4+s12], $0x80, s8, s12, $0xb8;
	[tilespmem:$0x1C880] =	vst v63  }
0xfb: {  	_ =	swait.ge [sflag:s17], $0x3E80  }
0xfc: {  	[sflag:s17] =	ssyncset.done $0x0  }
0xfd: {  	s9 =	rddreg [dreg:$0x13];
	[sflag:s17] =	ssyncadd.s32 $0xFFFFC180  }
0xfe: {  	[spmem:s2] =	stream.indirect.scatter.add.f32 [tilespmem:s14], [sflag:$0x4], $0x80, s9, s12, $0xb8;
	[tilespmem:$0x1C880] =	vst v63  }
0xff: {  	_ =	swait.ge [sflag:s18], $0x3E80  }
0x100: {  	[sflag:s18] =	ssyncset.done $0x0  }
0x101: {  	s8 =	rddreg [dreg:$0x14];
	[sflag:s18] =	ssyncadd.s32 $0xFFFFC180  }
0x102: {  	[tilespmem:s14], [sflag:$0x2] =	stream.indirect.gather [hbm4b:s4+s12], $0x80, s8, s12, $0xb8;
	[tilespmem:$0x1C880] =	vst v63  }
0x103: {  	_ =	swait.ge [sflag:s15], $0x3E80  }
0x104: {  	[sflag:s15] =	ssyncset.done $0x0  }
0x105: {  	s9 =	rddreg [dreg:$0x15];
	[sflag:s15] =	ssyncadd.s32 $0xFFFFC180  }
0x106: {  	[spmem:s2] =	stream.indirect.scatter.add.f32 [tilespmem:s13], [sflag:$0x3], $0x80, s9, s12, $0xb8;
	[tilespmem:$0x1C880] =	vst v63  }
0x107: {  	_ =	swait.ge [sflag:s16], $0x3E80  }
0x108: {  	[sflag:s16] =	ssyncset.done $0x0  }
0x109: {  	[sflag:s16] =	ssyncadd.s32 $0xFFFFC180  }
0x10a: {  	[tilespmem:s13], [sflag:$0x1] =	stream.indirect.gather [hbm4b:s4+s12], $0x80, s19, s12, $0xb8;
	[tilespmem:$0x1C880] =	vst v63  }
0x10b: {  	_ =	swait.ge [sflag:s17], $0x3E80  }
0x10c: {  	[sflag:s17] =	ssyncset.done $0x0  }
0x10d: {  	[sflag:s17] =	ssyncadd.s32 $0xFFFFC180  }
0x10e: {  	[spmem:s2] =	stream.indirect.scatter.add.f32 [tilespmem:s14], [sflag:$0x4], $0x80, s20, s12, $0xb8;
	[tilespmem:$0x1C880] =	vst v63  }
0x10f: {  	_ =	swait.ge [sflag:s18], $0x3E80  }
0x110: {  	[sflag:s18] =	ssyncset.done $0x0  }
0x111: {  	[sflag:s18] =	ssyncadd.s32 $0xFFFFC180  }
0x112: {  	[tilespmem:s14], [sflag:$0x2] =	stream.indirect.gather [hbm4b:s4+s12], $0x80, s21, s12, $0xb8;
	[tilespmem:$0x1C880] =	vst v63  }
0x113: {  	_ =	swait.ge [sflag:s15], $0x3E80  }
0x114: {  	[sflag:s15] =	ssyncset.done $0x0  }
0x115: {  	[sflag:s15] =	ssyncadd.s32 $0xFFFFC180  }
0x116: {  	[spmem:s2] =	stream.indirect.scatter.add.f32 [tilespmem:s13], [sflag:$0x3], $0x80, s22, s12, $0xb8;
	[tilespmem:$0x1C880] =	vst v63  }
0x117: {  	_ =	swait.ge [sflag:s16], $0x3E80  }
0x118: {  	[sflag:s16] =	ssyncset.done $0x0  }
0x119: {  	[sflag:s16] =	ssyncadd.s32 $0xFFFFC180  }
0x11a: {  	[tilespmem:s13], [sflag:$0x1] =	stream.indirect.gather [hbm4b:s4+s12], $0x80, s23, s12, $0xb8;
	[tilespmem:$0x1C880] =	vst v63  }
0x11b: {  	_ =	swait.ge [sflag:s17], $0x3E80  }
0x11c: {  	[sflag:s17] =	ssyncset.done $0x0  }
0x11d: {  	[sflag:s17] =	ssyncadd.s32 $0xFFFFC180  }
0x11e: {  	[spmem:s2] =	stream.indirect.scatter.add.f32 [tilespmem:s14], [sflag:$0x4], $0x80, s24, s12, $0xb8;
	[tilespmem:$0x1C880] =	vst v63  }
0x11f: {  	_ =	swait.ge [sflag:s18], $0x3E80  }
0x120: {  	[sflag:s18] =	ssyncset.done $0x0  }
0x121: {  	[sflag:s18] =	ssyncadd.s32 $0xFFFFC180  }
0x122: {  	[tilespmem:s14], [sflag:$0x2] =	stream.indirect.gather [hbm4b:s4+s12], $0x80, s25, s12, $0xb8;
	[tilespmem:$0x1C880] =	vst v63  }
0x123: {  	_ =	swait.ge [sflag:s15], $0x3E80  }
0x124: {  	[sflag:s15] =	ssyncset.done $0x0  }
0x125: {  	[sflag:s15] =	ssyncadd.s32 $0xFFFFC180  }
0x126: {  	[spmem:s2] =	stream.indirect.scatter.add.f32 [tilespmem:s13], [sflag:$0x3], $0x80, s26, s12, $0xb8;
	[tilespmem:$0x1C880] =	vst v63  }
0x127: {  	_ =	swait.ge [sflag:s16], $0x3E80  }
0x128: {  	[sflag:s16] =	ssyncset.done $0x0  }
0x129: {  	[sflag:s16] =	ssyncadd.s32 $0xFFFFC180  }
0x12a: {  	[tilespmem:s13], [sflag:$0x1] =	stream.indirect.gather [hbm4b:s4+s12], $0x80, s28, s12, $0xb8;
	[tilespmem:$0x1C880] =	vst v63  }
0x12b: {  	_ =	swait.ge [sflag:s17], $0x3E80  }
0x12c: {  	[sflag:s17] =	ssyncset.done $0x0  }
0x12d: {  	[sflag:s17] =	ssyncadd.s32 $0xFFFFC180  }
0x12e: {  	[spmem:s2] =	stream.indirect.scatter.add.f32 [tilespmem:s14], [sflag:$0x4], $0x80, s29, s12, $0xb8;
	[tilespmem:$0x1C880] =	vst v63  }
0x12f: {  	_ =	swait.ge [sflag:s18], $0x3E80  }
0x130: {  	[sflag:s18] =	ssyncset.done $0x0  }
0x131: {  	s6 =	sadd.s32 $0x100, s6;
	[sflag:s18] =	ssyncadd.s32 $0xFFFFC180  }
0x132: {  	[tilespmem:s14], [sflag:$0x2] =	stream.indirect.gather [hbm4b:s4+s12], $0x80, s30, s12, $0xb8;
	[tilespmem:$0x1C880] =	vst v63  }
0x133: {  	p1 =	sne.s32 s6, $0x500;
	_ =	swait.ge [sflag:s15], $0x3E80  }
.Ltmp0:
0x134: {  	[sflag:s15] =	ssyncset.done $0x0;
	(pc) =	sbr.rel @p1 .LBB2_2-.Ltmp0, $4  }
0x135: {  	[sflag:s15] =	ssyncadd.s32 $0xFFFFC180  }
0x136: {  	[spmem:s2] =	stream.indirect.scatter.add.f32 [tilespmem:s13], [sflag:$0x3], $0x80, s31, s12, $0xb8;
	[tilespmem:$0x1C880] =	vst v63  }
0x137: {  	_ =	swait.ge [sflag:s17], $0x3E80  }
0x138: {  	p2 =	seq.s32 s5, $0x0;
	[sflag:s17] =	ssyncset.done $0x0  }
0x139: {  	s6 =	simm.s32 @!p2 $0x3;
	[sflag:s17] =	ssyncadd.s32 $0xFFFFC180  }
0x13a: {  	[spmem:s2] =	stream.indirect.scatter.add.f32 [tilespmem:s14], [sflag:$0x4], $0x80, s1, s12, $0xb8;
	[tilespmem:$0x1C880] =	vst v63  }
0x13b: {  	_ =	swait.ge @!p2 [sflag:s6], $0x3E80  }
0x13c: {  	[sflag:s6] =	ssyncset.done @!p2 $0x0  }
0x13d: {  	[sflag:s6] =	ssyncadd.s32 @!p2 $0xFFFFC180;
	s6 =	simm.s32 @!p2 $0x4  }
0x13e: {  	_ =	swait.ge @!p2 [sflag:s6], $0x3E80  }
0x13f: {  	s7 =	rddreg [dreg:$0x4];
	[sflag:s6] =	ssyncset.done @!p2 $0x0  }
0x140: {  	[sflag:s6] =	ssyncadd.s32 @!p2 $0xFFFFC180;
	s8 =	sadd.s32 s5, s7  }
0x141: {  	[tilespmem:s3], [sflag:$0x5] =	stream.linear.gather [hbm4b:s8+s3], $0x800, $0x38;
	[tilespmem:$0x1C880] =	vst v63  }
0x142: {  	_ =	swait.ge [sflag:s10], $0x800  }
0x143: {  	s9 =	rddreg [dreg:$0x3];
	[sflag:s10] =	ssyncset.done $0x0  }
0x144: {  	s7 =	sadd.s32 s5, s9;
	[sflag:s10] =	ssyncadd.s32 $0xFFFFF800  }
0x145: {  	[tilespmem:s11], [sflag:$0x5] =	stream.linear.gather [hbm4b:s7+s3], $0x800, $0x38;
	[tilespmem:$0x1C880] =	vst v63  }
0x146: {  	_ =	swait.ge [sflag:s10], $0x800  }
0x147: {  	[sflag:s10] =	ssyncset.done $0x0  }
0x148: {  	[sflag:s10] =	ssyncadd.s32 $0xFFFFF800  }
0x149: {  	[tilespmem:s13], [sflag:$0x1] =	stream.indirect.gather [hbm4b:s4+s12], $0x80, s3, s12, $0xb8;
	[tilespmem:$0x1C880] =	vst v63  }
0x14a: {  	s8 =	rddreg [dreg:$0x5]  }
0x14b: {  	[tilespmem:s14], [sflag:$0x2] =	stream.indirect.gather [hbm4b:s4+s12], $0x80, s8, s12, $0xb8;
	[tilespmem:$0x1C880] =	vst v63  }
0x14c: {  	_ =	swait.ge [sflag:s15], $0x3E80  }
0x14d: {  	[sflag:s15] =	ssyncset.done $0x0  }
0x14e: {  	[sflag:s15] =	ssyncadd.s32 $0xFFFFC180  }
0x14f: {  	[spmem:s2] =	stream.indirect.scatter.add.f32 [tilespmem:s13], [sflag:$0x3], $0x80, s11, s12, $0xb8;
	[tilespmem:$0x1C880] =	vst v63  }
0x150: {  	_ =	swait.ge [sflag:s16], $0x3E80  }
0x151: {  	[sflag:s16] =	ssyncset.done $0x0  }
0x152: {  	s9 =	rddreg [dreg:$0x6];
	[sflag:s16] =	ssyncadd.s32 $0xFFFFC180  }
0x153: {  	[tilespmem:s13], [sflag:$0x1] =	stream.indirect.gather [hbm4b:s4+s12], $0x80, s9, s12, $0xb8;
	[tilespmem:$0x1C880] =	vst v63  }
0x154: {  	_ =	swait.ge [sflag:s17], $0x3E80  }
0x155: {  	[sflag:s17] =	ssyncset.done $0x0  }
0x156: {  	s6 =	rddreg [dreg:$0x7];
	[sflag:s17] =	ssyncadd.s32 $0xFFFFC180  }
0x157: {  	[spmem:s2] =	stream.indirect.scatter.add.f32 [tilespmem:s14], [sflag:$0x4], $0x80, s6, s12, $0xb8;
	[tilespmem:$0x1C880] =	vst v63  }
0x158: {  	_ =	swait.ge [sflag:s18], $0x3E80  }
0x159: {  	[sflag:s18] =	ssyncset.done $0x0  }
0x15a: {  	s7 =	rddreg [dreg:$0x8];
	[sflag:s18] =	ssyncadd.s32 $0xFFFFC180  }
0x15b: {  	[tilespmem:s14], [sflag:$0x2] =	stream.indirect.gather [hbm4b:s4+s12], $0x80, s7, s12, $0xb8;
	[tilespmem:$0x1C880] =	vst v63  }
0x15c: {  	_ =	swait.ge [sflag:s15], $0x3E80  }
0x15d: {  	[sflag:s15] =	ssyncset.done $0x0  }
0x15e: {  	s8 =	rddreg [dreg:$0x9];
	[sflag:s15] =	ssyncadd.s32 $0xFFFFC180  }
0x15f: {  	[spmem:s2] =	stream.indirect.scatter.add.f32 [tilespmem:s13], [sflag:$0x3], $0x80, s8, s12, $0xb8;
	[tilespmem:$0x1C880] =	vst v63  }
0x160: {  	_ =	swait.ge [sflag:s16], $0x3E80  }
0x161: {  	[sflag:s16] =	ssyncset.done $0x0  }
0x162: {  	s9 =	rddreg [dreg:$0xa];
	[sflag:s16] =	ssyncadd.s32 $0xFFFFC180  }
0x163: {  	[tilespmem:s13], [sflag:$0x1] =	stream.indirect.gather [hbm4b:s4+s12], $0x80, s9, s12, $0xb8;
	[tilespmem:$0x1C880] =	vst v63  }
0x164: {  	_ =	swait.ge [sflag:s17], $0x3E80  }
0x165: {  	[sflag:s17] =	ssyncset.done $0x0  }
0x166: {  	s6 =	rddreg [dreg:$0xb];
	[sflag:s17] =	ssyncadd.s32 $0xFFFFC180  }
0x167: {  	[spmem:s2] =	stream.indirect.scatter.add.f32 [tilespmem:s14], [sflag:$0x4], $0x80, s6, s12, $0xb8;
	[tilespmem:$0x1C880] =	vst v63  }
0x168: {  	_ =	swait.ge [sflag:s18], $0x3E80  }
0x169: {  	[sflag:s18] =	ssyncset.done $0x0  }
0x16a: {  	s7 =	rddreg [dreg:$0xc];
	[sflag:s18] =	ssyncadd.s32 $0xFFFFC180  }
0x16b: {  	[tilespmem:s14], [sflag:$0x2] =	stream.indirect.gather [hbm4b:s4+s12], $0x80, s7, s12, $0xb8;
	[tilespmem:$0x1C880] =	vst v63  }
0x16c: {  	_ =	swait.ge [sflag:s15], $0x3E80  }
0x16d: {  	[sflag:s15] =	ssyncset.done $0x0  }
0x16e: {  	s8 =	rddreg [dreg:$0xd];
	[sflag:s15] =	ssyncadd.s32 $0xFFFFC180  }
0x16f: {  	[spmem:s2] =	stream.indirect.scatter.add.f32 [tilespmem:s13], [sflag:$0x3], $0x80, s8, s12, $0xb8;
	[tilespmem:$0x1C880] =	vst v63  }
0x170: {  	_ =	swait.ge [sflag:s16], $0x3E80  }
0x171: {  	[sflag:s16] =	ssyncset.done $0x0  }
0x172: {  	s9 =	rddreg [dreg:$0xe];
	[sflag:s16] =	ssyncadd.s32 $0xFFFFC180  }
0x173: {  	[tilespmem:s13], [sflag:$0x1] =	stream.indirect.gather [hbm4b:s4+s12], $0x80, s9, s12, $0xb8;
	[tilespmem:$0x1C880] =	vst v63  }
0x174: {  	_ =	swait.ge [sflag:s17], $0x3E80  }
0x175: {  	[sflag:s17] =	ssyncset.done $0x0  }
0x176: {  	s6 =	rddreg [dreg:$0xf];
	[sflag:s17] =	ssyncadd.s32 $0xFFFFC180  }
0x177: {  	[spmem:s2] =	stream.indirect.scatter.add.f32 [tilespmem:s14], [sflag:$0x4], $0x80, s6, s12, $0xb8;
	[tilespmem:$0x1C880] =	vst v63  }
0x178: {  	_ =	swait.ge [sflag:s18], $0x3E80  }
0x179: {  	[sflag:s18] =	ssyncset.done $0x0  }
0x17a: {  	s7 =	rddreg [dreg:$0x10];
	[sflag:s18] =	ssyncadd.s32 $0xFFFFC180  }
0x17b: {  	[tilespmem:s14], [sflag:$0x2] =	stream.indirect.gather [hbm4b:s4+s12], $0x80, s7, s12, $0xb8;
	[tilespmem:$0x1C880] =	vst v63  }
0x17c: {  	_ =	swait.ge [sflag:s15], $0x3E80  }
0x17d: {  	[sflag:s15] =	ssyncset.done $0x0  }
0x17e: {  	s8 =	rddreg [dreg:$0x11];
	[sflag:s15] =	ssyncadd.s32 $0xFFFFC180  }
0x17f: {  	[spmem:s2] =	stream.indirect.scatter.add.f32 [tilespmem:s13], [sflag:$0x3], $0x80, s8, s12, $0xb8;
	[tilespmem:$0x1C880] =	vst v63  }
0x180: {  	_ =	swait.ge [sflag:s16], $0x3E80  }
0x181: {  	[sflag:s16] =	ssyncset.done $0x0  }
0x182: {  	s9 =	rddreg [dreg:$0x12];
	[sflag:s16] =	ssyncadd.s32 $0xFFFFC180  }
0x183: {  	[tilespmem:s13], [sflag:$0x1] =	stream.indirect.gather [hbm4b:s4+s12], $0x80, s9, s12, $0xb8;
	[tilespmem:$0x1C880] =	vst v63  }
0x184: {  	_ =	swait.ge [sflag:s17], $0x3E80  }
0x185: {  	[sflag:s17] =	ssyncset.done $0x0  }
0x186: {  	s6 =	rddreg [dreg:$0x13];
	[sflag:s17] =	ssyncadd.s32 $0xFFFFC180  }
0x187: {  	[spmem:s2] =	stream.indirect.scatter.add.f32 [tilespmem:s14], [sflag:$0x4], $0x80, s6, s12, $0xb8;
	[tilespmem:$0x1C880] =	vst v63  }
0x188: {  	_ =	swait.ge [sflag:s18], $0x3E80  }
0x189: {  	[sflag:s18] =	ssyncset.done $0x0  }
0x18a: {  	s7 =	rddreg [dreg:$0x14];
	[sflag:s18] =	ssyncadd.s32 $0xFFFFC180  }
0x18b: {  	[tilespmem:s14], [sflag:$0x2] =	stream.indirect.gather [hbm4b:s4+s12], $0x80, s7, s12, $0xb8;
	[tilespmem:$0x1C880] =	vst v63  }
0x18c: {  	_ =	swait.ge [sflag:s15], $0x3E80  }
0x18d: {  	[sflag:s15] =	ssyncset.done $0x0  }
0x18e: {  	s8 =	rddreg [dreg:$0x15];
	[sflag:s15] =	ssyncadd.s32 $0xFFFFC180  }
0x18f: {  	[spmem:s2] =	stream.indirect.scatter.add.f32 [tilespmem:s13], [sflag:$0x3], $0x80, s8, s12, $0xb8;
	[tilespmem:$0x1C880] =	vst v63  }
0x190: {  	_ =	swait.ge [sflag:s16], $0x3E80  }
0x191: {  	[sflag:s16] =	ssyncset.done $0x0  }
0x192: {  	[sflag:s16] =	ssyncadd.s32 $0xFFFFC180  }
0x193: {  	[tilespmem:s13], [sflag:$0x1] =	stream.indirect.gather [hbm4b:s4+s12], $0x80, s19, s12, $0xb8;
	[tilespmem:$0x1C880] =	vst v63  }
0x194: {  	_ =	swait.ge [sflag:s17], $0x3E80  }
0x195: {  	[sflag:s17] =	ssyncset.done $0x0  }
0x196: {  	[sflag:s17] =	ssyncadd.s32 $0xFFFFC180  }
0x197: {  	[spmem:s2] =	stream.indirect.scatter.add.f32 [tilespmem:s14], [sflag:$0x4], $0x80, s20, s12, $0xb8;
	[tilespmem:$0x1C880] =	vst v63  }
0x198: {  	_ =	swait.ge [sflag:s18], $0x3E80  }
0x199: {  	[sflag:s18] =	ssyncset.done $0x0  }
0x19a: {  	[sflag:s18] =	ssyncadd.s32 $0xFFFFC180  }
0x19b: {  	[tilespmem:s14], [sflag:$0x2] =	stream.indirect.gather [hbm4b:s4+s12], $0x80, s21, s12, $0xb8;
	[tilespmem:$0x1C880] =	vst v63  }
0x19c: {  	_ =	swait.ge [sflag:s15], $0x3E80  }
0x19d: {  	[sflag:s15] =	ssyncset.done $0x0  }
0x19e: {  	[sflag:s15] =	ssyncadd.s32 $0xFFFFC180  }
0x19f: {  	[spmem:s2] =	stream.indirect.scatter.add.f32 [tilespmem:s13], [sflag:$0x3], $0x80, s22, s12, $0xb8;
	[tilespmem:$0x1C880] =	vst v63  }
0x1a0: {  	_ =	swait.ge [sflag:s16], $0x3E80  }
0x1a1: {  	[sflag:s16] =	ssyncset.done $0x0  }
0x1a2: {  	[sflag:s16] =	ssyncadd.s32 $0xFFFFC180  }
0x1a3: {  	[tilespmem:s13], [sflag:$0x1] =	stream.indirect.gather [hbm4b:s4+s12], $0x80, s23, s12, $0xb8;
	[tilespmem:$0x1C880] =	vst v63  }
0x1a4: {  	_ =	swait.ge [sflag:s17], $0x3E80  }
0x1a5: {  	[sflag:s17] =	ssyncset.done $0x0  }
0x1a6: {  	[sflag:s17] =	ssyncadd.s32 $0xFFFFC180  }
0x1a7: {  	[spmem:s2] =	stream.indirect.scatter.add.f32 [tilespmem:s14], [sflag:$0x4], $0x80, s24, s12, $0xb8;
	[tilespmem:$0x1C880] =	vst v63  }
0x1a8: {  	_ =	swait.ge [sflag:s18], $0x3E80  }
0x1a9: {  	[sflag:s18] =	ssyncset.done $0x0  }
0x1aa: {  	[sflag:s18] =	ssyncadd.s32 $0xFFFFC180  }
0x1ab: {  	[tilespmem:s14], [sflag:$0x2] =	stream.indirect.gather [hbm4b:s4+s12], $0x80, s25, s12, $0xb8;
	[tilespmem:$0x1C880] =	vst v63  }
0x1ac: {  	_ =	swait.ge [sflag:s15], $0x3E80  }
0x1ad: {  	[sflag:s15] =	ssyncset.done $0x0  }
0x1ae: {  	[sflag:s15] =	ssyncadd.s32 $0xFFFFC180  }
0x1af: {  	[spmem:s2] =	stream.indirect.scatter.add.f32 [tilespmem:s13], [sflag:$0x3], $0x80, s26, s12, $0xb8;
	[tilespmem:$0x1C880] =	vst v63  }
0x1b0: {  	_ =	swait.ge [sflag:s16], $0x3E80  }
0x1b1: {  	[sflag:s16] =	ssyncset.done $0x0  }
0x1b2: {  	[sflag:s16] =	ssyncadd.s32 $0xFFFFC180  }
0x1b3: {  	[tilespmem:s13], [sflag:$0x1] =	stream.indirect.gather [hbm4b:s4+s12], $0x80, s28, s12, $0xb8;
	[tilespmem:$0x1C880] =	vst v63  }
0x1b4: {  	_ =	swait.ge [sflag:s17], $0x3E80  }
0x1b5: {  	[sflag:s17] =	ssyncset.done $0x0  }
0x1b6: {  	[sflag:s17] =	ssyncadd.s32 $0xFFFFC180  }
0x1b7: {  	[spmem:s2] =	stream.indirect.scatter.add.f32 [tilespmem:s14], [sflag:$0x4], $0x80, s29, s12, $0xb8;
	[tilespmem:$0x1C880] =	vst v63  }
0x1b8: {  	_ =	swait.ge [sflag:s18], $0x3E80  }
0x1b9: {  	[sflag:s18] =	ssyncset.done $0x0  }
0x1ba: {  	[sflag:s18] =	ssyncadd.s32 $0xFFFFC180  }
0x1bb: {  	[tilespmem:s14], [sflag:$0x2] =	stream.indirect.gather [hbm4b:s4+s12], $0x80, s30, s12, $0xb8;
	[tilespmem:$0x1C880] =	vst v63  }
0x1bc: {  	_ =	swait.ge [sflag:s15], $0x3E80  }
0x1bd: {  	[sflag:s15] =	ssyncset.done $0x0  }
0x1be: {  	[sflag:s15] =	ssyncadd.s32 $0xFFFFC180  }
0x1bf: {  	[spmem:s2] =	stream.indirect.scatter.add.f32 [tilespmem:s13], [sflag:$0x3], $0x80, s31, s12, $0xb8;
	[tilespmem:$0x1C880] =	vst v63  }
0x1c0: {  	_ =	swait.ge [sflag:s17], $0x3E80  }
0x1c1: {  	[sflag:s17] =	ssyncset.done $0x0  }
0x1c2: {  	[sflag:s17] =	ssyncadd.s32 $0xFFFFC180  }
0x1c3: {  	[spmem:s2] =	stream.indirect.scatter.add.f32 [tilespmem:s14], [sflag:$0x4], $0x80, s1, s12, $0xb8;
	[tilespmem:$0x1C880] =	vst v63  }
0x1c4: {  	_ =	swait.ge [sflag:s16], $0x3E80  }
0x1c5: {  	[sflag:s16] =	ssyncset.done $0x0  }
0x1c6: {  	[sflag:s16] =	ssyncadd.s32 $0xFFFFC180  }
0x1c7: {  	_ =	swait.ge [sflag:s18], $0x3E80  }
0x1c8: {  	[sflag:s18] =	ssyncset.done $0x0  }
0x1c9: {  	[sflag:s18] =	ssyncadd.s32 $0xFFFFC180  }
0x1ca: {  	[bflag:$0x0] =	sbarrier.arrive $0xFFFF  }
0x1cb: {  	s5 =	rddreg [dreg:$0x17]  }
0x1cc: {  	s7 =	rddreg [dreg:$0x19]  }
0x1cd: {  	s8 =	rddreg [dreg:$0x1a]  }
0x1ce: {  	[hbm:s5], [sflag:s7] =	dma.local @!p0 [spmem:s8], $0x3E80  }
0x1cf: {  	s5 =	simm.s32 @!p0 $0x5  }
0x1d0: {  	_ =	swait.ge @!p0 [sflag:s5], $0x3E80  }
0x1d1: {  	s0 =	sadd.s32 $0x1, s0;
	s9 =	rddreg [dreg:$0x18]  }
0x1d2: {  	p1 =	sne.s32 s0, s9  }
.Ltmp1:
0x1d3: {  	_ = 	snop;
	(pc) =	sbr.rel @p1 .LBB2_1-.Ltmp1, $3  }
0x1d4: {  	_ =	sdelay $0x1  }
0x1d5: {  	[sflag:s5] =	ssyncset.done @!p0 $0x0  }
0x1d6: {  	[sflag:s5] =	ssyncadd.s32 @!p0 $0xFFFFC180  }
0x1d7: {  	_ =	sfence.sel $0x180000  }
0x1d8: {  	[bflag:$0x0] =	sbarrier.arrive $0xFFFF  }
0x1d9: {  	_ =	strace $0x9000004D  }
0x1da: {  	s0 =	stileid.u32;
	[bflag:$0x2] =	sbarrier.arrive $0xFFFF  }
0x1db: {  	p0 =	sne.s32 s0, $0x0;
	s0 =	rddreg [dreg:$0x2]  }
0x1dc: {  	s0 =	sadd.s32 @!p0 $0x100000, s0  }
0x1dd: {  	[sflag:s0] =	ssyncadd.tile.s32 @!p0 $0x1;
	_ =	shalt  }
.Lfunc_end2:
_tile_overlayer_lowered:
.L_overlay_start_2:
0x1de: {  	(tag) =	ssettag $0x2  }
0x1df: {  	s0 =	rddreg [dreg:$0x0];
	s2 =	stileid.u32  }
0x1e0: {  	s1 =	rddreg [dreg:$0x1];
	p0 =	sne.s32 s2, $0x0  }
0x1e1: {  	s3 =	rddreg [dreg:$0x2];
	[bflag:$0x3] =	sbarrier.arrive $0xFFFF;
	s2 =	simm.s32 @!p0 $0x1C05  }
0x1e2: {  	[timem:s3], [sflag:s2] =	dma.local @!p0 [hbm:s0], s1  }
0x1e3: {  	s0 =	simm.s32 @!p0 $0x5  }
0x1e4: {  	_ =	swait.ge @!p0 [sflag:s0], s1  }
0x1e5: {  	s1 =	ssub.s32 @!p0 $0x0, s1;
	[sflag:s0] =	ssyncset.done @!p0 $0x0  }
0x1e6: {  	[sflag:s0] =	ssyncadd.s32 @!p0 s1  }
0x1e7: {  	[bflag:$0x3] =	sbarrier.arrive $0xFFFF  }
0x1e8: {  	_ =	shalt  }

// kernel: kernel.19.cloned.1.call-start
scs
__scs_entry_jumppad:
0x0: {  	(pc) =	sbr.rel $0x88, $3  }
0x1: {  	(tag) =	ssettag $0x0;
	lr =	simm.s32 $0x1  }
0x2: {  	[smem:$0x3F95] =	sst lr;
	_ =	strace $0xD0000000  }
0x3: {  	_ = 	snop  }
0x4: {  	_ = 	snop  }
0x5: {  	_ = 	snop  }
0x6: {  	_ = 	snop  }
0x7: {  	_ = 	snop  }
__scs_overlays_trampoline_lowered:
0x8: {  	[smem:$0x3FA4] =	sst s0  }
0x9: {  	[smem:$0x3FA5] =	sst s1  }
0xa: {  	[smem:$0x3FA6] =	sst s2  }
0xb: {  	[smem:$0x3FA7] =	sst s3  }
0xc: {  	[smem:$0x3FA8] =	sst s4  }
0xd: {  	[smem:$0x3FA9] =	sst s5  }
0xe: {  	[smem:$0x3FAA] =	sst s6  }
0xf: {  	[smem:$0x3FAB] =	sst s7  }
0x10: {  	[smem:$0x3FAC] =	sst s8  }
0x11: {  	[smem:$0x3FAD] =	sst s9;
	s0 =	simm.s32 @!p0 $0x0  }
0x12: {  	s1 =	sld [smem:$0x3F93];
	s0 =	simm.s32 @p0 $0x1  }
0x13: {  	[smem:$0x3FAE] =	sst s0;
	s0 =	simm.s32 @!p1 $0x0  }
0x14: {  	s2 =	sld [smem:$0x3F92];
	s0 =	simm.s32 @p1 $0x1  }
0x15: {  	[smem:$0x3FAF] =	sst s0;
	s0 =	simm.s32 @!p2 $0x0  }
0x16: {  	s3 =	sld [smem:$0x3FDB];
	s0 =	simm.s32 @p2 $0x1  }
0x17: {  	s4 =	simm.s32 $0x1BF5;
	[smem:$0x3FB1] =	sst s0  }
0x18: {  	s0 =	sld [smem:$0x3F94];
	_ =	swait.ge [sflag:s4], $0x0  }
0x19: {  	s7 =	sld [smem:$0x3F95]  }
0x1a: {  	s8 =	sadd.s32 $0xFFFFE003, lr  }
0x1b: {  	s9 =	sadd.s32 $0xFFFFFEF7, lr;
	s5 =	simm.s32 $0xFFFFFFFF;
	p2 =	slt.u32 s8, $0xFFFFF086  }
0x1c: {  	p1 =	slt.u32 s9, $0xF7A;
	s5 =	simm.s32 @!p2 $0x0  }
0x1d: {  	s5 =	simm.s32 @p1 $0x1;
	p0 =	seq.s32 s7, s2  }
0x1e: {  	s7 =	smul.u32 @!p0 $0xF7A, s2;
	p2 =	seq.s32 @!p0 s5, $0x0  }
0x1f: {  	s9 =	smul.u32 $0xF7A, s1;
	s8 =	simm.s32 @!p0 $0x1BF5;
	p2 =	por !p2, p0  }
0x20: {  	[sflag:s8] =	ssyncset.s32 @!p0 $0xFFFFF086;
	s6 =	sadd.s32 @!p0 s3, s7;
	s7 =	simm.s32 @!p0 $0x108  }
0x21: {  	s3 =	sadd.s32 s3, s9;
	s6 =	sadd.s32 @!p0 $0x88, s6;
	s7 =	simm.s32 @p2 $0x1082  }
0x22: {  	[simem:s7], [sflag:s8] =	dma.local @!p0 [hbm:s6], $0xF7A  }
0x23: {  	s9 =	sor.u32 $0xD0000000, s2;
	s6 =	simm.s32 $0x108;
	_ =	swait.ge @!p0 [sflag:s8], $0x0  }
0x24: {  	s3 =	sadd.s32 $0x88, s3;
	s6 =	simm.s32 @!p1 $0x1082;
	[sflag:s4] =	ssyncset.s32 $0xFFFFF086  }
0x25: {  	[simem:s6], [sflag:s4] =	dma.local [hbm:s3], $0xF7A  }
0x26: {  	[smem:$0x3F95] =	sst s1;
	(tag) =	ssettag s2;
	_ =	strace s9  }
0x27: {  	s1 =	sld [smem:$0x3FA5]  }
0x28: {  	s2 =	sld [smem:$0x3FA6]  }
0x29: {  	s4 =	sld [smem:$0x3FA8]  }
0x2a: {  	p0 =	seq.s32 s5, $0x0;
	s5 =	sld [smem:$0x3FA9]  }
0x2b: {  	s6 =	sld [smem:$0x3FAA]  }
0x2c: {  	s7 =	sld [smem:$0x3FAB]  }
0x2d: {  	s3 =	simm.s32 $0x108;
	s8 =	sld [smem:$0x3FAC]  }
0x2e: {  	s3 =	simm.s32 @!p0 $0x1082;
	s9 =	sld [smem:$0x3FAD]  }
0x2f: {  	lr =	sadd.s32 s0, s3;
	s0 =	sld [smem:$0x3FA4]  }
0x30: {  	s3 =	sld [smem:$0x3FA7]  }
0x31: {  	[smem:$0x3FB0] =	sst s10  }
0x32: {  	s10 =	sld [smem:$0x3FAE];
	_ =	sdelay $0x3  }
0x33: {  	p0 =	seq.s32 s10, $0x1;
	s10 =	sld [smem:$0x3FB0];
	_ =	sdelay $0x3  }
0x34: {  	[smem:$0x3FB0] =	sst s10  }
0x35: {  	s10 =	sld [smem:$0x3FAF];
	_ =	sdelay $0x3  }
0x36: {  	p1 =	seq.s32 s10, $0x1;
	s10 =	sld [smem:$0x3FB0];
	_ =	sdelay $0x3  }
0x37: {  	[smem:$0x3FB0] =	sst s10  }
0x38: {  	s10 =	sld [smem:$0x3FB1]  }
0x39: {  	_ = 	snop;
	(pc) =	sbr.ind lr, $3  }
0x3a: {  	_ = 	snop  }
0x3b: {  	_ = 	snop  }
0x3c: {  	p2 =	seq.s32 s10, $0x1;
	s10 =	sld [smem:$0x3FB0]  }
0x3d: {  	_ =	shalt  }
0x3e: {  	_ =	shalt  }
0x3f: {  	_ =	shalt  }
0x40: {  	_ =	shalt  }
0x41: {  	_ =	shalt  }
0x42: {  	_ =	shalt  }
0x43: {  	_ =	shalt  }
0x44: {  	_ =	shalt  }
0x45: {  	_ =	shalt  }
0x46: {  	_ =	shalt  }
0x47: {  	_ =	shalt  }
0x48: {  	_ =	shalt  }
0x49: {  	_ =	shalt  }
0x4a: {  	_ =	shalt  }
0x4b: {  	_ =	shalt  }
0x4c: {  	_ =	shalt  }
0x4d: {  	_ =	shalt  }
0x4e: {  	_ =	shalt  }
0x4f: {  	_ =	shalt  }
0x50: {  	_ =	shalt  }
0x51: {  	_ =	shalt  }
0x52: {  	_ =	shalt  }
0x53: {  	_ =	shalt  }
0x54: {  	_ =	shalt  }
0x55: {  	_ =	shalt  }
0x56: {  	_ =	shalt  }
0x57: {  	_ =	shalt  }
0x58: {  	_ =	shalt  }
0x59: {  	_ =	shalt  }
0x5a: {  	_ =	shalt  }
0x5b: {  	_ =	shalt  }
0x5c: {  	_ =	shalt  }
0x5d: {  	_ =	shalt  }
0x5e: {  	_ =	shalt  }
0x5f: {  	_ =	shalt  }
0x60: {  	_ =	shalt  }
0x61: {  	_ =	shalt  }
0x62: {  	_ =	shalt  }
0x63: {  	_ =	shalt  }
0x64: {  	_ =	shalt  }
0x65: {  	_ =	shalt  }
0x66: {  	_ =	shalt  }
0x67: {  	_ =	shalt  }
0x68: {  	_ =	shalt  }
0x69: {  	_ =	shalt  }
0x6a: {  	_ =	shalt  }
0x6b: {  	_ =	shalt  }
0x6c: {  	_ =	shalt  }
0x6d: {  	_ =	shalt  }
0x6e: {  	_ =	shalt  }
0x6f: {  	_ =	shalt  }
0x70: {  	_ =	shalt  }
0x71: {  	_ =	shalt  }
0x72: {  	_ =	shalt  }
0x73: {  	_ =	shalt  }
0x74: {  	_ =	shalt  }
0x75: {  	_ =	shalt  }
0x76: {  	_ =	shalt  }
0x77: {  	_ =	shalt  }
0x78: {  	_ =	shalt  }
0x79: {  	_ =	shalt  }
0x7a: {  	_ =	shalt  }
0x7b: {  	_ =	shalt  }
0x7c: {  	_ =	shalt  }
0x7d: {  	_ =	shalt  }
0x7e: {  	_ =	shalt  }
0x7f: {  	_ =	shalt  }
0x80: {  	_ =	shalt  }
0x81: {  	_ =	shalt  }
0x82: {  	_ =	shalt  }
0x83: {  	_ =	shalt  }
0x84: {  	_ =	shalt  }
0x85: {  	_ =	shalt  }
0x86: {  	_ =	shalt  }
0x87: {  	_ =	shalt  }
.Lfunc_end0:
.L_simem_size_0:
called_computation.3_lowered:
.L_overlay_start_0:
0x88: {  	s2 =	sld [smem:$0x3FD9]  }
0x89: {  	s3 =	sld [smem:$0x3FFE];
	_ =	sdelay $0x1  }
0x8a: {  	s1 =	srdreg.scid  }
0x8b: {  	s0 =	sand.u32 $0x1, s1  }
0x8c: {  	s16 =	sshll.u32 s0, $0xA;
	s2 =	sadd.s32 s3, s2  }
0x8d: {  	s2 =	sadd.s32 s2, s16  }
0x8e: {  	[smem:$0x3FBC] =	sst s2  }
0x8f: {  	_ = 	snop  }
0x90: {  	(tm) =	ssettm $0x1  }
0x91: {  	s17 =	sld [smem:$0x3FFB];
	_ =	sdelay $0x3  }
0x92: {  	_ =	strace s17  }
0x93: {  	s2 =	sld [smem:$0x3FFC];
	_ =	sdelay $0x3  }
0x94: {  	_ =	strace s2  }
0x95: {  	s2 =	sld [smem:$0x3FFD];
	_ =	sdelay $0x3  }
0x96: {  	_ =	strace s2  }
0x97: {  	_ =	strace $0x8FFFFFFF  }
0x98: {  	s18 =	sld [smem:$0x3FDB];
	_ =	sdelay $0x1  }
0x99: {  	s19 =	simm.s32 $_scs_section_size  }
0x9a: {  	s4 =	simm.s32 $_size__tile_overlayer_lowered;
	s5 =	simm.s32 $_tile_overlayer_lowered  }
0x9b: {  	s22 =	simm.s32 $0x1BFF;
	s21 =	sshll.u32 s5, $0x1;
	s2 =	sadd.s32 s19, s18  }
0x9c: {  	s6 =	simm.s32 $0x0;
	s20 =	sshll.u32 s4, $0x1;
	s4 =	sadd.s32 s21, s2  }
0x9d: {  	[timem:s6], [sflag:s22] =	dma.local [hbm:s4], s20  }
0x9e: {  	_ =	swait.ge [sflag:s22], s20  }
0x9f: {  	s3 =	ssub.s32 $0x0, s20;
	[sflag:s22] =	ssyncset.done $0x0  }
0xa0: {  	[sflag:s22] =	ssyncadd.s32 s3;
	_ =	sdelay $0x1  }
0xa1: {  	s23 =	simm.s32 $0x1B8B  }
0xa2: {  	_ =	swait.ge [sflag:s23], $0x1  }
0xa3: {  	[sflag:s23] =	ssyncset.done $0x0  }
0xa4: {  	s25 =	simm.s32 $0x1B8E;
	s24 =	sld [smem:$0x3FFE];
	[sflag:s23] =	ssyncadd.s32 $0xFFFFFFFF  }
0xa5: {  	s26 =	simm.s32 $execute0_lowered;
	[smem:$0x3FD2] =	sst s25  }
0xa6: {  	s4 =	sshll.u32 s26, $0x1;
	_ =	strace $0x8000004F;
	[dreg:$0x1] =	wrdreg $0xFFFFFFFF  }
0xa7: {  	s28 =	simm.s32 $_size_execute0_lowered;
	s2 =	sadd.s32 s2, s4;
	[dreg:$0x0] =	wrdreg $0x0  }
0xa8: {  	s4 =	sshll.u32 s28, $0x1;
	[dreg:$0x2] =	wrdreg s2  }
0xa9: {  	[dreg:$0x3] =	wrdreg s4  }
0xaa: {  	[dreg:$0x4] =	wrdreg $0xC0  }
0xab: {  	_ =	task [dreg:s6], $0x5FFFF  }
0xac: {  	[dreg:$0x1] =	wrdreg $0xFFFFFFFF  }
0xad: {  	[dreg:$0x0] =	wrdreg $0x60  }
0xae: {  	[dreg:$0x2] =	wrdreg s24  }
0xaf: {  	[dreg:$0x3] =	wrdreg $0x90000  }
0xb0: {  	[dreg:$0x4] =	wrdreg $0x9  }
0xb1: {  	_ =	task.clear_ibuf [dreg:s6], $0x5FFFF;
	_ =	strace $0x9000004F  }
0xb2: {  	s29 =	simm.s32 $0x9;
	_ =	strace $0x80000051  }
0xb3: {  	_ =	swait.ge [sflag:s29], $0x1  }
0xb4: {  	[sflag:s29] =	ssyncadd.s32 $0xFFFFFFFF  }
0xb5: {  	_ =	strace $0x90000051  }
0xb6: {  	_ =	sfence  }
0xb7: {  	s30 =	sld [smem:$0x0];
	_ =	sdelay $0x2  }
0xb8: {  	s31 =	sshll.u32 s1, $0xD;
	s1 =	sshrl.u32 s1, $0x2  }
0xb9: {  	s3 =	sand.u32 $0x4000, s31;
	s1 =	sadd.s32 s1, s30  }
0xba: {  	s0 =	sor.u32 s3, s0;
	s1 =	sshll.u32 s1, $0x11  }
0xbb: {  	s0 =	sor.u32 s1, s0  }
0xbc: {  	s0 =	sadd.s32 $0x8F2B, s0  }
0xbd: {  	[sflag:s0] =	ssyncadd.remote.s32 $0x1  }
0xbe: {  	_ =	sfence.sel $0xFFFF  }
0xbf: {  	[dreg:$0x0] =	wrdreg $0xFFFFFFFF;
	(pc) =	sbr.abs _section_cstart, $3  }
0xc0: {  	[dreg:$0x1] =	wrdreg $0xFFFFFFFF  }
0xc1: {  	_ =	task.clear_ibuf [dreg:s6], $0x2FFFF;
	_ =	strace $0x9FFFFFFF  }
0xc2: {  	(tm) =	ssettm $0x7FFFFFFF  }
0xc3: {  	_ =	shalt  }
tec
execute0_lowered:
.L_overlay_start_1:
0x0: {  	(tag) =	ssettag $0x1  }
0x1: {  	s0 =	srdreg.scid;
	s5 =	rddreg [dreg:$0x0]  }
0x2: {  	s9 =	stileid.u32;
	s2 =	rddreg [dreg:$0x1];
	s3 =	simm.s32 $0x0  }
0x3: {  	s10 =	simm.s32 $0x80;
	s11 =	simm.s32 $0x100;
	s12 =	simm.s32 $0x880  }
0x4: {  	s13 =	simm.s32 $0x180;
	[smem:$0x7FF] =	sst s3;
	s24 =	sadd.s32 $0xF400, s5  }
0x5: {  	s14 =	simm.s32 $0x900;
	_ =	strace $0x80000050;
	[dreg:$0x16] =	wrdreg s24  }
0x6: {  	s15 =	simm.s32 $0x200;
	s16 =	simm.s32 $0x980;
	[dreg:$0x5] =	wrdreg s10  }
0x7: {  	s17 =	simm.s32 $0x280;
	s18 =	simm.s32 $0xA00;
	[dreg:$0x6] =	wrdreg s11  }
0x8: {  	s19 =	simm.s32 $0x300;
	s20 =	simm.s32 $0xA80;
	[dreg:$0x7] =	wrdreg s12  }
0x9: {  	s21 =	simm.s32 $0x380;
	s22 =	simm.s32 $0xB00;
	[dreg:$0x8] =	wrdreg s13  }
0xa: {  	s23 =	simm.s32 $0x400;
	s28 =	simm.s32 $0x700;
	[dreg:$0x9] =	wrdreg s14  }
0xb: {  	s29 =	simm.s32 $0xE80;
	s1 =	smul.u32 $0x5000, s9;
	[dreg:$0xa] =	wrdreg s15  }
0xc: {  	s30 =	simm.s32 $0x780;
	s7 =	smul.u32 $0x1F400, s9;
	[dreg:$0xb] =	wrdreg s16  }
0xd: {  	s0 =	sand.u32 $0x1, s0;
	s26 =	smul.u32 $0x7D000, s9;
	[dreg:$0xc] =	wrdreg s17  }
0xe: {  	s31 =	simm.s32 $0xF00;
	s4 =	smul.u32 $0x2800, s0;
	[dreg:$0xd] =	wrdreg s18  }
0xf: {  	p0 =	sgt.u32 s9, $0x9;
	s6 =	smul.u32 $0x138800, s0;
	[dreg:$0xe] =	wrdreg s19  }
0x10: {  	s0 =	ssub.s32 $0x2, s0;
	s10 =	simm.s32 $0x5;
	[dreg:$0xf] =	wrdreg s20  }
0x11: {  	s11 =	simm.s32 $0x800;
	s12 =	simm.s32 $0x7D;
	[dreg:$0x10] =	wrdreg s21  }
0x12: {  	s13 =	simm.s32 $0x1000;
	s14 =	simm.s32 $0x5000;
	[dreg:$0x11] =	wrdreg s22  }
0x13: {  	s15 =	simm.s32 $0x1;
	s16 =	simm.s32 $0x3;
	[dreg:$0x12] =	wrdreg s23  }
0x14: {  	s24 =	simm.s32 $0xB80;
	s17 =	simm.s32 $0x2;
	s18 =	simm.s32 $0x4  }
0x15: {  	s19 =	simm.s32 $0x500;
	s20 =	simm.s32 $0xC80;
	s21 =	simm.s32 $0x580  }
0x16: {  	s22 =	simm.s32 $0xD00;
	s23 =	simm.s32 $0x600;
	s25 =	sshrl.u32 s0, $0x1  }
0x17: {  	[dreg:$0x13] =	wrdreg s24;
	s24 =	simm.s32 $0xD80;
	s1 =	sadd.s32 s4, s1  }
0x18: {  	s6 =	sadd.s32 s7, s6;
	s4 =	sadd.s32 $0x6BE00, s5;
	s0 =	ssub.s32 s0, s25  }
0x19: {  	s25 =	simm.s32 $0x480;
	s1 =	sshrl.u32 s1, $0x3;
	s6 =	sshrl.u32 s6, $0x3  }
0x1a: {  	s0 =	smax.u32 s0, $0x1;
	[dreg:$0x14] =	wrdreg s25;
	s1 =	sadd.s32 s1, s5  }
0x1b: {  	s25 =	simm.s32 $0x680;
	[dreg:$0x18] =	wrdreg s0;
	s8 =	sadd.s32 $0x5400, s1  }
0x1c: {  	s5 =	sadd.s32 s6, s5;
	s1 =	sadd.s32 $0x61E00, s1;
	[dreg:$0x3] =	wrdreg s8  }
0x1d: {  	s5 =	sadd.s32 $0x93000, s5;
	s8 =	sshrl.u32 s26, $0x2;
	[dreg:$0x4] =	wrdreg s1  }
0x1e: {  	[dreg:$0x17] =	wrdreg s5;
	s1 =	sshll.u32 @!p0 s9, $0x6;
	s26 =	simm.s32 $0xC00  }
0x1f: {  	s6 =	sadd.s32 s8, s2;
	s7 =	sor.u32 @!p0 $0x1C05, s1;
	[dreg:$0x15] =	wrdreg s26  }
0x20: {  	s0 =	simm.s32 $0x0;
	s8 =	sshrl.u32 @!p0 s6, $0x3;
	[dreg:$0x19] =	wrdreg s7  }
0x21: {  	s26 =	simm.s32 $0xE00;
	s1 =	simm.s32 $0xF80;
	[dreg:$0x1a] =	wrdreg s8  }
.LBB2_1:
0x22: {  	s5 =	rddreg [dreg:$0x16]  }
0x23: {  	[spmem:s8], [sflag:s7] =	dma.local @!p0 [hbm:s5], $0x3E80  }
0x24: {  	s5 =	simm.s32 @!p0 $0x5  }
0x25: {  	_ =	swait.ge @!p0 [sflag:s5], $0x3E80  }
0x26: {  	[sflag:s5] =	ssyncset.done @!p0 $0x0  }
0x27: {  	p1 =	por $0x1, $0x1;
	[sflag:s5] =	ssyncadd.s32 @!p0 $0xFFFFC180  }
0x28: {  	s5 =	simm.s32 @!p1 $0x3;
	[bflag:$0x0] =	sbarrier.arrive $0xFFFF  }
0x29: {  	_ =	swait.ge @!p1 [sflag:s5], $0x3E80  }
0x2a: {  	[sflag:s5] =	ssyncset.done @!p1 $0x0  }
0x2b: {  	[sflag:s5] =	ssyncadd.s32 @!p1 $0xFFFFC180;
	s5 =	simm.s32 @!p1 $0x4  }
0x2c: {  	_ =	swait.ge @!p1 [sflag:s5], $0x3E80  }
0x2d: {  	s6 =	rddreg [dreg:$0x4];
	[sflag:s5] =	ssyncset.done @!p1 $0x0  }
0x2e: {  	[sflag:s5] =	ssyncadd.s32 @!p1 $0xFFFFC180;
	s7 =	sadd.s32 $0x0, s6  }
0x2f: {  	[tilespmem:s3], [sflag:$0x5] =	stream.linear.gather [hbm4b:s7+s3], $0x800, $0x38;
	[tilespmem:$0x1C880] =	vst v63  }
0x30: {  	_ =	swait.ge [sflag:s10], $0x800  }
0x31: {  	s8 =	rddreg [dreg:$0x3];
	[sflag:s10] =	ssyncset.done $0x0  }
0x32: {  	[sflag:s10] =	ssyncadd.s32 $0xFFFFF800;
	s5 =	sadd.s32 $0x0, s8  }
0x33: {  	[tilespmem:s11], [sflag:$0x5] =	stream.linear.gather [hbm4b:s5+s3], $0x800, $0x38;
	[tilespmem:$0x1C880] =	vst v63  }
0x34: {  	_ =	swait.ge [sflag:s10], $0x800  }
0x35: {  	[sflag:s10] =	ssyncset.done $0x0  }
0x36: {  	[sflag:s10] =	ssyncadd.s32 $0xFFFFF800  }
0x37: {  	[tilespmem:s13], [sflag:$0x1] =	stream.indirect.gather [hbm4b:s4+s12], $0x80, s3, s12, $0xb8;
	[tilespmem:$0x1C880] =	vst v63  }
0x38: {  	s9 =	rddreg [dreg:$0x5]  }
0x39: {  	[tilespmem:s14], [sflag:$0x2] =	stream.indirect.gather [hbm4b:s4+s12], $0x80, s9, s12, $0xb8;
	[tilespmem:$0x1C880] =	vst v63  }
0x3a: {  	_ =	swait.ge [sflag:s15], $0x3E80  }
0x3b: {  	[sflag:s15] =	ssyncset.done $0x0  }
0x3c: {  	[sflag:s15] =	ssyncadd.s32 $0xFFFFC180  }
0x3d: {  	[spmem:s2] =	stream.indirect.scatter.add.f32 [tilespmem:s13], [sflag:$0x3], $0x80, s11, s12, $0xb8;
	[tilespmem:$0x1C880] =	vst v63  }
0x3e: {  	_ =	swait.ge [sflag:s16], $0x3E80  }
0x3f: {  	[sflag:s16] =	ssyncset.done $0x0  }
0x40: {  	s6 =	rddreg [dreg:$0x6];
	[sflag:s16] =	ssyncadd.s32 $0xFFFFC180  }
0x41: {  	[tilespmem:s13], [sflag:$0x1] =	stream.indirect.gather [hbm4b:s4+s12], $0x80, s6, s12, $0xb8;
	[tilespmem:$0x1C880] =	vst v63  }
0x42: {  	_ =	swait.ge [sflag:s17], $0x3E80  }
0x43: {  	[sflag:s17] =	ssyncset.done $0x0  }
0x44: {  	s7 =	rddreg [dreg:$0x7];
	[sflag:s17] =	ssyncadd.s32 $0xFFFFC180  }
0x45: {  	[spmem:s2] =	stream.indirect.scatter.add.f32 [tilespmem:s14], [sflag:$0x4], $0x80, s7, s12, $0xb8;
	[tilespmem:$0x1C880] =	vst v63  }
0x46: {  	_ =	swait.ge [sflag:s18], $0x3E80  }
0x47: {  	[sflag:s18] =	ssyncset.done $0x0  }
0x48: {  	s8 =	rddreg [dreg:$0x8];
	[sflag:s18] =	ssyncadd.s32 $0xFFFFC180  }
0x49: {  	[tilespmem:s14], [sflag:$0x2] =	stream.indirect.gather [hbm4b:s4+s12], $0x80, s8, s12, $0xb8;
	[tilespmem:$0x1C880] =	vst v63  }
0x4a: {  	_ =	swait.ge [sflag:s15], $0x3E80  }
0x4b: {  	[sflag:s15] =	ssyncset.done $0x0  }
0x4c: {  	s9 =	rddreg [dreg:$0x9];
	[sflag:s15] =	ssyncadd.s32 $0xFFFFC180  }
0x4d: {  	[spmem:s2] =	stream.indirect.scatter.add.f32 [tilespmem:s13], [sflag:$0x3], $0x80, s9, s12, $0xb8;
	[tilespmem:$0x1C880] =	vst v63  }
0x4e: {  	_ =	swait.ge [sflag:s16], $0x3E80  }
0x4f: {  	[sflag:s16] =	ssyncset.done $0x0  }
0x50: {  	s6 =	rddreg [dreg:$0xa];
	[sflag:s16] =	ssyncadd.s32 $0xFFFFC180  }
0x51: {  	[tilespmem:s13], [sflag:$0x1] =	stream.indirect.gather [hbm4b:s4+s12], $0x80, s6, s12, $0xb8;
	[tilespmem:$0x1C880] =	vst v63  }
0x52: {  	_ =	swait.ge [sflag:s17], $0x3E80  }
0x53: {  	[sflag:s17] =	ssyncset.done $0x0  }
0x54: {  	s7 =	rddreg [dreg:$0xb];
	[sflag:s17] =	ssyncadd.s32 $0xFFFFC180  }
0x55: {  	[spmem:s2] =	stream.indirect.scatter.add.f32 [tilespmem:s14], [sflag:$0x4], $0x80, s7, s12, $0xb8;
	[tilespmem:$0x1C880] =	vst v63  }
0x56: {  	_ =	swait.ge [sflag:s18], $0x3E80  }
0x57: {  	[sflag:s18] =	ssyncset.done $0x0  }
0x58: {  	s8 =	rddreg [dreg:$0xc];
	[sflag:s18] =	ssyncadd.s32 $0xFFFFC180  }
0x59: {  	[tilespmem:s14], [sflag:$0x2] =	stream.indirect.gather [hbm4b:s4+s12], $0x80, s8, s12, $0xb8;
	[tilespmem:$0x1C880] =	vst v63  }
0x5a: {  	_ =	swait.ge [sflag:s15], $0x3E80  }
0x5b: {  	[sflag:s15] =	ssyncset.done $0x0  }
0x5c: {  	s9 =	rddreg [dreg:$0xd];
	[sflag:s15] =	ssyncadd.s32 $0xFFFFC180  }
0x5d: {  	[spmem:s2] =	stream.indirect.scatter.add.f32 [tilespmem:s13], [sflag:$0x3], $0x80, s9, s12, $0xb8;
	[tilespmem:$0x1C880] =	vst v63  }
0x5e: {  	_ =	swait.ge [sflag:s16], $0x3E80  }
0x5f: {  	[sflag:s16] =	ssyncset.done $0x0  }
0x60: {  	s6 =	rddreg [dreg:$0xe];
	[sflag:s16] =	ssyncadd.s32 $0xFFFFC180  }
0x61: {  	[tilespmem:s13], [sflag:$0x1] =	stream.indirect.gather [hbm4b:s4+s12], $0x80, s6, s12, $0xb8;
	[tilespmem:$0x1C880] =	vst v63  }
0x62: {  	_ =	swait.ge [sflag:s17], $0x3E80  }
0x63: {  	[sflag:s17] =	ssyncset.done $0x0  }
0x64: {  	s7 =	rddreg [dreg:$0xf];
	[sflag:s17] =	ssyncadd.s32 $0xFFFFC180  }
0x65: {  	[spmem:s2] =	stream.indirect.scatter.add.f32 [tilespmem:s14], [sflag:$0x4], $0x80, s7, s12, $0xb8;
	[tilespmem:$0x1C880] =	vst v63  }
0x66: {  	_ =	swait.ge [sflag:s18], $0x3E80  }
0x67: {  	[sflag:s18] =	ssyncset.done $0x0  }
0x68: {  	s8 =	rddreg [dreg:$0x10];
	[sflag:s18] =	ssyncadd.s32 $0xFFFFC180  }
0x69: {  	[tilespmem:s14], [sflag:$0x2] =	stream.indirect.gather [hbm4b:s4+s12], $0x80, s8, s12, $0xb8;
	[tilespmem:$0x1C880] =	vst v63  }
0x6a: {  	_ =	swait.ge [sflag:s15], $0x3E80  }
0x6b: {  	[sflag:s15] =	ssyncset.done $0x0  }
0x6c: {  	s9 =	rddreg [dreg:$0x11];
	[sflag:s15] =	ssyncadd.s32 $0xFFFFC180  }
0x6d: {  	[spmem:s2] =	stream.indirect.scatter.add.f32 [tilespmem:s13], [sflag:$0x3], $0x80, s9, s12, $0xb8;
	[tilespmem:$0x1C880] =	vst v63  }
0x6e: {  	_ =	swait.ge [sflag:s16], $0x3E80  }
0x6f: {  	[sflag:s16] =	ssyncset.done $0x0  }
0x70: {  	s6 =	rddreg [dreg:$0x12];
	[sflag:s16] =	ssyncadd.s32 $0xFFFFC180  }
0x71: {  	[tilespmem:s13], [sflag:$0x1] =	stream.indirect.gather [hbm4b:s4+s12], $0x80, s6, s12, $0xb8;
	[tilespmem:$0x1C880] =	vst v63  }
0x72: {  	_ =	swait.ge [sflag:s17], $0x3E80  }
0x73: {  	[sflag:s17] =	ssyncset.done $0x0  }
0x74: {  	s7 =	rddreg [dreg:$0x13];
	[sflag:s17] =	ssyncadd.s32 $0xFFFFC180  }
0x75: {  	[spmem:s2] =	stream.indirect.scatter.add.f32 [tilespmem:s14], [sflag:$0x4], $0x80, s7, s12, $0xb8;
	[tilespmem:$0x1C880] =	vst v63  }
0x76: {  	_ =	swait.ge [sflag:s18], $0x3E80  }
0x77: {  	[sflag:s18] =	ssyncset.done $0x0  }
0x78: {  	s8 =	rddreg [dreg:$0x14];
	[sflag:s18] =	ssyncadd.s32 $0xFFFFC180  }
0x79: {  	[tilespmem:s14], [sflag:$0x2] =	stream.indirect.gather [hbm4b:s4+s12], $0x80, s8, s12, $0xb8;
	[tilespmem:$0x1C880] =	vst v63  }
0x7a: {  	_ =	swait.ge [sflag:s15], $0x3E80  }
0x7b: {  	[sflag:s15] =	ssyncset.done $0x0  }
0x7c: {  	s9 =	rddreg [dreg:$0x15];
	[sflag:s15] =	ssyncadd.s32 $0xFFFFC180  }
0x7d: {  	[spmem:s2] =	stream.indirect.scatter.add.f32 [tilespmem:s13], [sflag:$0x3], $0x80, s9, s12, $0xb8;
	[tilespmem:$0x1C880] =	vst v63  }
0x7e: {  	_ =	swait.ge [sflag:s16], $0x3E80  }
0x7f: {  	[sflag:s16] =	ssyncset.done $0x0  }
0x80: {  	[sflag:s16] =	ssyncadd.s32 $0xFFFFC180  }
0x81: {  	[tilespmem:s13], [sflag:$0x1] =	stream.indirect.gather [hbm4b:s4+s12], $0x80, s19, s12, $0xb8;
	[tilespmem:$0x1C880] =	vst v63  }
0x82: {  	_ =	swait.ge [sflag:s17], $0x3E80  }
0x83: {  	[sflag:s17] =	ssyncset.done $0x0  }
0x84: {  	[sflag:s17] =	ssyncadd.s32 $0xFFFFC180  }
0x85: {  	[spmem:s2] =	stream.indirect.scatter.add.f32 [tilespmem:s14], [sflag:$0x4], $0x80, s20, s12, $0xb8;
	[tilespmem:$0x1C880] =	vst v63  }
0x86: {  	_ =	swait.ge [sflag:s18], $0x3E80  }
0x87: {  	[sflag:s18] =	ssyncset.done $0x0  }
0x88: {  	[sflag:s18] =	ssyncadd.s32 $0xFFFFC180  }
0x89: {  	[tilespmem:s14], [sflag:$0x2] =	stream.indirect.gather [hbm4b:s4+s12], $0x80, s21, s12, $0xb8;
	[tilespmem:$0x1C880] =	vst v63  }
0x8a: {  	_ =	swait.ge [sflag:s15], $0x3E80  }
0x8b: {  	[sflag:s15] =	ssyncset.done $0x0  }
0x8c: {  	[sflag:s15] =	ssyncadd.s32 $0xFFFFC180  }
0x8d: {  	[spmem:s2] =	stream.indirect.scatter.add.f32 [tilespmem:s13], [sflag:$0x3], $0x80, s22, s12, $0xb8;
	[tilespmem:$0x1C880] =	vst v63  }
0x8e: {  	_ =	swait.ge [sflag:s16], $0x3E80  }
0x8f: {  	[sflag:s16] =	ssyncset.done $0x0  }
0x90: {  	[sflag:s16] =	ssyncadd.s32 $0xFFFFC180  }
0x91: {  	[tilespmem:s13], [sflag:$0x1] =	stream.indirect.gather [hbm4b:s4+s12], $0x80, s23, s12, $0xb8;
	[tilespmem:$0x1C880] =	vst v63  }
0x92: {  	_ =	swait.ge [sflag:s17], $0x3E80  }
0x93: {  	[sflag:s17] =	ssyncset.done $0x0  }
0x94: {  	[sflag:s17] =	ssyncadd.s32 $0xFFFFC180  }
0x95: {  	[spmem:s2] =	stream.indirect.scatter.add.f32 [tilespmem:s14], [sflag:$0x4], $0x80, s24, s12, $0xb8;
	[tilespmem:$0x1C880] =	vst v63  }
0x96: {  	_ =	swait.ge [sflag:s18], $0x3E80  }
0x97: {  	[sflag:s18] =	ssyncset.done $0x0  }
0x98: {  	[sflag:s18] =	ssyncadd.s32 $0xFFFFC180  }
0x99: {  	[tilespmem:s14], [sflag:$0x2] =	stream.indirect.gather [hbm4b:s4+s12], $0x80, s25, s12, $0xb8;
	[tilespmem:$0x1C880] =	vst v63  }
0x9a: {  	_ =	swait.ge [sflag:s15], $0x3E80  }
0x9b: {  	[sflag:s15] =	ssyncset.done $0x0  }
0x9c: {  	[sflag:s15] =	ssyncadd.s32 $0xFFFFC180  }
0x9d: {  	[spmem:s2] =	stream.indirect.scatter.add.f32 [tilespmem:s13], [sflag:$0x3], $0x80, s26, s12, $0xb8;
	[tilespmem:$0x1C880] =	vst v63  }
0x9e: {  	_ =	swait.ge [sflag:s16], $0x3E80  }
0x9f: {  	[sflag:s16] =	ssyncset.done $0x0  }
0xa0: {  	[sflag:s16] =	ssyncadd.s32 $0xFFFFC180  }
0xa1: {  	[tilespmem:s13], [sflag:$0x1] =	stream.indirect.gather [hbm4b:s4+s12], $0x80, s28, s12, $0xb8;
	[tilespmem:$0x1C880] =	vst v63  }
0xa2: {  	_ =	swait.ge [sflag:s17], $0x3E80  }
0xa3: {  	[sflag:s17] =	ssyncset.done $0x0  }
0xa4: {  	[sflag:s17] =	ssyncadd.s32 $0xFFFFC180  }
0xa5: {  	[spmem:s2] =	stream.indirect.scatter.add.f32 [tilespmem:s14], [sflag:$0x4], $0x80, s29, s12, $0xb8;
	[tilespmem:$0x1C880] =	vst v63  }
0xa6: {  	_ =	swait.ge [sflag:s18], $0x3E80  }
0xa7: {  	[sflag:s18] =	ssyncset.done $0x0  }
0xa8: {  	[sflag:s18] =	ssyncadd.s32 $0xFFFFC180  }
0xa9: {  	[tilespmem:s14], [sflag:$0x2] =	stream.indirect.gather [hbm4b:s4+s12], $0x80, s30, s12, $0xb8;
	[tilespmem:$0x1C880] =	vst v63  }
0xaa: {  	_ =	swait.ge [sflag:s15], $0x3E80  }
0xab: {  	[sflag:s15] =	ssyncset.done $0x0  }
0xac: {  	[sflag:s15] =	ssyncadd.s32 $0xFFFFC180  }
0xad: {  	[spmem:s2] =	stream.indirect.scatter.add.f32 [tilespmem:s13], [sflag:$0x3], $0x80, s31, s12, $0xb8;
	[tilespmem:$0x1C880] =	vst v63  }
0xae: {  	p2 =	por $0x0, $0x0;
	_ =	swait.ge [sflag:s17], $0x3E80  }
0xaf: {  	s5 =	simm.s32 $0x100;
	s6 =	simm.s32 $0x200;
	[sflag:s17] =	ssyncset.done $0x0  }
.LBB2_2:
0xb0: {  	s7 =	simm.s32 @!p2 $0x3;
	[sflag:s17] =	ssyncadd.s32 $0xFFFFC180  }
0xb1: {  	[spmem:s2] =	stream.indirect.scatter.add.f32 [tilespmem:s14], [sflag:$0x4], $0x80, s1, s12, $0xb8;
	[tilespmem:$0x1C880] =	vst v63  }
0xb2: {  	_ =	swait.ge @!p2 [sflag:s7], $0x3E80  }
0xb3: {  	[sflag:s7] =	ssyncset.done @!p2 $0x0  }
0xb4: {  	[sflag:s7] =	ssyncadd.s32 @!p2 $0xFFFFC180;
	s7 =	simm.s32 @!p2 $0x4  }
0xb5: {  	_ =	swait.ge @!p2 [sflag:s7], $0x3E80  }
0xb6: {  	[sflag:s7] =	ssyncset.done @!p2 $0x0;
	s9 =	rddreg [dreg:$0x4]  }
0xb7: {  	[sflag:s7] =	ssyncadd.s32 @!p2 $0xFFFFC180;
	s9 =	sadd.s32 s5, s9  }
0xb8: {  	[tilespmem:s3], [sflag:$0x5] =	stream.linear.gather [hbm4b:s9+s3], $0x800, $0x38;
	[tilespmem:$0x1C880] =	vst v63  }
0xb9: {  	_ =	swait.ge [sflag:s10], $0x800  }
0xba: {  	s9 =	rddreg [dreg:$0x3];
	[sflag:s10] =	ssyncset.done $0x0  }
0xbb: {  	[sflag:s10] =	ssyncadd.s32 $0xFFFFF800;
	s7 =	sadd.s32 s5, s9  }
0xbc: {  	[tilespmem:s11], [sflag:$0x5] =	stream.linear.gather [hbm4b:s7+s3], $0x800, $0x38;
	[tilespmem:$0x1C880] =	vst v63  }
0xbd: {  	_ =	swait.ge [sflag:s10], $0x800  }
0xbe: {  	[sflag:s10] =	ssyncset.done $0x0  }
0xbf: {  	[sflag:s10] =	ssyncadd.s32 $0xFFFFF800  }
0xc0: {  	[tilespmem:s13], [sflag:$0x1] =	stream.indirect.gather [hbm4b:s4+s12], $0x80, s3, s12, $0xb8;
	[tilespmem:$0x1C880] =	vst v63  }
0xc1: {  	s9 =	rddreg [dreg:$0x5]  }
0xc2: {  	[tilespmem:s14], [sflag:$0x2] =	stream.indirect.gather [hbm4b:s4+s12], $0x80, s9, s12, $0xb8;
	[tilespmem:$0x1C880] =	vst v63  }
0xc3: {  	_ =	swait.ge [sflag:s15], $0x3E80  }
0xc4: {  	[sflag:s15] =	ssyncset.done $0x0  }
0xc5: {  	[sflag:s15] =	ssyncadd.s32 $0xFFFFC180  }
0xc6: {  	[spmem:s2] =	stream.indirect.scatter.add.f32 [tilespmem:s13], [sflag:$0x3], $0x80, s11, s12, $0xb8;
	[tilespmem:$0x1C880] =	vst v63  }
0xc7: {  	_ =	swait.ge [sflag:s16], $0x3E80  }
0xc8: {  	s8 =	smov.u32 s6;
	[sflag:s16] =	ssyncset.done $0x0  }
0xc9: {  	s5 =	smov.u32 s8;
	s8 =	rddreg [dreg:$0x6];
	[sflag:s16] =	ssyncadd.s32 $0xFFFFC180  }
0xca: {  	[tilespmem:s13], [sflag:$0x1] =	stream.indirect.gather [hbm4b:s4+s12], $0x80, s8, s12, $0xb8;
	[tilespmem:$0x1C880] =	vst v63  }
0xcb: {  	_ =	swait.ge [sflag:s17], $0x3E80  }
0xcc: {  	[sflag:s17] =	ssyncset.done $0x0  }
0xcd: {  	s9 =	rddreg [dreg:$0x7];
	[sflag:s17] =	ssyncadd.s32 $0xFFFFC180  }
0xce: {  	[spmem:s2] =	stream.indirect.scatter.add.f32 [tilespmem:s14], [sflag:$0x4], $0x80, s9, s12, $0xb8;
	[tilespmem:$0x1C880] =	vst v63  }
0xcf: {  	_ =	swait.ge [sflag:s18], $0x3E80  }
0xd0: {  	[sflag:s18] =	ssyncset.done $0x0  }
0xd1: {  	s8 =	rddreg [dreg:$0x8];
	[sflag:s18] =	ssyncadd.s32 $0xFFFFC180  }
0xd2: {  	[tilespmem:s14], [sflag:$0x2] =	stream.indirect.gather [hbm4b:s4+s12], $0x80, s8, s12, $0xb8;
	[tilespmem:$0x1C880] =	vst v63  }
0xd3: {  	_ =	swait.ge [sflag:s15], $0x3E80  }
0xd4: {  	[sflag:s15] =	ssyncset.done $0x0  }
0xd5: {  	s9 =	rddreg [dreg:$0x9];
	[sflag:s15] =	ssyncadd.s32 $0xFFFFC180  }
0xd6: {  	[spmem:s2] =	stream.indirect.scatter.add.f32 [tilespmem:s13], [sflag:$0x3], $0x80, s9, s12, $0xb8;
	[tilespmem:$0x1C880] =	vst v63  }
0xd7: {  	_ =	swait.ge [sflag:s16], $0x3E80  }
0xd8: {  	[sflag:s16] =	ssyncset.done $0x0  }
0xd9: {  	s8 =	rddreg [dreg:$0xa];
	[sflag:s16] =	ssyncadd.s32 $0xFFFFC180  }
0xda: {  	[tilespmem:s13], [sflag:$0x1] =	stream.indirect.gather [hbm4b:s4+s12], $0x80, s8, s12, $0xb8;
	[tilespmem:$0x1C880] =	vst v63  }
0xdb: {  	_ =	swait.ge [sflag:s17], $0x3E80  }
0xdc: {  	[sflag:s17] =	ssyncset.done $0x0  }
0xdd: {  	s9 =	rddreg [dreg:$0xb];
	[sflag:s17] =	ssyncadd.s32 $0xFFFFC180  }
0xde: {  	[spmem:s2] =	stream.indirect.scatter.add.f32 [tilespmem:s14], [sflag:$0x4], $0x80, s9, s12, $0xb8;
	[tilespmem:$0x1C880] =	vst v63  }
0xdf: {  	_ =	swait.ge [sflag:s18], $0x3E80  }
0xe0: {  	[sflag:s18] =	ssyncset.done $0x0  }
0xe1: {  	s8 =	rddreg [dreg:$0xc];
	[sflag:s18] =	ssyncadd.s32 $0xFFFFC180  }
0xe2: {  	[tilespmem:s14], [sflag:$0x2] =	stream.indirect.gather [hbm4b:s4+s12], $0x80, s8, s12, $0xb8;
	[tilespmem:$0x1C880] =	vst v63  }
0xe3: {  	_ =	swait.ge [sflag:s15], $0x3E80  }
0xe4: {  	[sflag:s15] =	ssyncset.done $0x0  }
0xe5: {  	s9 =	rddreg [dreg:$0xd];
	[sflag:s15] =	ssyncadd.s32 $0xFFFFC180  }
0xe6: {  	[spmem:s2] =	stream.indirect.scatter.add.f32 [tilespmem:s13], [sflag:$0x3], $0x80, s9, s12, $0xb8;
	[tilespmem:$0x1C880] =	vst v63  }
0xe7: {  	_ =	swait.ge [sflag:s16], $0x3E80  }
0xe8: {  	[sflag:s16] =	ssyncset.done $0x0  }
0xe9: {  	s8 =	rddreg [dreg:$0xe];
	[sflag:s16] =	ssyncadd.s32 $0xFFFFC180  }
0xea: {  	[tilespmem:s13], [sflag:$0x1] =	stream.indirect.gather [hbm4b:s4+s12], $0x80, s8, s12, $0xb8;
	[tilespmem:$0x1C880] =	vst v63  }
0xeb: {  	_ =	swait.ge [sflag:s17], $0x3E80  }
0xec: {  	[sflag:s17] =	ssyncset.done $0x0  }
0xed: {  	s9 =	rddreg [dreg:$0xf];
	[sflag:s17] =	ssyncadd.s32 $0xFFFFC180  }
0xee: {  	[spmem:s2] =	stream.indirect.scatter.add.f32 [tilespmem:s14], [sflag:$0x4], $0x80, s9, s12, $0xb8;
	[tilespmem:$0x1C880] =	vst v63  }
0xef: {  	_ =	swait.ge [sflag:s18], $0x3E80  }
0xf0: {  	[sflag:s18] =	ssyncset.done $0x0  }
0xf1: {  	s8 =	rddreg [dreg:$0x10];
	[sflag:s18] =	ssyncadd.s32 $0xFFFFC180  }
0xf2: {  	[tilespmem:s14], [sflag:$0x2] =	stream.indirect.gather [hbm4b:s4+s12], $0x80, s8, s12, $0xb8;
	[tilespmem:$0x1C880] =	vst v63  }
0xf3: {  	_ =	swait.ge [sflag:s15], $0x3E80  }
0xf4: {  	[sflag:s15] =	ssyncset.done $0x0  }
0xf5: {  	s9 =	rddreg [dreg:$0x11];
	[sflag:s15] =	ssyncadd.s32 $0xFFFFC180  }
0xf6: {  	[spmem:s2] =	stream.indirect.scatter.add.f32 [tilespmem:s13], [sflag:$0x3], $0x80, s9, s12, $0xb8;
	[tilespmem:$0x1C880] =	vst v63  }
0xf7: {  	_ =	swait.ge [sflag:s16], $0x3E80  }
0xf8: {  	[sflag:s16] =	ssyncset.done $0x0  }
0xf9: {  	s8 =	rddreg [dreg:$0x12];
	[sflag:s16] =	ssyncadd.s32 $0xFFFFC180  }
0xfa: {  	[tilespmem:s13], [sflag:$0x1] =	stream.indirect.gather [hbm4b:s4+s12], $0x80, s8, s12, $0xb8;
	[tilespmem:$0x1C880] =	vst v63  }
0xfb: {  	_ =	swait.ge [sflag:s17], $0x3E80  }
0xfc: {  	[sflag:s17] =	ssyncset.done $0x0  }
0xfd: {  	s9 =	rddreg [dreg:$0x13];
	[sflag:s17] =	ssyncadd.s32 $0xFFFFC180  }
0xfe: {  	[spmem:s2] =	stream.indirect.scatter.add.f32 [tilespmem:s14], [sflag:$0x4], $0x80, s9, s12, $0xb8;
	[tilespmem:$0x1C880] =	vst v63  }
0xff: {  	_ =	swait.ge [sflag:s18], $0x3E80  }
0x100: {  	[sflag:s18] =	ssyncset.done $0x0  }
0x101: {  	s8 =	rddreg [dreg:$0x14];
	[sflag:s18] =	ssyncadd.s32 $0xFFFFC180  }
0x102: {  	[tilespmem:s14], [sflag:$0x2] =	stream.indirect.gather [hbm4b:s4+s12], $0x80, s8, s12, $0xb8;
	[tilespmem:$0x1C880] =	vst v63  }
0x103: {  	_ =	swait.ge [sflag:s15], $0x3E80  }
0x104: {  	[sflag:s15] =	ssyncset.done $0x0  }
0x105: {  	s9 =	rddreg [dreg:$0x15];
	[sflag:s15] =	ssyncadd.s32 $0xFFFFC180  }
0x106: {  	[spmem:s2] =	stream.indirect.scatter.add.f32 [tilespmem:s13], [sflag:$0x3], $0x80, s9, s12, $0xb8;
	[tilespmem:$0x1C880] =	vst v63  }
0x107: {  	_ =	swait.ge [sflag:s16], $0x3E80  }
0x108: {  	[sflag:s16] =	ssyncset.done $0x0  }
0x109: {  	[sflag:s16] =	ssyncadd.s32 $0xFFFFC180  }
0x10a: {  	[tilespmem:s13], [sflag:$0x1] =	stream.indirect.gather [hbm4b:s4+s12], $0x80, s19, s12, $0xb8;
	[tilespmem:$0x1C880] =	vst v63  }
0x10b: {  	_ =	swait.ge [sflag:s17], $0x3E80  }
0x10c: {  	[sflag:s17] =	ssyncset.done $0x0  }
0x10d: {  	[sflag:s17] =	ssyncadd.s32 $0xFFFFC180  }
0x10e: {  	[spmem:s2] =	stream.indirect.scatter.add.f32 [tilespmem:s14], [sflag:$0x4], $0x80, s20, s12, $0xb8;
	[tilespmem:$0x1C880] =	vst v63  }
0x10f: {  	_ =	swait.ge [sflag:s18], $0x3E80  }
0x110: {  	[sflag:s18] =	ssyncset.done $0x0  }
0x111: {  	[sflag:s18] =	ssyncadd.s32 $0xFFFFC180  }
0x112: {  	[tilespmem:s14], [sflag:$0x2] =	stream.indirect.gather [hbm4b:s4+s12], $0x80, s21, s12, $0xb8;
	[tilespmem:$0x1C880] =	vst v63  }
0x113: {  	_ =	swait.ge [sflag:s15], $0x3E80  }
0x114: {  	[sflag:s15] =	ssyncset.done $0x0  }
0x115: {  	[sflag:s15] =	ssyncadd.s32 $0xFFFFC180  }
0x116: {  	[spmem:s2] =	stream.indirect.scatter.add.f32 [tilespmem:s13], [sflag:$0x3], $0x80, s22, s12, $0xb8;
	[tilespmem:$0x1C880] =	vst v63  }
0x117: {  	_ =	swait.ge [sflag:s16], $0x3E80  }
0x118: {  	[sflag:s16] =	ssyncset.done $0x0  }
0x119: {  	[sflag:s16] =	ssyncadd.s32 $0xFFFFC180  }
0x11a: {  	[tilespmem:s13], [sflag:$0x1] =	stream.indirect.gather [hbm4b:s4+s12], $0x80, s23, s12, $0xb8;
	[tilespmem:$0x1C880] =	vst v63  }
0x11b: {  	_ =	swait.ge [sflag:s17], $0x3E80  }
0x11c: {  	[sflag:s17] =	ssyncset.done $0x0  }
0x11d: {  	[sflag:s17] =	ssyncadd.s32 $0xFFFFC180  }
0x11e: {  	[spmem:s2] =	stream.indirect.scatter.add.f32 [tilespmem:s14], [sflag:$0x4], $0x80, s24, s12, $0xb8;
	[tilespmem:$0x1C880] =	vst v63  }
0x11f: {  	_ =	swait.ge [sflag:s18], $0x3E80  }
0x120: {  	[sflag:s18] =	ssyncset.done $0x0  }
0x121: {  	[sflag:s18] =	ssyncadd.s32 $0xFFFFC180  }
0x122: {  	[tilespmem:s14], [sflag:$0x2] =	stream.indirect.gather [hbm4b:s4+s12], $0x80, s25, s12, $0xb8;
	[tilespmem:$0x1C880] =	vst v63  }
0x123: {  	_ =	swait.ge [sflag:s15], $0x3E80  }
0x124: {  	[sflag:s15] =	ssyncset.done $0x0  }
0x125: {  	[sflag:s15] =	ssyncadd.s32 $0xFFFFC180  }
0x126: {  	[spmem:s2] =	stream.indirect.scatter.add.f32 [tilespmem:s13], [sflag:$0x3], $0x80, s26, s12, $0xb8;
	[tilespmem:$0x1C880] =	vst v63  }
0x127: {  	_ =	swait.ge [sflag:s16], $0x3E80  }
0x128: {  	[sflag:s16] =	ssyncset.done $0x0  }
0x129: {  	[sflag:s16] =	ssyncadd.s32 $0xFFFFC180  }
0x12a: {  	[tilespmem:s13], [sflag:$0x1] =	stream.indirect.gather [hbm4b:s4+s12], $0x80, s28, s12, $0xb8;
	[tilespmem:$0x1C880] =	vst v63  }
0x12b: {  	_ =	swait.ge [sflag:s17], $0x3E80  }
0x12c: {  	[sflag:s17] =	ssyncset.done $0x0  }
0x12d: {  	[sflag:s17] =	ssyncadd.s32 $0xFFFFC180  }
0x12e: {  	[spmem:s2] =	stream.indirect.scatter.add.f32 [tilespmem:s14], [sflag:$0x4], $0x80, s29, s12, $0xb8;
	[tilespmem:$0x1C880] =	vst v63  }
0x12f: {  	_ =	swait.ge [sflag:s18], $0x3E80  }
0x130: {  	[sflag:s18] =	ssyncset.done $0x0  }
0x131: {  	s6 =	sadd.s32 $0x100, s6;
	[sflag:s18] =	ssyncadd.s32 $0xFFFFC180  }
0x132: {  	[tilespmem:s14], [sflag:$0x2] =	stream.indirect.gather [hbm4b:s4+s12], $0x80, s30, s12, $0xb8;
	[tilespmem:$0x1C880] =	vst v63  }
0x133: {  	p1 =	sne.s32 s6, $0x500;
	_ =	swait.ge [sflag:s15], $0x3E80  }
.Ltmp0:
0x134: {  	[sflag:s15] =	ssyncset.done $0x0;
	(pc) =	sbr.rel @p1 .LBB2_2-.Ltmp0, $4  }
0x135: {  	[sflag:s15] =	ssyncadd.s32 $0xFFFFC180  }
0x136: {  	[spmem:s2] =	stream.indirect.scatter.add.f32 [tilespmem:s13], [sflag:$0x3], $0x80, s31, s12, $0xb8;
	[tilespmem:$0x1C880] =	vst v63  }
0x137: {  	_ =	swait.ge [sflag:s17], $0x3E80  }
0x138: {  	p2 =	seq.s32 s5, $0x0;
	[sflag:s17] =	ssyncset.done $0x0  }
0x139: {  	s6 =	simm.s32 @!p2 $0x3;
	[sflag:s17] =	ssyncadd.s32 $0xFFFFC180  }
0x13a: {  	[spmem:s2] =	stream.indirect.scatter.add.f32 [tilespmem:s14], [sflag:$0x4], $0x80, s1, s12, $0xb8;
	[tilespmem:$0x1C880] =	vst v63  }
0x13b: {  	_ =	swait.ge @!p2 [sflag:s6], $0x3E80  }
0x13c: {  	[sflag:s6] =	ssyncset.done @!p2 $0x0  }
0x13d: {  	[sflag:s6] =	ssyncadd.s32 @!p2 $0xFFFFC180;
	s6 =	simm.s32 @!p2 $0x4  }
0x13e: {  	_ =	swait.ge @!p2 [sflag:s6], $0x3E80  }
0x13f: {  	s7 =	rddreg [dreg:$0x4];
	[sflag:s6] =	ssyncset.done @!p2 $0x0  }
0x140: {  	[sflag:s6] =	ssyncadd.s32 @!p2 $0xFFFFC180;
	s8 =	sadd.s32 s5, s7  }
0x141: {  	[tilespmem:s3], [sflag:$0x5] =	stream.linear.gather [hbm4b:s8+s3], $0x800, $0x38;
	[tilespmem:$0x1C880] =	vst v63  }
0x142: {  	_ =	swait.ge [sflag:s10], $0x800  }
0x143: {  	s9 =	rddreg [dreg:$0x3];
	[sflag:s10] =	ssyncset.done $0x0  }
0x144: {  	s7 =	sadd.s32 s5, s9;
	[sflag:s10] =	ssyncadd.s32 $0xFFFFF800  }
0x145: {  	[tilespmem:s11], [sflag:$0x5] =	stream.linear.gather [hbm4b:s7+s3], $0x800, $0x38;
	[tilespmem:$0x1C880] =	vst v63  }
0x146: {  	_ =	swait.ge [sflag:s10], $0x800  }
0x147: {  	[sflag:s10] =	ssyncset.done $0x0  }
0x148: {  	[sflag:s10] =	ssyncadd.s32 $0xFFFFF800  }
0x149: {  	[tilespmem:s13], [sflag:$0x1] =	stream.indirect.gather [hbm4b:s4+s12], $0x80, s3, s12, $0xb8;
	[tilespmem:$0x1C880] =	vst v63  }
0x14a: {  	s8 =	rddreg [dreg:$0x5]  }
0x14b: {  	[tilespmem:s14], [sflag:$0x2] =	stream.indirect.gather [hbm4b:s4+s12], $0x80, s8, s12, $0xb8;
	[tilespmem:$0x1C880] =	vst v63  }
0x14c: {  	_ =	swait.ge [sflag:s15], $0x3E80  }
0x14d: {  	[sflag:s15] =	ssyncset.done $0x0  }
0x14e: {  	[sflag:s15] =	ssyncadd.s32 $0xFFFFC180  }
0x14f: {  	[spmem:s2] =	stream.indirect.scatter.add.f32 [tilespmem:s13], [sflag:$0x3], $0x80, s11, s12, $0xb8;
	[tilespmem:$0x1C880] =	vst v63  }
0x150: {  	_ =	swait.ge [sflag:s16], $0x3E80  }
0x151: {  	[sflag:s16] =	ssyncset.done $0x0  }
0x152: {  	s9 =	rddreg [dreg:$0x6];
	[sflag:s16] =	ssyncadd.s32 $0xFFFFC180  }
0x153: {  	[tilespmem:s13], [sflag:$0x1] =	stream.indirect.gather [hbm4b:s4+s12], $0x80, s9, s12, $0xb8;
	[tilespmem:$0x1C880] =	vst v63  }
0x154: {  	_ =	swait.ge [sflag:s17], $0x3E80  }
0x155: {  	[sflag:s17] =	ssyncset.done $0x0  }
0x156: {  	s6 =	rddreg [dreg:$0x7];
	[sflag:s17] =	ssyncadd.s32 $0xFFFFC180  }
0x157: {  	[spmem:s2] =	stream.indirect.scatter.add.f32 [tilespmem:s14], [sflag:$0x4], $0x80, s6, s12, $0xb8;
	[tilespmem:$0x1C880] =	vst v63  }
0x158: {  	_ =	swait.ge [sflag:s18], $0x3E80  }
0x159: {  	[sflag:s18] =	ssyncset.done $0x0  }
0x15a: {  	s7 =	rddreg [dreg:$0x8];
	[sflag:s18] =	ssyncadd.s32 $0xFFFFC180  }
0x15b: {  	[tilespmem:s14], [sflag:$0x2] =	stream.indirect.gather [hbm4b:s4+s12], $0x80, s7, s12, $0xb8;
	[tilespmem:$0x1C880] =	vst v63  }
0x15c: {  	_ =	swait.ge [sflag:s15], $0x3E80  }
0x15d: {  	[sflag:s15] =	ssyncset.done $0x0  }
0x15e: {  	s8 =	rddreg [dreg:$0x9];
	[sflag:s15] =	ssyncadd.s32 $0xFFFFC180  }
0x15f: {  	[spmem:s2] =	stream.indirect.scatter.add.f32 [tilespmem:s13], [sflag:$0x3], $0x80, s8, s12, $0xb8;
	[tilespmem:$0x1C880] =	vst v63  }
0x160: {  	_ =	swait.ge [sflag:s16], $0x3E80  }
0x161: {  	[sflag:s16] =	ssyncset.done $0x0  }
0x162: {  	s9 =	rddreg [dreg:$0xa];
	[sflag:s16] =	ssyncadd.s32 $0xFFFFC180  }
0x163: {  	[tilespmem:s13], [sflag:$0x1] =	stream.indirect.gather [hbm4b:s4+s12], $0x80, s9, s12, $0xb8;
	[tilespmem:$0x1C880] =	vst v63  }
0x164: {  	_ =	swait.ge [sflag:s17], $0x3E80  }
0x165: {  	[sflag:s17] =	ssyncset.done $0x0  }
0x166: {  	s6 =	rddreg [dreg:$0xb];
	[sflag:s17] =	ssyncadd.s32 $0xFFFFC180  }
0x167: {  	[spmem:s2] =	stream.indirect.scatter.add.f32 [tilespmem:s14], [sflag:$0x4], $0x80, s6, s12, $0xb8;
	[tilespmem:$0x1C880] =	vst v63  }
0x168: {  	_ =	swait.ge [sflag:s18], $0x3E80  }
0x169: {  	[sflag:s18] =	ssyncset.done $0x0  }
0x16a: {  	s7 =	rddreg [dreg:$0xc];
	[sflag:s18] =	ssyncadd.s32 $0xFFFFC180  }
0x16b: {  	[tilespmem:s14], [sflag:$0x2] =	stream.indirect.gather [hbm4b:s4+s12], $0x80, s7, s12, $0xb8;
	[tilespmem:$0x1C880] =	vst v63  }
0x16c: {  	_ =	swait.ge [sflag:s15], $0x3E80  }
0x16d: {  	[sflag:s15] =	ssyncset.done $0x0  }
0x16e: {  	s8 =	rddreg [dreg:$0xd];
	[sflag:s15] =	ssyncadd.s32 $0xFFFFC180  }
0x16f: {  	[spmem:s2] =	stream.indirect.scatter.add.f32 [tilespmem:s13], [sflag:$0x3], $0x80, s8, s12, $0xb8;
	[tilespmem:$0x1C880] =	vst v63  }
0x170: {  	_ =	swait.ge [sflag:s16], $0x3E80  }
0x171: {  	[sflag:s16] =	ssyncset.done $0x0  }
0x172: {  	s9 =	rddreg [dreg:$0xe];
	[sflag:s16] =	ssyncadd.s32 $0xFFFFC180  }
0x173: {  	[tilespmem:s13], [sflag:$0x1] =	stream.indirect.gather [hbm4b:s4+s12], $0x80, s9, s12, $0xb8;
	[tilespmem:$0x1C880] =	vst v63  }
0x174: {  	_ =	swait.ge [sflag:s17], $0x3E80  }
0x175: {  	[sflag:s17] =	ssyncset.done $0x0  }
0x176: {  	s6 =	rddreg [dreg:$0xf];
	[sflag:s17] =	ssyncadd.s32 $0xFFFFC180  }
0x177: {  	[spmem:s2] =	stream.indirect.scatter.add.f32 [tilespmem:s14], [sflag:$0x4], $0x80, s6, s12, $0xb8;
	[tilespmem:$0x1C880] =	vst v63  }
0x178: {  	_ =	swait.ge [sflag:s18], $0x3E80  }
0x179: {  	[sflag:s18] =	ssyncset.done $0x0  }
0x17a: {  	s7 =	rddreg [dreg:$0x10];
	[sflag:s18] =	ssyncadd.s32 $0xFFFFC180  }
0x17b: {  	[tilespmem:s14], [sflag:$0x2] =	stream.indirect.gather [hbm4b:s4+s12], $0x80, s7, s12, $0xb8;
	[tilespmem:$0x1C880] =	vst v63  }
0x17c: {  	_ =	swait.ge [sflag:s15], $0x3E80  }
0x17d: {  	[sflag:s15] =	ssyncset.done $0x0  }
0x17e: {  	s8 =	rddreg [dreg:$0x11];
	[sflag:s15] =	ssyncadd.s32 $0xFFFFC180  }
0x17f: {  	[spmem:s2] =	stream.indirect.scatter.add.f32 [tilespmem:s13], [sflag:$0x3], $0x80, s8, s12, $0xb8;
	[tilespmem:$0x1C880] =	vst v63  }
0x180: {  	_ =	swait.ge [sflag:s16], $0x3E80  }
0x181: {  	[sflag:s16] =	ssyncset.done $0x0  }
0x182: {  	s9 =	rddreg [dreg:$0x12];
	[sflag:s16] =	ssyncadd.s32 $0xFFFFC180  }
0x183: {  	[tilespmem:s13], [sflag:$0x1] =	stream.indirect.gather [hbm4b:s4+s12], $0x80, s9, s12, $0xb8;
	[tilespmem:$0x1C880] =	vst v63  }
0x184: {  	_ =	swait.ge [sflag:s17], $0x3E80  }
0x185: {  	[sflag:s17] =	ssyncset.done $0x0  }
0x186: {  	s6 =	rddreg [dreg:$0x13];
	[sflag:s17] =	ssyncadd.s32 $0xFFFFC180  }
0x187: {  	[spmem:s2] =	stream.indirect.scatter.add.f32 [tilespmem:s14], [sflag:$0x4], $0x80, s6, s12, $0xb8;
	[tilespmem:$0x1C880] =	vst v63  }
0x188: {  	_ =	swait.ge [sflag:s18], $0x3E80  }
0x189: {  	[sflag:s18] =	ssyncset.done $0x0  }
0x18a: {  	s7 =	rddreg [dreg:$0x14];
	[sflag:s18] =	ssyncadd.s32 $0xFFFFC180  }
0x18b: {  	[tilespmem:s14], [sflag:$0x2] =	stream.indirect.gather [hbm4b:s4+s12], $0x80, s7, s12, $0xb8;
	[tilespmem:$0x1C880] =	vst v63  }
0x18c: {  	_ =	swait.ge [sflag:s15], $0x3E80  }
0x18d: {  	[sflag:s15] =	ssyncset.done $0x0  }
0x18e: {  	s8 =	rddreg [dreg:$0x15];
	[sflag:s15] =	ssyncadd.s32 $0xFFFFC180  }
0x18f: {  	[spmem:s2] =	stream.indirect.scatter.add.f32 [tilespmem:s13], [sflag:$0x3], $0x80, s8, s12, $0xb8;
	[tilespmem:$0x1C880] =	vst v63  }
0x190: {  	_ =	swait.ge [sflag:s16], $0x3E80  }
0x191: {  	[sflag:s16] =	ssyncset.done $0x0  }
0x192: {  	[sflag:s16] =	ssyncadd.s32 $0xFFFFC180  }
0x193: {  	[tilespmem:s13], [sflag:$0x1] =	stream.indirect.gather [hbm4b:s4+s12], $0x80, s19, s12, $0xb8;
	[tilespmem:$0x1C880] =	vst v63  }
0x194: {  	_ =	swait.ge [sflag:s17], $0x3E80  }
0x195: {  	[sflag:s17] =	ssyncset.done $0x0  }
0x196: {  	[sflag:s17] =	ssyncadd.s32 $0xFFFFC180  }
0x197: {  	[spmem:s2] =	stream.indirect.scatter.add.f32 [tilespmem:s14], [sflag:$0x4], $0x80, s20, s12, $0xb8;
	[tilespmem:$0x1C880] =	vst v63  }
0x198: {  	_ =	swait.ge [sflag:s18], $0x3E80  }
0x199: {  	[sflag:s18] =	ssyncset.done $0x0  }
0x19a: {  	[sflag:s18] =	ssyncadd.s32 $0xFFFFC180  }
0x19b: {  	[tilespmem:s14], [sflag:$0x2] =	stream.indirect.gather [hbm4b:s4+s12], $0x80, s21, s12, $0xb8;
	[tilespmem:$0x1C880] =	vst v63  }
0x19c: {  	_ =	swait.ge [sflag:s15], $0x3E80  }
0x19d: {  	[sflag:s15] =	ssyncset.done $0x0  }
0x19e: {  	[sflag:s15] =	ssyncadd.s32 $0xFFFFC180  }
0x19f: {  	[spmem:s2] =	stream.indirect.scatter.add.f32 [tilespmem:s13], [sflag:$0x3], $0x80, s22, s12, $0xb8;
	[tilespmem:$0x1C880] =	vst v63  }
0x1a0: {  	_ =	swait.ge [sflag:s16], $0x3E80  }
0x1a1: {  	[sflag:s16] =	ssyncset.done $0x0  }
0x1a2: {  	[sflag:s16] =	ssyncadd.s32 $0xFFFFC180  }
0x1a3: {  	[tilespmem:s13], [sflag:$0x1] =	stream.indirect.gather [hbm4b:s4+s12], $0x80, s23, s12, $0xb8;
	[tilespmem:$0x1C880] =	vst v63  }
0x1a4: {  	_ =	swait.ge [sflag:s17], $0x3E80  }
0x1a5: {  	[sflag:s17] =	ssyncset.done $0x0  }
0x1a6: {  	[sflag:s17] =	ssyncadd.s32 $0xFFFFC180  }
0x1a7: {  	[spmem:s2] =	stream.indirect.scatter.add.f32 [tilespmem:s14], [sflag:$0x4], $0x80, s24, s12, $0xb8;
	[tilespmem:$0x1C880] =	vst v63  }
0x1a8: {  	_ =	swait.ge [sflag:s18], $0x3E80  }
0x1a9: {  	[sflag:s18] =	ssyncset.done $0x0  }
0x1aa: {  	[sflag:s18] =	ssyncadd.s32 $0xFFFFC180  }
0x1ab: {  	[tilespmem:s14], [sflag:$0x2] =	stream.indirect.gather [hbm4b:s4+s12], $0x80, s25, s12, $0xb8;
	[tilespmem:$0x1C880] =	vst v63  }
0x1ac: {  	_ =	swait.ge [sflag:s15], $0x3E80  }
0x1ad: {  	[sflag:s15] =	ssyncset.done $0x0  }
0x1ae: {  	[sflag:s15] =	ssyncadd.s32 $0xFFFFC180  }
0x1af: {  	[spmem:s2] =	stream.indirect.scatter.add.f32 [tilespmem:s13], [sflag:$0x3], $0x80, s26, s12, $0xb8;
	[tilespmem:$0x1C880] =	vst v63  }
0x1b0: {  	_ =	swait.ge [sflag:s16], $0x3E80  }
0x1b1: {  	[sflag:s16] =	ssyncset.done $0x0  }
0x1b2: {  	[sflag:s16] =	ssyncadd.s32 $0xFFFFC180  }
0x1b3: {  	[tilespmem:s13], [sflag:$0x1] =	stream.indirect.gather [hbm4b:s4+s12], $0x80, s28, s12, $0xb8;
	[tilespmem:$0x1C880] =	vst v63  }
0x1b4: {  	_ =	swait.ge [sflag:s17], $0x3E80  }
0x1b5: {  	[sflag:s17] =	ssyncset.done $0x0  }
0x1b6: {  	[sflag:s17] =	ssyncadd.s32 $0xFFFFC180  }
0x1b7: {  	[spmem:s2] =	stream.indirect.scatter.add.f32 [tilespmem:s14], [sflag:$0x4], $0x80, s29, s12, $0xb8;
	[tilespmem:$0x1C880] =	vst v63  }
0x1b8: {  	_ =	swait.ge [sflag:s18], $0x3E80  }
0x1b9: {  	[sflag:s18] =	ssyncset.done $0x0  }
0x1ba: {  	[sflag:s18] =	ssyncadd.s32 $0xFFFFC180  }
0x1bb: {  	[tilespmem:s14], [sflag:$0x2] =	stream.indirect.gather [hbm4b:s4+s12], $0x80, s30, s12, $0xb8;
	[tilespmem:$0x1C880] =	vst v63  }
0x1bc: {  	_ =	swait.ge [sflag:s15], $0x3E80  }
0x1bd: {  	[sflag:s15] =	ssyncset.done $0x0  }
0x1be: {  	[sflag:s15] =	ssyncadd.s32 $0xFFFFC180  }
0x1bf: {  	[spmem:s2] =	stream.indirect.scatter.add.f32 [tilespmem:s13], [sflag:$0x3], $0x80, s31, s12, $0xb8;
	[tilespmem:$0x1C880] =	vst v63  }
0x1c0: {  	_ =	swait.ge [sflag:s17], $0x3E80  }
0x1c1: {  	[sflag:s17] =	ssyncset.done $0x0  }
0x1c2: {  	[sflag:s17] =	ssyncadd.s32 $0xFFFFC180  }
0x1c3: {  	[spmem:s2] =	stream.indirect.scatter.add.f32 [tilespmem:s14], [sflag:$0x4], $0x80, s1, s12, $0xb8;
	[tilespmem:$0x1C880] =	vst v63  }
0x1c4: {  	_ =	swait.ge [sflag:s16], $0x3E80  }
0x1c5: {  	[sflag:s16] =	ssyncset.done $0x0  }
0x1c6: {  	[sflag:s16] =	ssyncadd.s32 $0xFFFFC180  }
0x1c7: {  	_ =	swait.ge [sflag:s18], $0x3E80  }
0x1c8: {  	[sflag:s18] =	ssyncset.done $0x0  }
0x1c9: {  	[sflag:s18] =	ssyncadd.s32 $0xFFFFC180  }
0x1ca: {  	[bflag:$0x0] =	sbarrier.arrive $0xFFFF  }
0x1cb: {  	s5 =	rddreg [dreg:$0x17]  }
0x1cc: {  	s7 =	rddreg [dreg:$0x19]  }
0x1cd: {  	s8 =	rddreg [dreg:$0x1a]  }
0x1ce: {  	[hbm:s5], [sflag:s7] =	dma.local @!p0 [spmem:s8], $0x3E80  }
0x1cf: {  	s5 =	simm.s32 @!p0 $0x5  }
0x1d0: {  	_ =	swait.ge @!p0 [sflag:s5], $0x3E80  }
0x1d1: {  	s0 =	sadd.s32 $0x1, s0;
	s9 =	rddreg [dreg:$0x18]  }
0x1d2: {  	p1 =	sne.s32 s0, s9  }
.Ltmp1:
0x1d3: {  	_ = 	snop;
	(pc) =	sbr.rel @p1 .LBB2_1-.Ltmp1, $3  }
0x1d4: {  	_ =	sdelay $0x1  }
0x1d5: {  	[sflag:s5] =	ssyncset.done @!p0 $0x0  }
0x1d6: {  	[sflag:s5] =	ssyncadd.s32 @!p0 $0xFFFFC180  }
0x1d7: {  	_ =	sfence.sel $0x180000  }
0x1d8: {  	[bflag:$0x0] =	sbarrier.arrive $0xFFFF  }
0x1d9: {  	_ =	strace $0x90000050  }
0x1da: {  	s0 =	stileid.u32;
	[bflag:$0x2] =	sbarrier.arrive $0xFFFF  }
0x1db: {  	p0 =	sne.s32 s0, $0x0;
	s0 =	rddreg [dreg:$0x2]  }
0x1dc: {  	s0 =	sadd.s32 @!p0 $0x100000, s0  }
0x1dd: {  	[sflag:s0] =	ssyncadd.tile.s32 @!p0 $0x1;
	_ =	shalt  }
.Lfunc_end2:
_tile_overlayer_lowered:
.L_overlay_start_2:
0x1de: {  	(tag) =	ssettag $0x2  }
0x1df: {  	s0 =	rddreg [dreg:$0x0];
	s2 =	stileid.u32  }
0x1e0: {  	s1 =	rddreg [dreg:$0x1];
	p0 =	sne.s32 s2, $0x0  }
0x1e1: {  	s3 =	rddreg [dreg:$0x2];
	[bflag:$0x3] =	sbarrier.arrive $0xFFFF;
	s2 =	simm.s32 @!p0 $0x1C05  }
0x1e2: {  	[timem:s3], [sflag:s2] =	dma.local @!p0 [hbm:s0], s1  }
0x1e3: {  	s0 =	simm.s32 @!p0 $0x5  }
0x1e4: {  	_ =	swait.ge @!p0 [sflag:s0], s1  }
0x1e5: {  	s1 =	ssub.s32 @!p0 $0x0, s1;
	[sflag:s0] =	ssyncset.done @!p0 $0x0  }
0x1e6: {  	[sflag:s0] =	ssyncadd.s32 @!p0 s1  }
0x1e7: {  	[bflag:$0x3] =	sbarrier.arrive $0xFFFF  }
0x1e8: {  	_ =	shalt  }

</sc_bundles>
